<compile_context>
chip_gen: v7x
topology: tpu7x:2x2x1
jax: 0.10.2.dev20260603
libtpu: 0.0.44.dev20260713+nightly
codegen_flags: <defaults>
</compile_context>

<pallas_src>
import functools

import jax
import jax.numpy as jnp
from jax import lax
from jax.experimental import pallas as pl
from jax.experimental.pallas import tpu as pltpu
from jax.experimental.pallas import tpu_sc as plsc

N_CORES = 2
N_SUBCORES = 16
NW = N_CORES * N_SUBCORES
L = 16
CHUNK = 4096


def _build_sc_kernel(n_sites, npix, width_s):
    mesh = plsc.VectorSubcoreMesh(
        core_axis_name="c", subcore_axis_name="s",
        num_cores=N_CORES, num_subcores=N_SUBCORES)
    per_w = npix // NW
    n_chunks = per_w // CHUNK
    groups = CHUNK // L
    assert width_s & (width_s - 1) == 0 and width_s % 128 == 0
    tr_shift = (8 * width_s).bit_length() - 1

    @functools.partial(
        pl.kernel,
        out_type=jax.ShapeDtypeStruct((npix * 3,), jnp.float32),
        mesh=mesh,
        scratch_types=[
            pltpu.VMEM((n_sites * 4,), jnp.float32),
            [pltpu.VMEM((CHUNK,), jnp.int32) for _ in range(2)],
            [pltpu.VMEM((CHUNK,), jnp.int32) for _ in range(2)],
            [[pltpu.VMEM((CHUNK,), jnp.float32) for _ in range(3)]
             for _ in range(2)],
            pltpu.VMEM((3 * L,), jnp.float32),
            pltpu.VMEM((width_s,), jnp.float32),
            pltpu.VMEM((npix // width_s,), jnp.float32),
            pltpu.SemaphoreType.DMA,
            [pltpu.SemaphoreType.DMA for _ in range(2)],
            [pltpu.SemaphoreType.DMA for _ in range(2)],
        ],
        compiler_params=pltpu.CompilerParams(use_tc_tiling_on_sc=False,
                                             needs_layout_passes=False),
    )
    def sad_sc(sites_hbm, c0_hbm, c1_hbm, par_hbm, out_hbm,
               table_v, c0_v, c1_v, out_v, par_v, lut_u, lut_v,
               tab_sem, in_sems, out_sems):
        wid = lax.axis_index("s") * N_CORES + lax.axis_index("c")
        base_w = wid * per_w

        def start_in(ci):
            b = ci % 2
            base = base_w + ci * CHUNK
            h0 = pltpu.async_copy(c0_hbm.at[pl.ds(base, CHUNK)], c0_v[b],
                                  in_sems[b])
            h1 = pltpu.async_copy(c1_hbm.at[pl.ds(base, CHUNK)], c1_v[b],
                                  in_sems[b])
            return (h0, h1)

        tab_h = pltpu.async_copy(sites_hbm, table_v, tab_sem)
        in_h = [None] * n_chunks
        out_h = [None] * n_chunks
        in_h[0] = start_in(0)
        pltpu.sync_copy(par_hbm, par_v)
        inv_w = par_v[pl.ds(0, L)]
        inv_h = par_v[pl.ds(L, L)]
        scale = par_v[pl.ds(2 * L, L)]
        iota = lax.iota(jnp.int32, L)

        @plsc.parallel_loop(0, width_s // L, 1, unroll=4)
        def bu(i):
            xv = (i * L + iota).astype(jnp.float32)
            lut_u[pl.ds(i * L, L)] = (xv + 0.5) * inv_w * 2.0

        @plsc.parallel_loop(0, npix // width_s // L, 1, unroll=4)
        def bv(i):
            yv = (i * L + iota).astype(jnp.float32)
            lut_v[pl.ds(i * L, L)] = (yv + 0.5) * inv_h * 2.0

        tab_h.wait()

        for ci in range(n_chunks):
            b = ci % 2
            base = base_w + ci * CHUNK
            for h in in_h[ci]:
                h.wait()
            if ci + 1 < n_chunks:
                in_h[ci + 1] = start_in(ci + 1)
            if ci >= 2:
                for h in out_h[ci - 2]:
                    h.wait()
            c0b, c1b, outb = c0_v[b], c1_v[b], out_v[b]

            @plsc.parallel_loop(0, groups, 1, unroll=4)
            def grp(g):
                off = g * L
                w_off = base + off
                wo = w_off & (8 * width_s - 1)
                cc = lax.shift_right_logical(wo, 10)
                r = lax.shift_right_logical(wo, 7) & 7
                l0 = wo & 127
                t_glob = lax.shift_right_logical(w_off, tr_shift)
                idx0 = c0b[pl.ds(off, L)]
                idx1 = c1b[pl.ds(off, L)]
                x0 = plsc.load_gather(table_v, [idx0])
                y0 = plsc.load_gather(table_v, [idx0 + n_sites])
                x1 = plsc.load_gather(table_v, [idx1])
                y1 = plsc.load_gather(table_v, [idx1 + n_sites])
                px2 = lut_u[pl.ds(cc * 128 + l0, L)]
                yidx = jnp.full((L,), t_glob * 8 + r, jnp.int32)
                py2 = plsc.load_gather(lut_v, [yidx])
                t = ((x0 - x1) * (px2 - x0 - x1)
                     + (y0 - y1) * (py2 - y0 - y1)) * scale
                w = 1.0 / (1.0 + jnp.exp(-t))
                rg0 = plsc.load_gather(table_v, [idx0 + 2 * n_sites])
                rg1 = plsc.load_gather(table_v, [idx1 + 2 * n_sites])
                b0 = plsc.load_gather(table_v, [idx0 + 3 * n_sites])
                b1 = plsc.load_gather(table_v, [idx1 + 3 * n_sites])
                wpair = plsc.pack(w, w, format=plsc.PackFormat.INTERLEAVED)
                bf0 = plsc.bitcast(rg0, jnp.bfloat16)
                bf1 = plsc.bitcast(rg1, jnp.bfloat16)
                obf = bf1 + wpair * (bf0 - bf1)
                ou = plsc.bitcast(obf, jnp.uint32)
                himask = jnp.full((L,), 0xFFFF0000, jnp.uint32)
                outb[0][pl.ds(off, L)] = plsc.bitcast(ou << 16, jnp.float32)
                outb[1][pl.ds(off, L)] = plsc.bitcast(ou & himask,
                                                      jnp.float32)
                outb[2][pl.ds(off, L)] = b1 + w * (b0 - b1)

            out_h[ci] = tuple(
                pltpu.async_copy(outb[c],
                                 out_hbm.at[pl.ds(c * npix + base, CHUNK)],
                                 out_sems[b])
                for c in range(3))

        for ci in (n_chunks - 2, n_chunks - 1):
            for h in out_h[ci]:
                h.wait()

    return sad_sc


def kernel(sites, cand0, cand1, width, height, inv_scale_sq):
    height_s, width_s = cand0.shape
    n_sites = sites.shape[0]
    npix = height_s * width_s

    width_f = jnp.asarray(width, dtype=jnp.float32)
    height_f = jnp.asarray(height, dtype=jnp.float32)
    scale_f = jnp.asarray(inv_scale_sq, dtype=jnp.float32)
    params = jnp.concatenate([
        jnp.broadcast_to(1.0 / width_f, (L,)),
        jnp.broadcast_to(1.0 / height_f, (L,)),
        jnp.broadcast_to(scale_f, (L,)),
    ]).astype(jnp.float32)

    def tile_order(c):
        c4 = c.reshape(height_s // 8, 8, width_s // 128, 128)
        return c4.transpose(0, 2, 1, 3).reshape(npix)

    r16 = lax.bitcast_convert_type(
        sites[:, 2].astype(jnp.bfloat16), jnp.uint16).astype(jnp.uint32)
    g16 = lax.bitcast_convert_type(
        sites[:, 3].astype(jnp.bfloat16), jnp.uint16).astype(jnp.uint32)
    rg = lax.bitcast_convert_type(r16 | (g16 << 16), jnp.float32)
    sites_cols = jnp.concatenate(
        [sites[:, 0], sites[:, 1], rg, sites[:, 4]])
    sad_sc = _build_sc_kernel(n_sites, npix, width_s)
    out_flat = sad_sc(sites_cols, tile_order(cand0), tile_order(cand1),
                      params)
    out5 = out_flat.reshape(3, height_s // 8, width_s // 128, 8, 128)
    return out5.transpose(1, 3, 2, 4, 0).reshape(height_s, width_s, 3)

# --- scband reference (transcript-rebuilt; emitter-appended) ---
"""Pipeline reference for scband-sadrenderer-20847771255053 (READ-ONLY COPY).

The authoritative reference and input builder live on the scoring server;
editing this copy changes nothing except your own understanding.
"""

import jax, jax.numpy as jnp
import numpy as np

N_SITES = 16384
H = 1024
W = 1024


def setup_inputs(seed: int = 0) -> dict:
    key = jax.random.key(seed)
    k1, k2, k3 = jax.random.split(key, 3)
    sites = jax.random.uniform(k1, (N_SITES, 5), dtype=jnp.float32)
    cand0 = jax.random.randint(k2, (H, W), 0, N_SITES, dtype=jnp.int32)
    cand1 = jax.random.randint(k3, (H, W), 0, N_SITES, dtype=jnp.int32)
    return {"sites": sites, "cand0": cand0, "cand1": cand1, "width": W, "height": H, "inv_scale_sq": 50.0}


def reference(sites, cand0, cand1, width, height, inv_scale_sq=50.0):
    height_s, width_s = cand0.shape
    width_f = jnp.asarray(width, dtype=jnp.float32)
    height_f = jnp.asarray(height, dtype=jnp.float32)
    inv_scale_sq = jnp.asarray(inv_scale_sq, dtype=jnp.float32)
    # normalized pixel-center coordinates
    xs = (jnp.arange(width_s, dtype=jnp.float32) + 0.5) / width_f
    ys = (jnp.arange(height_s, dtype=jnp.float32) + 0.5) / height_f
    px = jnp.broadcast_to(xs[None, :], (height_s, width_s))
    py = jnp.broadcast_to(ys[:, None], (height_s, width_s))
    # gather the two candidate sites per pixel (SparseCore-style gather)
    s0 = jnp.take(sites, cand0, axis=0)  # [H, W, 5]
    s1 = jnp.take(sites, cand1, axis=0)  # [H, W, 5]
    d0 = (px - s0[..., 0]) ** 2 + (py - s0[..., 1]) ** 2
    d1 = (px - s1[..., 0]) ** 2 + (py - s1[..., 1]) ** 2
    # soft assignment between the two nearest candidate sites
    w = jax.nn.sigmoid((d1 - d0) * inv_scale_sq)  # [H, W]
    out = w[..., None] * s0[..., 2:5] + (1.0 - w)[..., None] * s1[..., 2:5]
    return out  # [H, W, 3]

if __name__ == "__main__":
    import jax
    _d = setup_inputs()
    print(jax.jit(kernel)(*tuple(_d.values())))

</pallas_src>

<mosaic_0001>
#map = affine_map<(d0, d1) -> (0)>
module attributes {stable_mosaic.version = 14 : i64} {
  func.func @sad_sc(%arg0: i32, %arg1: i32, %arg2: memref<65536xf32, #tpu.memory_space<hbm>>, %arg3: memref<1048576xi32, #tpu.memory_space<hbm>>, %arg4: memref<1048576xi32, #tpu.memory_space<hbm>>, %arg5: memref<48xf32, #tpu.memory_space<hbm>>, %arg6: memref<3145728xf32, #tpu.memory_space<hbm>>, %arg7: memref<65536xf32, #tpu.memory_space<vmem>>, %arg8: memref<4096xi32, #tpu.memory_space<vmem>>, %arg9: memref<4096xi32, #tpu.memory_space<vmem>>, %arg10: memref<4096xi32, #tpu.memory_space<vmem>>, %arg11: memref<4096xi32, #tpu.memory_space<vmem>>, %arg12: memref<4096xf32, #tpu.memory_space<vmem>>, %arg13: memref<4096xf32, #tpu.memory_space<vmem>>, %arg14: memref<4096xf32, #tpu.memory_space<vmem>>, %arg15: memref<4096xf32, #tpu.memory_space<vmem>>, %arg16: memref<4096xf32, #tpu.memory_space<vmem>>, %arg17: memref<4096xf32, #tpu.memory_space<vmem>>, %arg18: memref<48xf32, #tpu.memory_space<vmem>>, %arg19: memref<1024xf32, #tpu.memory_space<vmem>>, %arg20: memref<1024xf32, #tpu.memory_space<vmem>>, %arg21: memref<!tpu.dma_semaphore, #tpu.memory_space<semaphore_mem>>, %arg22: memref<!tpu.dma_semaphore, #tpu.memory_space<semaphore_mem>>, %arg23: memref<!tpu.dma_semaphore, #tpu.memory_space<semaphore_mem>>, %arg24: memref<!tpu.dma_semaphore, #tpu.memory_space<semaphore_mem>>, %arg25: memref<!tpu.dma_semaphore, #tpu.memory_space<semaphore_mem>>) attributes {dimension_semantics = [#tpu.dimension_semantics<core_parallel>, #tpu.dimension_semantics<subcore_parallel>], iteration_bounds = array<i64: 2, 16>, scalar_prefetch = 0 : i64, scratch_operands = 19 : i64, tpu.core_type = #tpu.core_type<sc_vector_subcore>, window_params = [{transform_indices = #map}, {transform_indices = #map}, {transform_indices = #map}, {transform_indices = #map}, {transform_indices = #map}]} {
    %mul3A = arith.constant 2 : i32
    %mul3A_0 = arith.muli %arg1, %mul3A : i32
    %add3A = arith.addi %mul3A_0, %arg0 : i32
    %mul3A_1 = arith.constant 32768 : i32
    %mul3A_2 = arith.muli %add3A, %mul3A_1 : i32
    tpu.enqueue_dma source(%arg2 : memref<65536xf32, #tpu.memory_space<hbm>>) target(%arg7 : memref<65536xf32, #tpu.memory_space<vmem>>) target_semaphore(%arg21 : memref<!tpu.dma_semaphore, #tpu.memory_space<semaphore_mem>>)
    %add3A_3 = arith.constant 0 : i32
    %add3A_4 = arith.addi %mul3A_2, %add3A_3 : i32
    %dma_start3A = tpu.memref_slice %arg3[%add3A_4] : memref<1048576xi32, #tpu.memory_space<hbm>> -> memref<4096xi32, #tpu.memory_space<hbm>>
    %dma_start3A_5 = tpu.memref_slice %arg3[%add3A_4] : memref<1048576xi32, #tpu.memory_space<hbm>> -> memref<4096xi32, #tpu.memory_space<hbm>>
    tpu.enqueue_dma source(%dma_start3A_5 : memref<4096xi32, #tpu.memory_space<hbm>>) target(%arg8 : memref<4096xi32, #tpu.memory_space<vmem>>) target_semaphore(%arg22 : memref<!tpu.dma_semaphore, #tpu.memory_space<semaphore_mem>>)
    %dma_start3A_6 = tpu.memref_slice %arg4[%add3A_4] : memref<1048576xi32, #tpu.memory_space<hbm>> -> memref<4096xi32, #tpu.memory_space<hbm>>
    %dma_start3A_7 = tpu.memref_slice %arg4[%add3A_4] : memref<1048576xi32, #tpu.memory_space<hbm>> -> memref<4096xi32, #tpu.memory_space<hbm>>
    tpu.enqueue_dma source(%dma_start3A_7 : memref<4096xi32, #tpu.memory_space<hbm>>) target(%arg10 : memref<4096xi32, #tpu.memory_space<vmem>>) target_semaphore(%arg22 : memref<!tpu.dma_semaphore, #tpu.memory_space<semaphore_mem>>)
    "tpu.region"() ({
      %run_scoped3A = tpu.sem_alloc : memref<!tpu.dma_semaphore, #tpu.memory_space<semaphore_mem>>
      tpu.enqueue_dma source(%arg5 : memref<48xf32, #tpu.memory_space<hbm>>) target(%arg18 : memref<48xf32, #tpu.memory_space<vmem>>) target_semaphore(%run_scoped3A : memref<!tpu.dma_semaphore, #tpu.memory_space<semaphore_mem>>)
      tpu.wait_dma2 semaphore(%run_scoped3A : memref<!tpu.dma_semaphore, #tpu.memory_space<semaphore_mem>>) src(%arg5 : memref<48xf32, #tpu.memory_space<hbm>>) dst(%arg18 : memref<48xf32, #tpu.memory_space<vmem>>)
      tpu.yield
    }) : () -> ()
    %get3A = arith.constant 0 : index
    %get3A_8 = tpu.vector_load %arg18[%get3A] {strides = array<i32>} : memref<48xf32, #tpu.memory_space<vmem>>, vector<16xf32>,
    %get3A_9 = arith.constant 16 : index
    %get3A_10 = tpu.vector_load %arg18[%get3A_9] {strides = array<i32>} : memref<48xf32, #tpu.memory_space<vmem>>, vector<16xf32>,
    %get3A_11 = arith.constant 32 : index
    %get3A_12 = tpu.vector_load %arg18[%get3A_11] {strides = array<i32>} : memref<48xf32, #tpu.memory_space<vmem>>, vector<16xf32>,
    %iota3A = tpu.iota {dimensions = array<i32: 0>} : vector<16xi32>
    %parallel_loop3A = arith.constant 0 : i32
    %parallel_loop3A_13 = arith.constant 64 : i32
    %parallel_loop3A_14 = arith.constant 1 : i32
    scf.for %parallel_loop3A_275 = %parallel_loop3A to %parallel_loop3A_13 step %parallel_loop3A_14  : i32 {
      %parallel_loop3A_276 = arith.constant 16 : i32
      %parallel_loop3A_277 = arith.muli %parallel_loop3A_275, %parallel_loop3A_276 : i32
      %parallel_loop3A_278 = vector.broadcast %parallel_loop3A_277 : i32 to vector<16xi32>
      %parallel_loop3A_279 = arith.addi %parallel_loop3A_278, %iota3A : vector<16xi32>
      %parallel_loop3A_280 = arith.sitofp %parallel_loop3A_279 : vector<16xi32> to vector<16xf32>
      %parallel_loop3A_281 = arith.constant 5.000000e-01 : f32
      %parallel_loop3A_282 = vector.broadcast %parallel_loop3A_281 : f32 to vector<16xf32>
      %parallel_loop3A_283 = arith.addf %parallel_loop3A_280, %parallel_loop3A_282 : vector<16xf32>
      %parallel_loop3A_284 = arith.mulf %parallel_loop3A_283, %get3A_8 : vector<16xf32>
      %parallel_loop3A_285 = arith.constant 2.000000e+00 : f32
      %parallel_loop3A_286 = vector.broadcast %parallel_loop3A_285 : f32 to vector<16xf32>
      %parallel_loop3A_287 = arith.mulf %parallel_loop3A_284, %parallel_loop3A_286 : vector<16xf32>
      %parallel_loop3A_288 = arith.constant 16 : i32
      %parallel_loop3A_289 = arith.muli %parallel_loop3A_275, %parallel_loop3A_288 : i32
      %parallel_loop3A_290 = arith.index_cast %parallel_loop3A_289 : i32 to index
      %parallel_loop3A_291 = tpu.vector_load %arg19[%parallel_loop3A_290] {strides = array<i32>} : memref<1024xf32, #tpu.memory_space<vmem>>, vector<16xf32>,
      tpu.vector_store %arg19[%parallel_loop3A_290], %parallel_loop3A_287 {strides = array<i32>} : memref<1024xf32, #tpu.memory_space<vmem>>, vector<16xf32>,
    } {sc.loop_unroll_factor = 4 : i64, sc.parallel_access}
    %parallel_loop3A_15 = arith.constant 0 : i32
    %parallel_loop3A_16 = arith.constant 64 : i32
    %parallel_loop3A_17 = arith.constant 1 : i32
    scf.for %parallel_loop3A_275 = %parallel_loop3A_15 to %parallel_loop3A_16 step %parallel_loop3A_17  : i32 {
      %parallel_loop3A_276 = arith.constant 16 : i32
      %parallel_loop3A_277 = arith.muli %parallel_loop3A_275, %parallel_loop3A_276 : i32
      %parallel_loop3A_278 = vector.broadcast %parallel_loop3A_277 : i32 to vector<16xi32>
      %parallel_loop3A_279 = arith.addi %parallel_loop3A_278, %iota3A : vector<16xi32>
      %parallel_loop3A_280 = arith.sitofp %parallel_loop3A_279 : vector<16xi32> to vector<16xf32>
      %parallel_loop3A_281 = arith.constant 5.000000e-01 : f32
      %parallel_loop3A_282 = vector.broadcast %parallel_loop3A_281 : f32 to vector<16xf32>
      %parallel_loop3A_283 = arith.addf %parallel_loop3A_280, %parallel_loop3A_282 : vector<16xf32>
      %parallel_loop3A_284 = arith.mulf %parallel_loop3A_283, %get3A_10 : vector<16xf32>
      %parallel_loop3A_285 = arith.constant 2.000000e+00 : f32
      %parallel_loop3A_286 = vector.broadcast %parallel_loop3A_285 : f32 to vector<16xf32>
      %parallel_loop3A_287 = arith.mulf %parallel_loop3A_284, %parallel_loop3A_286 : vector<16xf32>
      %parallel_loop3A_288 = arith.constant 16 : i32
      %parallel_loop3A_289 = arith.muli %parallel_loop3A_275, %parallel_loop3A_288 : i32
      %parallel_loop3A_290 = arith.index_cast %parallel_loop3A_289 : i32 to index
      %parallel_loop3A_291 = tpu.vector_load %arg20[%parallel_loop3A_290] {strides = array<i32>} : memref<1024xf32, #tpu.memory_space<vmem>>, vector<16xf32>,
      tpu.vector_store %arg20[%parallel_loop3A_290], %parallel_loop3A_287 {strides = array<i32>} : memref<1024xf32, #tpu.memory_space<vmem>>, vector<16xf32>,
    } {sc.loop_unroll_factor = 4 : i64, sc.parallel_access}
    tpu.wait_dma2 semaphore(%arg21 : memref<!tpu.dma_semaphore, #tpu.memory_space<semaphore_mem>>) src(%arg2 : memref<65536xf32, #tpu.memory_space<hbm>>) dst(%arg7 : memref<65536xf32, #tpu.memory_space<vmem>>)
    %add3A_18 = arith.constant 0 : i32
    %add3A_19 = arith.addi %mul3A_2, %add3A_18 : i32
    %dma_wait3A = tpu.memref_slice %arg3[%add3A_4] : memref<1048576xi32, #tpu.memory_space<hbm>> -> memref<4096xi32, #tpu.memory_space<hbm>>
    %dma_wait3A_20 = tpu.memref_slice %arg3[%add3A_4] : memref<1048576xi32, #tpu.memory_space<hbm>> -> memref<4096xi32, #tpu.memory_space<hbm>>
    tpu.wait_dma2 semaphore(%arg22 : memref<!tpu.dma_semaphore, #tpu.memory_space<semaphore_mem>>) src(%dma_wait3A_20 : memref<4096xi32, #tpu.memory_space<hbm>>) dst(%arg8 : memref<4096xi32, #tpu.memory_space<vmem>>)
    %dma_wait3A_21 = tpu.memref_slice %arg4[%add3A_4] : memref<1048576xi32, #tpu.memory_space<hbm>> -> memref<4096xi32, #tpu.memory_space<hbm>>
    %dma_wait3A_22 = tpu.memref_slice %arg4[%add3A_4] : memref<1048576xi32, #tpu.memory_space<hbm>> -> memref<4096xi32, #tpu.memory_space<hbm>>
    tpu.wait_dma2 semaphore(%arg22 : memref<!tpu.dma_semaphore, #tpu.memory_space<semaphore_mem>>) src(%dma_wait3A_22 : memref<4096xi32, #tpu.memory_space<hbm>>) dst(%arg10 : memref<4096xi32, #tpu.memory_space<vmem>>)
    %add3A_23 = arith.constant 4096 : i32
    %add3A_24 = arith.addi %mul3A_2, %add3A_23 : i32
    %dma_start3A_25 = tpu.memref_slice %arg3[%add3A_24] : memref<1048576xi32, #tpu.memory_space<hbm>> -> memref<4096xi32, #tpu.memory_space<hbm>>
    %dma_start3A_26 = tpu.memref_slice %arg3[%add3A_24] : memref<1048576xi32, #tpu.memory_space<hbm>> -> memref<4096xi32, #tpu.memory_space<hbm>>
    tpu.enqueue_dma source(%dma_start3A_26 : memref<4096xi32, #tpu.memory_space<hbm>>) target(%arg9 : memref<4096xi32, #tpu.memory_space<vmem>>) target_semaphore(%arg23 : memref<!tpu.dma_semaphore, #tpu.memory_space<semaphore_mem>>)
    %dma_start3A_27 = tpu.memref_slice %arg4[%add3A_24] : memref<1048576xi32, #tpu.memory_space<hbm>> -> memref<4096xi32, #tpu.memory_space<hbm>>
    %dma_start3A_28 = tpu.memref_slice %arg4[%add3A_24] : memref<1048576xi32, #tpu.memory_space<hbm>> -> memref<4096xi32, #tpu.memory_space<hbm>>
    tpu.enqueue_dma source(%dma_start3A_28 : memref<4096xi32, #tpu.memory_space<hbm>>) target(%arg11 : memref<4096xi32, #tpu.memory_space<vmem>>) target_semaphore(%arg23 : memref<!tpu.dma_semaphore, #tpu.memory_space<semaphore_mem>>)
    %parallel_loop3A_29 = arith.constant 0 : i32
    %parallel_loop3A_30 = arith.constant 256 : i32
    %parallel_loop3A_31 = arith.constant 1 : i32
    scf.for %parallel_loop3A_275 = %parallel_loop3A_29 to %parallel_loop3A_30 step %parallel_loop3A_31  : i32 {
      %parallel_loop3A_276 = arith.constant 16 : i32
      %parallel_loop3A_277 = arith.muli %parallel_loop3A_275, %parallel_loop3A_276 : i32
      %parallel_loop3A_278 = arith.addi %add3A_19, %parallel_loop3A_277 : i32
      %parallel_loop3A_279 = arith.constant 8191 : i32
      %parallel_loop3A_280 = arith.andi %parallel_loop3A_278, %parallel_loop3A_279 : i32
      %parallel_loop3A_281 = arith.constant 10 : i32
      %parallel_loop3A_282 = arith.shrui %parallel_loop3A_280, %parallel_loop3A_281 : i32
      %parallel_loop3A_283 = arith.constant 7 : i32
      %parallel_loop3A_284 = arith.shrui %parallel_loop3A_280, %parallel_loop3A_283 : i32
      %parallel_loop3A_285 = arith.constant 7 : i32
      %parallel_loop3A_286 = arith.andi %parallel_loop3A_284, %parallel_loop3A_285 : i32
      %parallel_loop3A_287 = arith.constant 127 : i32
      %parallel_loop3A_288 = arith.andi %parallel_loop3A_280, %parallel_loop3A_287 : i32
      %parallel_loop3A_289 = arith.constant 13 : i32
      %parallel_loop3A_290 = arith.shrui %parallel_loop3A_278, %parallel_loop3A_289 : i32
      %parallel_loop3A_291 = arith.index_cast %parallel_loop3A_277 : i32 to index
      %parallel_loop3A_292 = tpu.vector_load %arg8[%parallel_loop3A_291] {strides = array<i32>} : memref<4096xi32, #tpu.memory_space<vmem>>, vector<16xi32>,
      %parallel_loop3A_293 = arith.index_cast %parallel_loop3A_277 : i32 to index
      %parallel_loop3A_294 = tpu.vector_load %arg10[%parallel_loop3A_293] {strides = array<i32>} : memref<4096xi32, #tpu.memory_space<vmem>>, vector<16xi32>,
      %parallel_loop3A_295 = tpu.vector_load_idx %arg7[%parallel_loop3A_292] : memref<65536xf32, #tpu.memory_space<vmem>>[vector<16xi32>], vector<16xf32>,
      %parallel_loop3A_296 = arith.constant 16384 : i32
      %parallel_loop3A_297 = vector.broadcast %parallel_loop3A_296 : i32 to vector<16xi32>
      %parallel_loop3A_298 = arith.addi %parallel_loop3A_292, %parallel_loop3A_297 : vector<16xi32>
      %parallel_loop3A_299 = tpu.vector_load_idx %arg7[%parallel_loop3A_298] : memref<65536xf32, #tpu.memory_space<vmem>>[vector<16xi32>], vector<16xf32>,
      %parallel_loop3A_300 = tpu.vector_load_idx %arg7[%parallel_loop3A_294] : memref<65536xf32, #tpu.memory_space<vmem>>[vector<16xi32>], vector<16xf32>,
      %parallel_loop3A_301 = arith.constant 16384 : i32
      %parallel_loop3A_302 = vector.broadcast %parallel_loop3A_301 : i32 to vector<16xi32>
      %parallel_loop3A_303 = arith.addi %parallel_loop3A_294, %parallel_loop3A_302 : vector<16xi32>
      %parallel_loop3A_304 = tpu.vector_load_idx %arg7[%parallel_loop3A_303] : memref<65536xf32, #tpu.memory_space<vmem>>[vector<16xi32>], vector<16xf32>,
      %parallel_loop3A_305 = arith.constant 128 : i32
      %parallel_loop3A_306 = arith.muli %parallel_loop3A_282, %parallel_loop3A_305 : i32
      %parallel_loop3A_307 = arith.addi %parallel_loop3A_306, %parallel_loop3A_288 : i32
      %parallel_loop3A_308 = arith.index_cast %parallel_loop3A_307 : i32 to index
      %parallel_loop3A_309 = tpu.vector_load %arg19[%parallel_loop3A_308] {strides = array<i32>} : memref<1024xf32, #tpu.memory_space<vmem>>, vector<16xf32>,
      %parallel_loop3A_310 = arith.constant 8 : i32
      %parallel_loop3A_311 = arith.muli %parallel_loop3A_290, %parallel_loop3A_310 : i32
      %parallel_loop3A_312 = arith.addi %parallel_loop3A_311, %parallel_loop3A_286 : i32
      %parallel_loop3A_313 = vector.broadcast %parallel_loop3A_312 : i32 to vector<16xi32>
      %parallel_loop3A_314 = tpu.vector_load_idx %arg20[%parallel_loop3A_313] : memref<1024xf32, #tpu.memory_space<vmem>>[vector<16xi32>], vector<16xf32>,
      %parallel_loop3A_315 = arith.subf %parallel_loop3A_295, %parallel_loop3A_300 : vector<16xf32>
      %parallel_loop3A_316 = arith.subf %parallel_loop3A_309, %parallel_loop3A_295 : vector<16xf32>
      %parallel_loop3A_317 = arith.subf %parallel_loop3A_316, %parallel_loop3A_300 : vector<16xf32>
      %parallel_loop3A_318 = arith.mulf %parallel_loop3A_315, %parallel_loop3A_317 : vector<16xf32>
      %parallel_loop3A_319 = arith.subf %parallel_loop3A_299, %parallel_loop3A_304 : vector<16xf32>
      %parallel_loop3A_320 = arith.subf %parallel_loop3A_314, %parallel_loop3A_299 : vector<16xf32>
      %parallel_loop3A_321 = arith.subf %parallel_loop3A_320, %parallel_loop3A_304 : vector<16xf32>
      %parallel_loop3A_322 = arith.mulf %parallel_loop3A_319, %parallel_loop3A_321 : vector<16xf32>
      %parallel_loop3A_323 = arith.addf %parallel_loop3A_318, %parallel_loop3A_322 : vector<16xf32>
      %parallel_loop3A_324 = arith.mulf %parallel_loop3A_323, %get3A_12 : vector<16xf32>
      %parallel_loop3A_325 = arith.constant 0.000000e+00 : f32
      %parallel_loop3A_326 = vector.broadcast %parallel_loop3A_325 : f32 to vector<16xf32>
      %parallel_loop3A_327 = arith.subf %parallel_loop3A_326, %parallel_loop3A_324 : vector<16xf32>
      %parallel_loop3A_328 = math.exp %parallel_loop3A_327 : vector<16xf32>
      %parallel_loop3A_329 = arith.constant 1.000000e+00 : f32
      %parallel_loop3A_330 = vector.broadcast %parallel_loop3A_329 : f32 to vector<16xf32>
      %parallel_loop3A_331 = arith.addf %parallel_loop3A_330, %parallel_loop3A_328 : vector<16xf32>
      %parallel_loop3A_332 = arith.constant 1.000000e+00 : f32
      %parallel_loop3A_333 = vector.broadcast %parallel_loop3A_332 : f32 to vector<16xf32>
      %parallel_loop3A_334 = arith.divf %parallel_loop3A_333, %parallel_loop3A_331 : vector<16xf32>
      %parallel_loop3A_335 = arith.constant 32768 : i32
      %parallel_loop3A_336 = vector.broadcast %parallel_loop3A_335 : i32 to vector<16xi32>
      %parallel_loop3A_337 = arith.addi %parallel_loop3A_292, %parallel_loop3A_336 : vector<16xi32>
      %parallel_loop3A_338 = tpu.vector_load_idx %arg7[%parallel_loop3A_337] : memref<65536xf32, #tpu.memory_space<vmem>>[vector<16xi32>], vector<16xf32>,
      %parallel_loop3A_339 = arith.constant 32768 : i32
      %parallel_loop3A_340 = vector.broadcast %parallel_loop3A_339 : i32 to vector<16xi32>
      %parallel_loop3A_341 = arith.addi %parallel_loop3A_294, %parallel_loop3A_340 : vector<16xi32>
      %parallel_loop3A_342 = tpu.vector_load_idx %arg7[%parallel_loop3A_341] : memref<65536xf32, #tpu.memory_space<vmem>>[vector<16xi32>], vector<16xf32>,
      %parallel_loop3A_343 = arith.constant 49152 : i32
      %parallel_loop3A_344 = vector.broadcast %parallel_loop3A_343 : i32 to vector<16xi32>
      %parallel_loop3A_345 = arith.addi %parallel_loop3A_292, %parallel_loop3A_344 : vector<16xi32>
      %parallel_loop3A_346 = tpu.vector_load_idx %arg7[%parallel_loop3A_345] : memref<65536xf32, #tpu.memory_space<vmem>>[vector<16xi32>], vector<16xf32>,
      %parallel_loop3A_347 = arith.constant 49152 : i32
      %parallel_loop3A_348 = vector.broadcast %parallel_loop3A_347 : i32 to vector<16xi32>
      %parallel_loop3A_349 = arith.addi %parallel_loop3A_294, %parallel_loop3A_348 : vector<16xi32>
      %parallel_loop3A_350 = tpu.vector_load_idx %arg7[%parallel_loop3A_349] : memref<65536xf32, #tpu.memory_space<vmem>>[vector<16xi32>], vector<16xf32>,
      %parallel_loop3A_351 = tpu.pack_subelements %parallel_loop3A_334, %parallel_loop3A_334 {pack_format = #tpu.pack_format<interleaved>, positions = array<i32: 0, 1>} : vector<16xf32>, vector<16xf32> -> vector<32xbf16>
      %parallel_loop3A_352 = vector.bitcast %parallel_loop3A_338 : vector<16xf32> to vector<32xbf16>
      %parallel_loop3A_353 = vector.bitcast %parallel_loop3A_342 : vector<16xf32> to vector<32xbf16>
      %parallel_loop3A_354 = arith.subf %parallel_loop3A_352, %parallel_loop3A_353 : vector<32xbf16>
      %parallel_loop3A_355 = arith.mulf %parallel_loop3A_351, %parallel_loop3A_354 : vector<32xbf16>
      %parallel_loop3A_356 = arith.addf %parallel_loop3A_353, %parallel_loop3A_355 : vector<32xbf16>
      %parallel_loop3A_357 = vector.bitcast %parallel_loop3A_356 : vector<32xbf16> to vector<16xi32>
      %parallel_loop3A_358 = arith.constant -65536 : i32
      %parallel_loop3A_359 = vector.broadcast %parallel_loop3A_358 : i32 to vector<16xi32>
      %parallel_loop3A_360 = arith.constant 16 : i32
      %parallel_loop3A_361 = vector.broadcast %parallel_loop3A_360 : i32 to vector<16xi32>
      %parallel_loop3A_362 = arith.shli %parallel_loop3A_357, %parallel_loop3A_361 : vector<16xi32>
      %parallel_loop3A_363 = vector.bitcast %parallel_loop3A_362 : vector<16xi32> to vector<16xf32>
      %parallel_loop3A_364 = arith.index_cast %parallel_loop3A_277 : i32 to index
      %parallel_loop3A_365 = tpu.vector_load %arg12[%parallel_loop3A_364] {strides = array<i32>} : memref<4096xf32, #tpu.memory_space<vmem>>, vector<16xf32>,
      tpu.vector_store %arg12[%parallel_loop3A_364], %parallel_loop3A_363 {strides = array<i32>} : memref<4096xf32, #tpu.memory_space<vmem>>, vector<16xf32>,
      %parallel_loop3A_366 = arith.andi %parallel_loop3A_357, %parallel_loop3A_359 : vector<16xi32>
      %parallel_loop3A_367 = vector.bitcast %parallel_loop3A_366 : vector<16xi32> to vector<16xf32>
      %parallel_loop3A_368 = arith.index_cast %parallel_loop3A_277 : i32 to index
      %parallel_loop3A_369 = tpu.vector_load %arg13[%parallel_loop3A_368] {strides = array<i32>} : memref<4096xf32, #tpu.memory_space<vmem>>, vector<16xf32>,
      tpu.vector_store %arg13[%parallel_loop3A_368], %parallel_loop3A_367 {strides = array<i32>} : memref<4096xf32, #tpu.memory_space<vmem>>, vector<16xf32>,
      %parallel_loop3A_370 = arith.subf %parallel_loop3A_346, %parallel_loop3A_350 : vector<16xf32>
      %parallel_loop3A_371 = arith.mulf %parallel_loop3A_334, %parallel_loop3A_370 : vector<16xf32>
      %parallel_loop3A_372 = arith.addf %parallel_loop3A_350, %parallel_loop3A_371 : vector<16xf32>
      %parallel_loop3A_373 = arith.index_cast %parallel_loop3A_277 : i32 to index
      %parallel_loop3A_374 = tpu.vector_load %arg14[%parallel_loop3A_373] {strides = array<i32>} : memref<4096xf32, #tpu.memory_space<vmem>>, vector<16xf32>,
      tpu.vector_store %arg14[%parallel_loop3A_373], %parallel_loop3A_372 {strides = array<i32>} : memref<4096xf32, #tpu.memory_space<vmem>>, vector<16xf32>,
    } {sc.loop_unroll_factor = 4 : i64, sc.parallel_access}
    %add3A_32 = arith.constant 0 : i32
    %add3A_33 = arith.addi %add3A_32, %add3A_19 : i32
    %dma_start3A_34 = tpu.memref_slice %arg6[%add3A_33] : memref<3145728xf32, #tpu.memory_space<hbm>> -> memref<4096xf32, #tpu.memory_space<hbm>>
    %dma_start3A_35 = tpu.memref_slice %arg6[%add3A_33] : memref<3145728xf32, #tpu.memory_space<hbm>> -> memref<4096xf32, #tpu.memory_space<hbm>>
    tpu.enqueue_dma source(%arg12 : memref<4096xf32, #tpu.memory_space<vmem>>) target(%dma_start3A_35 : memref<4096xf32, #tpu.memory_space<hbm>>) target_semaphore(%arg24 : memref<!tpu.dma_semaphore, #tpu.memory_space<semaphore_mem>>)
    %add3A_36 = arith.constant 1048576 : i32
    %add3A_37 = arith.addi %add3A_36, %add3A_19 : i32
    %dma_start3A_38 = tpu.memref_slice %arg6[%add3A_37] : memref<3145728xf32, #tpu.memory_space<hbm>> -> memref<4096xf32, #tpu.memory_space<hbm>>
    %dma_start3A_39 = tpu.memref_slice %arg6[%add3A_37] : memref<3145728xf32, #tpu.memory_space<hbm>> -> memref<4096xf32, #tpu.memory_space<hbm>>
    tpu.enqueue_dma source(%arg13 : memref<4096xf32, #tpu.memory_space<vmem>>) target(%dma_start3A_39 : memref<4096xf32, #tpu.memory_space<hbm>>) target_semaphore(%arg24 : memref<!tpu.dma_semaphore, #tpu.memory_space<semaphore_mem>>)
    %add3A_40 = arith.constant 2097152 : i32
    %add3A_41 = arith.addi %add3A_40, %add3A_19 : i32
    %dma_start3A_42 = tpu.memref_slice %arg6[%add3A_41] : memref<3145728xf32, #tpu.memory_space<hbm>> -> memref<4096xf32, #tpu.memory_space<hbm>>
    %dma_start3A_43 = tpu.memref_slice %arg6[%add3A_41] : memref<3145728xf32, #tpu.memory_space<hbm>> -> memref<4096xf32, #tpu.memory_space<hbm>>
    tpu.enqueue_dma source(%arg14 : memref<4096xf32, #tpu.memory_space<vmem>>) target(%dma_start3A_43 : memref<4096xf32, #tpu.memory_space<hbm>>) target_semaphore(%arg24 : memref<!tpu.dma_semaphore, #tpu.memory_space<semaphore_mem>>)
    %add3A_44 = arith.constant 4096 : i32
    %add3A_45 = arith.addi %mul3A_2, %add3A_44 : i32
    %dma_wait3A_46 = tpu.memref_slice %arg3[%add3A_24] : memref<1048576xi32, #tpu.memory_space<hbm>> -> memref<4096xi32, #tpu.memory_space<hbm>>
    %dma_wait3A_47 = tpu.memref_slice %arg3[%add3A_24] : memref<1048576xi32, #tpu.memory_space<hbm>> -> memref<4096xi32, #tpu.memory_space<hbm>>
    tpu.wait_dma2 semaphore(%arg23 : memref<!tpu.dma_semaphore, #tpu.memory_space<semaphore_mem>>) src(%dma_wait3A_47 : memref<4096xi32, #tpu.memory_space<hbm>>) dst(%arg9 : memref<4096xi32, #tpu.memory_space<vmem>>)
    %dma_wait3A_48 = tpu.memref_slice %arg4[%add3A_24] : memref<1048576xi32, #tpu.memory_space<hbm>> -> memref<4096xi32, #tpu.memory_space<hbm>>
    %dma_wait3A_49 = tpu.memref_slice %arg4[%add3A_24] : memref<1048576xi32, #tpu.memory_space<hbm>> -> memref<4096xi32, #tpu.memory_space<hbm>>
    tpu.wait_dma2 semaphore(%arg23 : memref<!tpu.dma_semaphore, #tpu.memory_space<semaphore_mem>>) src(%dma_wait3A_49 : memref<4096xi32, #tpu.memory_space<hbm>>) dst(%arg11 : memref<4096xi32, #tpu.memory_space<vmem>>)
    %add3A_50 = arith.constant 8192 : i32
    %add3A_51 = arith.addi %mul3A_2, %add3A_50 : i32
    %dma_start3A_52 = tpu.memref_slice %arg3[%add3A_51] : memref<1048576xi32, #tpu.memory_space<hbm>> -> memref<4096xi32, #tpu.memory_space<hbm>>
    %dma_start3A_53 = tpu.memref_slice %arg3[%add3A_51] : memref<1048576xi32, #tpu.memory_space<hbm>> -> memref<4096xi32, #tpu.memory_space<hbm>>
    tpu.enqueue_dma source(%dma_start3A_53 : memref<4096xi32, #tpu.memory_space<hbm>>) target(%arg8 : memref<4096xi32, #tpu.memory_space<vmem>>) target_semaphore(%arg22 : memref<!tpu.dma_semaphore, #tpu.memory_space<semaphore_mem>>)
    %dma_start3A_54 = tpu.memref_slice %arg4[%add3A_51] : memref<1048576xi32, #tpu.memory_space<hbm>> -> memref<4096xi32, #tpu.memory_space<hbm>>
    %dma_start3A_55 = tpu.memref_slice %arg4[%add3A_51] : memref<1048576xi32, #tpu.memory_space<hbm>> -> memref<4096xi32, #tpu.memory_space<hbm>>
    tpu.enqueue_dma source(%dma_start3A_55 : memref<4096xi32, #tpu.memory_space<hbm>>) target(%arg10 : memref<4096xi32, #tpu.memory_space<vmem>>) target_semaphore(%arg22 : memref<!tpu.dma_semaphore, #tpu.memory_space<semaphore_mem>>)
    %parallel_loop3A_56 = arith.constant 0 : i32
    %parallel_loop3A_57 = arith.constant 256 : i32
    %parallel_loop3A_58 = arith.constant 1 : i32
    scf.for %parallel_loop3A_275 = %parallel_loop3A_56 to %parallel_loop3A_57 step %parallel_loop3A_58  : i32 {
      %parallel_loop3A_276 = arith.constant 16 : i32
      %parallel_loop3A_277 = arith.muli %parallel_loop3A_275, %parallel_loop3A_276 : i32
      %parallel_loop3A_278 = arith.addi %add3A_45, %parallel_loop3A_277 : i32
      %parallel_loop3A_279 = arith.constant 8191 : i32
      %parallel_loop3A_280 = arith.andi %parallel_loop3A_278, %parallel_loop3A_279 : i32
      %parallel_loop3A_281 = arith.constant 10 : i32
      %parallel_loop3A_282 = arith.shrui %parallel_loop3A_280, %parallel_loop3A_281 : i32
      %parallel_loop3A_283 = arith.constant 7 : i32
      %parallel_loop3A_284 = arith.shrui %parallel_loop3A_280, %parallel_loop3A_283 : i32
      %parallel_loop3A_285 = arith.constant 7 : i32
      %parallel_loop3A_286 = arith.andi %parallel_loop3A_284, %parallel_loop3A_285 : i32
      %parallel_loop3A_287 = arith.constant 127 : i32
      %parallel_loop3A_288 = arith.andi %parallel_loop3A_280, %parallel_loop3A_287 : i32
      %parallel_loop3A_289 = arith.constant 13 : i32
      %parallel_loop3A_290 = arith.shrui %parallel_loop3A_278, %parallel_loop3A_289 : i32
      %parallel_loop3A_291 = arith.index_cast %parallel_loop3A_277 : i32 to index
      %parallel_loop3A_292 = tpu.vector_load %arg9[%parallel_loop3A_291] {strides = array<i32>} : memref<4096xi32, #tpu.memory_space<vmem>>, vector<16xi32>,
      %parallel_loop3A_293 = arith.index_cast %parallel_loop3A_277 : i32 to index
      %parallel_loop3A_294 = tpu.vector_load %arg11[%parallel_loop3A_293] {strides = array<i32>} : memref<4096xi32, #tpu.memory_space<vmem>>, vector<16xi32>,
      %parallel_loop3A_295 = tpu.vector_load_idx %arg7[%parallel_loop3A_292] : memref<65536xf32, #tpu.memory_space<vmem>>[vector<16xi32>], vector<16xf32>,
      %parallel_loop3A_296 = arith.constant 16384 : i32
      %parallel_loop3A_297 = vector.broadcast %parallel_loop3A_296 : i32 to vector<16xi32>
      %parallel_loop3A_298 = arith.addi %parallel_loop3A_292, %parallel_loop3A_297 : vector<16xi32>
      %parallel_loop3A_299 = tpu.vector_load_idx %arg7[%parallel_loop3A_298] : memref<65536xf32, #tpu.memory_space<vmem>>[vector<16xi32>], vector<16xf32>,
      %parallel_loop3A_300 = tpu.vector_load_idx %arg7[%parallel_loop3A_294] : memref<65536xf32, #tpu.memory_space<vmem>>[vector<16xi32>], vector<16xf32>,
      %parallel_loop3A_301 = arith.constant 16384 : i32
      %parallel_loop3A_302 = vector.broadcast %parallel_loop3A_301 : i32 to vector<16xi32>
      %parallel_loop3A_303 = arith.addi %parallel_loop3A_294, %parallel_loop3A_302 : vector<16xi32>
      %parallel_loop3A_304 = tpu.vector_load_idx %arg7[%parallel_loop3A_303] : memref<65536xf32, #tpu.memory_space<vmem>>[vector<16xi32>], vector<16xf32>,
      %parallel_loop3A_305 = arith.constant 128 : i32
      %parallel_loop3A_306 = arith.muli %parallel_loop3A_282, %parallel_loop3A_305 : i32
      %parallel_loop3A_307 = arith.addi %parallel_loop3A_306, %parallel_loop3A_288 : i32
      %parallel_loop3A_308 = arith.index_cast %parallel_loop3A_307 : i32 to index
      %parallel_loop3A_309 = tpu.vector_load %arg19[%parallel_loop3A_308] {strides = array<i32>} : memref<1024xf32, #tpu.memory_space<vmem>>, vector<16xf32>,
      %parallel_loop3A_310 = arith.constant 8 : i32
      %parallel_loop3A_311 = arith.muli %parallel_loop3A_290, %parallel_loop3A_310 : i32
      %parallel_loop3A_312 = arith.addi %parallel_loop3A_311, %parallel_loop3A_286 : i32
      %parallel_loop3A_313 = vector.broadcast %parallel_loop3A_312 : i32 to vector<16xi32>
      %parallel_loop3A_314 = tpu.vector_load_idx %arg20[%parallel_loop3A_313] : memref<1024xf32, #tpu.memory_space<vmem>>[vector<16xi32>], vector<16xf32>,
      %parallel_loop3A_315 = arith.subf %parallel_loop3A_295, %parallel_loop3A_300 : vector<16xf32>
      %parallel_loop3A_316 = arith.subf %parallel_loop3A_309, %parallel_loop3A_295 : vector<16xf32>
      %parallel_loop3A_317 = arith.subf %parallel_loop3A_316, %parallel_loop3A_300 : vector<16xf32>
      %parallel_loop3A_318 = arith.mulf %parallel_loop3A_315, %parallel_loop3A_317 : vector<16xf32>
      %parallel_loop3A_319 = arith.subf %parallel_loop3A_299, %parallel_loop3A_304 : vector<16xf32>
      %parallel_loop3A_320 = arith.subf %parallel_loop3A_314, %parallel_loop3A_299 : vector<16xf32>
      %parallel_loop3A_321 = arith.subf %parallel_loop3A_320, %parallel_loop3A_304 : vector<16xf32>
      %parallel_loop3A_322 = arith.mulf %parallel_loop3A_319, %parallel_loop3A_321 : vector<16xf32>
      %parallel_loop3A_323 = arith.addf %parallel_loop3A_318, %parallel_loop3A_322 : vector<16xf32>
      %parallel_loop3A_324 = arith.mulf %parallel_loop3A_323, %get3A_12 : vector<16xf32>
      %parallel_loop3A_325 = arith.constant 0.000000e+00 : f32
      %parallel_loop3A_326 = vector.broadcast %parallel_loop3A_325 : f32 to vector<16xf32>
      %parallel_loop3A_327 = arith.subf %parallel_loop3A_326, %parallel_loop3A_324 : vector<16xf32>
      %parallel_loop3A_328 = math.exp %parallel_loop3A_327 : vector<16xf32>
      %parallel_loop3A_329 = arith.constant 1.000000e+00 : f32
      %parallel_loop3A_330 = vector.broadcast %parallel_loop3A_329 : f32 to vector<16xf32>
      %parallel_loop3A_331 = arith.addf %parallel_loop3A_330, %parallel_loop3A_328 : vector<16xf32>
      %parallel_loop3A_332 = arith.constant 1.000000e+00 : f32
      %parallel_loop3A_333 = vector.broadcast %parallel_loop3A_332 : f32 to vector<16xf32>
      %parallel_loop3A_334 = arith.divf %parallel_loop3A_333, %parallel_loop3A_331 : vector<16xf32>
      %parallel_loop3A_335 = arith.constant 32768 : i32
      %parallel_loop3A_336 = vector.broadcast %parallel_loop3A_335 : i32 to vector<16xi32>
      %parallel_loop3A_337 = arith.addi %parallel_loop3A_292, %parallel_loop3A_336 : vector<16xi32>
      %parallel_loop3A_338 = tpu.vector_load_idx %arg7[%parallel_loop3A_337] : memref<65536xf32, #tpu.memory_space<vmem>>[vector<16xi32>], vector<16xf32>,
      %parallel_loop3A_339 = arith.constant 32768 : i32
      %parallel_loop3A_340 = vector.broadcast %parallel_loop3A_339 : i32 to vector<16xi32>
      %parallel_loop3A_341 = arith.addi %parallel_loop3A_294, %parallel_loop3A_340 : vector<16xi32>
      %parallel_loop3A_342 = tpu.vector_load_idx %arg7[%parallel_loop3A_341] : memref<65536xf32, #tpu.memory_space<vmem>>[vector<16xi32>], vector<16xf32>,
      %parallel_loop3A_343 = arith.constant 49152 : i32
      %parallel_loop3A_344 = vector.broadcast %parallel_loop3A_343 : i32 to vector<16xi32>
      %parallel_loop3A_345 = arith.addi %parallel_loop3A_292, %parallel_loop3A_344 : vector<16xi32>
      %parallel_loop3A_346 = tpu.vector_load_idx %arg7[%parallel_loop3A_345] : memref<65536xf32, #tpu.memory_space<vmem>>[vector<16xi32>], vector<16xf32>,
      %parallel_loop3A_347 = arith.constant 49152 : i32
      %parallel_loop3A_348 = vector.broadcast %parallel_loop3A_347 : i32 to vector<16xi32>
      %parallel_loop3A_349 = arith.addi %parallel_loop3A_294, %parallel_loop3A_348 : vector<16xi32>
      %parallel_loop3A_350 = tpu.vector_load_idx %arg7[%parallel_loop3A_349] : memref<65536xf32, #tpu.memory_space<vmem>>[vector<16xi32>], vector<16xf32>,
      %parallel_loop3A_351 = tpu.pack_subelements %parallel_loop3A_334, %parallel_loop3A_334 {pack_format = #tpu.pack_format<interleaved>, positions = array<i32: 0, 1>} : vector<16xf32>, vector<16xf32> -> vector<32xbf16>
      %parallel_loop3A_352 = vector.bitcast %parallel_loop3A_338 : vector<16xf32> to vector<32xbf16>
      %parallel_loop3A_353 = vector.bitcast %parallel_loop3A_342 : vector<16xf32> to vector<32xbf16>
      %parallel_loop3A_354 = arith.subf %parallel_loop3A_352, %parallel_loop3A_353 : vector<32xbf16>
      %parallel_loop3A_355 = arith.mulf %parallel_loop3A_351, %parallel_loop3A_354 : vector<32xbf16>
      %parallel_loop3A_356 = arith.addf %parallel_loop3A_353, %parallel_loop3A_355 : vector<32xbf16>
      %parallel_loop3A_357 = vector.bitcast %parallel_loop3A_356 : vector<32xbf16> to vector<16xi32>
      %parallel_loop3A_358 = arith.constant -65536 : i32
      %parallel_loop3A_359 = vector.broadcast %parallel_loop3A_358 : i32 to vector<16xi32>
      %parallel_loop3A_360 = arith.constant 16 : i32
      %parallel_loop3A_361 = vector.broadcast %parallel_loop3A_360 : i32 to vector<16xi32>
      %parallel_loop3A_362 = arith.shli %parallel_loop3A_357, %parallel_loop3A_361 : vector<16xi32>
      %parallel_loop3A_363 = vector.bitcast %parallel_loop3A_362 : vector<16xi32> to vector<16xf32>
      %parallel_loop3A_364 = arith.index_cast %parallel_loop3A_277 : i32 to index
      %parallel_loop3A_365 = tpu.vector_load %arg15[%parallel_loop3A_364] {strides = array<i32>} : memref<4096xf32, #tpu.memory_space<vmem>>, vector<16xf32>,
      tpu.vector_store %arg15[%parallel_loop3A_364], %parallel_loop3A_363 {strides = array<i32>} : memref<4096xf32, #tpu.memory_space<vmem>>, vector<16xf32>,
      %parallel_loop3A_366 = arith.andi %parallel_loop3A_357, %parallel_loop3A_359 : vector<16xi32>
      %parallel_loop3A_367 = vector.bitcast %parallel_loop3A_366 : vector<16xi32> to vector<16xf32>
      %parallel_loop3A_368 = arith.index_cast %parallel_loop3A_277 : i32 to index
      %parallel_loop3A_369 = tpu.vector_load %arg16[%parallel_loop3A_368] {strides = array<i32>} : memref<4096xf32, #tpu.memory_space<vmem>>, vector<16xf32>,
      tpu.vector_store %arg16[%parallel_loop3A_368], %parallel_loop3A_367 {strides = array<i32>} : memref<4096xf32, #tpu.memory_space<vmem>>, vector<16xf32>,
      %parallel_loop3A_370 = arith.subf %parallel_loop3A_346, %parallel_loop3A_350 : vector<16xf32>
      %parallel_loop3A_371 = arith.mulf %parallel_loop3A_334, %parallel_loop3A_370 : vector<16xf32>
      %parallel_loop3A_372 = arith.addf %parallel_loop3A_350, %parallel_loop3A_371 : vector<16xf32>
      %parallel_loop3A_373 = arith.index_cast %parallel_loop3A_277 : i32 to index
      %parallel_loop3A_374 = tpu.vector_load %arg17[%parallel_loop3A_373] {strides = array<i32>} : memref<4096xf32, #tpu.memory_space<vmem>>, vector<16xf32>,
      tpu.vector_store %arg17[%parallel_loop3A_373], %parallel_loop3A_372 {strides = array<i32>} : memref<4096xf32, #tpu.memory_space<vmem>>, vector<16xf32>,
    } {sc.loop_unroll_factor = 4 : i64, sc.parallel_access}
    %add3A_59 = arith.constant 0 : i32
    %add3A_60 = arith.addi %add3A_59, %add3A_45 : i32
    %dma_start3A_61 = tpu.memref_slice %arg6[%add3A_60] : memref<3145728xf32, #tpu.memory_space<hbm>> -> memref<4096xf32, #tpu.memory_space<hbm>>
    %dma_start3A_62 = tpu.memref_slice %arg6[%add3A_60] : memref<3145728xf32, #tpu.memory_space<hbm>> -> memref<4096xf32, #tpu.memory_space<hbm>>
    tpu.enqueue_dma source(%arg15 : memref<4096xf32, #tpu.memory_space<vmem>>) target(%dma_start3A_62 : memref<4096xf32, #tpu.memory_space<hbm>>) target_semaphore(%arg25 : memref<!tpu.dma_semaphore, #tpu.memory_space<semaphore_mem>>)
    %add3A_63 = arith.constant 1048576 : i32
    %add3A_64 = arith.addi %add3A_63, %add3A_45 : i32
    %dma_start3A_65 = tpu.memref_slice %arg6[%add3A_64] : memref<3145728xf32, #tpu.memory_space<hbm>> -> memref<4096xf32, #tpu.memory_space<hbm>>
    %dma_start3A_66 = tpu.memref_slice %arg6[%add3A_64] : memref<3145728xf32, #tpu.memory_space<hbm>> -> memref<4096xf32, #tpu.memory_space<hbm>>
    tpu.enqueue_dma source(%arg16 : memref<4096xf32, #tpu.memory_space<vmem>>) target(%dma_start3A_66 : memref<4096xf32, #tpu.memory_space<hbm>>) target_semaphore(%arg25 : memref<!tpu.dma_semaphore, #tpu.memory_space<semaphore_mem>>)
    %add3A_67 = arith.constant 2097152 : i32
    %add3A_68 = arith.addi %add3A_67, %add3A_45 : i32
    %dma_start3A_69 = tpu.memref_slice %arg6[%add3A_68] : memref<3145728xf32, #tpu.memory_space<hbm>> -> memref<4096xf32, #tpu.memory_space<hbm>>
    %dma_start3A_70 = tpu.memref_slice %arg6[%add3A_68] : memref<3145728xf32, #tpu.memory_space<hbm>> -> memref<4096xf32, #tpu.memory_space<hbm>>
    tpu.enqueue_dma source(%arg17 : memref<4096xf32, #tpu.memory_space<vmem>>) target(%dma_start3A_70 : memref<4096xf32, #tpu.memory_space<hbm>>) target_semaphore(%arg25 : memref<!tpu.dma_semaphore, #tpu.memory_space<semaphore_mem>>)
    %add3A_71 = arith.constant 8192 : i32
    %add3A_72 = arith.addi %mul3A_2, %add3A_71 : i32
    %dma_wait3A_73 = tpu.memref_slice %arg3[%add3A_51] : memref<1048576xi32, #tpu.memory_space<hbm>> -> memref<4096xi32, #tpu.memory_space<hbm>>
    %dma_wait3A_74 = tpu.memref_slice %arg3[%add3A_51] : memref<1048576xi32, #tpu.memory_space<hbm>> -> memref<4096xi32, #tpu.memory_space<hbm>>
    tpu.wait_dma2 semaphore(%arg22 : memref<!tpu.dma_semaphore, #tpu.memory_space<semaphore_mem>>) src(%dma_wait3A_74 : memref<4096xi32, #tpu.memory_space<hbm>>) dst(%arg8 : memref<4096xi32, #tpu.memory_space<vmem>>)
    %dma_wait3A_75 = tpu.memref_slice %arg4[%add3A_51] : memref<1048576xi32, #tpu.memory_space<hbm>> -> memref<4096xi32, #tpu.memory_space<hbm>>
    %dma_wait3A_76 = tpu.memref_slice %arg4[%add3A_51] : memref<1048576xi32, #tpu.memory_space<hbm>> -> memref<4096xi32, #tpu.memory_space<hbm>>
    tpu.wait_dma2 semaphore(%arg22 : memref<!tpu.dma_semaphore, #tpu.memory_space<semaphore_mem>>) src(%dma_wait3A_76 : memref<4096xi32, #tpu.memory_space<hbm>>) dst(%arg10 : memref<4096xi32, #tpu.memory_space<vmem>>)
    %add3A_77 = arith.constant 12288 : i32
    %add3A_78 = arith.addi %mul3A_2, %add3A_77 : i32
    %dma_start3A_79 = tpu.memref_slice %arg3[%add3A_78] : memref<1048576xi32, #tpu.memory_space<hbm>> -> memref<4096xi32, #tpu.memory_space<hbm>>
    %dma_start3A_80 = tpu.memref_slice %arg3[%add3A_78] : memref<1048576xi32, #tpu.memory_space<hbm>> -> memref<4096xi32, #tpu.memory_space<hbm>>
    tpu.enqueue_dma source(%dma_start3A_80 : memref<4096xi32, #tpu.memory_space<hbm>>) target(%arg9 : memref<4096xi32, #tpu.memory_space<vmem>>) target_semaphore(%arg23 : memref<!tpu.dma_semaphore, #tpu.memory_space<semaphore_mem>>)
    %dma_start3A_81 = tpu.memref_slice %arg4[%add3A_78] : memref<1048576xi32, #tpu.memory_space<hbm>> -> memref<4096xi32, #tpu.memory_space<hbm>>
    %dma_start3A_82 = tpu.memref_slice %arg4[%add3A_78] : memref<1048576xi32, #tpu.memory_space<hbm>> -> memref<4096xi32, #tpu.memory_space<hbm>>
    tpu.enqueue_dma source(%dma_start3A_82 : memref<4096xi32, #tpu.memory_space<hbm>>) target(%arg11 : memref<4096xi32, #tpu.memory_space<vmem>>) target_semaphore(%arg23 : memref<!tpu.dma_semaphore, #tpu.memory_space<semaphore_mem>>)
    %dma_wait3A_83 = tpu.memref_slice %arg6[%add3A_33] : memref<3145728xf32, #tpu.memory_space<hbm>> -> memref<4096xf32, #tpu.memory_space<hbm>>
    %dma_wait3A_84 = tpu.memref_slice %arg6[%add3A_33] : memref<3145728xf32, #tpu.memory_space<hbm>> -> memref<4096xf32, #tpu.memory_space<hbm>>
    tpu.wait_dma2 semaphore(%arg24 : memref<!tpu.dma_semaphore, #tpu.memory_space<semaphore_mem>>) src(%arg12 : memref<4096xf32, #tpu.memory_space<vmem>>) dst(%dma_wait3A_84 : memref<4096xf32, #tpu.memory_space<hbm>>)
    %dma_wait3A_85 = tpu.memref_slice %arg6[%add3A_37] : memref<3145728xf32, #tpu.memory_space<hbm>> -> memref<4096xf32, #tpu.memory_space<hbm>>
    %dma_wait3A_86 = tpu.memref_slice %arg6[%add3A_37] : memref<3145728xf32, #tpu.memory_space<hbm>> -> memref<4096xf32, #tpu.memory_space<hbm>>
    tpu.wait_dma2 semaphore(%arg24 : memref<!tpu.dma_semaphore, #tpu.memory_space<semaphore_mem>>) src(%arg13 : memref<4096xf32, #tpu.memory_space<vmem>>) dst(%dma_wait3A_86 : memref<4096xf32, #tpu.memory_space<hbm>>)
    %dma_wait3A_87 = tpu.memref_slice %arg6[%add3A_41] : memref<3145728xf32, #tpu.memory_space<hbm>> -> memref<4096xf32, #tpu.memory_space<hbm>>
    %dma_wait3A_88 = tpu.memref_slice %arg6[%add3A_41] : memref<3145728xf32, #tpu.memory_space<hbm>> -> memref<4096xf32, #tpu.memory_space<hbm>>
    tpu.wait_dma2 semaphore(%arg24 : memref<!tpu.dma_semaphore, #tpu.memory_space<semaphore_mem>>) src(%arg14 : memref<4096xf32, #tpu.memory_space<vmem>>) dst(%dma_wait3A_88 : memref<4096xf32, #tpu.memory_space<hbm>>)
    %parallel_loop3A_89 = arith.constant 0 : i32
    %parallel_loop3A_90 = arith.constant 256 : i32
    %parallel_loop3A_91 = arith.constant 1 : i32
    scf.for %parallel_loop3A_275 = %parallel_loop3A_89 to %parallel_loop3A_90 step %parallel_loop3A_91  : i32 {
      %parallel_loop3A_276 = arith.constant 16 : i32
      %parallel_loop3A_277 = arith.muli %parallel_loop3A_275, %parallel_loop3A_276 : i32
      %parallel_loop3A_278 = arith.addi %add3A_72, %parallel_loop3A_277 : i32
      %parallel_loop3A_279 = arith.constant 8191 : i32
      %parallel_loop3A_280 = arith.andi %parallel_loop3A_278, %parallel_loop3A_279 : i32
      %parallel_loop3A_281 = arith.constant 10 : i32
      %parallel_loop3A_282 = arith.shrui %parallel_loop3A_280, %parallel_loop3A_281 : i32
      %parallel_loop3A_283 = arith.constant 7 : i32
      %parallel_loop3A_284 = arith.shrui %parallel_loop3A_280, %parallel_loop3A_283 : i32
      %parallel_loop3A_285 = arith.constant 7 : i32
      %parallel_loop3A_286 = arith.andi %parallel_loop3A_284, %parallel_loop3A_285 : i32
      %parallel_loop3A_287 = arith.constant 127 : i32
      %parallel_loop3A_288 = arith.andi %parallel_loop3A_280, %parallel_loop3A_287 : i32
      %parallel_loop3A_289 = arith.constant 13 : i32
      %parallel_loop3A_290 = arith.shrui %parallel_loop3A_278, %parallel_loop3A_289 : i32
      %parallel_loop3A_291 = arith.index_cast %parallel_loop3A_277 : i32 to index
      %parallel_loop3A_292 = tpu.vector_load %arg8[%parallel_loop3A_291] {strides = array<i32>} : memref<4096xi32, #tpu.memory_space<vmem>>, vector<16xi32>,
      %parallel_loop3A_293 = arith.index_cast %parallel_loop3A_277 : i32 to index
      %parallel_loop3A_294 = tpu.vector_load %arg10[%parallel_loop3A_293] {strides = array<i32>} : memref<4096xi32, #tpu.memory_space<vmem>>, vector<16xi32>,
      %parallel_loop3A_295 = tpu.vector_load_idx %arg7[%parallel_loop3A_292] : memref<65536xf32, #tpu.memory_space<vmem>>[vector<16xi32>], vector<16xf32>,
      %parallel_loop3A_296 = arith.constant 16384 : i32
      %parallel_loop3A_297 = vector.broadcast %parallel_loop3A_296 : i32 to vector<16xi32>
      %parallel_loop3A_298 = arith.addi %parallel_loop3A_292, %parallel_loop3A_297 : vector<16xi32>
      %parallel_loop3A_299 = tpu.vector_load_idx %arg7[%parallel_loop3A_298] : memref<65536xf32, #tpu.memory_space<vmem>>[vector<16xi32>], vector<16xf32>,
      %parallel_loop3A_300 = tpu.vector_load_idx %arg7[%parallel_loop3A_294] : memref<65536xf32, #tpu.memory_space<vmem>>[vector<16xi32>], vector<16xf32>,
      %parallel_loop3A_301 = arith.constant 16384 : i32
      %parallel_loop3A_302 = vector.broadcast %parallel_loop3A_301 : i32 to vector<16xi32>
      %parallel_loop3A_303 = arith.addi %parallel_loop3A_294, %parallel_loop3A_302 : vector<16xi32>
      %parallel_loop3A_304 = tpu.vector_load_idx %arg7[%parallel_loop3A_303] : memref<65536xf32, #tpu.memory_space<vmem>>[vector<16xi32>], vector<16xf32>,
      %parallel_loop3A_305 = arith.constant 128 : i32
      %parallel_loop3A_306 = arith.muli %parallel_loop3A_282, %parallel_loop3A_305 : i32
      %parallel_loop3A_307 = arith.addi %parallel_loop3A_306, %parallel_loop3A_288 : i32
      %parallel_loop3A_308 = arith.index_cast %parallel_loop3A_307 : i32 to index
      %parallel_loop3A_309 = tpu.vector_load %arg19[%parallel_loop3A_308] {strides = array<i32>} : memref<1024xf32, #tpu.memory_space<vmem>>, vector<16xf32>,
      %parallel_loop3A_310 = arith.constant 8 : i32
      %parallel_loop3A_311 = arith.muli %parallel_loop3A_290, %parallel_loop3A_310 : i32
      %parallel_loop3A_312 = arith.addi %parallel_loop3A_311, %parallel_loop3A_286 : i32
      %parallel_loop3A_313 = vector.broadcast %parallel_loop3A_312 : i32 to vector<16xi32>
      %parallel_loop3A_314 = tpu.vector_load_idx %arg20[%parallel_loop3A_313] : memref<1024xf32, #tpu.memory_space<vmem>>[vector<16xi32>], vector<16xf32>,
      %parallel_loop3A_315 = arith.subf %parallel_loop3A_295, %parallel_loop3A_300 : vector<16xf32>
      %parallel_loop3A_316 = arith.subf %parallel_loop3A_309, %parallel_loop3A_295 : vector<16xf32>
      %parallel_loop3A_317 = arith.subf %parallel_loop3A_316, %parallel_loop3A_300 : vector<16xf32>
      %parallel_loop3A_318 = arith.mulf %parallel_loop3A_315, %parallel_loop3A_317 : vector<16xf32>
      %parallel_loop3A_319 = arith.subf %parallel_loop3A_299, %parallel_loop3A_304 : vector<16xf32>
      %parallel_loop3A_320 = arith.subf %parallel_loop3A_314, %parallel_loop3A_299 : vector<16xf32>
      %parallel_loop3A_321 = arith.subf %parallel_loop3A_320, %parallel_loop3A_304 : vector<16xf32>
      %parallel_loop3A_322 = arith.mulf %parallel_loop3A_319, %parallel_loop3A_321 : vector<16xf32>
      %parallel_loop3A_323 = arith.addf %parallel_loop3A_318, %parallel_loop3A_322 : vector<16xf32>
      %parallel_loop3A_324 = arith.mulf %parallel_loop3A_323, %get3A_12 : vector<16xf32>
      %parallel_loop3A_325 = arith.constant 0.000000e+00 : f32
      %parallel_loop3A_326 = vector.broadcast %parallel_loop3A_325 : f32 to vector<16xf32>
      %parallel_loop3A_327 = arith.subf %parallel_loop3A_326, %parallel_loop3A_324 : vector<16xf32>
      %parallel_loop3A_328 = math.exp %parallel_loop3A_327 : vector<16xf32>
      %parallel_loop3A_329 = arith.constant 1.000000e+00 : f32
      %parallel_loop3A_330 = vector.broadcast %parallel_loop3A_329 : f32 to vector<16xf32>
      %parallel_loop3A_331 = arith.addf %parallel_loop3A_330, %parallel_loop3A_328 : vector<16xf32>
      %parallel_loop3A_332 = arith.constant 1.000000e+00 : f32
      %parallel_loop3A_333 = vector.broadcast %parallel_loop3A_332 : f32 to vector<16xf32>
      %parallel_loop3A_334 = arith.divf %parallel_loop3A_333, %parallel_loop3A_331 : vector<16xf32>
      %parallel_loop3A_335 = arith.constant 32768 : i32
      %parallel_loop3A_336 = vector.broadcast %parallel_loop3A_335 : i32 to vector<16xi32>
      %parallel_loop3A_337 = arith.addi %parallel_loop3A_292, %parallel_loop3A_336 : vector<16xi32>
      %parallel_loop3A_338 = tpu.vector_load_idx %arg7[%parallel_loop3A_337] : memref<65536xf32, #tpu.memory_space<vmem>>[vector<16xi32>], vector<16xf32>,
      %parallel_loop3A_339 = arith.constant 32768 : i32
      %parallel_loop3A_340 = vector.broadcast %parallel_loop3A_339 : i32 to vector<16xi32>
      %parallel_loop3A_341 = arith.addi %parallel_loop3A_294, %parallel_loop3A_340 : vector<16xi32>
      %parallel_loop3A_342 = tpu.vector_load_idx %arg7[%parallel_loop3A_341] : memref<65536xf32, #tpu.memory_space<vmem>>[vector<16xi32>], vector<16xf32>,
      %parallel_loop3A_343 = arith.constant 49152 : i32
      %parallel_loop3A_344 = vector.broadcast %parallel_loop3A_343 : i32 to vector<16xi32>
      %parallel_loop3A_345 = arith.addi %parallel_loop3A_292, %parallel_loop3A_344 : vector<16xi32>
      %parallel_loop3A_346 = tpu.vector_load_idx %arg7[%parallel_loop3A_345] : memref<65536xf32, #tpu.memory_space<vmem>>[vector<16xi32>], vector<16xf32>,
      %parallel_loop3A_347 = arith.constant 49152 : i32
      %parallel_loop3A_348 = vector.broadcast %parallel_loop3A_347 : i32 to vector<16xi32>
      %parallel_loop3A_349 = arith.addi %parallel_loop3A_294, %parallel_loop3A_348 : vector<16xi32>
      %parallel_loop3A_350 = tpu.vector_load_idx %arg7[%parallel_loop3A_349] : memref<65536xf32, #tpu.memory_space<vmem>>[vector<16xi32>], vector<16xf32>,
      %parallel_loop3A_351 = tpu.pack_subelements %parallel_loop3A_334, %parallel_loop3A_334 {pack_format = #tpu.pack_format<interleaved>, positions = array<i32: 0, 1>} : vector<16xf32>, vector<16xf32> -> vector<32xbf16>
      %parallel_loop3A_352 = vector.bitcast %parallel_loop3A_338 : vector<16xf32> to vector<32xbf16>
      %parallel_loop3A_353 = vector.bitcast %parallel_loop3A_342 : vector<16xf32> to vector<32xbf16>
      %parallel_loop3A_354 = arith.subf %parallel_loop3A_352, %parallel_loop3A_353 : vector<32xbf16>
      %parallel_loop3A_355 = arith.mulf %parallel_loop3A_351, %parallel_loop3A_354 : vector<32xbf16>
      %parallel_loop3A_356 = arith.addf %parallel_loop3A_353, %parallel_loop3A_355 : vector<32xbf16>
      %parallel_loop3A_357 = vector.bitcast %parallel_loop3A_356 : vector<32xbf16> to vector<16xi32>
      %parallel_loop3A_358 = arith.constant -65536 : i32
      %parallel_loop3A_359 = vector.broadcast %parallel_loop3A_358 : i32 to vector<16xi32>
      %parallel_loop3A_360 = arith.constant 16 : i32
      %parallel_loop3A_361 = vector.broadcast %parallel_loop3A_360 : i32 to vector<16xi32>
      %parallel_loop3A_362 = arith.shli %parallel_loop3A_357, %parallel_loop3A_361 : vector<16xi32>
      %parallel_loop3A_363 = vector.bitcast %parallel_loop3A_362 : vector<16xi32> to vector<16xf32>
      %parallel_loop3A_364 = arith.index_cast %parallel_loop3A_277 : i32 to index
      %parallel_loop3A_365 = tpu.vector_load %arg12[%parallel_loop3A_364] {strides = array<i32>} : memref<4096xf32, #tpu.memory_space<vmem>>, vector<16xf32>,
      tpu.vector_store %arg12[%parallel_loop3A_364], %parallel_loop3A_363 {strides = array<i32>} : memref<4096xf32, #tpu.memory_space<vmem>>, vector<16xf32>,
      %parallel_loop3A_366 = arith.andi %parallel_loop3A_357, %parallel_loop3A_359 : vector<16xi32>
      %parallel_loop3A_367 = vector.bitcast %parallel_loop3A_366 : vector<16xi32> to vector<16xf32>
      %parallel_loop3A_368 = arith.index_cast %parallel_loop3A_277 : i32 to index
      %parallel_loop3A_369 = tpu.vector_load %arg13[%parallel_loop3A_368] {strides = array<i32>} : memref<4096xf32, #tpu.memory_space<vmem>>, vector<16xf32>,
      tpu.vector_store %arg13[%parallel_loop3A_368], %parallel_loop3A_367 {strides = array<i32>} : memref<4096xf32, #tpu.memory_space<vmem>>, vector<16xf32>,
      %parallel_loop3A_370 = arith.subf %parallel_loop3A_346, %parallel_loop3A_350 : vector<16xf32>
      %parallel_loop3A_371 = arith.mulf %parallel_loop3A_334, %parallel_loop3A_370 : vector<16xf32>
      %parallel_loop3A_372 = arith.addf %parallel_loop3A_350, %parallel_loop3A_371 : vector<16xf32>
      %parallel_loop3A_373 = arith.index_cast %parallel_loop3A_277 : i32 to index
      %parallel_loop3A_374 = tpu.vector_load %arg14[%parallel_loop3A_373] {strides = array<i32>} : memref<4096xf32, #tpu.memory_space<vmem>>, vector<16xf32>,
      tpu.vector_store %arg14[%parallel_loop3A_373], %parallel_loop3A_372 {strides = array<i32>} : memref<4096xf32, #tpu.memory_space<vmem>>, vector<16xf32>,
    } {sc.loop_unroll_factor = 4 : i64, sc.parallel_access}
    %add3A_92 = arith.constant 0 : i32
    %add3A_93 = arith.addi %add3A_92, %add3A_72 : i32
    %dma_start3A_94 = tpu.memref_slice %arg6[%add3A_93] : memref<3145728xf32, #tpu.memory_space<hbm>> -> memref<4096xf32, #tpu.memory_space<hbm>>
    %dma_start3A_95 = tpu.memref_slice %arg6[%add3A_93] : memref<3145728xf32, #tpu.memory_space<hbm>> -> memref<4096xf32, #tpu.memory_space<hbm>>
    tpu.enqueue_dma source(%arg12 : memref<4096xf32, #tpu.memory_space<vmem>>) target(%dma_start3A_95 : memref<4096xf32, #tpu.memory_space<hbm>>) target_semaphore(%arg24 : memref<!tpu.dma_semaphore, #tpu.memory_space<semaphore_mem>>)
    %add3A_96 = arith.constant 1048576 : i32
    %add3A_97 = arith.addi %add3A_96, %add3A_72 : i32
    %dma_start3A_98 = tpu.memref_slice %arg6[%add3A_97] : memref<3145728xf32, #tpu.memory_space<hbm>> -> memref<4096xf32, #tpu.memory_space<hbm>>
    %dma_start3A_99 = tpu.memref_slice %arg6[%add3A_97] : memref<3145728xf32, #tpu.memory_space<hbm>> -> memref<4096xf32, #tpu.memory_space<hbm>>
    tpu.enqueue_dma source(%arg13 : memref<4096xf32, #tpu.memory_space<vmem>>) target(%dma_start3A_99 : memref<4096xf32, #tpu.memory_space<hbm>>) target_semaphore(%arg24 : memref<!tpu.dma_semaphore, #tpu.memory_space<semaphore_mem>>)
    %add3A_100 = arith.constant 2097152 : i32
    %add3A_101 = arith.addi %add3A_100, %add3A_72 : i32
    %dma_start3A_102 = tpu.memref_slice %arg6[%add3A_101] : memref<3145728xf32, #tpu.memory_space<hbm>> -> memref<4096xf32, #tpu.memory_space<hbm>>
    %dma_start3A_103 = tpu.memref_slice %arg6[%add3A_101] : memref<3145728xf32, #tpu.memory_space<hbm>> -> memref<4096xf32, #tpu.memory_space<hbm>>
    tpu.enqueue_dma source(%arg14 : memref<4096xf32, #tpu.memory_space<vmem>>) target(%dma_start3A_103 : memref<4096xf32, #tpu.memory_space<hbm>>) target_semaphore(%arg24 : memref<!tpu.dma_semaphore, #tpu.memory_space<semaphore_mem>>)
    %add3A_104 = arith.constant 12288 : i32
    %add3A_105 = arith.addi %mul3A_2, %add3A_104 : i32
    %dma_wait3A_106 = tpu.memref_slice %arg3[%add3A_78] : memref<1048576xi32, #tpu.memory_space<hbm>> -> memref<4096xi32, #tpu.memory_space<hbm>>
    %dma_wait3A_107 = tpu.memref_slice %arg3[%add3A_78] : memref<1048576xi32, #tpu.memory_space<hbm>> -> memref<4096xi32, #tpu.memory_space<hbm>>
    tpu.wait_dma2 semaphore(%arg23 : memref<!tpu.dma_semaphore, #tpu.memory_space<semaphore_mem>>) src(%dma_wait3A_107 : memref<4096xi32, #tpu.memory_space<hbm>>) dst(%arg9 : memref<4096xi32, #tpu.memory_space<vmem>>)
    %dma_wait3A_108 = tpu.memref_slice %arg4[%add3A_78] : memref<1048576xi32, #tpu.memory_space<hbm>> -> memref<4096xi32, #tpu.memory_space<hbm>>
    %dma_wait3A_109 = tpu.memref_slice %arg4[%add3A_78] : memref<1048576xi32, #tpu.memory_space<hbm>> -> memref<4096xi32, #tpu.memory_space<hbm>>
    tpu.wait_dma2 semaphore(%arg23 : memref<!tpu.dma_semaphore, #tpu.memory_space<semaphore_mem>>) src(%dma_wait3A_109 : memref<4096xi32, #tpu.memory_space<hbm>>) dst(%arg11 : memref<4096xi32, #tpu.memory_space<vmem>>)
    %add3A_110 = arith.constant 16384 : i32
    %add3A_111 = arith.addi %mul3A_2, %add3A_110 : i32
    %dma_start3A_112 = tpu.memref_slice %arg3[%add3A_111] : memref<1048576xi32, #tpu.memory_space<hbm>> -> memref<4096xi32, #tpu.memory_space<hbm>>
    %dma_start3A_113 = tpu.memref_slice %arg3[%add3A_111] : memref<1048576xi32, #tpu.memory_space<hbm>> -> memref<4096xi32, #tpu.memory_space<hbm>>
    tpu.enqueue_dma source(%dma_start3A_113 : memref<4096xi32, #tpu.memory_space<hbm>>) target(%arg8 : memref<4096xi32, #tpu.memory_space<vmem>>) target_semaphore(%arg22 : memref<!tpu.dma_semaphore, #tpu.memory_space<semaphore_mem>>)
    %dma_start3A_114 = tpu.memref_slice %arg4[%add3A_111] : memref<1048576xi32, #tpu.memory_space<hbm>> -> memref<4096xi32, #tpu.memory_space<hbm>>
    %dma_start3A_115 = tpu.memref_slice %arg4[%add3A_111] : memref<1048576xi32, #tpu.memory_space<hbm>> -> memref<4096xi32, #tpu.memory_space<hbm>>
    tpu.enqueue_dma source(%dma_start3A_115 : memref<4096xi32, #tpu.memory_space<hbm>>) target(%arg10 : memref<4096xi32, #tpu.memory_space<vmem>>) target_semaphore(%arg22 : memref<!tpu.dma_semaphore, #tpu.memory_space<semaphore_mem>>)
    %dma_wait3A_116 = tpu.memref_slice %arg6[%add3A_60] : memref<3145728xf32, #tpu.memory_space<hbm>> -> memref<4096xf32, #tpu.memory_space<hbm>>
    %dma_wait3A_117 = tpu.memref_slice %arg6[%add3A_60] : memref<3145728xf32, #tpu.memory_space<hbm>> -> memref<4096xf32, #tpu.memory_space<hbm>>
    tpu.wait_dma2 semaphore(%arg25 : memref<!tpu.dma_semaphore, #tpu.memory_space<semaphore_mem>>) src(%arg15 : memref<4096xf32, #tpu.memory_space<vmem>>) dst(%dma_wait3A_117 : memref<4096xf32, #tpu.memory_space<hbm>>)
    %dma_wait3A_118 = tpu.memref_slice %arg6[%add3A_64] : memref<3145728xf32, #tpu.memory_space<hbm>> -> memref<4096xf32, #tpu.memory_space<hbm>>
    %dma_wait3A_119 = tpu.memref_slice %arg6[%add3A_64] : memref<3145728xf32, #tpu.memory_space<hbm>> -> memref<4096xf32, #tpu.memory_space<hbm>>
    tpu.wait_dma2 semaphore(%arg25 : memref<!tpu.dma_semaphore, #tpu.memory_space<semaphore_mem>>) src(%arg16 : memref<4096xf32, #tpu.memory_space<vmem>>) dst(%dma_wait3A_119 : memref<4096xf32, #tpu.memory_space<hbm>>)
    %dma_wait3A_120 = tpu.memref_slice %arg6[%add3A_68] : memref<3145728xf32, #tpu.memory_space<hbm>> -> memref<4096xf32, #tpu.memory_space<hbm>>
    %dma_wait3A_121 = tpu.memref_slice %arg6[%add3A_68] : memref<3145728xf32, #tpu.memory_space<hbm>> -> memref<4096xf32, #tpu.memory_space<hbm>>
    tpu.wait_dma2 semaphore(%arg25 : memref<!tpu.dma_semaphore, #tpu.memory_space<semaphore_mem>>) src(%arg17 : memref<4096xf32, #tpu.memory_space<vmem>>) dst(%dma_wait3A_121 : memref<4096xf32, #tpu.memory_space<hbm>>)
    %parallel_loop3A_122 = arith.constant 0 : i32
    %parallel_loop3A_123 = arith.constant 256 : i32
    %parallel_loop3A_124 = arith.constant 1 : i32
    scf.for %parallel_loop3A_275 = %parallel_loop3A_122 to %parallel_loop3A_123 step %parallel_loop3A_124  : i32 {
      %parallel_loop3A_276 = arith.constant 16 : i32
      %parallel_loop3A_277 = arith.muli %parallel_loop3A_275, %parallel_loop3A_276 : i32
      %parallel_loop3A_278 = arith.addi %add3A_105, %parallel_loop3A_277 : i32
      %parallel_loop3A_279 = arith.constant 8191 : i32
      %parallel_loop3A_280 = arith.andi %parallel_loop3A_278, %parallel_loop3A_279 : i32
      %parallel_loop3A_281 = arith.constant 10 : i32
      %parallel_loop3A_282 = arith.shrui %parallel_loop3A_280, %parallel_loop3A_281 : i32
      %parallel_loop3A_283 = arith.constant 7 : i32
      %parallel_loop3A_284 = arith.shrui %parallel_loop3A_280, %parallel_loop3A_283 : i32
      %parallel_loop3A_285 = arith.constant 7 : i32
      %parallel_loop3A_286 = arith.andi %parallel_loop3A_284, %parallel_loop3A_285 : i32
      %parallel_loop3A_287 = arith.constant 127 : i32
      %parallel_loop3A_288 = arith.andi %parallel_loop3A_280, %parallel_loop3A_287 : i32
      %parallel_loop3A_289 = arith.constant 13 : i32
      %parallel_loop3A_290 = arith.shrui %parallel_loop3A_278, %parallel_loop3A_289 : i32
      %parallel_loop3A_291 = arith.index_cast %parallel_loop3A_277 : i32 to index
      %parallel_loop3A_292 = tpu.vector_load %arg9[%parallel_loop3A_291] {strides = array<i32>} : memref<4096xi32, #tpu.memory_space<vmem>>, vector<16xi32>,
      %parallel_loop3A_293 = arith.index_cast %parallel_loop3A_277 : i32 to index
      %parallel_loop3A_294 = tpu.vector_load %arg11[%parallel_loop3A_293] {strides = array<i32>} : memref<4096xi32, #tpu.memory_space<vmem>>, vector<16xi32>,
      %parallel_loop3A_295 = tpu.vector_load_idx %arg7[%parallel_loop3A_292] : memref<65536xf32, #tpu.memory_space<vmem>>[vector<16xi32>], vector<16xf32>,
      %parallel_loop3A_296 = arith.constant 16384 : i32
      %parallel_loop3A_297 = vector.broadcast %parallel_loop3A_296 : i32 to vector<16xi32>
      %parallel_loop3A_298 = arith.addi %parallel_loop3A_292, %parallel_loop3A_297 : vector<16xi32>
      %parallel_loop3A_299 = tpu.vector_load_idx %arg7[%parallel_loop3A_298] : memref<65536xf32, #tpu.memory_space<vmem>>[vector<16xi32>], vector<16xf32>,
      %parallel_loop3A_300 = tpu.vector_load_idx %arg7[%parallel_loop3A_294] : memref<65536xf32, #tpu.memory_space<vmem>>[vector<16xi32>], vector<16xf32>,
      %parallel_loop3A_301 = arith.constant 16384 : i32
      %parallel_loop3A_302 = vector.broadcast %parallel_loop3A_301 : i32 to vector<16xi32>
      %parallel_loop3A_303 = arith.addi %parallel_loop3A_294, %parallel_loop3A_302 : vector<16xi32>
      %parallel_loop3A_304 = tpu.vector_load_idx %arg7[%parallel_loop3A_303] : memref<65536xf32, #tpu.memory_space<vmem>>[vector<16xi32>], vector<16xf32>,
      %parallel_loop3A_305 = arith.constant 128 : i32
      %parallel_loop3A_306 = arith.muli %parallel_loop3A_282, %parallel_loop3A_305 : i32
      %parallel_loop3A_307 = arith.addi %parallel_loop3A_306, %parallel_loop3A_288 : i32
      %parallel_loop3A_308 = arith.index_cast %parallel_loop3A_307 : i32 to index
      %parallel_loop3A_309 = tpu.vector_load %arg19[%parallel_loop3A_308] {strides = array<i32>} : memref<1024xf32, #tpu.memory_space<vmem>>, vector<16xf32>,
      %parallel_loop3A_310 = arith.constant 8 : i32
      %parallel_loop3A_311 = arith.muli %parallel_loop3A_290, %parallel_loop3A_310 : i32
      %parallel_loop3A_312 = arith.addi %parallel_loop3A_311, %parallel_loop3A_286 : i32
      %parallel_loop3A_313 = vector.broadcast %parallel_loop3A_312 : i32 to vector<16xi32>
      %parallel_loop3A_314 = tpu.vector_load_idx %arg20[%parallel_loop3A_313] : memref<1024xf32, #tpu.memory_space<vmem>>[vector<16xi32>], vector<16xf32>,
      %parallel_loop3A_315 = arith.subf %parallel_loop3A_295, %parallel_loop3A_300 : vector<16xf32>
      %parallel_loop3A_316 = arith.subf %parallel_loop3A_309, %parallel_loop3A_295 : vector<16xf32>
      %parallel_loop3A_317 = arith.subf %parallel_loop3A_316, %parallel_loop3A_300 : vector<16xf32>
      %parallel_loop3A_318 = arith.mulf %parallel_loop3A_315, %parallel_loop3A_317 : vector<16xf32>
      %parallel_loop3A_319 = arith.subf %parallel_loop3A_299, %parallel_loop3A_304 : vector<16xf32>
      %parallel_loop3A_320 = arith.subf %parallel_loop3A_314, %parallel_loop3A_299 : vector<16xf32>
      %parallel_loop3A_321 = arith.subf %parallel_loop3A_320, %parallel_loop3A_304 : vector<16xf32>
      %parallel_loop3A_322 = arith.mulf %parallel_loop3A_319, %parallel_loop3A_321 : vector<16xf32>
      %parallel_loop3A_323 = arith.addf %parallel_loop3A_318, %parallel_loop3A_322 : vector<16xf32>
      %parallel_loop3A_324 = arith.mulf %parallel_loop3A_323, %get3A_12 : vector<16xf32>
      %parallel_loop3A_325 = arith.constant 0.000000e+00 : f32
      %parallel_loop3A_326 = vector.broadcast %parallel_loop3A_325 : f32 to vector<16xf32>
      %parallel_loop3A_327 = arith.subf %parallel_loop3A_326, %parallel_loop3A_324 : vector<16xf32>
      %parallel_loop3A_328 = math.exp %parallel_loop3A_327 : vector<16xf32>
      %parallel_loop3A_329 = arith.constant 1.000000e+00 : f32
      %parallel_loop3A_330 = vector.broadcast %parallel_loop3A_329 : f32 to vector<16xf32>
      %parallel_loop3A_331 = arith.addf %parallel_loop3A_330, %parallel_loop3A_328 : vector<16xf32>
      %parallel_loop3A_332 = arith.constant 1.000000e+00 : f32
      %parallel_loop3A_333 = vector.broadcast %parallel_loop3A_332 : f32 to vector<16xf32>
      %parallel_loop3A_334 = arith.divf %parallel_loop3A_333, %parallel_loop3A_331 : vector<16xf32>
      %parallel_loop3A_335 = arith.constant 32768 : i32
      %parallel_loop3A_336 = vector.broadcast %parallel_loop3A_335 : i32 to vector<16xi32>
      %parallel_loop3A_337 = arith.addi %parallel_loop3A_292, %parallel_loop3A_336 : vector<16xi32>
      %parallel_loop3A_338 = tpu.vector_load_idx %arg7[%parallel_loop3A_337] : memref<65536xf32, #tpu.memory_space<vmem>>[vector<16xi32>], vector<16xf32>,
      %parallel_loop3A_339 = arith.constant 32768 : i32
      %parallel_loop3A_340 = vector.broadcast %parallel_loop3A_339 : i32 to vector<16xi32>
      %parallel_loop3A_341 = arith.addi %parallel_loop3A_294, %parallel_loop3A_340 : vector<16xi32>
      %parallel_loop3A_342 = tpu.vector_load_idx %arg7[%parallel_loop3A_341] : memref<65536xf32, #tpu.memory_space<vmem>>[vector<16xi32>], vector<16xf32>,
      %parallel_loop3A_343 = arith.constant 49152 : i32
      %parallel_loop3A_344 = vector.broadcast %parallel_loop3A_343 : i32 to vector<16xi32>
      %parallel_loop3A_345 = arith.addi %parallel_loop3A_292, %parallel_loop3A_344 : vector<16xi32>
      %parallel_loop3A_346 = tpu.vector_load_idx %arg7[%parallel_loop3A_345] : memref<65536xf32, #tpu.memory_space<vmem>>[vector<16xi32>], vector<16xf32>,
      %parallel_loop3A_347 = arith.constant 49152 : i32
      %parallel_loop3A_348 = vector.broadcast %parallel_loop3A_347 : i32 to vector<16xi32>
      %parallel_loop3A_349 = arith.addi %parallel_loop3A_294, %parallel_loop3A_348 : vector<16xi32>
      %parallel_loop3A_350 = tpu.vector_load_idx %arg7[%parallel_loop3A_349] : memref<65536xf32, #tpu.memory_space<vmem>>[vector<16xi32>], vector<16xf32>,
      %parallel_loop3A_351 = tpu.pack_subelements %parallel_loop3A_334, %parallel_loop3A_334 {pack_format = #tpu.pack_format<interleaved>, positions = array<i32: 0, 1>} : vector<16xf32>, vector<16xf32> -> vector<32xbf16>
      %parallel_loop3A_352 = vector.bitcast %parallel_loop3A_338 : vector<16xf32> to vector<32xbf16>
      %parallel_loop3A_353 = vector.bitcast %parallel_loop3A_342 : vector<16xf32> to vector<32xbf16>
      %parallel_loop3A_354 = arith.subf %parallel_loop3A_352, %parallel_loop3A_353 : vector<32xbf16>
      %parallel_loop3A_355 = arith.mulf %parallel_loop3A_351, %parallel_loop3A_354 : vector<32xbf16>
      %parallel_loop3A_356 = arith.addf %parallel_loop3A_353, %parallel_loop3A_355 : vector<32xbf16>
      %parallel_loop3A_357 = vector.bitcast %parallel_loop3A_356 : vector<32xbf16> to vector<16xi32>
      %parallel_loop3A_358 = arith.constant -65536 : i32
      %parallel_loop3A_359 = vector.broadcast %parallel_loop3A_358 : i32 to vector<16xi32>
      %parallel_loop3A_360 = arith.constant 16 : i32
      %parallel_loop3A_361 = vector.broadcast %parallel_loop3A_360 : i32 to vector<16xi32>
      %parallel_loop3A_362 = arith.shli %parallel_loop3A_357, %parallel_loop3A_361 : vector<16xi32>
      %parallel_loop3A_363 = vector.bitcast %parallel_loop3A_362 : vector<16xi32> to vector<16xf32>
      %parallel_loop3A_364 = arith.index_cast %parallel_loop3A_277 : i32 to index
      %parallel_loop3A_365 = tpu.vector_load %arg15[%parallel_loop3A_364] {strides = array<i32>} : memref<4096xf32, #tpu.memory_space<vmem>>, vector<16xf32>,
      tpu.vector_store %arg15[%parallel_loop3A_364], %parallel_loop3A_363 {strides = array<i32>} : memref<4096xf32, #tpu.memory_space<vmem>>, vector<16xf32>,
      %parallel_loop3A_366 = arith.andi %parallel_loop3A_357, %parallel_loop3A_359 : vector<16xi32>
      %parallel_loop3A_367 = vector.bitcast %parallel_loop3A_366 : vector<16xi32> to vector<16xf32>
      %parallel_loop3A_368 = arith.index_cast %parallel_loop3A_277 : i32 to index
      %parallel_loop3A_369 = tpu.vector_load %arg16[%parallel_loop3A_368] {strides = array<i32>} : memref<4096xf32, #tpu.memory_space<vmem>>, vector<16xf32>,
      tpu.vector_store %arg16[%parallel_loop3A_368], %parallel_loop3A_367 {strides = array<i32>} : memref<4096xf32, #tpu.memory_space<vmem>>, vector<16xf32>,
      %parallel_loop3A_370 = arith.subf %parallel_loop3A_346, %parallel_loop3A_350 : vector<16xf32>
      %parallel_loop3A_371 = arith.mulf %parallel_loop3A_334, %parallel_loop3A_370 : vector<16xf32>
      %parallel_loop3A_372 = arith.addf %parallel_loop3A_350, %parallel_loop3A_371 : vector<16xf32>
      %parallel_loop3A_373 = arith.index_cast %parallel_loop3A_277 : i32 to index
      %parallel_loop3A_374 = tpu.vector_load %arg17[%parallel_loop3A_373] {strides = array<i32>} : memref<4096xf32, #tpu.memory_space<vmem>>, vector<16xf32>,
      tpu.vector_store %arg17[%parallel_loop3A_373], %parallel_loop3A_372 {strides = array<i32>} : memref<4096xf32, #tpu.memory_space<vmem>>, vector<16xf32>,
    } {sc.loop_unroll_factor = 4 : i64, sc.parallel_access}
    %add3A_125 = arith.constant 0 : i32
    %add3A_126 = arith.addi %add3A_125, %add3A_105 : i32
    %dma_start3A_127 = tpu.memref_slice %arg6[%add3A_126] : memref<3145728xf32, #tpu.memory_space<hbm>> -> memref<4096xf32, #tpu.memory_space<hbm>>
    %dma_start3A_128 = tpu.memref_slice %arg6[%add3A_126] : memref<3145728xf32, #tpu.memory_space<hbm>> -> memref<4096xf32, #tpu.memory_space<hbm>>
    tpu.enqueue_dma source(%arg15 : memref<4096xf32, #tpu.memory_space<vmem>>) target(%dma_start3A_128 : memref<4096xf32, #tpu.memory_space<hbm>>) target_semaphore(%arg25 : memref<!tpu.dma_semaphore, #tpu.memory_space<semaphore_mem>>)
    %add3A_129 = arith.constant 1048576 : i32
    %add3A_130 = arith.addi %add3A_129, %add3A_105 : i32
    %dma_start3A_131 = tpu.memref_slice %arg6[%add3A_130] : memref<3145728xf32, #tpu.memory_space<hbm>> -> memref<4096xf32, #tpu.memory_space<hbm>>
    %dma_start3A_132 = tpu.memref_slice %arg6[%add3A_130] : memref<3145728xf32, #tpu.memory_space<hbm>> -> memref<4096xf32, #tpu.memory_space<hbm>>
    tpu.enqueue_dma source(%arg16 : memref<4096xf32, #tpu.memory_space<vmem>>) target(%dma_start3A_132 : memref<4096xf32, #tpu.memory_space<hbm>>) target_semaphore(%arg25 : memref<!tpu.dma_semaphore, #tpu.memory_space<semaphore_mem>>)
    %add3A_133 = arith.constant 2097152 : i32
    %add3A_134 = arith.addi %add3A_133, %add3A_105 : i32
    %dma_start3A_135 = tpu.memref_slice %arg6[%add3A_134] : memref<3145728xf32, #tpu.memory_space<hbm>> -> memref<4096xf32, #tpu.memory_space<hbm>>
    %dma_start3A_136 = tpu.memref_slice %arg6[%add3A_134] : memref<3145728xf32, #tpu.memory_space<hbm>> -> memref<4096xf32, #tpu.memory_space<hbm>>
    tpu.enqueue_dma source(%arg17 : memref<4096xf32, #tpu.memory_space<vmem>>) target(%dma_start3A_136 : memref<4096xf32, #tpu.memory_space<hbm>>) target_semaphore(%arg25 : memref<!tpu.dma_semaphore, #tpu.memory_space<semaphore_mem>>)
    %add3A_137 = arith.constant 16384 : i32
    %add3A_138 = arith.addi %mul3A_2, %add3A_137 : i32
    %dma_wait3A_139 = tpu.memref_slice %arg3[%add3A_111] : memref<1048576xi32, #tpu.memory_space<hbm>> -> memref<4096xi32, #tpu.memory_space<hbm>>
    %dma_wait3A_140 = tpu.memref_slice %arg3[%add3A_111] : memref<1048576xi32, #tpu.memory_space<hbm>> -> memref<4096xi32, #tpu.memory_space<hbm>>
    tpu.wait_dma2 semaphore(%arg22 : memref<!tpu.dma_semaphore, #tpu.memory_space<semaphore_mem>>) src(%dma_wait3A_140 : memref<4096xi32, #tpu.memory_space<hbm>>) dst(%arg8 : memref<4096xi32, #tpu.memory_space<vmem>>)
    %dma_wait3A_141 = tpu.memref_slice %arg4[%add3A_111] : memref<1048576xi32, #tpu.memory_space<hbm>> -> memref<4096xi32, #tpu.memory_space<hbm>>
    %dma_wait3A_142 = tpu.memref_slice %arg4[%add3A_111] : memref<1048576xi32, #tpu.memory_space<hbm>> -> memref<4096xi32, #tpu.memory_space<hbm>>
    tpu.wait_dma2 semaphore(%arg22 : memref<!tpu.dma_semaphore, #tpu.memory_space<semaphore_mem>>) src(%dma_wait3A_142 : memref<4096xi32, #tpu.memory_space<hbm>>) dst(%arg10 : memref<4096xi32, #tpu.memory_space<vmem>>)
    %add3A_143 = arith.constant 20480 : i32
    %add3A_144 = arith.addi %mul3A_2, %add3A_143 : i32
    %dma_start3A_145 = tpu.memref_slice %arg3[%add3A_144] : memref<1048576xi32, #tpu.memory_space<hbm>> -> memref<4096xi32, #tpu.memory_space<hbm>>
    %dma_start3A_146 = tpu.memref_slice %arg3[%add3A_144] : memref<1048576xi32, #tpu.memory_space<hbm>> -> memref<4096xi32, #tpu.memory_space<hbm>>
    tpu.enqueue_dma source(%dma_start3A_146 : memref<4096xi32, #tpu.memory_space<hbm>>) target(%arg9 : memref<4096xi32, #tpu.memory_space<vmem>>) target_semaphore(%arg23 : memref<!tpu.dma_semaphore, #tpu.memory_space<semaphore_mem>>)
    %dma_start3A_147 = tpu.memref_slice %arg4[%add3A_144] : memref<1048576xi32, #tpu.memory_space<hbm>> -> memref<4096xi32, #tpu.memory_space<hbm>>
    %dma_start3A_148 = tpu.memref_slice %arg4[%add3A_144] : memref<1048576xi32, #tpu.memory_space<hbm>> -> memref<4096xi32, #tpu.memory_space<hbm>>
    tpu.enqueue_dma source(%dma_start3A_148 : memref<4096xi32, #tpu.memory_space<hbm>>) target(%arg11 : memref<4096xi32, #tpu.memory_space<vmem>>) target_semaphore(%arg23 : memref<!tpu.dma_semaphore, #tpu.memory_space<semaphore_mem>>)
    %dma_wait3A_149 = tpu.memref_slice %arg6[%add3A_93] : memref<3145728xf32, #tpu.memory_space<hbm>> -> memref<4096xf32, #tpu.memory_space<hbm>>
    %dma_wait3A_150 = tpu.memref_slice %arg6[%add3A_93] : memref<3145728xf32, #tpu.memory_space<hbm>> -> memref<4096xf32, #tpu.memory_space<hbm>>
    tpu.wait_dma2 semaphore(%arg24 : memref<!tpu.dma_semaphore, #tpu.memory_space<semaphore_mem>>) src(%arg12 : memref<4096xf32, #tpu.memory_space<vmem>>) dst(%dma_wait3A_150 : memref<4096xf32, #tpu.memory_space<hbm>>)
    %dma_wait3A_151 = tpu.memref_slice %arg6[%add3A_97] : memref<3145728xf32, #tpu.memory_space<hbm>> -> memref<4096xf32, #tpu.memory_space<hbm>>
    %dma_wait3A_152 = tpu.memref_slice %arg6[%add3A_97] : memref<3145728xf32, #tpu.memory_space<hbm>> -> memref<4096xf32, #tpu.memory_space<hbm>>
    tpu.wait_dma2 semaphore(%arg24 : memref<!tpu.dma_semaphore, #tpu.memory_space<semaphore_mem>>) src(%arg13 : memref<4096xf32, #tpu.memory_space<vmem>>) dst(%dma_wait3A_152 : memref<4096xf32, #tpu.memory_space<hbm>>)
    %dma_wait3A_153 = tpu.memref_slice %arg6[%add3A_101] : memref<3145728xf32, #tpu.memory_space<hbm>> -> memref<4096xf32, #tpu.memory_space<hbm>>
    %dma_wait3A_154 = tpu.memref_slice %arg6[%add3A_101] : memref<3145728xf32, #tpu.memory_space<hbm>> -> memref<4096xf32, #tpu.memory_space<hbm>>
    tpu.wait_dma2 semaphore(%arg24 : memref<!tpu.dma_semaphore, #tpu.memory_space<semaphore_mem>>) src(%arg14 : memref<4096xf32, #tpu.memory_space<vmem>>) dst(%dma_wait3A_154 : memref<4096xf32, #tpu.memory_space<hbm>>)
    %parallel_loop3A_155 = arith.constant 0 : i32
    %parallel_loop3A_156 = arith.constant 256 : i32
    %parallel_loop3A_157 = arith.constant 1 : i32
    scf.for %parallel_loop3A_275 = %parallel_loop3A_155 to %parallel_loop3A_156 step %parallel_loop3A_157  : i32 {
      %parallel_loop3A_276 = arith.constant 16 : i32
      %parallel_loop3A_277 = arith.muli %parallel_loop3A_275, %parallel_loop3A_276 : i32
      %parallel_loop3A_278 = arith.addi %add3A_138, %parallel_loop3A_277 : i32
      %parallel_loop3A_279 = arith.constant 8191 : i32
      %parallel_loop3A_280 = arith.andi %parallel_loop3A_278, %parallel_loop3A_279 : i32
      %parallel_loop3A_281 = arith.constant 10 : i32
      %parallel_loop3A_282 = arith.shrui %parallel_loop3A_280, %parallel_loop3A_281 : i32
      %parallel_loop3A_283 = arith.constant 7 : i32
      %parallel_loop3A_284 = arith.shrui %parallel_loop3A_280, %parallel_loop3A_283 : i32
      %parallel_loop3A_285 = arith.constant 7 : i32
      %parallel_loop3A_286 = arith.andi %parallel_loop3A_284, %parallel_loop3A_285 : i32
      %parallel_loop3A_287 = arith.constant 127 : i32
      %parallel_loop3A_288 = arith.andi %parallel_loop3A_280, %parallel_loop3A_287 : i32
      %parallel_loop3A_289 = arith.constant 13 : i32
      %parallel_loop3A_290 = arith.shrui %parallel_loop3A_278, %parallel_loop3A_289 : i32
      %parallel_loop3A_291 = arith.index_cast %parallel_loop3A_277 : i32 to index
      %parallel_loop3A_292 = tpu.vector_load %arg8[%parallel_loop3A_291] {strides = array<i32>} : memref<4096xi32, #tpu.memory_space<vmem>>, vector<16xi32>,
      %parallel_loop3A_293 = arith.index_cast %parallel_loop3A_277 : i32 to index
      %parallel_loop3A_294 = tpu.vector_load %arg10[%parallel_loop3A_293] {strides = array<i32>} : memref<4096xi32, #tpu.memory_space<vmem>>, vector<16xi32>,
      %parallel_loop3A_295 = tpu.vector_load_idx %arg7[%parallel_loop3A_292] : memref<65536xf32, #tpu.memory_space<vmem>>[vector<16xi32>], vector<16xf32>,
      %parallel_loop3A_296 = arith.constant 16384 : i32
      %parallel_loop3A_297 = vector.broadcast %parallel_loop3A_296 : i32 to vector<16xi32>
      %parallel_loop3A_298 = arith.addi %parallel_loop3A_292, %parallel_loop3A_297 : vector<16xi32>
      %parallel_loop3A_299 = tpu.vector_load_idx %arg7[%parallel_loop3A_298] : memref<65536xf32, #tpu.memory_space<vmem>>[vector<16xi32>], vector<16xf32>,
      %parallel_loop3A_300 = tpu.vector_load_idx %arg7[%parallel_loop3A_294] : memref<65536xf32, #tpu.memory_space<vmem>>[vector<16xi32>], vector<16xf32>,
      %parallel_loop3A_301 = arith.constant 16384 : i32
      %parallel_loop3A_302 = vector.broadcast %parallel_loop3A_301 : i32 to vector<16xi32>
      %parallel_loop3A_303 = arith.addi %parallel_loop3A_294, %parallel_loop3A_302 : vector<16xi32>
      %parallel_loop3A_304 = tpu.vector_load_idx %arg7[%parallel_loop3A_303] : memref<65536xf32, #tpu.memory_space<vmem>>[vector<16xi32>], vector<16xf32>,
      %parallel_loop3A_305 = arith.constant 128 : i32
      %parallel_loop3A_306 = arith.muli %parallel_loop3A_282, %parallel_loop3A_305 : i32
      %parallel_loop3A_307 = arith.addi %parallel_loop3A_306, %parallel_loop3A_288 : i32
      %parallel_loop3A_308 = arith.index_cast %parallel_loop3A_307 : i32 to index
      %parallel_loop3A_309 = tpu.vector_load %arg19[%parallel_loop3A_308] {strides = array<i32>} : memref<1024xf32, #tpu.memory_space<vmem>>, vector<16xf32>,
      %parallel_loop3A_310 = arith.constant 8 : i32
      %parallel_loop3A_311 = arith.muli %parallel_loop3A_290, %parallel_loop3A_310 : i32
      %parallel_loop3A_312 = arith.addi %parallel_loop3A_311, %parallel_loop3A_286 : i32
      %parallel_loop3A_313 = vector.broadcast %parallel_loop3A_312 : i32 to vector<16xi32>
      %parallel_loop3A_314 = tpu.vector_load_idx %arg20[%parallel_loop3A_313] : memref<1024xf32, #tpu.memory_space<vmem>>[vector<16xi32>], vector<16xf32>,
      %parallel_loop3A_315 = arith.subf %parallel_loop3A_295, %parallel_loop3A_300 : vector<16xf32>
      %parallel_loop3A_316 = arith.subf %parallel_loop3A_309, %parallel_loop3A_295 : vector<16xf32>
      %parallel_loop3A_317 = arith.subf %parallel_loop3A_316, %parallel_loop3A_300 : vector<16xf32>
      %parallel_loop3A_318 = arith.mulf %parallel_loop3A_315, %parallel_loop3A_317 : vector<16xf32>
      %parallel_loop3A_319 = arith.subf %parallel_loop3A_299, %parallel_loop3A_304 : vector<16xf32>
      %parallel_loop3A_320 = arith.subf %parallel_loop3A_314, %parallel_loop3A_299 : vector<16xf32>
      %parallel_loop3A_321 = arith.subf %parallel_loop3A_320, %parallel_loop3A_304 : vector<16xf32>
      %parallel_loop3A_322 = arith.mulf %parallel_loop3A_319, %parallel_loop3A_321 : vector<16xf32>
      %parallel_loop3A_323 = arith.addf %parallel_loop3A_318, %parallel_loop3A_322 : vector<16xf32>
      %parallel_loop3A_324 = arith.mulf %parallel_loop3A_323, %get3A_12 : vector<16xf32>
      %parallel_loop3A_325 = arith.constant 0.000000e+00 : f32
      %parallel_loop3A_326 = vector.broadcast %parallel_loop3A_325 : f32 to vector<16xf32>
      %parallel_loop3A_327 = arith.subf %parallel_loop3A_326, %parallel_loop3A_324 : vector<16xf32>
      %parallel_loop3A_328 = math.exp %parallel_loop3A_327 : vector<16xf32>
      %parallel_loop3A_329 = arith.constant 1.000000e+00 : f32
      %parallel_loop3A_330 = vector.broadcast %parallel_loop3A_329 : f32 to vector<16xf32>
      %parallel_loop3A_331 = arith.addf %parallel_loop3A_330, %parallel_loop3A_328 : vector<16xf32>
      %parallel_loop3A_332 = arith.constant 1.000000e+00 : f32
      %parallel_loop3A_333 = vector.broadcast %parallel_loop3A_332 : f32 to vector<16xf32>
      %parallel_loop3A_334 = arith.divf %parallel_loop3A_333, %parallel_loop3A_331 : vector<16xf32>
      %parallel_loop3A_335 = arith.constant 32768 : i32
      %parallel_loop3A_336 = vector.broadcast %parallel_loop3A_335 : i32 to vector<16xi32>
      %parallel_loop3A_337 = arith.addi %parallel_loop3A_292, %parallel_loop3A_336 : vector<16xi32>
      %parallel_loop3A_338 = tpu.vector_load_idx %arg7[%parallel_loop3A_337] : memref<65536xf32, #tpu.memory_space<vmem>>[vector<16xi32>], vector<16xf32>,
      %parallel_loop3A_339 = arith.constant 32768 : i32
      %parallel_loop3A_340 = vector.broadcast %parallel_loop3A_339 : i32 to vector<16xi32>
      %parallel_loop3A_341 = arith.addi %parallel_loop3A_294, %parallel_loop3A_340 : vector<16xi32>
      %parallel_loop3A_342 = tpu.vector_load_idx %arg7[%parallel_loop3A_341] : memref<65536xf32, #tpu.memory_space<vmem>>[vector<16xi32>], vector<16xf32>,
      %parallel_loop3A_343 = arith.constant 49152 : i32
      %parallel_loop3A_344 = vector.broadcast %parallel_loop3A_343 : i32 to vector<16xi32>
      %parallel_loop3A_345 = arith.addi %parallel_loop3A_292, %parallel_loop3A_344 : vector<16xi32>
      %parallel_loop3A_346 = tpu.vector_load_idx %arg7[%parallel_loop3A_345] : memref<65536xf32, #tpu.memory_space<vmem>>[vector<16xi32>], vector<16xf32>,
      %parallel_loop3A_347 = arith.constant 49152 : i32
      %parallel_loop3A_348 = vector.broadcast %parallel_loop3A_347 : i32 to vector<16xi32>
      %parallel_loop3A_349 = arith.addi %parallel_loop3A_294, %parallel_loop3A_348 : vector<16xi32>
      %parallel_loop3A_350 = tpu.vector_load_idx %arg7[%parallel_loop3A_349] : memref<65536xf32, #tpu.memory_space<vmem>>[vector<16xi32>], vector<16xf32>,
      %parallel_loop3A_351 = tpu.pack_subelements %parallel_loop3A_334, %parallel_loop3A_334 {pack_format = #tpu.pack_format<interleaved>, positions = array<i32: 0, 1>} : vector<16xf32>, vector<16xf32> -> vector<32xbf16>
      %parallel_loop3A_352 = vector.bitcast %parallel_loop3A_338 : vector<16xf32> to vector<32xbf16>
      %parallel_loop3A_353 = vector.bitcast %parallel_loop3A_342 : vector<16xf32> to vector<32xbf16>
      %parallel_loop3A_354 = arith.subf %parallel_loop3A_352, %parallel_loop3A_353 : vector<32xbf16>
      %parallel_loop3A_355 = arith.mulf %parallel_loop3A_351, %parallel_loop3A_354 : vector<32xbf16>
      %parallel_loop3A_356 = arith.addf %parallel_loop3A_353, %parallel_loop3A_355 : vector<32xbf16>
      %parallel_loop3A_357 = vector.bitcast %parallel_loop3A_356 : vector<32xbf16> to vector<16xi32>
      %parallel_loop3A_358 = arith.constant -65536 : i32
      %parallel_loop3A_359 = vector.broadcast %parallel_loop3A_358 : i32 to vector<16xi32>
      %parallel_loop3A_360 = arith.constant 16 : i32
      %parallel_loop3A_361 = vector.broadcast %parallel_loop3A_360 : i32 to vector<16xi32>
      %parallel_loop3A_362 = arith.shli %parallel_loop3A_357, %parallel_loop3A_361 : vector<16xi32>
      %parallel_loop3A_363 = vector.bitcast %parallel_loop3A_362 : vector<16xi32> to vector<16xf32>
      %parallel_loop3A_364 = arith.index_cast %parallel_loop3A_277 : i32 to index
      %parallel_loop3A_365 = tpu.vector_load %arg12[%parallel_loop3A_364] {strides = array<i32>} : memref<4096xf32, #tpu.memory_space<vmem>>, vector<16xf32>,
      tpu.vector_store %arg12[%parallel_loop3A_364], %parallel_loop3A_363 {strides = array<i32>} : memref<4096xf32, #tpu.memory_space<vmem>>, vector<16xf32>,
      %parallel_loop3A_366 = arith.andi %parallel_loop3A_357, %parallel_loop3A_359 : vector<16xi32>
      %parallel_loop3A_367 = vector.bitcast %parallel_loop3A_366 : vector<16xi32> to vector<16xf32>
      %parallel_loop3A_368 = arith.index_cast %parallel_loop3A_277 : i32 to index
      %parallel_loop3A_369 = tpu.vector_load %arg13[%parallel_loop3A_368] {strides = array<i32>} : memref<4096xf32, #tpu.memory_space<vmem>>, vector<16xf32>,
      tpu.vector_store %arg13[%parallel_loop3A_368], %parallel_loop3A_367 {strides = array<i32>} : memref<4096xf32, #tpu.memory_space<vmem>>, vector<16xf32>,
      %parallel_loop3A_370 = arith.subf %parallel_loop3A_346, %parallel_loop3A_350 : vector<16xf32>
      %parallel_loop3A_371 = arith.mulf %parallel_loop3A_334, %parallel_loop3A_370 : vector<16xf32>
      %parallel_loop3A_372 = arith.addf %parallel_loop3A_350, %parallel_loop3A_371 : vector<16xf32>
      %parallel_loop3A_373 = arith.index_cast %parallel_loop3A_277 : i32 to index
      %parallel_loop3A_374 = tpu.vector_load %arg14[%parallel_loop3A_373] {strides = array<i32>} : memref<4096xf32, #tpu.memory_space<vmem>>, vector<16xf32>,
      tpu.vector_store %arg14[%parallel_loop3A_373], %parallel_loop3A_372 {strides = array<i32>} : memref<4096xf32, #tpu.memory_space<vmem>>, vector<16xf32>,
    } {sc.loop_unroll_factor = 4 : i64, sc.parallel_access}
    %add3A_158 = arith.constant 0 : i32
    %add3A_159 = arith.addi %add3A_158, %add3A_138 : i32
    %dma_start3A_160 = tpu.memref_slice %arg6[%add3A_159] : memref<3145728xf32, #tpu.memory_space<hbm>> -> memref<4096xf32, #tpu.memory_space<hbm>>
    %dma_start3A_161 = tpu.memref_slice %arg6[%add3A_159] : memref<3145728xf32, #tpu.memory_space<hbm>> -> memref<4096xf32, #tpu.memory_space<hbm>>
    tpu.enqueue_dma source(%arg12 : memref<4096xf32, #tpu.memory_space<vmem>>) target(%dma_start3A_161 : memref<4096xf32, #tpu.memory_space<hbm>>) target_semaphore(%arg24 : memref<!tpu.dma_semaphore, #tpu.memory_space<semaphore_mem>>)
    %add3A_162 = arith.constant 1048576 : i32
    %add3A_163 = arith.addi %add3A_162, %add3A_138 : i32
    %dma_start3A_164 = tpu.memref_slice %arg6[%add3A_163] : memref<3145728xf32, #tpu.memory_space<hbm>> -> memref<4096xf32, #tpu.memory_space<hbm>>
    %dma_start3A_165 = tpu.memref_slice %arg6[%add3A_163] : memref<3145728xf32, #tpu.memory_space<hbm>> -> memref<4096xf32, #tpu.memory_space<hbm>>
    tpu.enqueue_dma source(%arg13 : memref<4096xf32, #tpu.memory_space<vmem>>) target(%dma_start3A_165 : memref<4096xf32, #tpu.memory_space<hbm>>) target_semaphore(%arg24 : memref<!tpu.dma_semaphore, #tpu.memory_space<semaphore_mem>>)
    %add3A_166 = arith.constant 2097152 : i32
    %add3A_167 = arith.addi %add3A_166, %add3A_138 : i32
    %dma_start3A_168 = tpu.memref_slice %arg6[%add3A_167] : memref<3145728xf32, #tpu.memory_space<hbm>> -> memref<4096xf32, #tpu.memory_space<hbm>>
    %dma_start3A_169 = tpu.memref_slice %arg6[%add3A_167] : memref<3145728xf32, #tpu.memory_space<hbm>> -> memref<4096xf32, #tpu.memory_space<hbm>>
    tpu.enqueue_dma source(%arg14 : memref<4096xf32, #tpu.memory_space<vmem>>) target(%dma_start3A_169 : memref<4096xf32, #tpu.memory_space<hbm>>) target_semaphore(%arg24 : memref<!tpu.dma_semaphore, #tpu.memory_space<semaphore_mem>>)
    %add3A_170 = arith.constant 20480 : i32
    %add3A_171 = arith.addi %mul3A_2, %add3A_170 : i32
    %dma_wait3A_172 = tpu.memref_slice %arg3[%add3A_144] : memref<1048576xi32, #tpu.memory_space<hbm>> -> memref<4096xi32, #tpu.memory_space<hbm>>
    %dma_wait3A_173 = tpu.memref_slice %arg3[%add3A_144] : memref<1048576xi32, #tpu.memory_space<hbm>> -> memref<4096xi32, #tpu.memory_space<hbm>>
    tpu.wait_dma2 semaphore(%arg23 : memref<!tpu.dma_semaphore, #tpu.memory_space<semaphore_mem>>) src(%dma_wait3A_173 : memref<4096xi32, #tpu.memory_space<hbm>>) dst(%arg9 : memref<4096xi32, #tpu.memory_space<vmem>>)
    %dma_wait3A_174 = tpu.memref_slice %arg4[%add3A_144] : memref<1048576xi32, #tpu.memory_space<hbm>> -> memref<4096xi32, #tpu.memory_space<hbm>>
    %dma_wait3A_175 = tpu.memref_slice %arg4[%add3A_144] : memref<1048576xi32, #tpu.memory_space<hbm>> -> memref<4096xi32, #tpu.memory_space<hbm>>
    tpu.wait_dma2 semaphore(%arg23 : memref<!tpu.dma_semaphore, #tpu.memory_space<semaphore_mem>>) src(%dma_wait3A_175 : memref<4096xi32, #tpu.memory_space<hbm>>) dst(%arg11 : memref<4096xi32, #tpu.memory_space<vmem>>)
    %add3A_176 = arith.constant 24576 : i32
    %add3A_177 = arith.addi %mul3A_2, %add3A_176 : i32
    %dma_start3A_178 = tpu.memref_slice %arg3[%add3A_177] : memref<1048576xi32, #tpu.memory_space<hbm>> -> memref<4096xi32, #tpu.memory_space<hbm>>
    %dma_start3A_179 = tpu.memref_slice %arg3[%add3A_177] : memref<1048576xi32, #tpu.memory_space<hbm>> -> memref<4096xi32, #tpu.memory_space<hbm>>
    tpu.enqueue_dma source(%dma_start3A_179 : memref<4096xi32, #tpu.memory_space<hbm>>) target(%arg8 : memref<4096xi32, #tpu.memory_space<vmem>>) target_semaphore(%arg22 : memref<!tpu.dma_semaphore, #tpu.memory_space<semaphore_mem>>)
    %dma_start3A_180 = tpu.memref_slice %arg4[%add3A_177] : memref<1048576xi32, #tpu.memory_space<hbm>> -> memref<4096xi32, #tpu.memory_space<hbm>>
    %dma_start3A_181 = tpu.memref_slice %arg4[%add3A_177] : memref<1048576xi32, #tpu.memory_space<hbm>> -> memref<4096xi32, #tpu.memory_space<hbm>>
    tpu.enqueue_dma source(%dma_start3A_181 : memref<4096xi32, #tpu.memory_space<hbm>>) target(%arg10 : memref<4096xi32, #tpu.memory_space<vmem>>) target_semaphore(%arg22 : memref<!tpu.dma_semaphore, #tpu.memory_space<semaphore_mem>>)
    %dma_wait3A_182 = tpu.memref_slice %arg6[%add3A_126] : memref<3145728xf32, #tpu.memory_space<hbm>> -> memref<4096xf32, #tpu.memory_space<hbm>>
    %dma_wait3A_183 = tpu.memref_slice %arg6[%add3A_126] : memref<3145728xf32, #tpu.memory_space<hbm>> -> memref<4096xf32, #tpu.memory_space<hbm>>
    tpu.wait_dma2 semaphore(%arg25 : memref<!tpu.dma_semaphore, #tpu.memory_space<semaphore_mem>>) src(%arg15 : memref<4096xf32, #tpu.memory_space<vmem>>) dst(%dma_wait3A_183 : memref<4096xf32, #tpu.memory_space<hbm>>)
    %dma_wait3A_184 = tpu.memref_slice %arg6[%add3A_130] : memref<3145728xf32, #tpu.memory_space<hbm>> -> memref<4096xf32, #tpu.memory_space<hbm>>
    %dma_wait3A_185 = tpu.memref_slice %arg6[%add3A_130] : memref<3145728xf32, #tpu.memory_space<hbm>> -> memref<4096xf32, #tpu.memory_space<hbm>>
    tpu.wait_dma2 semaphore(%arg25 : memref<!tpu.dma_semaphore, #tpu.memory_space<semaphore_mem>>) src(%arg16 : memref<4096xf32, #tpu.memory_space<vmem>>) dst(%dma_wait3A_185 : memref<4096xf32, #tpu.memory_space<hbm>>)
    %dma_wait3A_186 = tpu.memref_slice %arg6[%add3A_134] : memref<3145728xf32, #tpu.memory_space<hbm>> -> memref<4096xf32, #tpu.memory_space<hbm>>
    %dma_wait3A_187 = tpu.memref_slice %arg6[%add3A_134] : memref<3145728xf32, #tpu.memory_space<hbm>> -> memref<4096xf32, #tpu.memory_space<hbm>>
    tpu.wait_dma2 semaphore(%arg25 : memref<!tpu.dma_semaphore, #tpu.memory_space<semaphore_mem>>) src(%arg17 : memref<4096xf32, #tpu.memory_space<vmem>>) dst(%dma_wait3A_187 : memref<4096xf32, #tpu.memory_space<hbm>>)
    %parallel_loop3A_188 = arith.constant 0 : i32
    %parallel_loop3A_189 = arith.constant 256 : i32
    %parallel_loop3A_190 = arith.constant 1 : i32
    scf.for %parallel_loop3A_275 = %parallel_loop3A_188 to %parallel_loop3A_189 step %parallel_loop3A_190  : i32 {
      %parallel_loop3A_276 = arith.constant 16 : i32
      %parallel_loop3A_277 = arith.muli %parallel_loop3A_275, %parallel_loop3A_276 : i32
      %parallel_loop3A_278 = arith.addi %add3A_171, %parallel_loop3A_277 : i32
      %parallel_loop3A_279 = arith.constant 8191 : i32
      %parallel_loop3A_280 = arith.andi %parallel_loop3A_278, %parallel_loop3A_279 : i32
      %parallel_loop3A_281 = arith.constant 10 : i32
      %parallel_loop3A_282 = arith.shrui %parallel_loop3A_280, %parallel_loop3A_281 : i32
      %parallel_loop3A_283 = arith.constant 7 : i32
      %parallel_loop3A_284 = arith.shrui %parallel_loop3A_280, %parallel_loop3A_283 : i32
      %parallel_loop3A_285 = arith.constant 7 : i32
      %parallel_loop3A_286 = arith.andi %parallel_loop3A_284, %parallel_loop3A_285 : i32
      %parallel_loop3A_287 = arith.constant 127 : i32
      %parallel_loop3A_288 = arith.andi %parallel_loop3A_280, %parallel_loop3A_287 : i32
      %parallel_loop3A_289 = arith.constant 13 : i32
      %parallel_loop3A_290 = arith.shrui %parallel_loop3A_278, %parallel_loop3A_289 : i32
      %parallel_loop3A_291 = arith.index_cast %parallel_loop3A_277 : i32 to index
      %parallel_loop3A_292 = tpu.vector_load %arg9[%parallel_loop3A_291] {strides = array<i32>} : memref<4096xi32, #tpu.memory_space<vmem>>, vector<16xi32>,
      %parallel_loop3A_293 = arith.index_cast %parallel_loop3A_277 : i32 to index
      %parallel_loop3A_294 = tpu.vector_load %arg11[%parallel_loop3A_293] {strides = array<i32>} : memref<4096xi32, #tpu.memory_space<vmem>>, vector<16xi32>,
      %parallel_loop3A_295 = tpu.vector_load_idx %arg7[%parallel_loop3A_292] : memref<65536xf32, #tpu.memory_space<vmem>>[vector<16xi32>], vector<16xf32>,
      %parallel_loop3A_296 = arith.constant 16384 : i32
      %parallel_loop3A_297 = vector.broadcast %parallel_loop3A_296 : i32 to vector<16xi32>
      %parallel_loop3A_298 = arith.addi %parallel_loop3A_292, %parallel_loop3A_297 : vector<16xi32>
      %parallel_loop3A_299 = tpu.vector_load_idx %arg7[%parallel_loop3A_298] : memref<65536xf32, #tpu.memory_space<vmem>>[vector<16xi32>], vector<16xf32>,
      %parallel_loop3A_300 = tpu.vector_load_idx %arg7[%parallel_loop3A_294] : memref<65536xf32, #tpu.memory_space<vmem>>[vector<16xi32>], vector<16xf32>,
      %parallel_loop3A_301 = arith.constant 16384 : i32
      %parallel_loop3A_302 = vector.broadcast %parallel_loop3A_301 : i32 to vector<16xi32>
      %parallel_loop3A_303 = arith.addi %parallel_loop3A_294, %parallel_loop3A_302 : vector<16xi32>
      %parallel_loop3A_304 = tpu.vector_load_idx %arg7[%parallel_loop3A_303] : memref<65536xf32, #tpu.memory_space<vmem>>[vector<16xi32>], vector<16xf32>,
      %parallel_loop3A_305 = arith.constant 128 : i32
      %parallel_loop3A_306 = arith.muli %parallel_loop3A_282, %parallel_loop3A_305 : i32
      %parallel_loop3A_307 = arith.addi %parallel_loop3A_306, %parallel_loop3A_288 : i32
      %parallel_loop3A_308 = arith.index_cast %parallel_loop3A_307 : i32 to index
      %parallel_loop3A_309 = tpu.vector_load %arg19[%parallel_loop3A_308] {strides = array<i32>} : memref<1024xf32, #tpu.memory_space<vmem>>, vector<16xf32>,
      %parallel_loop3A_310 = arith.constant 8 : i32
      %parallel_loop3A_311 = arith.muli %parallel_loop3A_290, %parallel_loop3A_310 : i32
      %parallel_loop3A_312 = arith.addi %parallel_loop3A_311, %parallel_loop3A_286 : i32
      %parallel_loop3A_313 = vector.broadcast %parallel_loop3A_312 : i32 to vector<16xi32>
      %parallel_loop3A_314 = tpu.vector_load_idx %arg20[%parallel_loop3A_313] : memref<1024xf32, #tpu.memory_space<vmem>>[vector<16xi32>], vector<16xf32>,
      %parallel_loop3A_315 = arith.subf %parallel_loop3A_295, %parallel_loop3A_300 : vector<16xf32>
      %parallel_loop3A_316 = arith.subf %parallel_loop3A_309, %parallel_loop3A_295 : vector<16xf32>
      %parallel_loop3A_317 = arith.subf %parallel_loop3A_316, %parallel_loop3A_300 : vector<16xf32>
      %parallel_loop3A_318 = arith.mulf %parallel_loop3A_315, %parallel_loop3A_317 : vector<16xf32>
      %parallel_loop3A_319 = arith.subf %parallel_loop3A_299, %parallel_loop3A_304 : vector<16xf32>
      %parallel_loop3A_320 = arith.subf %parallel_loop3A_314, %parallel_loop3A_299 : vector<16xf32>
      %parallel_loop3A_321 = arith.subf %parallel_loop3A_320, %parallel_loop3A_304 : vector<16xf32>
      %parallel_loop3A_322 = arith.mulf %parallel_loop3A_319, %parallel_loop3A_321 : vector<16xf32>
      %parallel_loop3A_323 = arith.addf %parallel_loop3A_318, %parallel_loop3A_322 : vector<16xf32>
      %parallel_loop3A_324 = arith.mulf %parallel_loop3A_323, %get3A_12 : vector<16xf32>
      %parallel_loop3A_325 = arith.constant 0.000000e+00 : f32
      %parallel_loop3A_326 = vector.broadcast %parallel_loop3A_325 : f32 to vector<16xf32>
      %parallel_loop3A_327 = arith.subf %parallel_loop3A_326, %parallel_loop3A_324 : vector<16xf32>
      %parallel_loop3A_328 = math.exp %parallel_loop3A_327 : vector<16xf32>
      %parallel_loop3A_329 = arith.constant 1.000000e+00 : f32
      %parallel_loop3A_330 = vector.broadcast %parallel_loop3A_329 : f32 to vector<16xf32>
      %parallel_loop3A_331 = arith.addf %parallel_loop3A_330, %parallel_loop3A_328 : vector<16xf32>
      %parallel_loop3A_332 = arith.constant 1.000000e+00 : f32
      %parallel_loop3A_333 = vector.broadcast %parallel_loop3A_332 : f32 to vector<16xf32>
      %parallel_loop3A_334 = arith.divf %parallel_loop3A_333, %parallel_loop3A_331 : vector<16xf32>
      %parallel_loop3A_335 = arith.constant 32768 : i32
      %parallel_loop3A_336 = vector.broadcast %parallel_loop3A_335 : i32 to vector<16xi32>
      %parallel_loop3A_337 = arith.addi %parallel_loop3A_292, %parallel_loop3A_336 : vector<16xi32>
      %parallel_loop3A_338 = tpu.vector_load_idx %arg7[%parallel_loop3A_337] : memref<65536xf32, #tpu.memory_space<vmem>>[vector<16xi32>], vector<16xf32>,
      %parallel_loop3A_339 = arith.constant 32768 : i32
      %parallel_loop3A_340 = vector.broadcast %parallel_loop3A_339 : i32 to vector<16xi32>
      %parallel_loop3A_341 = arith.addi %parallel_loop3A_294, %parallel_loop3A_340 : vector<16xi32>
      %parallel_loop3A_342 = tpu.vector_load_idx %arg7[%parallel_loop3A_341] : memref<65536xf32, #tpu.memory_space<vmem>>[vector<16xi32>], vector<16xf32>,
      %parallel_loop3A_343 = arith.constant 49152 : i32
      %parallel_loop3A_344 = vector.broadcast %parallel_loop3A_343 : i32 to vector<16xi32>
      %parallel_loop3A_345 = arith.addi %parallel_loop3A_292, %parallel_loop3A_344 : vector<16xi32>
      %parallel_loop3A_346 = tpu.vector_load_idx %arg7[%parallel_loop3A_345] : memref<65536xf32, #tpu.memory_space<vmem>>[vector<16xi32>], vector<16xf32>,
      %parallel_loop3A_347 = arith.constant 49152 : i32
      %parallel_loop3A_348 = vector.broadcast %parallel_loop3A_347 : i32 to vector<16xi32>
      %parallel_loop3A_349 = arith.addi %parallel_loop3A_294, %parallel_loop3A_348 : vector<16xi32>
      %parallel_loop3A_350 = tpu.vector_load_idx %arg7[%parallel_loop3A_349] : memref<65536xf32, #tpu.memory_space<vmem>>[vector<16xi32>], vector<16xf32>,
      %parallel_loop3A_351 = tpu.pack_subelements %parallel_loop3A_334, %parallel_loop3A_334 {pack_format = #tpu.pack_format<interleaved>, positions = array<i32: 0, 1>} : vector<16xf32>, vector<16xf32> -> vector<32xbf16>
      %parallel_loop3A_352 = vector.bitcast %parallel_loop3A_338 : vector<16xf32> to vector<32xbf16>
      %parallel_loop3A_353 = vector.bitcast %parallel_loop3A_342 : vector<16xf32> to vector<32xbf16>
      %parallel_loop3A_354 = arith.subf %parallel_loop3A_352, %parallel_loop3A_353 : vector<32xbf16>
      %parallel_loop3A_355 = arith.mulf %parallel_loop3A_351, %parallel_loop3A_354 : vector<32xbf16>
      %parallel_loop3A_356 = arith.addf %parallel_loop3A_353, %parallel_loop3A_355 : vector<32xbf16>
      %parallel_loop3A_357 = vector.bitcast %parallel_loop3A_356 : vector<32xbf16> to vector<16xi32>
      %parallel_loop3A_358 = arith.constant -65536 : i32
      %parallel_loop3A_359 = vector.broadcast %parallel_loop3A_358 : i32 to vector<16xi32>
      %parallel_loop3A_360 = arith.constant 16 : i32
      %parallel_loop3A_361 = vector.broadcast %parallel_loop3A_360 : i32 to vector<16xi32>
      %parallel_loop3A_362 = arith.shli %parallel_loop3A_357, %parallel_loop3A_361 : vector<16xi32>
      %parallel_loop3A_363 = vector.bitcast %parallel_loop3A_362 : vector<16xi32> to vector<16xf32>
      %parallel_loop3A_364 = arith.index_cast %parallel_loop3A_277 : i32 to index
      %parallel_loop3A_365 = tpu.vector_load %arg15[%parallel_loop3A_364] {strides = array<i32>} : memref<4096xf32, #tpu.memory_space<vmem>>, vector<16xf32>,
      tpu.vector_store %arg15[%parallel_loop3A_364], %parallel_loop3A_363 {strides = array<i32>} : memref<4096xf32, #tpu.memory_space<vmem>>, vector<16xf32>,
      %parallel_loop3A_366 = arith.andi %parallel_loop3A_357, %parallel_loop3A_359 : vector<16xi32>
      %parallel_loop3A_367 = vector.bitcast %parallel_loop3A_366 : vector<16xi32> to vector<16xf32>
      %parallel_loop3A_368 = arith.index_cast %parallel_loop3A_277 : i32 to index
      %parallel_loop3A_369 = tpu.vector_load %arg16[%parallel_loop3A_368] {strides = array<i32>} : memref<4096xf32, #tpu.memory_space<vmem>>, vector<16xf32>,
      tpu.vector_store %arg16[%parallel_loop3A_368], %parallel_loop3A_367 {strides = array<i32>} : memref<4096xf32, #tpu.memory_space<vmem>>, vector<16xf32>,
      %parallel_loop3A_370 = arith.subf %parallel_loop3A_346, %parallel_loop3A_350 : vector<16xf32>
      %parallel_loop3A_371 = arith.mulf %parallel_loop3A_334, %parallel_loop3A_370 : vector<16xf32>
      %parallel_loop3A_372 = arith.addf %parallel_loop3A_350, %parallel_loop3A_371 : vector<16xf32>
      %parallel_loop3A_373 = arith.index_cast %parallel_loop3A_277 : i32 to index
      %parallel_loop3A_374 = tpu.vector_load %arg17[%parallel_loop3A_373] {strides = array<i32>} : memref<4096xf32, #tpu.memory_space<vmem>>, vector<16xf32>,
      tpu.vector_store %arg17[%parallel_loop3A_373], %parallel_loop3A_372 {strides = array<i32>} : memref<4096xf32, #tpu.memory_space<vmem>>, vector<16xf32>,
    } {sc.loop_unroll_factor = 4 : i64, sc.parallel_access}
    %add3A_191 = arith.constant 0 : i32
    %add3A_192 = arith.addi %add3A_191, %add3A_171 : i32
    %dma_start3A_193 = tpu.memref_slice %arg6[%add3A_192] : memref<3145728xf32, #tpu.memory_space<hbm>> -> memref<4096xf32, #tpu.memory_space<hbm>>
    %dma_start3A_194 = tpu.memref_slice %arg6[%add3A_192] : memref<3145728xf32, #tpu.memory_space<hbm>> -> memref<4096xf32, #tpu.memory_space<hbm>>
    tpu.enqueue_dma source(%arg15 : memref<4096xf32, #tpu.memory_space<vmem>>) target(%dma_start3A_194 : memref<4096xf32, #tpu.memory_space<hbm>>) target_semaphore(%arg25 : memref<!tpu.dma_semaphore, #tpu.memory_space<semaphore_mem>>)
    %add3A_195 = arith.constant 1048576 : i32
    %add3A_196 = arith.addi %add3A_195, %add3A_171 : i32
    %dma_start3A_197 = tpu.memref_slice %arg6[%add3A_196] : memref<3145728xf32, #tpu.memory_space<hbm>> -> memref<4096xf32, #tpu.memory_space<hbm>>
    %dma_start3A_198 = tpu.memref_slice %arg6[%add3A_196] : memref<3145728xf32, #tpu.memory_space<hbm>> -> memref<4096xf32, #tpu.memory_space<hbm>>
    tpu.enqueue_dma source(%arg16 : memref<4096xf32, #tpu.memory_space<vmem>>) target(%dma_start3A_198 : memref<4096xf32, #tpu.memory_space<hbm>>) target_semaphore(%arg25 : memref<!tpu.dma_semaphore, #tpu.memory_space<semaphore_mem>>)
    %add3A_199 = arith.constant 2097152 : i32
    %add3A_200 = arith.addi %add3A_199, %add3A_171 : i32
    %dma_start3A_201 = tpu.memref_slice %arg6[%add3A_200] : memref<3145728xf32, #tpu.memory_space<hbm>> -> memref<4096xf32, #tpu.memory_space<hbm>>
    %dma_start3A_202 = tpu.memref_slice %arg6[%add3A_200] : memref<3145728xf32, #tpu.memory_space<hbm>> -> memref<4096xf32, #tpu.memory_space<hbm>>
    tpu.enqueue_dma source(%arg17 : memref<4096xf32, #tpu.memory_space<vmem>>) target(%dma_start3A_202 : memref<4096xf32, #tpu.memory_space<hbm>>) target_semaphore(%arg25 : memref<!tpu.dma_semaphore, #tpu.memory_space<semaphore_mem>>)
    %add3A_203 = arith.constant 24576 : i32
    %add3A_204 = arith.addi %mul3A_2, %add3A_203 : i32
    %dma_wait3A_205 = tpu.memref_slice %arg3[%add3A_177] : memref<1048576xi32, #tpu.memory_space<hbm>> -> memref<4096xi32, #tpu.memory_space<hbm>>
    %dma_wait3A_206 = tpu.memref_slice %arg3[%add3A_177] : memref<1048576xi32, #tpu.memory_space<hbm>> -> memref<4096xi32, #tpu.memory_space<hbm>>
    tpu.wait_dma2 semaphore(%arg22 : memref<!tpu.dma_semaphore, #tpu.memory_space<semaphore_mem>>) src(%dma_wait3A_206 : memref<4096xi32, #tpu.memory_space<hbm>>) dst(%arg8 : memref<4096xi32, #tpu.memory_space<vmem>>)
    %dma_wait3A_207 = tpu.memref_slice %arg4[%add3A_177] : memref<1048576xi32, #tpu.memory_space<hbm>> -> memref<4096xi32, #tpu.memory_space<hbm>>
    %dma_wait3A_208 = tpu.memref_slice %arg4[%add3A_177] : memref<1048576xi32, #tpu.memory_space<hbm>> -> memref<4096xi32, #tpu.memory_space<hbm>>
    tpu.wait_dma2 semaphore(%arg22 : memref<!tpu.dma_semaphore, #tpu.memory_space<semaphore_mem>>) src(%dma_wait3A_208 : memref<4096xi32, #tpu.memory_space<hbm>>) dst(%arg10 : memref<4096xi32, #tpu.memory_space<vmem>>)
    %add3A_209 = arith.constant 28672 : i32
    %add3A_210 = arith.addi %mul3A_2, %add3A_209 : i32
    %dma_start3A_211 = tpu.memref_slice %arg3[%add3A_210] : memref<1048576xi32, #tpu.memory_space<hbm>> -> memref<4096xi32, #tpu.memory_space<hbm>>
    %dma_start3A_212 = tpu.memref_slice %arg3[%add3A_210] : memref<1048576xi32, #tpu.memory_space<hbm>> -> memref<4096xi32, #tpu.memory_space<hbm>>
    tpu.enqueue_dma source(%dma_start3A_212 : memref<4096xi32, #tpu.memory_space<hbm>>) target(%arg9 : memref<4096xi32, #tpu.memory_space<vmem>>) target_semaphore(%arg23 : memref<!tpu.dma_semaphore, #tpu.memory_space<semaphore_mem>>)
    %dma_start3A_213 = tpu.memref_slice %arg4[%add3A_210] : memref<1048576xi32, #tpu.memory_space<hbm>> -> memref<4096xi32, #tpu.memory_space<hbm>>
    %dma_start3A_214 = tpu.memref_slice %arg4[%add3A_210] : memref<1048576xi32, #tpu.memory_space<hbm>> -> memref<4096xi32, #tpu.memory_space<hbm>>
    tpu.enqueue_dma source(%dma_start3A_214 : memref<4096xi32, #tpu.memory_space<hbm>>) target(%arg11 : memref<4096xi32, #tpu.memory_space<vmem>>) target_semaphore(%arg23 : memref<!tpu.dma_semaphore, #tpu.memory_space<semaphore_mem>>)
    %dma_wait3A_215 = tpu.memref_slice %arg6[%add3A_159] : memref<3145728xf32, #tpu.memory_space<hbm>> -> memref<4096xf32, #tpu.memory_space<hbm>>
    %dma_wait3A_216 = tpu.memref_slice %arg6[%add3A_159] : memref<3145728xf32, #tpu.memory_space<hbm>> -> memref<4096xf32, #tpu.memory_space<hbm>>
    tpu.wait_dma2 semaphore(%arg24 : memref<!tpu.dma_semaphore, #tpu.memory_space<semaphore_mem>>) src(%arg12 : memref<4096xf32, #tpu.memory_space<vmem>>) dst(%dma_wait3A_216 : memref<4096xf32, #tpu.memory_space<hbm>>)
    %dma_wait3A_217 = tpu.memref_slice %arg6[%add3A_163] : memref<3145728xf32, #tpu.memory_space<hbm>> -> memref<4096xf32, #tpu.memory_space<hbm>>
    %dma_wait3A_218 = tpu.memref_slice %arg6[%add3A_163] : memref<3145728xf32, #tpu.memory_space<hbm>> -> memref<4096xf32, #tpu.memory_space<hbm>>
    tpu.wait_dma2 semaphore(%arg24 : memref<!tpu.dma_semaphore, #tpu.memory_space<semaphore_mem>>) src(%arg13 : memref<4096xf32, #tpu.memory_space<vmem>>) dst(%dma_wait3A_218 : memref<4096xf32, #tpu.memory_space<hbm>>)
    %dma_wait3A_219 = tpu.memref_slice %arg6[%add3A_167] : memref<3145728xf32, #tpu.memory_space<hbm>> -> memref<4096xf32, #tpu.memory_space<hbm>>
    %dma_wait3A_220 = tpu.memref_slice %arg6[%add3A_167] : memref<3145728xf32, #tpu.memory_space<hbm>> -> memref<4096xf32, #tpu.memory_space<hbm>>
    tpu.wait_dma2 semaphore(%arg24 : memref<!tpu.dma_semaphore, #tpu.memory_space<semaphore_mem>>) src(%arg14 : memref<4096xf32, #tpu.memory_space<vmem>>) dst(%dma_wait3A_220 : memref<4096xf32, #tpu.memory_space<hbm>>)
    %parallel_loop3A_221 = arith.constant 0 : i32
    %parallel_loop3A_222 = arith.constant 256 : i32
    %parallel_loop3A_223 = arith.constant 1 : i32
    scf.for %parallel_loop3A_275 = %parallel_loop3A_221 to %parallel_loop3A_222 step %parallel_loop3A_223  : i32 {
      %parallel_loop3A_276 = arith.constant 16 : i32
      %parallel_loop3A_277 = arith.muli %parallel_loop3A_275, %parallel_loop3A_276 : i32
      %parallel_loop3A_278 = arith.addi %add3A_204, %parallel_loop3A_277 : i32
      %parallel_loop3A_279 = arith.constant 8191 : i32
      %parallel_loop3A_280 = arith.andi %parallel_loop3A_278, %parallel_loop3A_279 : i32
      %parallel_loop3A_281 = arith.constant 10 : i32
      %parallel_loop3A_282 = arith.shrui %parallel_loop3A_280, %parallel_loop3A_281 : i32
      %parallel_loop3A_283 = arith.constant 7 : i32
      %parallel_loop3A_284 = arith.shrui %parallel_loop3A_280, %parallel_loop3A_283 : i32
      %parallel_loop3A_285 = arith.constant 7 : i32
      %parallel_loop3A_286 = arith.andi %parallel_loop3A_284, %parallel_loop3A_285 : i32
      %parallel_loop3A_287 = arith.constant 127 : i32
      %parallel_loop3A_288 = arith.andi %parallel_loop3A_280, %parallel_loop3A_287 : i32
      %parallel_loop3A_289 = arith.constant 13 : i32
      %parallel_loop3A_290 = arith.shrui %parallel_loop3A_278, %parallel_loop3A_289 : i32
      %parallel_loop3A_291 = arith.index_cast %parallel_loop3A_277 : i32 to index
      %parallel_loop3A_292 = tpu.vector_load %arg8[%parallel_loop3A_291] {strides = array<i32>} : memref<4096xi32, #tpu.memory_space<vmem>>, vector<16xi32>,
      %parallel_loop3A_293 = arith.index_cast %parallel_loop3A_277 : i32 to index
      %parallel_loop3A_294 = tpu.vector_load %arg10[%parallel_loop3A_293] {strides = array<i32>} : memref<4096xi32, #tpu.memory_space<vmem>>, vector<16xi32>,
      %parallel_loop3A_295 = tpu.vector_load_idx %arg7[%parallel_loop3A_292] : memref<65536xf32, #tpu.memory_space<vmem>>[vector<16xi32>], vector<16xf32>,
      %parallel_loop3A_296 = arith.constant 16384 : i32
      %parallel_loop3A_297 = vector.broadcast %parallel_loop3A_296 : i32 to vector<16xi32>
      %parallel_loop3A_298 = arith.addi %parallel_loop3A_292, %parallel_loop3A_297 : vector<16xi32>
      %parallel_loop3A_299 = tpu.vector_load_idx %arg7[%parallel_loop3A_298] : memref<65536xf32, #tpu.memory_space<vmem>>[vector<16xi32>], vector<16xf32>,
      %parallel_loop3A_300 = tpu.vector_load_idx %arg7[%parallel_loop3A_294] : memref<65536xf32, #tpu.memory_space<vmem>>[vector<16xi32>], vector<16xf32>,
      %parallel_loop3A_301 = arith.constant 16384 : i32
      %parallel_loop3A_302 = vector.broadcast %parallel_loop3A_301 : i32 to vector<16xi32>
      %parallel_loop3A_303 = arith.addi %parallel_loop3A_294, %parallel_loop3A_302 : vector<16xi32>
      %parallel_loop3A_304 = tpu.vector_load_idx %arg7[%parallel_loop3A_303] : memref<65536xf32, #tpu.memory_space<vmem>>[vector<16xi32>], vector<16xf32>,
      %parallel_loop3A_305 = arith.constant 128 : i32
      %parallel_loop3A_306 = arith.muli %parallel_loop3A_282, %parallel_loop3A_305 : i32
      %parallel_loop3A_307 = arith.addi %parallel_loop3A_306, %parallel_loop3A_288 : i32
      %parallel_loop3A_308 = arith.index_cast %parallel_loop3A_307 : i32 to index
      %parallel_loop3A_309 = tpu.vector_load %arg19[%parallel_loop3A_308] {strides = array<i32>} : memref<1024xf32, #tpu.memory_space<vmem>>, vector<16xf32>,
      %parallel_loop3A_310 = arith.constant 8 : i32
      %parallel_loop3A_311 = arith.muli %parallel_loop3A_290, %parallel_loop3A_310 : i32
      %parallel_loop3A_312 = arith.addi %parallel_loop3A_311, %parallel_loop3A_286 : i32
      %parallel_loop3A_313 = vector.broadcast %parallel_loop3A_312 : i32 to vector<16xi32>
      %parallel_loop3A_314 = tpu.vector_load_idx %arg20[%parallel_loop3A_313] : memref<1024xf32, #tpu.memory_space<vmem>>[vector<16xi32>], vector<16xf32>,
      %parallel_loop3A_315 = arith.subf %parallel_loop3A_295, %parallel_loop3A_300 : vector<16xf32>
      %parallel_loop3A_316 = arith.subf %parallel_loop3A_309, %parallel_loop3A_295 : vector<16xf32>
      %parallel_loop3A_317 = arith.subf %parallel_loop3A_316, %parallel_loop3A_300 : vector<16xf32>
      %parallel_loop3A_318 = arith.mulf %parallel_loop3A_315, %parallel_loop3A_317 : vector<16xf32>
      %parallel_loop3A_319 = arith.subf %parallel_loop3A_299, %parallel_loop3A_304 : vector<16xf32>
      %parallel_loop3A_320 = arith.subf %parallel_loop3A_314, %parallel_loop3A_299 : vector<16xf32>
      %parallel_loop3A_321 = arith.subf %parallel_loop3A_320, %parallel_loop3A_304 : vector<16xf32>
      %parallel_loop3A_322 = arith.mulf %parallel_loop3A_319, %parallel_loop3A_321 : vector<16xf32>
      %parallel_loop3A_323 = arith.addf %parallel_loop3A_318, %parallel_loop3A_322 : vector<16xf32>
      %parallel_loop3A_324 = arith.mulf %parallel_loop3A_323, %get3A_12 : vector<16xf32>
      %parallel_loop3A_325 = arith.constant 0.000000e+00 : f32
      %parallel_loop3A_326 = vector.broadcast %parallel_loop3A_325 : f32 to vector<16xf32>
      %parallel_loop3A_327 = arith.subf %parallel_loop3A_326, %parallel_loop3A_324 : vector<16xf32>
      %parallel_loop3A_328 = math.exp %parallel_loop3A_327 : vector<16xf32>
      %parallel_loop3A_329 = arith.constant 1.000000e+00 : f32
      %parallel_loop3A_330 = vector.broadcast %parallel_loop3A_329 : f32 to vector<16xf32>
      %parallel_loop3A_331 = arith.addf %parallel_loop3A_330, %parallel_loop3A_328 : vector<16xf32>
      %parallel_loop3A_332 = arith.constant 1.000000e+00 : f32
      %parallel_loop3A_333 = vector.broadcast %parallel_loop3A_332 : f32 to vector<16xf32>
      %parallel_loop3A_334 = arith.divf %parallel_loop3A_333, %parallel_loop3A_331 : vector<16xf32>
      %parallel_loop3A_335 = arith.constant 32768 : i32
      %parallel_loop3A_336 = vector.broadcast %parallel_loop3A_335 : i32 to vector<16xi32>
      %parallel_loop3A_337 = arith.addi %parallel_loop3A_292, %parallel_loop3A_336 : vector<16xi32>
      %parallel_loop3A_338 = tpu.vector_load_idx %arg7[%parallel_loop3A_337] : memref<65536xf32, #tpu.memory_space<vmem>>[vector<16xi32>], vector<16xf32>,
      %parallel_loop3A_339 = arith.constant 32768 : i32
      %parallel_loop3A_340 = vector.broadcast %parallel_loop3A_339 : i32 to vector<16xi32>
      %parallel_loop3A_341 = arith.addi %parallel_loop3A_294, %parallel_loop3A_340 : vector<16xi32>
      %parallel_loop3A_342 = tpu.vector_load_idx %arg7[%parallel_loop3A_341] : memref<65536xf32, #tpu.memory_space<vmem>>[vector<16xi32>], vector<16xf32>,
      %parallel_loop3A_343 = arith.constant 49152 : i32
      %parallel_loop3A_344 = vector.broadcast %parallel_loop3A_343 : i32 to vector<16xi32>
      %parallel_loop3A_345 = arith.addi %parallel_loop3A_292, %parallel_loop3A_344 : vector<16xi32>
      %parallel_loop3A_346 = tpu.vector_load_idx %arg7[%parallel_loop3A_345] : memref<65536xf32, #tpu.memory_space<vmem>>[vector<16xi32>], vector<16xf32>,
      %parallel_loop3A_347 = arith.constant 49152 : i32
      %parallel_loop3A_348 = vector.broadcast %parallel_loop3A_347 : i32 to vector<16xi32>
      %parallel_loop3A_349 = arith.addi %parallel_loop3A_294, %parallel_loop3A_348 : vector<16xi32>
      %parallel_loop3A_350 = tpu.vector_load_idx %arg7[%parallel_loop3A_349] : memref<65536xf32, #tpu.memory_space<vmem>>[vector<16xi32>], vector<16xf32>,
      %parallel_loop3A_351 = tpu.pack_subelements %parallel_loop3A_334, %parallel_loop3A_334 {pack_format = #tpu.pack_format<interleaved>, positions = array<i32: 0, 1>} : vector<16xf32>, vector<16xf32> -> vector<32xbf16>
      %parallel_loop3A_352 = vector.bitcast %parallel_loop3A_338 : vector<16xf32> to vector<32xbf16>
      %parallel_loop3A_353 = vector.bitcast %parallel_loop3A_342 : vector<16xf32> to vector<32xbf16>
      %parallel_loop3A_354 = arith.subf %parallel_loop3A_352, %parallel_loop3A_353 : vector<32xbf16>
      %parallel_loop3A_355 = arith.mulf %parallel_loop3A_351, %parallel_loop3A_354 : vector<32xbf16>
      %parallel_loop3A_356 = arith.addf %parallel_loop3A_353, %parallel_loop3A_355 : vector<32xbf16>
      %parallel_loop3A_357 = vector.bitcast %parallel_loop3A_356 : vector<32xbf16> to vector<16xi32>
      %parallel_loop3A_358 = arith.constant -65536 : i32
      %parallel_loop3A_359 = vector.broadcast %parallel_loop3A_358 : i32 to vector<16xi32>
      %parallel_loop3A_360 = arith.constant 16 : i32
      %parallel_loop3A_361 = vector.broadcast %parallel_loop3A_360 : i32 to vector<16xi32>
      %parallel_loop3A_362 = arith.shli %parallel_loop3A_357, %parallel_loop3A_361 : vector<16xi32>
      %parallel_loop3A_363 = vector.bitcast %parallel_loop3A_362 : vector<16xi32> to vector<16xf32>
      %parallel_loop3A_364 = arith.index_cast %parallel_loop3A_277 : i32 to index
      %parallel_loop3A_365 = tpu.vector_load %arg12[%parallel_loop3A_364] {strides = array<i32>} : memref<4096xf32, #tpu.memory_space<vmem>>, vector<16xf32>,
      tpu.vector_store %arg12[%parallel_loop3A_364], %parallel_loop3A_363 {strides = array<i32>} : memref<4096xf32, #tpu.memory_space<vmem>>, vector<16xf32>,
      %parallel_loop3A_366 = arith.andi %parallel_loop3A_357, %parallel_loop3A_359 : vector<16xi32>
      %parallel_loop3A_367 = vector.bitcast %parallel_loop3A_366 : vector<16xi32> to vector<16xf32>
      %parallel_loop3A_368 = arith.index_cast %parallel_loop3A_277 : i32 to index
      %parallel_loop3A_369 = tpu.vector_load %arg13[%parallel_loop3A_368] {strides = array<i32>} : memref<4096xf32, #tpu.memory_space<vmem>>, vector<16xf32>,
      tpu.vector_store %arg13[%parallel_loop3A_368], %parallel_loop3A_367 {strides = array<i32>} : memref<4096xf32, #tpu.memory_space<vmem>>, vector<16xf32>,
      %parallel_loop3A_370 = arith.subf %parallel_loop3A_346, %parallel_loop3A_350 : vector<16xf32>
      %parallel_loop3A_371 = arith.mulf %parallel_loop3A_334, %parallel_loop3A_370 : vector<16xf32>
      %parallel_loop3A_372 = arith.addf %parallel_loop3A_350, %parallel_loop3A_371 : vector<16xf32>
      %parallel_loop3A_373 = arith.index_cast %parallel_loop3A_277 : i32 to index
      %parallel_loop3A_374 = tpu.vector_load %arg14[%parallel_loop3A_373] {strides = array<i32>} : memref<4096xf32, #tpu.memory_space<vmem>>, vector<16xf32>,
      tpu.vector_store %arg14[%parallel_loop3A_373], %parallel_loop3A_372 {strides = array<i32>} : memref<4096xf32, #tpu.memory_space<vmem>>, vector<16xf32>,
    } {sc.loop_unroll_factor = 4 : i64, sc.parallel_access}
    %add3A_224 = arith.constant 0 : i32
    %add3A_225 = arith.addi %add3A_224, %add3A_204 : i32
    %dma_start3A_226 = tpu.memref_slice %arg6[%add3A_225] : memref<3145728xf32, #tpu.memory_space<hbm>> -> memref<4096xf32, #tpu.memory_space<hbm>>
    %dma_start3A_227 = tpu.memref_slice %arg6[%add3A_225] : memref<3145728xf32, #tpu.memory_space<hbm>> -> memref<4096xf32, #tpu.memory_space<hbm>>
    tpu.enqueue_dma source(%arg12 : memref<4096xf32, #tpu.memory_space<vmem>>) target(%dma_start3A_227 : memref<4096xf32, #tpu.memory_space<hbm>>) target_semaphore(%arg24 : memref<!tpu.dma_semaphore, #tpu.memory_space<semaphore_mem>>)
    %add3A_228 = arith.constant 1048576 : i32
    %add3A_229 = arith.addi %add3A_228, %add3A_204 : i32
    %dma_start3A_230 = tpu.memref_slice %arg6[%add3A_229] : memref<3145728xf32, #tpu.memory_space<hbm>> -> memref<4096xf32, #tpu.memory_space<hbm>>
    %dma_start3A_231 = tpu.memref_slice %arg6[%add3A_229] : memref<3145728xf32, #tpu.memory_space<hbm>> -> memref<4096xf32, #tpu.memory_space<hbm>>
    tpu.enqueue_dma source(%arg13 : memref<4096xf32, #tpu.memory_space<vmem>>) target(%dma_start3A_231 : memref<4096xf32, #tpu.memory_space<hbm>>) target_semaphore(%arg24 : memref<!tpu.dma_semaphore, #tpu.memory_space<semaphore_mem>>)
    %add3A_232 = arith.constant 2097152 : i32
    %add3A_233 = arith.addi %add3A_232, %add3A_204 : i32
    %dma_start3A_234 = tpu.memref_slice %arg6[%add3A_233] : memref<3145728xf32, #tpu.memory_space<hbm>> -> memref<4096xf32, #tpu.memory_space<hbm>>
    %dma_start3A_235 = tpu.memref_slice %arg6[%add3A_233] : memref<3145728xf32, #tpu.memory_space<hbm>> -> memref<4096xf32, #tpu.memory_space<hbm>>
    tpu.enqueue_dma source(%arg14 : memref<4096xf32, #tpu.memory_space<vmem>>) target(%dma_start3A_235 : memref<4096xf32, #tpu.memory_space<hbm>>) target_semaphore(%arg24 : memref<!tpu.dma_semaphore, #tpu.memory_space<semaphore_mem>>)
    %add3A_236 = arith.constant 28672 : i32
    %add3A_237 = arith.addi %mul3A_2, %add3A_236 : i32
    %dma_wait3A_238 = tpu.memref_slice %arg3[%add3A_210] : memref<1048576xi32, #tpu.memory_space<hbm>> -> memref<4096xi32, #tpu.memory_space<hbm>>
    %dma_wait3A_239 = tpu.memref_slice %arg3[%add3A_210] : memref<1048576xi32, #tpu.memory_space<hbm>> -> memref<4096xi32, #tpu.memory_space<hbm>>
    tpu.wait_dma2 semaphore(%arg23 : memref<!tpu.dma_semaphore, #tpu.memory_space<semaphore_mem>>) src(%dma_wait3A_239 : memref<4096xi32, #tpu.memory_space<hbm>>) dst(%arg9 : memref<4096xi32, #tpu.memory_space<vmem>>)
    %dma_wait3A_240 = tpu.memref_slice %arg4[%add3A_210] : memref<1048576xi32, #tpu.memory_space<hbm>> -> memref<4096xi32, #tpu.memory_space<hbm>>
    %dma_wait3A_241 = tpu.memref_slice %arg4[%add3A_210] : memref<1048576xi32, #tpu.memory_space<hbm>> -> memref<4096xi32, #tpu.memory_space<hbm>>
    tpu.wait_dma2 semaphore(%arg23 : memref<!tpu.dma_semaphore, #tpu.memory_space<semaphore_mem>>) src(%dma_wait3A_241 : memref<4096xi32, #tpu.memory_space<hbm>>) dst(%arg11 : memref<4096xi32, #tpu.memory_space<vmem>>)
    %dma_wait3A_242 = tpu.memref_slice %arg6[%add3A_192] : memref<3145728xf32, #tpu.memory_space<hbm>> -> memref<4096xf32, #tpu.memory_space<hbm>>
    %dma_wait3A_243 = tpu.memref_slice %arg6[%add3A_192] : memref<3145728xf32, #tpu.memory_space<hbm>> -> memref<4096xf32, #tpu.memory_space<hbm>>
    tpu.wait_dma2 semaphore(%arg25 : memref<!tpu.dma_semaphore, #tpu.memory_space<semaphore_mem>>) src(%arg15 : memref<4096xf32, #tpu.memory_space<vmem>>) dst(%dma_wait3A_243 : memref<4096xf32, #tpu.memory_space<hbm>>)
    %dma_wait3A_244 = tpu.memref_slice %arg6[%add3A_196] : memref<3145728xf32, #tpu.memory_space<hbm>> -> memref<4096xf32, #tpu.memory_space<hbm>>
    %dma_wait3A_245 = tpu.memref_slice %arg6[%add3A_196] : memref<3145728xf32, #tpu.memory_space<hbm>> -> memref<4096xf32, #tpu.memory_space<hbm>>
    tpu.wait_dma2 semaphore(%arg25 : memref<!tpu.dma_semaphore, #tpu.memory_space<semaphore_mem>>) src(%arg16 : memref<4096xf32, #tpu.memory_space<vmem>>) dst(%dma_wait3A_245 : memref<4096xf32, #tpu.memory_space<hbm>>)
    %dma_wait3A_246 = tpu.memref_slice %arg6[%add3A_200] : memref<3145728xf32, #tpu.memory_space<hbm>> -> memref<4096xf32, #tpu.memory_space<hbm>>
    %dma_wait3A_247 = tpu.memref_slice %arg6[%add3A_200] : memref<3145728xf32, #tpu.memory_space<hbm>> -> memref<4096xf32, #tpu.memory_space<hbm>>
    tpu.wait_dma2 semaphore(%arg25 : memref<!tpu.dma_semaphore, #tpu.memory_space<semaphore_mem>>) src(%arg17 : memref<4096xf32, #tpu.memory_space<vmem>>) dst(%dma_wait3A_247 : memref<4096xf32, #tpu.memory_space<hbm>>)
    %parallel_loop3A_248 = arith.constant 0 : i32
    %parallel_loop3A_249 = arith.constant 256 : i32
    %parallel_loop3A_250 = arith.constant 1 : i32
    scf.for %parallel_loop3A_275 = %parallel_loop3A_248 to %parallel_loop3A_249 step %parallel_loop3A_250  : i32 {
      %parallel_loop3A_276 = arith.constant 16 : i32
      %parallel_loop3A_277 = arith.muli %parallel_loop3A_275, %parallel_loop3A_276 : i32
      %parallel_loop3A_278 = arith.addi %add3A_237, %parallel_loop3A_277 : i32
      %parallel_loop3A_279 = arith.constant 8191 : i32
      %parallel_loop3A_280 = arith.andi %parallel_loop3A_278, %parallel_loop3A_279 : i32
      %parallel_loop3A_281 = arith.constant 10 : i32
      %parallel_loop3A_282 = arith.shrui %parallel_loop3A_280, %parallel_loop3A_281 : i32
      %parallel_loop3A_283 = arith.constant 7 : i32
      %parallel_loop3A_284 = arith.shrui %parallel_loop3A_280, %parallel_loop3A_283 : i32
      %parallel_loop3A_285 = arith.constant 7 : i32
      %parallel_loop3A_286 = arith.andi %parallel_loop3A_284, %parallel_loop3A_285 : i32
      %parallel_loop3A_287 = arith.constant 127 : i32
      %parallel_loop3A_288 = arith.andi %parallel_loop3A_280, %parallel_loop3A_287 : i32
      %parallel_loop3A_289 = arith.constant 13 : i32
      %parallel_loop3A_290 = arith.shrui %parallel_loop3A_278, %parallel_loop3A_289 : i32
      %parallel_loop3A_291 = arith.index_cast %parallel_loop3A_277 : i32 to index
      %parallel_loop3A_292 = tpu.vector_load %arg9[%parallel_loop3A_291] {strides = array<i32>} : memref<4096xi32, #tpu.memory_space<vmem>>, vector<16xi32>,
      %parallel_loop3A_293 = arith.index_cast %parallel_loop3A_277 : i32 to index
      %parallel_loop3A_294 = tpu.vector_load %arg11[%parallel_loop3A_293] {strides = array<i32>} : memref<4096xi32, #tpu.memory_space<vmem>>, vector<16xi32>,
      %parallel_loop3A_295 = tpu.vector_load_idx %arg7[%parallel_loop3A_292] : memref<65536xf32, #tpu.memory_space<vmem>>[vector<16xi32>], vector<16xf32>,
      %parallel_loop3A_296 = arith.constant 16384 : i32
      %parallel_loop3A_297 = vector.broadcast %parallel_loop3A_296 : i32 to vector<16xi32>
      %parallel_loop3A_298 = arith.addi %parallel_loop3A_292, %parallel_loop3A_297 : vector<16xi32>
      %parallel_loop3A_299 = tpu.vector_load_idx %arg7[%parallel_loop3A_298] : memref<65536xf32, #tpu.memory_space<vmem>>[vector<16xi32>], vector<16xf32>,
      %parallel_loop3A_300 = tpu.vector_load_idx %arg7[%parallel_loop3A_294] : memref<65536xf32, #tpu.memory_space<vmem>>[vector<16xi32>], vector<16xf32>,
      %parallel_loop3A_301 = arith.constant 16384 : i32
      %parallel_loop3A_302 = vector.broadcast %parallel_loop3A_301 : i32 to vector<16xi32>
      %parallel_loop3A_303 = arith.addi %parallel_loop3A_294, %parallel_loop3A_302 : vector<16xi32>
      %parallel_loop3A_304 = tpu.vector_load_idx %arg7[%parallel_loop3A_303] : memref<65536xf32, #tpu.memory_space<vmem>>[vector<16xi32>], vector<16xf32>,
      %parallel_loop3A_305 = arith.constant 128 : i32
      %parallel_loop3A_306 = arith.muli %parallel_loop3A_282, %parallel_loop3A_305 : i32
      %parallel_loop3A_307 = arith.addi %parallel_loop3A_306, %parallel_loop3A_288 : i32
      %parallel_loop3A_308 = arith.index_cast %parallel_loop3A_307 : i32 to index
      %parallel_loop3A_309 = tpu.vector_load %arg19[%parallel_loop3A_308] {strides = array<i32>} : memref<1024xf32, #tpu.memory_space<vmem>>, vector<16xf32>,
      %parallel_loop3A_310 = arith.constant 8 : i32
      %parallel_loop3A_311 = arith.muli %parallel_loop3A_290, %parallel_loop3A_310 : i32
      %parallel_loop3A_312 = arith.addi %parallel_loop3A_311, %parallel_loop3A_286 : i32
      %parallel_loop3A_313 = vector.broadcast %parallel_loop3A_312 : i32 to vector<16xi32>
      %parallel_loop3A_314 = tpu.vector_load_idx %arg20[%parallel_loop3A_313] : memref<1024xf32, #tpu.memory_space<vmem>>[vector<16xi32>], vector<16xf32>,
      %parallel_loop3A_315 = arith.subf %parallel_loop3A_295, %parallel_loop3A_300 : vector<16xf32>
      %parallel_loop3A_316 = arith.subf %parallel_loop3A_309, %parallel_loop3A_295 : vector<16xf32>
      %parallel_loop3A_317 = arith.subf %parallel_loop3A_316, %parallel_loop3A_300 : vector<16xf32>
      %parallel_loop3A_318 = arith.mulf %parallel_loop3A_315, %parallel_loop3A_317 : vector<16xf32>
      %parallel_loop3A_319 = arith.subf %parallel_loop3A_299, %parallel_loop3A_304 : vector<16xf32>
      %parallel_loop3A_320 = arith.subf %parallel_loop3A_314, %parallel_loop3A_299 : vector<16xf32>
      %parallel_loop3A_321 = arith.subf %parallel_loop3A_320, %parallel_loop3A_304 : vector<16xf32>
      %parallel_loop3A_322 = arith.mulf %parallel_loop3A_319, %parallel_loop3A_321 : vector<16xf32>
      %parallel_loop3A_323 = arith.addf %parallel_loop3A_318, %parallel_loop3A_322 : vector<16xf32>
      %parallel_loop3A_324 = arith.mulf %parallel_loop3A_323, %get3A_12 : vector<16xf32>
      %parallel_loop3A_325 = arith.constant 0.000000e+00 : f32
      %parallel_loop3A_326 = vector.broadcast %parallel_loop3A_325 : f32 to vector<16xf32>
      %parallel_loop3A_327 = arith.subf %parallel_loop3A_326, %parallel_loop3A_324 : vector<16xf32>
      %parallel_loop3A_328 = math.exp %parallel_loop3A_327 : vector<16xf32>
      %parallel_loop3A_329 = arith.constant 1.000000e+00 : f32
      %parallel_loop3A_330 = vector.broadcast %parallel_loop3A_329 : f32 to vector<16xf32>
      %parallel_loop3A_331 = arith.addf %parallel_loop3A_330, %parallel_loop3A_328 : vector<16xf32>
      %parallel_loop3A_332 = arith.constant 1.000000e+00 : f32
      %parallel_loop3A_333 = vector.broadcast %parallel_loop3A_332 : f32 to vector<16xf32>
      %parallel_loop3A_334 = arith.divf %parallel_loop3A_333, %parallel_loop3A_331 : vector<16xf32>
      %parallel_loop3A_335 = arith.constant 32768 : i32
      %parallel_loop3A_336 = vector.broadcast %parallel_loop3A_335 : i32 to vector<16xi32>
      %parallel_loop3A_337 = arith.addi %parallel_loop3A_292, %parallel_loop3A_336 : vector<16xi32>
      %parallel_loop3A_338 = tpu.vector_load_idx %arg7[%parallel_loop3A_337] : memref<65536xf32, #tpu.memory_space<vmem>>[vector<16xi32>], vector<16xf32>,
      %parallel_loop3A_339 = arith.constant 32768 : i32
      %parallel_loop3A_340 = vector.broadcast %parallel_loop3A_339 : i32 to vector<16xi32>
      %parallel_loop3A_341 = arith.addi %parallel_loop3A_294, %parallel_loop3A_340 : vector<16xi32>
      %parallel_loop3A_342 = tpu.vector_load_idx %arg7[%parallel_loop3A_341] : memref<65536xf32, #tpu.memory_space<vmem>>[vector<16xi32>], vector<16xf32>,
      %parallel_loop3A_343 = arith.constant 49152 : i32
      %parallel_loop3A_344 = vector.broadcast %parallel_loop3A_343 : i32 to vector<16xi32>
      %parallel_loop3A_345 = arith.addi %parallel_loop3A_292, %parallel_loop3A_344 : vector<16xi32>
      %parallel_loop3A_346 = tpu.vector_load_idx %arg7[%parallel_loop3A_345] : memref<65536xf32, #tpu.memory_space<vmem>>[vector<16xi32>], vector<16xf32>,
      %parallel_loop3A_347 = arith.constant 49152 : i32
      %parallel_loop3A_348 = vector.broadcast %parallel_loop3A_347 : i32 to vector<16xi32>
      %parallel_loop3A_349 = arith.addi %parallel_loop3A_294, %parallel_loop3A_348 : vector<16xi32>
      %parallel_loop3A_350 = tpu.vector_load_idx %arg7[%parallel_loop3A_349] : memref<65536xf32, #tpu.memory_space<vmem>>[vector<16xi32>], vector<16xf32>,
      %parallel_loop3A_351 = tpu.pack_subelements %parallel_loop3A_334, %parallel_loop3A_334 {pack_format = #tpu.pack_format<interleaved>, positions = array<i32: 0, 1>} : vector<16xf32>, vector<16xf32> -> vector<32xbf16>
      %parallel_loop3A_352 = vector.bitcast %parallel_loop3A_338 : vector<16xf32> to vector<32xbf16>
      %parallel_loop3A_353 = vector.bitcast %parallel_loop3A_342 : vector<16xf32> to vector<32xbf16>
      %parallel_loop3A_354 = arith.subf %parallel_loop3A_352, %parallel_loop3A_353 : vector<32xbf16>
      %parallel_loop3A_355 = arith.mulf %parallel_loop3A_351, %parallel_loop3A_354 : vector<32xbf16>
      %parallel_loop3A_356 = arith.addf %parallel_loop3A_353, %parallel_loop3A_355 : vector<32xbf16>
      %parallel_loop3A_357 = vector.bitcast %parallel_loop3A_356 : vector<32xbf16> to vector<16xi32>
      %parallel_loop3A_358 = arith.constant -65536 : i32
      %parallel_loop3A_359 = vector.broadcast %parallel_loop3A_358 : i32 to vector<16xi32>
      %parallel_loop3A_360 = arith.constant 16 : i32
      %parallel_loop3A_361 = vector.broadcast %parallel_loop3A_360 : i32 to vector<16xi32>
      %parallel_loop3A_362 = arith.shli %parallel_loop3A_357, %parallel_loop3A_361 : vector<16xi32>
      %parallel_loop3A_363 = vector.bitcast %parallel_loop3A_362 : vector<16xi32> to vector<16xf32>
      %parallel_loop3A_364 = arith.index_cast %parallel_loop3A_277 : i32 to index
      %parallel_loop3A_365 = tpu.vector_load %arg15[%parallel_loop3A_364] {strides = array<i32>} : memref<4096xf32, #tpu.memory_space<vmem>>, vector<16xf32>,
      tpu.vector_store %arg15[%parallel_loop3A_364], %parallel_loop3A_363 {strides = array<i32>} : memref<4096xf32, #tpu.memory_space<vmem>>, vector<16xf32>,
      %parallel_loop3A_366 = arith.andi %parallel_loop3A_357, %parallel_loop3A_359 : vector<16xi32>
      %parallel_loop3A_367 = vector.bitcast %parallel_loop3A_366 : vector<16xi32> to vector<16xf32>
      %parallel_loop3A_368 = arith.index_cast %parallel_loop3A_277 : i32 to index
      %parallel_loop3A_369 = tpu.vector_load %arg16[%parallel_loop3A_368] {strides = array<i32>} : memref<4096xf32, #tpu.memory_space<vmem>>, vector<16xf32>,
      tpu.vector_store %arg16[%parallel_loop3A_368], %parallel_loop3A_367 {strides = array<i32>} : memref<4096xf32, #tpu.memory_space<vmem>>, vector<16xf32>,
      %parallel_loop3A_370 = arith.subf %parallel_loop3A_346, %parallel_loop3A_350 : vector<16xf32>
      %parallel_loop3A_371 = arith.mulf %parallel_loop3A_334, %parallel_loop3A_370 : vector<16xf32>
      %parallel_loop3A_372 = arith.addf %parallel_loop3A_350, %parallel_loop3A_371 : vector<16xf32>
      %parallel_loop3A_373 = arith.index_cast %parallel_loop3A_277 : i32 to index
      %parallel_loop3A_374 = tpu.vector_load %arg17[%parallel_loop3A_373] {strides = array<i32>} : memref<4096xf32, #tpu.memory_space<vmem>>, vector<16xf32>,
      tpu.vector_store %arg17[%parallel_loop3A_373], %parallel_loop3A_372 {strides = array<i32>} : memref<4096xf32, #tpu.memory_space<vmem>>, vector<16xf32>,
    } {sc.loop_unroll_factor = 4 : i64, sc.parallel_access}
    %add3A_251 = arith.constant 0 : i32
    %add3A_252 = arith.addi %add3A_251, %add3A_237 : i32
    %dma_start3A_253 = tpu.memref_slice %arg6[%add3A_252] : memref<3145728xf32, #tpu.memory_space<hbm>> -> memref<4096xf32, #tpu.memory_space<hbm>>
    %dma_start3A_254 = tpu.memref_slice %arg6[%add3A_252] : memref<3145728xf32, #tpu.memory_space<hbm>> -> memref<4096xf32, #tpu.memory_space<hbm>>
    tpu.enqueue_dma source(%arg15 : memref<4096xf32, #tpu.memory_space<vmem>>) target(%dma_start3A_254 : memref<4096xf32, #tpu.memory_space<hbm>>) target_semaphore(%arg25 : memref<!tpu.dma_semaphore, #tpu.memory_space<semaphore_mem>>)
    %add3A_255 = arith.constant 1048576 : i32
    %add3A_256 = arith.addi %add3A_255, %add3A_237 : i32
    %dma_start3A_257 = tpu.memref_slice %arg6[%add3A_256] : memref<3145728xf32, #tpu.memory_space<hbm>> -> memref<4096xf32, #tpu.memory_space<hbm>>
    %dma_start3A_258 = tpu.memref_slice %arg6[%add3A_256] : memref<3145728xf32, #tpu.memory_space<hbm>> -> memref<4096xf32, #tpu.memory_space<hbm>>
    tpu.enqueue_dma source(%arg16 : memref<4096xf32, #tpu.memory_space<vmem>>) target(%dma_start3A_258 : memref<4096xf32, #tpu.memory_space<hbm>>) target_semaphore(%arg25 : memref<!tpu.dma_semaphore, #tpu.memory_space<semaphore_mem>>)
    %add3A_259 = arith.constant 2097152 : i32
    %add3A_260 = arith.addi %add3A_259, %add3A_237 : i32
    %dma_start3A_261 = tpu.memref_slice %arg6[%add3A_260] : memref<3145728xf32, #tpu.memory_space<hbm>> -> memref<4096xf32, #tpu.memory_space<hbm>>
    %dma_start3A_262 = tpu.memref_slice %arg6[%add3A_260] : memref<3145728xf32, #tpu.memory_space<hbm>> -> memref<4096xf32, #tpu.memory_space<hbm>>
    tpu.enqueue_dma source(%arg17 : memref<4096xf32, #tpu.memory_space<vmem>>) target(%dma_start3A_262 : memref<4096xf32, #tpu.memory_space<hbm>>) target_semaphore(%arg25 : memref<!tpu.dma_semaphore, #tpu.memory_space<semaphore_mem>>)
    %dma_wait3A_263 = tpu.memref_slice %arg6[%add3A_225] : memref<3145728xf32, #tpu.memory_space<hbm>> -> memref<4096xf32, #tpu.memory_space<hbm>>
    %dma_wait3A_264 = tpu.memref_slice %arg6[%add3A_225] : memref<3145728xf32, #tpu.memory_space<hbm>> -> memref<4096xf32, #tpu.memory_space<hbm>>
    tpu.wait_dma2 semaphore(%arg24 : memref<!tpu.dma_semaphore, #tpu.memory_space<semaphore_mem>>) src(%arg12 : memref<4096xf32, #tpu.memory_space<vmem>>) dst(%dma_wait3A_264 : memref<4096xf32, #tpu.memory_space<hbm>>)
    %dma_wait3A_265 = tpu.memref_slice %arg6[%add3A_229] : memref<3145728xf32, #tpu.memory_space<hbm>> -> memref<4096xf32, #tpu.memory_space<hbm>>
    %dma_wait3A_266 = tpu.memref_slice %arg6[%add3A_229] : memref<3145728xf32, #tpu.memory_space<hbm>> -> memref<4096xf32, #tpu.memory_space<hbm>>
    tpu.wait_dma2 semaphore(%arg24 : memref<!tpu.dma_semaphore, #tpu.memory_space<semaphore_mem>>) src(%arg13 : memref<4096xf32, #tpu.memory_space<vmem>>) dst(%dma_wait3A_266 : memref<4096xf32, #tpu.memory_space<hbm>>)
    %dma_wait3A_267 = tpu.memref_slice %arg6[%add3A_233] : memref<3145728xf32, #tpu.memory_space<hbm>> -> memref<4096xf32, #tpu.memory_space<hbm>>
    %dma_wait3A_268 = tpu.memref_slice %arg6[%add3A_233] : memref<3145728xf32, #tpu.memory_space<hbm>> -> memref<4096xf32, #tpu.memory_space<hbm>>
    tpu.wait_dma2 semaphore(%arg24 : memref<!tpu.dma_semaphore, #tpu.memory_space<semaphore_mem>>) src(%arg14 : memref<4096xf32, #tpu.memory_space<vmem>>) dst(%dma_wait3A_268 : memref<4096xf32, #tpu.memory_space<hbm>>)
    %dma_wait3A_269 = tpu.memref_slice %arg6[%add3A_252] : memref<3145728xf32, #tpu.memory_space<hbm>> -> memref<4096xf32, #tpu.memory_space<hbm>>
    %dma_wait3A_270 = tpu.memref_slice %arg6[%add3A_252] : memref<3145728xf32, #tpu.memory_space<hbm>> -> memref<4096xf32, #tpu.memory_space<hbm>>
    tpu.wait_dma2 semaphore(%arg25 : memref<!tpu.dma_semaphore, #tpu.memory_space<semaphore_mem>>) src(%arg15 : memref<4096xf32, #tpu.memory_space<vmem>>) dst(%dma_wait3A_270 : memref<4096xf32, #tpu.memory_space<hbm>>)
    %dma_wait3A_271 = tpu.memref_slice %arg6[%add3A_256] : memref<3145728xf32, #tpu.memory_space<hbm>> -> memref<4096xf32, #tpu.memory_space<hbm>>
    %dma_wait3A_272 = tpu.memref_slice %arg6[%add3A_256] : memref<3145728xf32, #tpu.memory_space<hbm>> -> memref<4096xf32, #tpu.memory_space<hbm>>
    tpu.wait_dma2 semaphore(%arg25 : memref<!tpu.dma_semaphore, #tpu.memory_space<semaphore_mem>>) src(%arg16 : memref<4096xf32, #tpu.memory_space<vmem>>) dst(%dma_wait3A_272 : memref<4096xf32, #tpu.memory_space<hbm>>)
    %dma_wait3A_273 = tpu.memref_slice %arg6[%add3A_260] : memref<3145728xf32, #tpu.memory_space<hbm>> -> memref<4096xf32, #tpu.memory_space<hbm>>
    %dma_wait3A_274 = tpu.memref_slice %arg6[%add3A_260] : memref<3145728xf32, #tpu.memory_space<hbm>> -> memref<4096xf32, #tpu.memory_space<hbm>>
    tpu.wait_dma2 semaphore(%arg25 : memref<!tpu.dma_semaphore, #tpu.memory_space<semaphore_mem>>) src(%arg17 : memref<4096xf32, #tpu.memory_space<vmem>>) dst(%dma_wait3A_274 : memref<4096xf32, #tpu.memory_space<hbm>>)
    return
  }
}

</mosaic_0001>

<sc_bundles>
// kernel: kernel.3.cloned.1.call-start
scs
__scs_entry_jumppad:
0x0: {  	(pc) =	sbr.rel $0x88, $3  }
0x1: {  	(tag) =	ssettag $0x0;
	lr =	simm.s32 $0x1  }
0x2: {  	[smem:$0x3F9B] =	sst lr;
	_ =	strace $0xD0000000  }
0x3: {  	_ = 	snop  }
0x4: {  	_ = 	snop  }
0x5: {  	_ = 	snop  }
0x6: {  	_ = 	snop  }
0x7: {  	_ = 	snop  }
__scs_overlays_trampoline_lowered:
0x8: {  	[smem:$0x3FAA] =	sst s0  }
0x9: {  	[smem:$0x3FAB] =	sst s1  }
0xa: {  	[smem:$0x3FAC] =	sst s2  }
0xb: {  	[smem:$0x3FAD] =	sst s3  }
0xc: {  	[smem:$0x3FAE] =	sst s4  }
0xd: {  	[smem:$0x3FAF] =	sst s5  }
0xe: {  	[smem:$0x3FB0] =	sst s6  }
0xf: {  	[smem:$0x3FB1] =	sst s7  }
0x10: {  	[smem:$0x3FB2] =	sst s8  }
0x11: {  	[smem:$0x3FB3] =	sst s9;
	s0 =	simm.s32 @!p0 $0x0  }
0x12: {  	s1 =	sld [smem:$0x3F99];
	s0 =	simm.s32 @p0 $0x1  }
0x13: {  	[smem:$0x3FB4] =	sst s0;
	s0 =	simm.s32 @!p1 $0x0  }
0x14: {  	s2 =	sld [smem:$0x3F98];
	s0 =	simm.s32 @p1 $0x1  }
0x15: {  	[smem:$0x3FB5] =	sst s0;
	s0 =	simm.s32 @!p2 $0x0  }
0x16: {  	s3 =	sld [smem:$0x3FDB];
	s0 =	simm.s32 @p2 $0x1  }
0x17: {  	s4 =	simm.s32 $0x1BF5;
	[smem:$0x3FB7] =	sst s0  }
0x18: {  	s0 =	sld [smem:$0x3F9A];
	_ =	swait.ge [sflag:s4], $0x0  }
0x19: {  	s7 =	sld [smem:$0x3F9B]  }
0x1a: {  	s8 =	sadd.s32 $0xFFFFE003, lr  }
0x1b: {  	s9 =	sadd.s32 $0xFFFFFEF7, lr;
	s5 =	simm.s32 $0xFFFFFFFF;
	p2 =	slt.u32 s8, $0xFFFFF086  }
0x1c: {  	p1 =	slt.u32 s9, $0xF7A;
	s5 =	simm.s32 @!p2 $0x0  }
0x1d: {  	s5 =	simm.s32 @p1 $0x1;
	p0 =	seq.s32 s7, s2  }
0x1e: {  	s7 =	smul.u32 @!p0 $0xF7A, s2;
	p2 =	seq.s32 @!p0 s5, $0x0  }
0x1f: {  	s9 =	smul.u32 $0xF7A, s1;
	s8 =	simm.s32 @!p0 $0x1BF5;
	p2 =	por !p2, p0  }
0x20: {  	[sflag:s8] =	ssyncset.s32 @!p0 $0xFFFFF086;
	s6 =	sadd.s32 @!p0 s3, s7;
	s7 =	simm.s32 @!p0 $0x108  }
0x21: {  	s3 =	sadd.s32 s3, s9;
	s6 =	sadd.s32 @!p0 $0x88, s6;
	s7 =	simm.s32 @p2 $0x1082  }
0x22: {  	[simem:s7], [sflag:s8] =	dma.local @!p0 [hbm:s6], $0xF7A  }
0x23: {  	s9 =	sor.u32 $0xD0000000, s2;
	s6 =	simm.s32 $0x108;
	_ =	swait.ge @!p0 [sflag:s8], $0x0  }
0x24: {  	s3 =	sadd.s32 $0x88, s3;
	s6 =	simm.s32 @!p1 $0x1082;
	[sflag:s4] =	ssyncset.s32 $0xFFFFF086  }
0x25: {  	[simem:s6], [sflag:s4] =	dma.local [hbm:s3], $0xF7A  }
0x26: {  	[smem:$0x3F9B] =	sst s1;
	(tag) =	ssettag s2;
	_ =	strace s9  }
0x27: {  	s1 =	sld [smem:$0x3FAB]  }
0x28: {  	s2 =	sld [smem:$0x3FAC]  }
0x29: {  	s4 =	sld [smem:$0x3FAE]  }
0x2a: {  	p0 =	seq.s32 s5, $0x0;
	s5 =	sld [smem:$0x3FAF]  }
0x2b: {  	s6 =	sld [smem:$0x3FB0]  }
0x2c: {  	s7 =	sld [smem:$0x3FB1]  }
0x2d: {  	s3 =	simm.s32 $0x108;
	s8 =	sld [smem:$0x3FB2]  }
0x2e: {  	s3 =	simm.s32 @!p0 $0x1082;
	s9 =	sld [smem:$0x3FB3]  }
0x2f: {  	lr =	sadd.s32 s0, s3;
	s0 =	sld [smem:$0x3FAA]  }
0x30: {  	s3 =	sld [smem:$0x3FAD]  }
0x31: {  	[smem:$0x3FB6] =	sst s10  }
0x32: {  	s10 =	sld [smem:$0x3FB4];
	_ =	sdelay $0x3  }
0x33: {  	p0 =	seq.s32 s10, $0x1;
	s10 =	sld [smem:$0x3FB6];
	_ =	sdelay $0x3  }
0x34: {  	[smem:$0x3FB6] =	sst s10  }
0x35: {  	s10 =	sld [smem:$0x3FB5];
	_ =	sdelay $0x3  }
0x36: {  	p1 =	seq.s32 s10, $0x1;
	s10 =	sld [smem:$0x3FB6];
	_ =	sdelay $0x3  }
0x37: {  	[smem:$0x3FB6] =	sst s10  }
0x38: {  	s10 =	sld [smem:$0x3FB7]  }
0x39: {  	_ = 	snop;
	(pc) =	sbr.ind lr, $3  }
0x3a: {  	_ = 	snop  }
0x3b: {  	_ = 	snop  }
0x3c: {  	p2 =	seq.s32 s10, $0x1;
	s10 =	sld [smem:$0x3FB6]  }
0x3d: {  	_ =	shalt  }
0x3e: {  	_ =	shalt  }
0x3f: {  	_ =	shalt  }
0x40: {  	_ =	shalt  }
0x41: {  	_ =	shalt  }
0x42: {  	_ =	shalt  }
0x43: {  	_ =	shalt  }
0x44: {  	_ =	shalt  }
0x45: {  	_ =	shalt  }
0x46: {  	_ =	shalt  }
0x47: {  	_ =	shalt  }
0x48: {  	_ =	shalt  }
0x49: {  	_ =	shalt  }
0x4a: {  	_ =	shalt  }
0x4b: {  	_ =	shalt  }
0x4c: {  	_ =	shalt  }
0x4d: {  	_ =	shalt  }
0x4e: {  	_ =	shalt  }
0x4f: {  	_ =	shalt  }
0x50: {  	_ =	shalt  }
0x51: {  	_ =	shalt  }
0x52: {  	_ =	shalt  }
0x53: {  	_ =	shalt  }
0x54: {  	_ =	shalt  }
0x55: {  	_ =	shalt  }
0x56: {  	_ =	shalt  }
0x57: {  	_ =	shalt  }
0x58: {  	_ =	shalt  }
0x59: {  	_ =	shalt  }
0x5a: {  	_ =	shalt  }
0x5b: {  	_ =	shalt  }
0x5c: {  	_ =	shalt  }
0x5d: {  	_ =	shalt  }
0x5e: {  	_ =	shalt  }
0x5f: {  	_ =	shalt  }
0x60: {  	_ =	shalt  }
0x61: {  	_ =	shalt  }
0x62: {  	_ =	shalt  }
0x63: {  	_ =	shalt  }
0x64: {  	_ =	shalt  }
0x65: {  	_ =	shalt  }
0x66: {  	_ =	shalt  }
0x67: {  	_ =	shalt  }
0x68: {  	_ =	shalt  }
0x69: {  	_ =	shalt  }
0x6a: {  	_ =	shalt  }
0x6b: {  	_ =	shalt  }
0x6c: {  	_ =	shalt  }
0x6d: {  	_ =	shalt  }
0x6e: {  	_ =	shalt  }
0x6f: {  	_ =	shalt  }
0x70: {  	_ =	shalt  }
0x71: {  	_ =	shalt  }
0x72: {  	_ =	shalt  }
0x73: {  	_ =	shalt  }
0x74: {  	_ =	shalt  }
0x75: {  	_ =	shalt  }
0x76: {  	_ =	shalt  }
0x77: {  	_ =	shalt  }
0x78: {  	_ =	shalt  }
0x79: {  	_ =	shalt  }
0x7a: {  	_ =	shalt  }
0x7b: {  	_ =	shalt  }
0x7c: {  	_ =	shalt  }
0x7d: {  	_ =	shalt  }
0x7e: {  	_ =	shalt  }
0x7f: {  	_ =	shalt  }
0x80: {  	_ =	shalt  }
0x81: {  	_ =	shalt  }
0x82: {  	_ =	shalt  }
0x83: {  	_ =	shalt  }
0x84: {  	_ =	shalt  }
0x85: {  	_ =	shalt  }
0x86: {  	_ =	shalt  }
0x87: {  	_ =	shalt  }
.Lfunc_end0:
.L_simem_size_0:
called_computation_lowered:
.L_overlay_start_0:
0x88: {  	s2 =	sld [smem:$0x3FD9]  }
0x89: {  	s3 =	sld [smem:$0x3FFE];
	_ =	sdelay $0x1  }
0x8a: {  	s1 =	srdreg.scid  }
0x8b: {  	s0 =	sand.u32 $0x1, s1  }
0x8c: {  	s17 =	sshll.u32 s0, $0xA;
	s2 =	sadd.s32 s3, s2  }
0x8d: {  	s2 =	sadd.s32 s2, s17  }
0x8e: {  	[smem:$0x3FC2] =	sst s2  }
0x8f: {  	_ = 	snop  }
0x90: {  	s2 =	sld [smem:$0x3FC8]  }
0x91: {  	s18 =	sld [smem:$0x3FC7]  }
0x92: {  	s4 =	sld [smem:$0x3FD0];
	(tm) =	ssettm $0x1  }
0x93: {  	s5 =	sld [smem:$0x3FFB];
	_ =	sdelay $0x3  }
0x94: {  	_ =	strace s5  }
0x95: {  	s5 =	sld [smem:$0x3FFC];
	_ =	sdelay $0x3  }
0x96: {  	_ =	strace s5  }
0x97: {  	s5 =	sld [smem:$0x3FFD];
	_ =	sdelay $0x3  }
0x98: {  	_ =	strace s5  }
0x99: {  	_ =	strace $0x8FFFFFFF  }
0x9a: {  	s19 =	sld [smem:$0x3FDB];
	_ =	sdelay $0x1  }
0x9b: {  	s6 =	simm.s32 $_scs_section_size  }
0x9c: {  	s7 =	simm.s32 $_size__tile_overlayer_lowered;
	s8 =	simm.s32 $_tile_overlayer_lowered  }
0x9d: {  	s22 =	simm.s32 $0x1BFF;
	s21 =	sshll.u32 s8, $0x1;
	s5 =	sadd.s32 s6, s19  }
0x9e: {  	s9 =	simm.s32 $0x0;
	s20 =	sshll.u32 s7, $0x1;
	s7 =	sadd.s32 s21, s5  }
0x9f: {  	[timem:s9], [sflag:s22] =	dma.local [hbm:s7], s20  }
0xa0: {  	_ =	swait.ge [sflag:s22], s20  }
0xa1: {  	s6 =	ssub.s32 $0x0, s20;
	[sflag:s22] =	ssyncset.done $0x0  }
0xa2: {  	[sflag:s22] =	ssyncadd.s32 s6;
	_ =	sdelay $0x1  }
0xa3: {  	s23 =	simm.s32 $0x1B8B  }
0xa4: {  	_ =	swait.ge [sflag:s23], $0x1  }
0xa5: {  	[sflag:s23] =	ssyncset.done $0x0  }
0xa6: {  	s25 =	simm.s32 $0x1B8E;
	s24 =	sld [smem:$0x3FFE];
	[sflag:s23] =	ssyncadd.s32 $0xFFFFFFFF  }
0xa7: {  	s26 =	simm.s32 $execute0_lowered;
	[smem:$0x3FD2] =	sst s25  }
0xa8: {  	s7 =	sshll.u32 s26, $0x1;
	_ =	strace $0x80000046;
	[dreg:$0x1] =	wrdreg $0xFFFFFFFF  }
0xa9: {  	s28 =	simm.s32 $_size_execute0_lowered;
	s5 =	sadd.s32 s5, s7;
	[dreg:$0x0] =	wrdreg $0x0  }
0xaa: {  	s7 =	sshll.u32 s28, $0x1;
	[dreg:$0x2] =	wrdreg s5  }
0xab: {  	[dreg:$0x3] =	wrdreg s7  }
0xac: {  	[dreg:$0x4] =	wrdreg $0xC0  }
0xad: {  	_ =	task [dreg:s9], $0x5FFFF  }
0xae: {  	[dreg:$0x1] =	wrdreg $0xFFFFFFFF  }
0xaf: {  	[dreg:$0x0] =	wrdreg $0x60  }
0xb0: {  	[dreg:$0x2] =	wrdreg s24  }
0xb1: {  	[dreg:$0x3] =	wrdreg s2  }
0xb2: {  	[dreg:$0x4] =	wrdreg s18  }
0xb3: {  	[dreg:$0x5] =	wrdreg s4  }
0xb4: {  	[dreg:$0x6] =	wrdreg $0x9  }
0xb5: {  	_ =	task.clear_ibuf [dreg:s9], $0x7FFFF;
	_ =	strace $0x90000046  }
0xb6: {  	s29 =	simm.s32 $0x9;
	_ =	strace $0x80000048  }
0xb7: {  	_ =	swait.ge [sflag:s29], $0x1  }
0xb8: {  	[sflag:s29] =	ssyncadd.s32 $0xFFFFFFFF  }
0xb9: {  	_ =	strace $0x90000048  }
0xba: {  	_ =	sfence  }
0xbb: {  	s30 =	sld [smem:$0x0];
	_ =	sdelay $0x2  }
0xbc: {  	s31 =	sshll.u32 s1, $0xD;
	s1 =	sshrl.u32 s1, $0x2  }
0xbd: {  	s3 =	sand.u32 $0x4000, s31;
	s1 =	sadd.s32 s1, s30  }
0xbe: {  	s0 =	sor.u32 s3, s0;
	s1 =	sshll.u32 s1, $0x11  }
0xbf: {  	s0 =	sor.u32 s1, s0  }
0xc0: {  	s0 =	sadd.s32 $0x8F2B, s0  }
0xc1: {  	[sflag:s0] =	ssyncadd.remote.s32 $0x1  }
0xc2: {  	_ =	sfence.sel $0xFFFF  }
0xc3: {  	[dreg:$0x0] =	wrdreg $0xFFFFFFFF;
	(pc) =	sbr.abs _section_cstart, $3  }
0xc4: {  	[dreg:$0x1] =	wrdreg $0xFFFFFFFF  }
0xc5: {  	_ =	task.clear_ibuf [dreg:s9], $0x2FFFF;
	_ =	strace $0x9FFFFFFF  }
0xc6: {  	(tm) =	ssettm $0x7FFFFFFF  }
0xc7: {  	_ =	shalt  }
tec
execute0_lowered:
.L_overlay_start_1:
0x0: {  	(tag) =	ssettag $0x1  }
0x1: {  	s0 =	srdreg.scid  }
0x2: {  	s2 =	rddreg [dreg:$0x1];
	s1 =	stileid.u32;
	s0 =	sand.u32 $0x1, s0  }
0x3: {  	s3 =	rddreg [dreg:$0x2];
	s1 =	sshll.u32 s1, $0x10;
	s4 =	sshll.u32 s0, $0xF  }
0x4: {  	s5 =	rddreg [dreg:$0x3];
	s4 =	sor.u32 s4, s1  }
0x5: {  	s0 =	ssub.s32 $0x2, s0;
	s1 =	simm.s32 $0x0;
	s7 =	sshrl.u32 s4, $0x3  }
0x6: {  	s6 =	sshrl.u32 s0, $0x1;
	[smem:$0x7FF] =	sst s1;
	s21 =	sadd.s32 s2, s7  }
0x7: {  	s22 =	sadd.s32 s3, s7;
	s23 =	sor.u32 $0x200, s7;
	[dreg:$0x5] =	wrdreg s21  }
0x8: {  	s8 =	sor.u32 $0x2000, s4;
	[dreg:$0x6] =	wrdreg s22;
	s9 =	sadd.s32 s2, s23  }
0x9: {  	s25 =	sshrl.u32 s8, $0x3;
	s24 =	sadd.s32 s3, s23;
	[dreg:$0x7] =	wrdreg s9  }
0xa: {  	s6 =	ssub.s32 s0, s6;
	s26 =	sadd.s32 s2, s25;
	[dreg:$0x8] =	wrdreg s24  }
0xb: {  	s11 =	sor.u32 $0x5000, s4;
	s10 =	sadd.s32 s3, s25;
	[dreg:$0xa] =	wrdreg s26  }
0xc: {  	s17 =	sshrl.u32 s11, $0x3;
	s0 =	sadd.s32 s5, s23;
	[dreg:$0xb] =	wrdreg s10  }
0xd: {  	s14 =	sadd.s32 s5, s7;
	s19 =	sadd.s32 s2, s17;
	[dreg:$0xc] =	wrdreg s0  }
0xe: {  	s7 =	sor.u32 $0x3000, s4;
	s20 =	sadd.s32 s3, s17;
	[dreg:$0x14] =	wrdreg s19  }
0xf: {  	s28 =	sshrl.u32 s7, $0x3;
	[dreg:$0x15] =	wrdreg s20  }
0x10: {  	s13 =	sadd.s32 s2, s28;
	s24 =	rddreg [dreg:$0x0]  }
0x11: {  	s15 =	sadd.s32 s3, s28;
	[dreg:$0xd] =	wrdreg s13  }
0x12: {  	s9 =	sadd.s32 s5, s25;
	[dreg:$0xe] =	wrdreg s15  }
0x13: {  	s21 =	sor.u32 $0x6000, s4;
	s0 =	sadd.s32 s5, s28;
	[dreg:$0xf] =	wrdreg s9  }
0x14: {  	s23 =	sshrl.u32 s21, $0x3;
	[dreg:$0x11] =	wrdreg s0;
	s0 =	sadd.s32 s5, s17  }
0x15: {  	s10 =	sor.u32 $0x4000, s4;
	s15 =	sadd.s32 s2, s23;
	[dreg:$0x16] =	wrdreg s0  }
0x16: {  	s16 =	sshrl.u32 s10, $0x3;
	s25 =	sadd.s32 s3, s23;
	[dreg:$0x17] =	wrdreg s15  }
0x17: {  	s12 =	sadd.s32 s2, s16;
	[dreg:$0x19] =	wrdreg s25  }
0x18: {  	s22 =	sor.u32 $0x7000, s4;
	s18 =	sadd.s32 s3, s16;
	[dreg:$0x10] =	wrdreg s12  }
0x19: {  	s13 =	sshrl.u32 s22, $0x3;
	s9 =	sadd.s32 s5, s16;
	[dreg:$0x12] =	wrdreg s18  }
0x1a: {  	s2 =	sadd.s32 s2, s13;
	[dreg:$0x13] =	wrdreg s9  }
0x1b: {  	s3 =	sadd.s32 s3, s13;
	[dreg:$0x18] =	wrdreg s2  }
0x1c: {  	s0 =	sadd.s32 s5, s23;
	[dreg:$0x1a] =	wrdreg s3  }
0x1d: {  	s26 =	sadd.s32 s5, s13;
	[dreg:$0x1b] =	wrdreg s0  }
0x1e: {  	s28 =	sadd.s32 $0x800, s24;
	[dreg:$0x1c] =	wrdreg s26  }
0x1f: {  	s3 =	sadd.s32 $0x600, s24;
	_ =	strace $0x80000047;
	[dreg:$0x1d] =	wrdreg s28  }
0x20: {  	s5 =	sshrl.u32 s7, $0xA;
	s9 =	smax.u32 s6, $0x1;
	[dreg:$0x1e] =	wrdreg s3  }
0x21: {  	s0 =	sshrl.u32 s10, $0xA;
	s10 =	sadd.s32 $0x20000, s14;
	[dreg:$0x1f] =	wrdreg s9  }
0x22: {  	s7 =	sshrl.u32 s11, $0xA;
	s11 =	sadd.s32 $0x40000, s14;
	[smem:$0x7EE] =	sst s10  }
0x23: {  	s12 =	sadd.s32 $0x20200, s14;
	[smem:$0x7EF] =	sst s11  }
0x24: {  	s13 =	sadd.s32 $0x40200, s14;
	[smem:$0x7F0] =	sst s12  }
0x25: {  	s15 =	sadd.s32 $0x20400, s14;
	[smem:$0x7F1] =	sst s13  }
0x26: {  	s16 =	sadd.s32 $0x40400, s14;
	[smem:$0x7F2] =	sst s15  }
0x27: {  	s29 =	simm.s32 $0x2;
	s17 =	sadd.s32 $0x20600, s14;
	[smem:$0x7F3] =	sst s16  }
0x28: {  	s30 =	sshrl.u32 s4, $0xA;
	s18 =	sadd.s32 $0x40600, s14;
	[smem:$0x7F4] =	sst s17  }
0x29: {  	s31 =	sshrl.u32 s8, $0xA;
	s19 =	sadd.s32 $0x20800, s14;
	[smem:$0x7F5] =	sst s18  }
0x2a: {  	s8 =	sshrl.u32 s22, $0xA;
	s22 =	sadd.s32 $0x20A00, s14;
	[smem:$0x7F6] =	sst s19  }
0x2b: {  	s4 =	sand.u32 $0x3F8, s8;
	s23 =	sadd.s32 $0x40A00, s14;
	[smem:$0x7F8] =	sst s22  }
0x2c: {  	s8 =	simm.s32 $0x1A430;
	s24 =	sadd.s32 $0x20C00, s14;
	[smem:$0x7F9] =	sst s23  }
0x2d: {  	s25 =	sadd.s32 $0x40C00, s14;
	s20 =	sand.u32 $0x3E8, s5;
	[smem:$0x7FA] =	sst s24  }
0x2e: {  	s2 =	sand.u32 $0x3F0, s7;
	s26 =	sadd.s32 $0x20E00, s14;
	[smem:$0x7FB] =	sst s25  }
0x2f: {  	s3 =	sshrl.u32 s21, $0xA;
	s21 =	sadd.s32 $0x40800, s14;
	[smem:$0x7FC] =	sst s26  }
0x30: {  	[dreg:$0x9] =	wrdreg s14;
	s28 =	sadd.s32 $0x40E00, s14;
	s11 =	simm.s32 $0x16000  }
0x31: {  	s12 =	simm.s32 $0x3;
	s13 =	simm.s32 $0x17000;
	s14 =	simm.s32 $0x18000  }
0x32: {  	s15 =	simm.s32 $0x19000;
	s16 =	simm.s32 $0x4;
	[smem:$0x7F7] =	sst s21  }
0x33: {  	v0 =	vlaneseq.u32;
	s17 =	simm.s32 $0x5;
	s18 =	simm.s32 $0x0;
	[smem:$0x7FD] =	sst s28  }
.LBB2_1:
0x34: {  	s5 =	rddreg [dreg:$0x1d]  }
0x35: {  	[tilespmem:s1], [sflag:$0x1] =	stream.linear.gather [hbm4b:s5+s1], $0x10000, $0x38;
	[tilespmem:$0x1A830] =	vst v63  }
0x36: {  	s28 =	rddreg [dreg:$0x5];
	s6 =	simm.s32 $0x10000  }
0x37: {  	[tilespmem:s6], [sflag:$0x2] =	stream.linear.gather [hbm4b:s28+s1], $0x1000, $0x38;
	[tilespmem:$0x1A830] =	vst v63  }
0x38: {  	s7 =	rddreg [dreg:$0x6];
	s9 =	simm.s32 $0x12000  }
0x39: {  	[tilespmem:s9], [sflag:$0x2] =	stream.linear.gather [hbm4b:s7+s1], $0x1000, $0x38;
	[tilespmem:$0x1A830] =	vst v63  }
0x3a: {  	s10 =	rddreg [dreg:$0x1e];
	s19 =	simm.s32 $0x1A000;
	s21 =	simm.s32 $0x6  }
0x3b: {  	[tilespmem:s19], [sflag:$0x6] =	stream.linear.gather [hbm4b:s10+s1], $0x30, $0x38;
	[tilespmem:$0x1A830] =	vst v63  }
0x3c: {  	_ =	swait.ge [sflag:s21], $0x30  }
0x3d: {  	[sflag:s21] =	ssyncset.done $0x0  }
0x3e: {  	s22 =	simm.s32 $0x10;
	s23 =	simm.s32 $0x30;
	[sflag:s21] =	ssyncadd.s32 $0xFFFFFFD0  }
0x3f: {  	v1 =	vor.u32 s22, v0;
	v2 =	vor.u32 s23, v0;
	s19 =	simm.s32 $0x20;
	v3 =	vld [tilespmem:$0x1A000]  }
0x40: {  	v1 =	vcvt.s32.f32 v1;
	v2 =	vcvt.s32.f32 v2;
	v4 =	vor.u32 s19, v0  }
0x41: {  	v4 =	vcvt.s32.f32 v4  }
0x42: {  	v5 =	vor.u32 s1, v0;
	v1 =	vadd.f32 $5.000000000e-01, v1;
	v2 =	vadd.f32 $5.000000000e-01, v2  }
0x43: {  	s24 =	simm.s32 $0x50;
	v5 =	vcvt.s32.f32 v5;
	v4 =	vadd.f32 $5.000000000e-01, v4  }
0x44: {  	v7 =	vmul.f32 v1, v3;
	v1 =	vmul.f32 v2, v3;
	v2 =	vor.u32 s24, v0  }
0x45: {  	s25 =	simm.s32 $0x60;
	s26 =	simm.s32 $0x70;
	v4 =	vmul.f32 v4, v3;
	v8 =	vcvt.s32.f32 v2;
	v2 =	vld [tilespmem:$0x1A010]  }
0x46: {  	v6 =	vor.u32 s25, v0;
	v9 =	vor.u32 s26, v0;
	v10 =	vadd.f32 v1, v1;
	v1 =	vld [tilespmem:$0x1A020]  }
0x47: {  	v9 =	vcvt.s32.f32 v9;
	v5 =	vadd.f32 $5.000000000e-01, v5;
	s28 =	simm.s32 $0x40;
	v4 =	vadd.f32 v4, v4  }
0x48: {  	v12 =	vcvt.s32.f32 v6;
	v13 =	vor.u32 s28, v0;
	s19 =	simm.s32 $0x1A050;
	v11 =	vadd.f32 $5.000000000e-01, v8  }
0x49: {  	v6 =	vmul.f32 v5, v3;
	v5 =	vadd.f32 v7, v7;
	v8 =	vadd.f32 $5.000000000e-01, v9;
	[tilespmem:s19+$0x0] =	vst v4  }
0x4a: {  	s5 =	simm.s32 $0x4;
	s6 =	simm.s32 $0x1A090;
	s21 =	simm.s32 $0x80;
	v7 =	vcvt.s32.f32 v13;
	v9 =	vadd.f32 $5.000000000e-01, v12;
	[tilespmem:s19+$0x10] =	vst v10;
	v4 =	vmul.f32 v11, v3  }
.LBB2_2:
0x4b: {  	s22 =	sadd.s32 $0x10, s21;
	s23 =	sadd.s32 $0x20, s21;
	s5 =	sadd.s32 $0x4, s5;
	v8 =	vmul.f32 v8, v3;
	v6 =	vadd.f32 v6, v6;
	[tilespmem:s19+$0xFFFFFFF0] =	vst v5  }
0x4c: {  	v5 =	vor.u32 s22, v0;
	v10 =	vor.u32 s23, v0;
	s22 =	sadd.s32 $0x30, s21;
	p0 =	slt.u32 s5, $0x3C;
	v9 =	vmul.f32 v9, v3  }
.Ltmp0:
0x4d: {  	v7 =	vadd.f32 $5.000000000e-01, v7;
	v5 =	vcvt.s32.f32 v5;
	v11 =	vor.u32 s22, v0;
	[tilespmem:s19+$0xFFFFFFE0] =	vst v6;
	s19 =	smov.u32 s6;
	(pc) =	sbr.rel @p0 .LBB2_2-.Ltmp0, $4  }
0x4e: {  	v12 =	vadd.f32 v8, v8;
	v11 =	vcvt.s32.f32 v11;
	v9 =	vadd.f32 v9, v9  }
0x4f: {  	v10 =	vcvt.s32.f32 v10;
	v6 =	vmul.f32 v7, v3;
	v13 =	vadd.f32 $5.000000000e-01, v5  }
0x50: {  	v7 =	vor.u32 s21, v0;
	v5 =	vadd.f32 v4, v4;
	v8 =	vadd.f32 $5.000000000e-01, v11;
	[tilespmem:s6+$0x0] =	vst v9  }
0x51: {  	s21 =	sadd.s32 $0x40, s21;
	v7 =	vcvt.s32.f32 v7;
	v9 =	vadd.f32 $5.000000000e-01, v10;
	s6 =	sadd.s32 $0x40, s6;
	v4 =	vmul.f32 v13, v3;
	[tilespmem:s19+$0x10] =	vst v12  }
0x52: {  	v8 =	vmul.f32 v8, v3;
	v6 =	vadd.f32 v6, v6;
	s5 =	simm.s32 $0x10  }
0x53: {  	s21 =	simm.s32 $0x30;
	s22 =	simm.s32 $0x20;
	s23 =	simm.s32 $0x0;
	v9 =	vmul.f32 v9, v3;
	v7 =	vadd.f32 $5.000000000e-01, v7;
	v10 =	vor.u32 s5, v0  }
0x54: {  	v11 =	vor.u32 s21, v0;
	v12 =	vor.u32 s22, v0;
	v62 =	vor.u32 s23, v0  }
0x55: {  	v4 =	vadd.f32 v4, v4;
	v10 =	vcvt.s32.f32 v10;
	v11 =	vcvt.s32.f32 v11  }
0x56: {  	[tilespmem:s19+$0xFFFFFFF0] =	vst v5;
	v8 =	vadd.f32 v8, v8;
	v5 =	vcvt.s32.f32 v62;
	v9 =	vadd.f32 v9, v9  }
0x57: {  	v3 =	vmul.f32 v7, v3;
	v7 =	vcvt.s32.f32 v12;
	v10 =	vadd.f32 $5.000000000e-01, v10  }
0x58: {  	s24 =	simm.s32 $0x50;
	[tilespmem:s19+$0xFFFFFFE0] =	vst v6;
	v11 =	vadd.f32 $5.000000000e-01, v11;
	v5 =	vadd.f32 $5.000000000e-01, v5  }
0x59: {  	v7 =	vadd.f32 $5.000000000e-01, v7;
	[tilespmem:s6+$0x0] =	vst v9;
	v9 =	vor.u32 s24, v0;
	v10 =	vmul.f32 v10, v2  }
0x5a: {  	s25 =	simm.s32 $0x60;
	s26 =	simm.s32 $0x70;
	[tilespmem:s6+$0x10] =	vst v8;
	v3 =	vadd.f32 v3, v3;
	v6 =	vmul.f32 v11, v2;
	v8 =	vcvt.s32.f32 v9  }
0x5b: {  	[tilespmem:s6+$0xFFFFFFF0] =	vst v4;
	v11 =	vor.u32 s25, v0;
	v9 =	vor.u32 s26, v0;
	v7 =	vmul.f32 v7, v2  }
0x5c: {  	v4 =	vcvt.s32.f32 v9;
	[tilespmem:s6+$0xFFFFFFE0] =	vst v3;
	v9 =	vadd.f32 v6, v6;
	v3 =	vadd.f32 $5.000000000e-01, v8  }
0x5d: {  	s28 =	simm.s32 $0x40;
	s5 =	simm.s32 $0x1A450;
	v8 =	vcvt.s32.f32 v11;
	v11 =	vmul.f32 v5, v2;
	v7 =	vadd.f32 v7, v7  }
0x5e: {  	v63 =	vor.u32 s28, v0;
	v5 =	vadd.f32 v10, v10;
	v6 =	vadd.f32 $5.000000000e-01, v4;
	[tilespmem:s5+$0x10] =	vst v9  }
0x5f: {  	s21 =	simm.s32 $0x80;
	s19 =	simm.s32 $0x4;
	s6 =	simm.s32 $0x1A490;
	v4 =	vcvt.s32.f32 v63;
	v8 =	vadd.f32 $5.000000000e-01, v8;
	[tilespmem:s5+$0x0] =	vst v7;
	v7 =	vadd.f32 v11, v11  }
.LBB2_4:
0x60: {  	s22 =	sadd.s32 $0x10, s21;
	s23 =	sadd.s32 $0x20, s21;
	s19 =	sadd.s32 $0x4, s19;
	v9 =	vmul.f32 v3, v2;
	v3 =	vmul.f32 v6, v2;
	[tilespmem:s5+$0xFFFFFFF0] =	vst v5  }
0x61: {  	v5 =	vor.u32 s22, v0;
	v6 =	vor.u32 s23, v0;
	s22 =	sadd.s32 $0x30, s21;
	p0 =	slt.u32 s19, $0x3C;
	v8 =	vmul.f32 v8, v2;
	[tilespmem:s5+$0xFFFFFFE0] =	vst v7;
	s5 =	smov.u32 s6  }
.Ltmp1:
0x62: {  	v4 =	vadd.f32 $5.000000000e-01, v4;
	v5 =	vcvt.s32.f32 v5;
	v7 =	vor.u32 s22, v0;
	(pc) =	sbr.rel @p0 .LBB2_4-.Ltmp1, $4  }
0x63: {  	v10 =	vadd.f32 v3, v3;
	v7 =	vcvt.s32.f32 v7;
	v8 =	vadd.f32 v8, v8  }
0x64: {  	v11 =	vcvt.s32.f32 v6;
	v12 =	vmul.f32 v4, v2;
	v3 =	vadd.f32 $5.000000000e-01, v5  }
0x65: {  	v4 =	vor.u32 s21, v0;
	v5 =	vadd.f32 v9, v9;
	v6 =	vadd.f32 $5.000000000e-01, v7;
	[tilespmem:s6+$0x0] =	vst v8  }
0x66: {  	s21 =	sadd.s32 $0x40, s21;
	v4 =	vcvt.s32.f32 v4;
	v8 =	vadd.f32 $5.000000000e-01, v11;
	v7 =	vadd.f32 v12, v12;
	s6 =	sadd.s32 $0x40, s6;
	[tilespmem:s5+$0x10] =	vst v10  }
0x67: {  	v6 =	vmul.f32 v6, v2  }
0x68: {  	v3 =	vmul.f32 v3, v2;
	v4 =	vadd.f32 $5.000000000e-01, v4  }
0x69: {  	[tilespmem:s5+$0xFFFFFFF0] =	vst v5;
	v8 =	vmul.f32 v8, v2;
	v6 =	vadd.f32 v6, v6  }
0x6a: {  	[tilespmem:s5+$0xFFFFFFE0] =	vst v7;
	v3 =	vadd.f32 v3, v3;
	v2 =	vmul.f32 v4, v2  }
0x6b: {  	v5 =	vadd.f32 v8, v8;
	[tilespmem:s6+$0x10] =	vst v6  }
0x6c: {  	[tilespmem:s6+$0xFFFFFFF0] =	vst v3;
	v2 =	vadd.f32 v2, v2  }
0x6d: {  	[tilespmem:s6+$0x0] =	vst v5  }
0x6e: {  	s9 =	simm.s32 $0x1;
	[tilespmem:s6+$0xFFFFFFE0] =	vst v2  }
0x6f: {  	_ =	swait.ge [sflag:s9], $0x10000  }
0x70: {  	[sflag:s9] =	ssyncset.done $0x0  }
0x71: {  	[sflag:s9] =	ssyncadd.s32 $0xFFFF0000  }
0x72: {  	_ =	swait.ge [sflag:s29], $0x1000  }
0x73: {  	[sflag:s29] =	ssyncset.done $0x0  }
0x74: {  	[sflag:s29] =	ssyncadd.s32 $0xFFFFF000  }
0x75: {  	_ =	swait.ge [sflag:s29], $0x1000  }
0x76: {  	s10 =	simm.s32 $0x0;
	s7 =	simm.s32 $0x11000;
	[sflag:s29] =	ssyncset.done $0x0  }
0x77: {  	s24 =	simm.s32 $0x13000;
	s22 =	rddreg [dreg:$0x7];
	[sflag:s29] =	ssyncadd.s32 $0xFFFFF000  }
0x78: {  	[tilespmem:s7], [sflag:$0x3] =	stream.linear.gather [hbm4b:s22+s10], $0x1000, $0x38;
	[tilespmem:$0x1A830] =	vst v63  }
0x79: {  	s25 =	simm.s32 $0x0;
	s19 =	simm.s32 $0x0;
	s23 =	rddreg [dreg:$0x8]  }
0x7a: {  	[tilespmem:s24], [sflag:$0x3] =	stream.linear.gather [hbm4b:s23+s10], $0x1000, $0x38;
	[tilespmem:$0x1A830] =	vst v63  }
0x7b: {  	s6 =	sand.u32 $0x7, s25;
	v5 =	vld [tilespmem:s19+$0x12030]  }
0x7c: {  	s6 =	sor.u32 s30, s6;
	v10 =	vld [tilespmem:s19+$0x10030]  }
0x7d: {  	v2 =	vmov s6;
	v3 =	vld [tilespmem:s19+$0x10000]  }
0x7e: {  	v2 =	vbroadcast v2, $0x0;
	v4 =	vld [tilespmem:s19+$0x10010]  }
0x7f: {  	v6 =	vld [tilespmem:s19+$0x10020]  }
0x80: {  	s21 =	simm.s32 $0x30;
	s26 =	sand.u32 $0x180, s10;
	v7 =	vld [tilespmem:s19+$0x12000]  }
0x81: {  	s21 =	sand.u32 $0x70, s21;
	s6 =	sor.u32 $0x1A030, s26;
	v8 =	vld [tilespmem:s19+$0x12010]  }
0x82: {  	s21 =	sadd.s32 s21, s6;
	v18 =	vld [tilespmem:s19+$0x12020]  }
0x83: {  	v11 =	vld [tilespmem:s21+$0x0]  }
0x84: {  	v2 =	vld.idx.msk [tilespmem:v2+s8+$0x0], $0xffff  }
0x85: {  	v14 =	vld.idx.msk [tilespmem:v5+s1+$0x0], $0xffff  }
0x86: {  	v9 =	vadd.s32 $0x4000, v10;
	v16 =	vld.idx.msk [tilespmem:v10+s1+$0x0], $0xffff  }
0x87: {  	v12 =	vadd.s32 $0x4000, v5;
	v13 =	vadd.s32 $0x4000, v3;
	v15 =	vadd.s32 $0x4000, v4;
	v22 =	vld.idx.msk [tilespmem:v6+s1+$0x0], $0xffff  }
0x88: {  	v20 =	vadd.s32 $0x4000, v7;
	v25 =	vadd.s32 $0x8000, v7;
	v29 =	vadd.s32 $0xC000, v7;
	v7 =	vld.idx.msk [tilespmem:v7+s1+$0x0], $0xffff  }
0x89: {  	v21 =	vadd.s32 $0x4000, v8;
	v27 =	vadd.s32 $0x8000, v8;
	v33 =	vadd.s32 $0xC000, v8;
	v8 =	vld.idx.msk [tilespmem:v8+s1+$0x0], $0xffff  }
0x8a: {  	v17 =	vadd.s32 $0x4000, v6;
	v34 =	vld.idx.msk [tilespmem:v18+s1+$0x0], $0xffff  }
0x8b: {  	v9 =	vld.idx.msk [tilespmem:v9+s1+$0x0], $0xffff  }
0x8c: {  	v12 =	vld.idx.msk [tilespmem:v12+s1+$0x0], $0xffff  }
0x8d: {  	v13 =	vld.idx.msk [tilespmem:v13+s1+$0x0], $0xffff  }
0x8e: {  	v15 =	vld.idx.msk [tilespmem:v15+s1+$0x0], $0xffff  }
0x8f: {  	v17 =	vld.idx.msk [tilespmem:v17+s1+$0x0], $0xffff;
	v11 =	vsub.f32 v11, v16  }
0x90: {  	v20 =	vld.idx.msk [tilespmem:v20+s1+$0x0], $0xffff;
	v19 =	vsub.f32 v2, v9  }
0x91: {  	s28 =	simm.s32 $0x10;
	v21 =	vld.idx.msk [tilespmem:v21+s1+$0x0], $0xffff;
	v16 =	vsub.f32 v16, v14;
	v11 =	vsub.f32 v11, v14  }
0x92: {  	s21 =	sand.u32 $0x50, s28;
	v23 =	vadd.s32 $0x4000, v18;
	v14 =	vld.idx.msk [tilespmem:v3+s1+$0x0], $0xffff;
	v9 =	vsub.f32 v9, v12;
	v12 =	vsub.f32 v19, v12  }
0x93: {  	s5 =	sand.u32 $0x40, s10;
	s22 =	simm.s32 $0x20;
	s21 =	sadd.s32 s21, s6;
	v24 =	vadd.s32 $0x8000, v3;
	v19 =	vld.idx.msk [tilespmem:v4+s1+$0x0], $0xffff  }
0x94: {  	s5 =	sor.u32 s5, s6;
	s22 =	sand.u32 $0x60, s22;
	v26 =	vadd.s32 $0x8000, v4;
	v11 =	vmul.f32 v11, v16;
	v16 =	vld [tilespmem:s21+$0x0];
	v9 =	vmul.f32 v12, v9  }
0x95: {  	s6 =	sadd.s32 s22, s6;
	v28 =	vadd.s32 $0x8000, v6;
	v30 =	vsub.f32 v2, v13;
	v12 =	vld [tilespmem:s5+$0x0]  }
0x96: {  	v32 =	vadd.s32 $0xC000, v4;
	v31 =	vsub.f32 v2, v15;
	v9 =	vadd.f32 v11, v9;
	v11 =	vld [tilespmem:s6+$0x0]  }
0x97: {  	s22 =	simm.s32 $0x8;
	v35 =	vadd.s32 $0x8000, v18;
	v23 =	vld.idx.msk [tilespmem:v23+s1+$0x0], $0xffff;
	v2 =	vsub.f32 v2, v17;
	v13 =	vsub.f32 v13, v20  }
0x98: {  	s25 =	simm.s32 $0x60;
	s9 =	sand.u32 $0x180, s22;
	v24 =	vld.idx.msk [tilespmem:v24+s1+$0x0], $0xffff;
	v15 =	vsub.f32 v15, v21;
	v20 =	vsub.f32 v30, v20;
	v9 =	vmul.f32 v9, v1  }
0x99: {  	s25 =	sand.u32 $0x60, s25;
	s10 =	sor.u32 $0x1A030, s9;
	v26 =	vld.idx.msk [tilespmem:v26+s1+$0x0], $0xffff;
	v3 =	vadd.s32 $0xC000, v3;
	v21 =	vsub.f32 v31, v21;
	v16 =	vsub.f32 v16, v19  }
0x9a: {  	s6 =	sadd.s32 s25, s10;
	v12 =	vsub.f32 v12, v14;
	v4 =	vsub.f32 $0.0e+00, v9;
	v9 =	vld.idx.msk [tilespmem:v25+s1+$0x0], $0xffff;
	v25 =	vadd.s32 $0xC000, v6  }
0x9b: {  	v53 =	vld [tilespmem:s6+$0x0];
	v6 =	vsub.f32 v14, v7;
	v14 =	vmul.f32 v21, v15;
	v11 =	vsub.f32 v11, v22  }
0x9c: {  	s21 =	simm.s32 $0x40;
	v15 =	vld.idx.msk [tilespmem:v28+s1+$0x0], $0xffff;
	v7 =	vsub.f32 v12, v7;
	v12 =	vmul.f32 v20, v13;
	v13 =	vsub.f32 v19, v8  }
0x9d: {  	v8 =	vsub.f32 v16, v8;
	v16 =	vsub.f32 v22, v34;
	v22 =	vld [tilespmem:s21+$0x12000];
	v4 =	vmul.f32 $1.442695020e+00, v4  }
0x9e: {  	v17 =	vsub.f32 v17, v23;
	v2 =	vsub.f32 v2, v23;
	v6 =	vmul.f32 v7, v6;
	v7 =	vld.idx.msk [tilespmem:v35+s1+$0x0], $0xffff  }
0x9f: {  	v8 =	vmul.f32 v8, v13;
	v13 =	vadd.s32 $0xC000, v18;
	v18 =	vld.idx.msk [tilespmem:v3+s1+$0x0], $0xffff;
	(erf) = vpow2.f32 v4  }
0xa0: {  	v19 =	vsub.f32 v11, v34;
	v11 =	vld.idx.msk [tilespmem:v29+s1+$0x0], $0xffff  }
0xa1: {  	v2 =	vmul.f32 v2, v17;
	v4 =	vld.idx.msk [tilespmem:v27+s1+$0x0], $0xffff;
	v3 =	vadd.f32 v12, v6  }
0xa2: {  	v12 =	vmul.f32 v19, v16;
	v8 =	vadd.f32 v8, v14;
	v14 =	vld.idx.msk [tilespmem:v32+s1+$0x0], $0xffff;
	v19 =	vadd.s32 $0x8000, v5  }
0xa3: {  	v6 =	vld.idx.msk [tilespmem:v33+s1+$0x0], $0xffff;
	v5 =	vadd.s32 $0xC000, v5  }
0xa4: {  	v17 =	vld.idx.msk [tilespmem:v25+s1+$0x0], $0xffff;
	v2 =	vadd.f32 v12, v2  }
0xa5: {  	v23 =	vsub.bf16 v24, v9;
	v24 =	vld [tilespmem:s21+$0x12010];
	v12 =	vadd.s32 $0x8000, v10  }
0xa6: {  	v3 =	vmul.f32 v3, v1;
	v10 =	vadd.s32 $0xC000, v10;
	v21 =	vmul.f32 v2, v1;
	v2 =	vld [tilespmem:s21+$0x12030]  }
0xa7: {  	v16 =	vmul.f32 v8, v1;
	v19 =	vld.idx.msk [tilespmem:v19+s1+$0x0], $0xffff  }
0xa8: {  	v3 =	vsub.f32 $0.0e+00, v3;
	v40 =	vld.idx.msk [tilespmem:v5+s1+$0x0], $0xffff;
	v8 =	vpop (erf)  }
0xa9: {  	v20 =	vadd.f32 $1.000000000e+00, v8;
	v8 =	vld.idx.msk [tilespmem:v13+s1+$0x0], $0xffff;
	v13 =	vsub.f32 $0.0e+00, v16  }
0xaa: {  	v12 =	vld.idx.msk [tilespmem:v12+s1+$0x0], $0xffff;
	v16 =	vmul.f32 $1.442695020e+00, v3  }
0xab: {  	s7 =	simm.s32 $0x0;
	v38 =	vld.idx.msk [tilespmem:v10+s1+$0x0], $0xffff;
	(erf) = vrcp.f32 v20;
	v20 =	vsub.f32 $0.0e+00, v21;
	v13 =	vmul.f32 $1.442695020e+00, v13  }
0xac: {  	s5 =	sand.u32 $0x7, s7;
	v3 =	vld [tilespmem:s21+$0x10030];
	v54 =	vadd.s32 $0x4000, v2;
	(erf) = vpow2.f32 v16  }
0xad: {  	s23 =	simm.s32 $0x70;
	s5 =	sor.u32 s30, s5;
	v21 =	vld [tilespmem:s21+$0x10010];
	v20 =	vmul.f32 $1.442695020e+00, v20;
	(erf) = vpow2.f32 v13  }
0xae: {  	s26 =	sand.u32 $0x70, s23;
	v16 =	vmov s5;
	v56 =	vld.idx.msk [tilespmem:v2+s1+$0x0], $0xffff  }
0xaf: {  	s5 =	sadd.s32 s26, s10;
	v13 =	vld [tilespmem:s21+$0x10000];
	v16 =	vbroadcast v16, $0x0;
	(erf) = vpow2.f32 v20  }
0xb0: {  	s28 =	simm.s32 $0x50;
	v27 =	vld [tilespmem:s5+$0x0]  }
0xb1: {  	v61 =	vadd.s32 $0x4000, v22;
	s5 =	sand.u32 $0x50, s28;
	v25 =	vadd.s32 $0x4000, v3;
	v29 =	vld.idx.msk [tilespmem:v54+s1+$0x0], $0xffff  }
0xb2: {  	v63 =	vadd.s32 $0x8000, v22;
	v15 =	vsub.bf16 v15, v7;
	v18 =	vsub.f32 v18, v11;
	s5 =	sadd.s32 s5, s10;
	v20 =	vld [tilespmem:s21+$0x10020]  }
0xb3: {  	v26 =	vsub.bf16 v26, v4;
	v14 =	vsub.f32 v14, v6;
	v51 =	vld [tilespmem:s5+$0x0];
	v58 =	vadd.s32 $0x4000, v21  }
0xb4: {  	v39 =	vadd.s32 $0x4000, v24;
	v12 =	vsub.bf16 v12, v19;
	v59 =	vld.idx.msk [tilespmem:v3+s1+$0x0], $0xffff;
	v55 =	vadd.s32 $0x4000, v13;
	v28 =	vpop (erf)  }
0xb5: {  	v45 =	vadd.s32 $0xC000, v24;
	v38 =	vsub.f32 v38, v40;
	v17 =	vsub.f32 v17, v8;
	v16 =	vld.idx.msk [tilespmem:v16+s8+$0x0], $0xffff;
	v57 =	vpop (erf)  }
0xb6: {  	v5 =	vadd.s32 $0x8000, v21;
	v44 =	vadd.s32 $0xC000, v21;
	v25 =	vld.idx.msk [tilespmem:v25+s1+$0x0], $0xffff;
	v32 =	vadd.f32 $1.000000000e+00, v57;
	v60 =	vpop (erf)  }
0xb7: {  	v21 =	vld.idx.msk [tilespmem:v21+s1+$0x0], $0xffff;
	v37 =	vadd.s32 $0x4000, v20;
	v36 =	vpack.i.f32.bf16 v28, v28;
	v35 =	vadd.f32 $1.000000000e+00, v60  }
0xb8: {  	v62 =	vadd.s32 $0x8000, v13;
	v33 =	vld.idx.msk [tilespmem:v58+s1+$0x0], $0xffff;
	v12 =	vmul.bf16 v36, v12;
	v10 =	vpop (erf);
	(erf) = vrcp.f32 v32  }
0xb9: {  	v31 =	vadd.s32 $0x8000, v20;
	v30 =	vld.idx.msk [tilespmem:v55+s1+$0x0], $0xffff;
	v10 =	vadd.f32 $1.000000000e+00, v10;
	(erf) = vrcp.f32 v35  }
0xba: {  	v47 =	vadd.s32 $0xC000, v20;
	v34 =	vsub.f32 v59, v56;
	v20 =	vld.idx.msk [tilespmem:v20+s1+$0x0], $0xffff;
	v12 =	vadd.bf16 v19, v12  }
0xbb: {  	v19 =	vld [tilespmem:s21+$0x12020];
	v42 =	vsub.f32 v16, v25;
	(erf) = vrcp.f32 v10;
	v10 =	vsub.f32 v27, v59  }
0xbc: {  	v43 =	vadd.s32 $0xC000, v13;
	v25 =	vsub.f32 v25, v29;
	v60 =	vsub.f32 v51, v21;
	v37 =	vld.idx.msk [tilespmem:v37+s1+$0x0], $0xffff  }
0xbd: {  	v41 =	vand.u32 $0xFFFF0000, v12;
	v29 =	vsub.f32 v42, v29;
	v10 =	vsub.f32 v10, v56  }
0xbe: {  	v46 =	vld.idx.msk [tilespmem:v13+s1+$0x0], $0xffff;
	v42 =	vadd.s32 $0xC000, v22;
	v12 =	vshll.u32 v12, $0x10;
	v58 =	vsub.f32 v16, v33  }
0xbf: {  	s23 =	simm.s32 $0x40;
	v36 =	vld.idx.msk [tilespmem:v61+s1+$0x0], $0xffff;
	v27 =	vadd.s32 $0x8000, v24;
	v25 =	vmul.f32 v29, v25;
	v13 =	vmul.f32 v10, v34  }
0xc0: {  	s24 =	sand.u32 $0x40, s23;
	v52 =	vsub.f32 v16, v30;
	v61 =	vsub.f32 v53, v20;
	v56 =	vadd.s32 $0x4000, v19  }
0xc1: {  	s24 =	sor.u32 s24, s10;
	v57 =	vadd.s32 $0x8000, v19;
	v16 =	vsub.f32 v16, v37;
	v48 =	vpop (erf);
	v13 =	vadd.f32 v13, v25  }
0xc2: {  	v49 =	vld [tilespmem:s24+$0x0];
	v10 =	vadd.s32 $0xC000, v19;
	v25 =	vpack.i.f32.bf16 v48, v48;
	v50 =	vpop (erf);
	v18 =	vmul.f32 v48, v18  }
0xc3: {  	v39 =	vld.idx.msk [tilespmem:v39+s1+$0x0], $0xffff;
	v23 =	vmul.bf16 v25, v23;
	v25 =	vpack.i.f32.bf16 v50, v50;
	v13 =	vmul.f32 v13, v1  }
0xc4: {  	v22 =	vld.idx.msk [tilespmem:v22+s1+$0x0], $0xffff;
	v59 =	vmul.f32 v50, v14;
	v11 =	vadd.f32 v18, v11;
	v18 =	vsub.f32 v52, v36  }
0xc5: {  	v29 =	vld.idx.msk [tilespmem:v56+s1+$0x0], $0xffff;
	v25 =	vmul.bf16 v25, v26;
	v26 =	vpop (erf);
	v9 =	vadd.bf16 v9, v23;
	v13 =	vsub.f32 $0.0e+00, v13  }
0xc6: {  	v24 =	vld.idx.msk [tilespmem:v24+s1+$0x0], $0xffff;
	v23 =	vpack.i.f32.bf16 v26, v26;
	v17 =	vmul.f32 v26, v17;
	v26 =	vmul.f32 v28, v38  }
0xc7: {  	v15 =	vmul.bf16 v23, v15;
	v14 =	vmul.f32 $1.442695020e+00, v13;
	v13 =	vadd.bf16 v4, v25;
	v4 =	vld.idx.msk [tilespmem:v19+s1+$0x0], $0xffff  }
0xc8: {  	[tilespmem:s19+$0x14030] =	vst v12;
	v23 =	vsub.f32 v49, v46;
	v19 =	vshll.u32 v9, $0x10;
	v25 =	vld.idx.msk [tilespmem:v62+s1+$0x0], $0xffff;
	v62 =	vsub.f32 v58, v39  }
0xc9: {  	[tilespmem:s19+$0x16000] =	vst v11;
	v12 =	vadd.bf16 v7, v15;
	v15 =	vsub.f32 v30, v36;
	(erf) = vpow2.f32 v14  }
0xca: {  	v11 =	vsub.f32 v37, v29;
	[tilespmem:s19+$0x14000] =	vst v19;
	v7 =	vld.idx.msk [tilespmem:v63+s1+$0x0], $0xffff;
	v19 =	vsub.f32 v33, v39  }
0xcb: {  	[tilespmem:s19+$0x15030] =	vst v41;
	v63 =	vand.u32 $0xFFFF0000, v9;
	v14 =	vld.idx.msk [tilespmem:v5+s1+$0x0], $0xffff;
	v9 =	vmul.f32 v18, v15;
	v15 =	vsub.f32 v16, v29  }
0xcc: {  	v5 =	vld.idx.msk [tilespmem:v27+s1+$0x0], $0xffff;
	v16 =	vsub.f32 v46, v22;
	v18 =	vsub.f32 v23, v22;
	v22 =	vmul.f32 v62, v19  }
0xcd: {  	v19 =	vsub.f32 v21, v24;
	v21 =	vsub.f32 v60, v24;
	v11 =	vmul.f32 v15, v11;
	v15 =	vld.idx.msk [tilespmem:v31+s1+$0x0], $0xffff  }
0xce: {  	v18 =	vmul.f32 v18, v16;
	v20 =	vsub.f32 v20, v4;
	v23 =	vsub.f32 v61, v4;
	v4 =	vld.idx.msk [tilespmem:v57+s1+$0x0], $0xffff  }
0xcf: {  	v27 =	vadd.f32 v59, v6;
	v16 =	vld.idx.msk [tilespmem:v43+s1+$0x0], $0xffff;
	v21 =	vmul.f32 v21, v19;
	v19 =	vadd.f32 v17, v8  }
0xd0: {  	v8 =	vld.idx.msk [tilespmem:v42+s1+$0x0], $0xffff;
	v6 =	vadd.f32 v9, v18;
	v9 =	vsub.bf16 v25, v7;
	v18 =	vmul.f32 v23, v20  }
0xd1: {  	[tilespmem:s19+$0x15000] =	vst v63;
	v24 =	vshll.u32 v13, $0x10;
	v17 =	vld.idx.msk [tilespmem:v44+s1+$0x0], $0xffff;
	v22 =	vadd.f32 v21, v22;
	v20 =	vadd.f32 v26, v40  }
0xd2: {  	[tilespmem:s19+$0x14010] =	vst v24;
	v21 =	vadd.s32 $0x8000, v3;
	v23 =	vmul.f32 v6, v1;
	v6 =	vld.idx.msk [tilespmem:v45+s1+$0x0], $0xffff;
	v11 =	vadd.f32 v18, v11;
	v25 =	vpop (erf)  }
0xd3: {  	s6 =	simm.s32 $0x4;
	s26 =	simm.s32 $0x200;
	[tilespmem:s19+$0x16010] =	vst v27;
	v24 =	vmul.f32 v22, v1;
	v18 =	vld.idx.msk [tilespmem:v47+s1+$0x0], $0xffff;
	v22 =	vadd.s32 $0x8000, v2;
	v25 =	vadd.f32 $1.000000000e+00, v25  }
.LBB2_6:
0xd4: {  	s6 =	sadd.s32 $0x4, s6;
	s25 =	sshra.s32 s26, $0x2;
	v23 =	vsub.f32 $0.0e+00, v23;
	v14 =	vsub.bf16 v14, v5;
	v26 =	vmul.f32 v11, v1;
	v11 =	vld.idx.msk [tilespmem:v10+s1+$0x0], $0xffff;
	[tilespmem:s19+$0x16020] =	vst v19  }
0xd5: {  	v15 =	vsub.bf16 v15, v4;
	s5 =	sshrl.u32 s6, $0x3;
	v10 =	vld [tilespmem:s25+$0x12030];
	v19 =	vsub.f32 $0.0e+00, v24;
	(erf) = vrcp.f32 v25;
	[tilespmem:s19+$0x16030] =	vst v20  }
0xd6: {  	v16 =	vsub.f32 v16, v8;
	s5 =	sand.u32 $0x7, s5;
	v20 =	vld [tilespmem:s25+$0x10030];
	v23 =	vmul.f32 $1.442695020e+00, v23;
	v24 =	vsub.f32 $0.0e+00, v26  }
0xd7: {  	v13 =	vand.u32 $0xFFFF0000, v13;
	p0 =	slt.u32 s6, $0xFC;
	v25 =	vshll.u32 v12, $0x10;
	s5 =	sor.u32 s30, s5;
	v19 =	vmul.f32 $1.442695020e+00, v19;
	v21 =	vld.idx.msk [tilespmem:v21+s1+$0x0], $0xffff  }
0xd8: {  	v26 =	vmov s5;
	v24 =	vmul.f32 $1.442695020e+00, v24;
	v22 =	vld.idx.msk [tilespmem:v22+s1+$0x0], $0xffff;
	(erf) = vpow2.f32 v23;
	[tilespmem:s19+$0x15010] =	vst v13  }
0xd9: {  	v13 =	vsub.f32 v17, v6;
	v23 =	vld [tilespmem:s25+$0x10000];
	v26 =	vbroadcast v26, $0x0;
	(erf) = vpow2.f32 v19;
	[tilespmem:s19+$0x14020] =	vst v25  }
0xda: {  	s22 =	sadd.s32 $0x8, s22;
	s23 =	sadd.s32 $0x40, s23;
	v12 =	vand.u32 $0xFFFF0000, v12;
	v17 =	vsub.f32 v18, v11;
	v19 =	vld [tilespmem:s25+$0x10010];
	(erf) = vpow2.f32 v24  }
0xdb: {  	s24 =	sadd.s32 $0x10, s23;
	s28 =	sadd.s32 $0x30, s23;
	s5 =	sand.u32 $0x180, s22;
	v24 =	vld [tilespmem:s25+$0x10020];
	[tilespmem:s19+$0x15020] =	vst v12  }
0xdc: {  	s28 =	sand.u32 $0x70, s28;
	s5 =	sor.u32 $0x1A030, s5;
	s19 =	sadd.s32 $0x20, s23;
	v12 =	vld [tilespmem:s25+$0x12000]  }
0xdd: {  	s24 =	sand.u32 $0x50, s24;
	s7 =	sadd.s32 s28, s5;
	v18 =	vadd.s32 $0x4000, v20;
	s19 =	sand.u32 $0x60, s19;
	v25 =	vld [tilespmem:s25+$0x12010]  }
0xde: {  	v29 =	vadd.s32 $0xC000, v3;
	s9 =	sand.u32 $0x40, s23;
	s24 =	sadd.s32 s24, s5;
	s28 =	sadd.s32 s19, s5;
	v21 =	vsub.bf16 v21, v22;
	v27 =	vadd.s32 $0x4000, v23;
	v28 =	vld [tilespmem:s7+$0x0];
	v30 =	vpop (erf)  }
0xdf: {  	v32 =	vadd.s32 $0x4000, v10;
	v3 =	vmovc v20;
	s5 =	sor.u32 s9, s5;
	s19 =	smov.u32 s21;
	s21 =	smov.u32 s25;
	v26 =	vld.idx.msk [tilespmem:v26+s8+$0x0], $0xffff;
	v31 =	vadd.s32 $0x4000, v19;
	v33 =	vpack.i.f32.bf16 v30, v30  }
0xe0: {  	v36 =	vadd.s32 $0xC000, v2;
	v2 =	vmovc v10;
	v34 =	vadd.s32 $0x4000, v24;
	v35 =	vld.idx.msk [tilespmem:v10+s1+$0x0], $0xffff;
	v41 =	vmul.bf16 v33, v21  }
0xe1: {  	v37 =	vadd.s32 $0x8000, v23;
	v33 =	vadd.s32 $0x4000, v12;
	v38 =	vadd.s32 $0x8000, v12;
	v10 =	vld.idx.msk [tilespmem:v20+s1+$0x0], $0xffff;
	v20 =	vpop (erf)  }
0xe2: {  	v39 =	vadd.s32 $0x4000, v25;
	v40 =	vld.idx.msk [tilespmem:v18+s1+$0x0], $0xffff;
	v18 =	vadd.f32 $1.000000000e+00, v20;
	v20 =	vadd.bf16 v22, v41;
	v21 =	vpop (erf)  }
0xe3: {  	v22 =	vadd.s32 $0x8000, v19;
	v41 =	vadd.s32 $0x8000, v25;
	v21 =	vadd.f32 $1.000000000e+00, v21;
	v29 =	vld.idx.msk [tilespmem:v29+s1+$0x0], $0xffff;
	v42 =	vpop (erf)  }
0xe4: {  	v32 =	vld.idx.msk [tilespmem:v32+s1+$0x0], $0xffff;
	v42 =	vadd.f32 $1.000000000e+00, v42;
	v43 =	vand.u32 $0xFFFF0000, v20;
	(erf) = vrcp.f32 v18  }
0xe5: {  	v44 =	vadd.s32 $0xC000, v23;
	v45 =	vadd.s32 $0x8000, v24;
	v18 =	vld.idx.msk [tilespmem:v36+s1+$0x0], $0xffff;
	[tilespmem:s19+$0x15030] =	vst v43;
	(erf) = vrcp.f32 v21  }
0xe6: {  	v21 =	vadd.s32 $0xC000, v12;
	v36 =	vadd.s32 $0xC000, v19;
	v43 =	vld [tilespmem:s21+$0x12020];
	(erf) = vrcp.f32 v42  }
0xe7: {  	v46 =	vadd.s32 $0xC000, v24;
	v42 =	vadd.s32 $0xC000, v25;
	v28 =	vsub.f32 v28, v10;
	v27 =	vld.idx.msk [tilespmem:v27+s1+$0x0], $0xffff  }
0xe8: {  	v20 =	vshll.u32 v20, $0x10;
	v47 =	vsub.f32 v26, v40;
	v31 =	vld.idx.msk [tilespmem:v31+s1+$0x0], $0xffff  }
0xe9: {  	v48 =	vsub.f32 v10, v35;
	v28 =	vsub.f32 v28, v35;
	v34 =	vld.idx.msk [tilespmem:v34+s1+$0x0], $0xffff;
	[tilespmem:s19+$0x14030] =	vst v20  }
0xea: {  	v20 =	vld.idx.msk [tilespmem:v23+s1+$0x0], $0xffff;
	v23 =	vsub.f32 v40, v32;
	v32 =	vsub.f32 v47, v32  }
0xeb: {  	v19 =	vld.idx.msk [tilespmem:v19+s1+$0x0], $0xffff;
	v35 =	vadd.s32 $0x4000, v43;
	v40 =	vadd.s32 $0x8000, v43;
	v10 =	vadd.s32 $0xC000, v43  }
0xec: {  	v28 =	vmul.f32 v28, v48;
	v29 =	vsub.f32 v29, v18;
	v24 =	vld.idx.msk [tilespmem:v24+s1+$0x0], $0xffff;
	v23 =	vmul.f32 v32, v23  }
0xed: {  	v47 =	vsub.f32 v26, v27;
	v32 =	vld [tilespmem:s5+$0x0];
	v48 =	vpop (erf)  }
0xee: {  	v50 =	vsub.f32 v26, v31;
	v49 =	vld [tilespmem:s24+$0x0];
	v23 =	vadd.f32 v28, v23;
	v28 =	vpack.i.f32.bf16 v48, v48;
	v51 =	vpop (erf)  }
0xef: {  	v26 =	vsub.f32 v26, v34;
	v52 =	vld [tilespmem:s28+$0x0];
	v9 =	vmul.bf16 v28, v9;
	v28 =	vpack.i.f32.bf16 v51, v51;
	v53 =	vpop (erf)  }
0xf0: {  	v33 =	vld.idx.msk [tilespmem:v33+s1+$0x0], $0xffff;
	v23 =	vmul.f32 v23, v1;
	v14 =	vmul.bf16 v28, v14;
	v28 =	vpack.i.f32.bf16 v53, v53  }
0xf1: {  	v39 =	vld.idx.msk [tilespmem:v39+s1+$0x0], $0xffff;
	v9 =	vadd.bf16 v7, v9;
	v7 =	vmul.f32 v48, v16;
	v15 =	vmul.bf16 v28, v15  }
0xf2: {  	v16 =	vsub.f32 v32, v20;
	v28 =	vld.idx.msk [tilespmem:v35+s1+$0x0], $0xffff;
	v23 =	vsub.f32 $0.0e+00, v23;
	v32 =	vmul.f32 v51, v13  }
0xf3: {  	v29 =	vmul.f32 v30, v29;
	v17 =	vmul.f32 v53, v17;
	v35 =	vld.idx.msk [tilespmem:v12+s1+$0x0], $0xffff;
	v48 =	vsub.f32 v49, v19  }
0xf4: {  	v13 =	vadd.bf16 v5, v14;
	v25 =	vld.idx.msk [tilespmem:v25+s1+$0x0], $0xffff;
	v30 =	vsub.f32 v52, v24;
	v23 =	vmul.f32 $1.442695020e+00, v23  }
0xf5: {  	v5 =	vshll.u32 v9, $0x10;
	v8 =	vadd.f32 v7, v8;
	v12 =	vadd.bf16 v4, v15;
	v43 =	vld.idx.msk [tilespmem:v43+s1+$0x0], $0xffff  }
0xf6: {  	v4 =	vsub.f32 v27, v33;
	v14 =	vsub.f32 v47, v33;
	v27 =	vld.idx.msk [tilespmem:v37+s1+$0x0], $0xffff;
	(erf) = vpow2.f32 v23;
	[tilespmem:s19+$0x14000] =	vst v5  }
0xf7: {  	v5 =	vsub.f32 v31, v39;
	v15 =	vsub.f32 v50, v39;
	v23 =	vand.u32 $0xFFFF0000, v9;
	v7 =	vld.idx.msk [tilespmem:v38+s1+$0x0], $0xffff;
	[tilespmem:s19+$0x16000] =	vst v8  }
0xf8: {  	v8 =	vmul.f32 v14, v4;
	v4 =	vsub.f32 v34, v28;
	v9 =	vsub.f32 v26, v28;
	v14 =	vld.idx.msk [tilespmem:v22+s1+$0x0], $0xffff  }
0xf9: {  	v20 =	vsub.f32 v20, v35;
	v16 =	vsub.f32 v16, v35;
	v22 =	vmul.f32 v15, v5;
	v5 =	vld.idx.msk [tilespmem:v41+s1+$0x0], $0xffff  }
0xfa: {  	v19 =	vsub.f32 v19, v25;
	v25 =	vsub.f32 v48, v25;
	v26 =	vmul.f32 v9, v4;
	v15 =	vld.idx.msk [tilespmem:v45+s1+$0x0], $0xffff  }
0xfb: {  	v9 =	vmul.f32 v16, v20;
	v20 =	vsub.f32 v24, v43;
	v24 =	vsub.f32 v30, v43;
	v4 =	vld.idx.msk [tilespmem:v40+s1+$0x0], $0xffff  }
.Ltmp2:
0xfc: {  	v28 =	vadd.f32 v32, v6;
	v30 =	vmul.f32 v25, v19;
	v19 =	vadd.f32 v17, v11;
	v16 =	vld.idx.msk [tilespmem:v44+s1+$0x0], $0xffff;
	(pc) =	sbr.rel @p0 .LBB2_6-.Ltmp2, $4  }
0xfd: {  	v6 =	vadd.f32 v8, v9;
	v9 =	vsub.bf16 v27, v7;
	v11 =	vmul.f32 v24, v20;
	v8 =	vld.idx.msk [tilespmem:v21+s1+$0x0], $0xffff  }
0xfe: {  	v24 =	vshll.u32 v13, $0x10;
	v20 =	vadd.f32 v29, v18;
	v22 =	vadd.f32 v30, v22;
	v17 =	vld.idx.msk [tilespmem:v36+s1+$0x0], $0xffff;
	[tilespmem:s19+$0x15000] =	vst v23  }
0xff: {  	v21 =	vadd.s32 $0x8000, v3;
	v23 =	vmul.f32 v6, v1;
	v11 =	vadd.f32 v11, v26;
	v6 =	vld.idx.msk [tilespmem:v42+s1+$0x0], $0xffff;
	v25 =	vpop (erf);
	[tilespmem:s19+$0x14010] =	vst v24  }
0x100: {  	s26 =	sadd.s32 $0x100, s26;
	v24 =	vmul.f32 v22, v1;
	v22 =	vadd.s32 $0x8000, v2;
	v18 =	vld.idx.msk [tilespmem:v46+s1+$0x0], $0xffff;
	v25 =	vadd.f32 $1.000000000e+00, v25;
	[tilespmem:s19+$0x16010] =	vst v28  }
0x101: {  	v23 =	vsub.f32 $0.0e+00, v23;
	_ =	sdelay $0x1  }
0x102: {  	v23 =	vmul.f32 $1.442695020e+00, v23  }
0x103: {  	v24 =	vsub.f32 $0.0e+00, v24;
	(erf) = vrcp.f32 v25  }
0x104: {  	v11 =	vmul.f32 v11, v1;
	(erf) = vpow2.f32 v23  }
0x105: {  	v23 =	vmul.f32 $1.442695020e+00, v24  }
0x106: {  	v11 =	vsub.f32 $0.0e+00, v11  }
0x107: {  	(erf) = vpow2.f32 v23  }
0x108: {  	v11 =	vmul.f32 $1.442695020e+00, v11;
	_ =	sdelay $0x1  }
0x109: {  	v3 =	vadd.s32 $0xC000, v3  }
0x10a: {  	v2 =	vadd.s32 $0xC000, v2  }
0x10b: {  	(erf) = vpow2.f32 v11;
	v11 =	vpop (erf)  }
0x10c: {  	v23 =	vpop (erf)  }
0x10d: {  	v21 =	vld.idx.msk [tilespmem:v21+s1+$0x0], $0xffff;
	v23 =	vadd.f32 $1.000000000e+00, v23  }
0x10e: {  	v3 =	vld.idx.msk [tilespmem:v3+s1+$0x0], $0xffff  }
0x10f: {  	v2 =	vld.idx.msk [tilespmem:v2+s1+$0x0], $0xffff;
	v24 =	vpop (erf);
	(erf) = vrcp.f32 v23  }
0x110: {  	v22 =	vld.idx.msk [tilespmem:v22+s1+$0x0], $0xffff;
	v23 =	vadd.f32 $1.000000000e+00, v24;
	_ =	sdelay $0x3  }
0x111: {  	v3 =	vsub.f32 v3, v2;
	(erf) = vrcp.f32 v23;
	v23 =	vpop (erf)  }
0x112: {  	v21 =	vsub.bf16 v21, v22;
	v23 =	vadd.f32 $1.000000000e+00, v23  }
0x113: {  	v3 =	vmul.f32 v11, v3;
	v24 =	vpack.i.f32.bf16 v11, v11  }
0x114: {  	v21 =	vmul.bf16 v24, v21;
	(erf) = vrcp.f32 v23  }
0x115: {  	[tilespmem:s19+$0x16020] =	vst v19;
	v13 =	vand.u32 $0xFFFF0000, v13;
	v19 =	vpop (erf)  }
0x116: {  	[tilespmem:s19+$0x16030] =	vst v20;
	v2 =	vadd.f32 v3, v2;
	v20 =	vadd.bf16 v22, v21;
	v21 =	vpack.i.f32.bf16 v19, v19  }
0x117: {  	v16 =	vsub.f32 v16, v8;
	[tilespmem:s19+$0x15010] =	vst v13;
	v9 =	vmul.bf16 v21, v9  }
0x118: {  	v14 =	vsub.bf16 v14, v5;
	v10 =	vld.idx.msk [tilespmem:v10+s1+$0x0], $0xffff;
	[tilespmem:s21+$0x16030] =	vst v2;
	v22 =	vshll.u32 v12, $0x10  }
0x119: {  	v12 =	vand.u32 $0xFFFF0000, v12;
	[tilespmem:s19+$0x14020] =	vst v22;
	v7 =	vadd.bf16 v7, v9;
	v9 =	vmul.f32 v19, v16  }
0x11a: {  	v13 =	vsub.bf16 v15, v4;
	[tilespmem:s19+$0x15020] =	vst v12;
	v15 =	vand.u32 $0xFFFF0000, v20;
	v21 =	vpop (erf);
	v16 =	vsub.f32 v17, v6  }
0x11b: {  	[tilespmem:s21+$0x15030] =	vst v15;
	v15 =	vshll.u32 v20, $0x10;
	v12 =	vpack.i.f32.bf16 v21, v21  }
0x11c: {  	[tilespmem:s21+$0x14030] =	vst v15;
	v12 =	vmul.bf16 v12, v14;
	v15 =	vshll.u32 v7, $0x10;
	v16 =	vmul.f32 v21, v16  }
0x11d: {  	v14 =	vsub.f32 v18, v10;
	v8 =	vadd.f32 v9, v8;
	v7 =	vand.u32 $0xFFFF0000, v7;
	[tilespmem:s21+$0x14000] =	vst v15;
	v9 =	vpop (erf)  }
0x11e: {  	[tilespmem:s21+$0x15000] =	vst v7;
	v5 =	vadd.bf16 v5, v12;
	v6 =	vadd.f32 v16, v6;
	v12 =	vpack.i.f32.bf16 v9, v9  }
0x11f: {  	[tilespmem:s21+$0x16000] =	vst v8;
	v9 =	vmul.f32 v9, v14;
	v8 =	vmul.bf16 v12, v13  }
0x120: {  	v7 =	vshll.u32 v5, $0x10;
	[tilespmem:s21+$0x16010] =	vst v6  }
0x121: {  	v2 =	vand.u32 $0xFFFF0000, v5;
	v9 =	vadd.f32 v9, v10;
	[tilespmem:s21+$0x14010] =	vst v7;
	v3 =	vadd.bf16 v4, v8  }
0x122: {  	[tilespmem:s21+$0x15010] =	vst v2  }
0x123: {  	[tilespmem:s21+$0x16020] =	vst v9;
	v4 =	vshll.u32 v3, $0x10  }
0x124: {  	v2 =	vand.u32 $0xFFFF0000, v3;
	[tilespmem:s21+$0x14020] =	vst v4  }
0x125: {  	[tilespmem:s21+$0x15020] =	vst v2  }
0x126: {  	s6 =	rddreg [dreg:$0x9]  }
0x127: {  	s5 =	simm.s32 $0x0;
	s7 =	simm.s32 $0x14000;
	s26 =	sld [smem:$0x7EE]  }
0x128: {  	[hbm4b:s6+s5] =	stream.linear.scatter [tilespmem:s7], [sflag:$0x4], $0x1000, $0x38;
	[tilespmem:$0x1A830] =	vst v63  }
0x129: {  	s28 =	simm.s32 $0x15000;
	s9 =	sld [smem:$0x7EF]  }
0x12a: {  	[hbm4b:s26+s5] =	stream.linear.scatter [tilespmem:s28], [sflag:$0x4], $0x1000, $0x38;
	[tilespmem:$0x1A830] =	vst v63  }
0x12b: {  	_ = 	snop  }
0x12c: {  	[hbm4b:s9+s5] =	stream.linear.scatter [tilespmem:s11], [sflag:$0x4], $0x1000, $0x38;
	[tilespmem:$0x1A830] =	vst v63  }
0x12d: {  	_ =	swait.ge [sflag:s12], $0x1000  }
0x12e: {  	[sflag:s12] =	ssyncset.done $0x0  }
0x12f: {  	[sflag:s12] =	ssyncadd.s32 $0xFFFFF000  }
0x130: {  	_ =	swait.ge [sflag:s12], $0x1000  }
0x131: {  	s22 =	simm.s32 $0x12000;
	[sflag:s12] =	ssyncset.done $0x0  }
0x132: {  	s19 =	simm.s32 $0x10000;
	s10 =	rddreg [dreg:$0xa];
	[sflag:s12] =	ssyncadd.s32 $0xFFFFF000  }
0x133: {  	[tilespmem:s19], [sflag:$0x2] =	stream.linear.gather [hbm4b:s10+s5], $0x1000, $0x38;
	[tilespmem:$0x1A830] =	vst v63  }
0x134: {  	s23 =	simm.s32 $0x0;
	s21 =	rddreg [dreg:$0xb];
	s19 =	simm.s32 $0x0  }
0x135: {  	[tilespmem:s22], [sflag:$0x2] =	stream.linear.gather [hbm4b:s21+s5], $0x1000, $0x38;
	[tilespmem:$0x1A830] =	vst v63  }
0x136: {  	s6 =	sand.u32 $0x7, s23;
	v5 =	vld [tilespmem:s19+$0x13030]  }
0x137: {  	s6 =	sor.u32 s30, s6;
	v10 =	vld [tilespmem:s19+$0x11030]  }
0x138: {  	v2 =	vmov s6;
	v3 =	vld [tilespmem:s19+$0x11000]  }
0x139: {  	v2 =	vbroadcast v2, $0x0;
	v4 =	vld [tilespmem:s19+$0x11010]  }
0x13a: {  	v6 =	vld [tilespmem:s19+$0x11020]  }
0x13b: {  	s25 =	simm.s32 $0x30;
	s24 =	sand.u32 $0x180, s5;
	v7 =	vld [tilespmem:s19+$0x13000]  }
0x13c: {  	s7 =	sand.u32 $0x70, s25;
	s6 =	sor.u32 $0x1A230, s24;
	v8 =	vld [tilespmem:s19+$0x13010]  }
0x13d: {  	s7 =	sadd.s32 s7, s6;
	v18 =	vld [tilespmem:s19+$0x13020]  }
0x13e: {  	v11 =	vld [tilespmem:s7+$0x0]  }
0x13f: {  	v2 =	vld.idx.msk [tilespmem:v2+s8+$0x0], $0xffff  }
0x140: {  	v14 =	vld.idx.msk [tilespmem:v5+s1+$0x0], $0xffff  }
0x141: {  	v9 =	vadd.s32 $0x4000, v10;
	v16 =	vld.idx.msk [tilespmem:v10+s1+$0x0], $0xffff  }
0x142: {  	v12 =	vadd.s32 $0x4000, v5;
	v13 =	vadd.s32 $0x4000, v3;
	v15 =	vadd.s32 $0x4000, v4;
	v22 =	vld.idx.msk [tilespmem:v6+s1+$0x0], $0xffff  }
0x143: {  	v20 =	vadd.s32 $0x4000, v7;
	v25 =	vadd.s32 $0x8000, v7;
	v29 =	vadd.s32 $0xC000, v7;
	v7 =	vld.idx.msk [tilespmem:v7+s1+$0x0], $0xffff  }
0x144: {  	v21 =	vadd.s32 $0x4000, v8;
	v27 =	vadd.s32 $0x8000, v8;
	v33 =	vadd.s32 $0xC000, v8;
	v8 =	vld.idx.msk [tilespmem:v8+s1+$0x0], $0xffff  }
0x145: {  	v17 =	vadd.s32 $0x4000, v6;
	v34 =	vld.idx.msk [tilespmem:v18+s1+$0x0], $0xffff  }
0x146: {  	v9 =	vld.idx.msk [tilespmem:v9+s1+$0x0], $0xffff  }
0x147: {  	v12 =	vld.idx.msk [tilespmem:v12+s1+$0x0], $0xffff  }
0x148: {  	v13 =	vld.idx.msk [tilespmem:v13+s1+$0x0], $0xffff  }
0x149: {  	v15 =	vld.idx.msk [tilespmem:v15+s1+$0x0], $0xffff  }
0x14a: {  	v17 =	vld.idx.msk [tilespmem:v17+s1+$0x0], $0xffff;
	v11 =	vsub.f32 v11, v16  }
0x14b: {  	v20 =	vld.idx.msk [tilespmem:v20+s1+$0x0], $0xffff;
	v19 =	vsub.f32 v2, v9  }
0x14c: {  	s26 =	simm.s32 $0x10;
	v21 =	vld.idx.msk [tilespmem:v21+s1+$0x0], $0xffff;
	v16 =	vsub.f32 v16, v14;
	v11 =	vsub.f32 v11, v14  }
0x14d: {  	s7 =	sand.u32 $0x50, s26;
	v23 =	vadd.s32 $0x4000, v18;
	v14 =	vld.idx.msk [tilespmem:v3+s1+$0x0], $0xffff;
	v9 =	vsub.f32 v9, v12;
	v12 =	vsub.f32 v19, v12  }
0x14e: {  	s9 =	simm.s32 $0x20;
	s5 =	sand.u32 $0x40, s5;
	s7 =	sadd.s32 s7, s6;
	v24 =	vadd.s32 $0x8000, v3;
	v19 =	vld.idx.msk [tilespmem:v4+s1+$0x0], $0xffff  }
0x14f: {  	s9 =	sand.u32 $0x60, s9;
	s5 =	sor.u32 s5, s6;
	v26 =	vadd.s32 $0x8000, v4;
	v11 =	vmul.f32 v11, v16;
	v16 =	vld [tilespmem:s7+$0x0];
	v9 =	vmul.f32 v12, v9  }
0x150: {  	s28 =	sadd.s32 s9, s6;
	v28 =	vadd.s32 $0x8000, v6;
	v30 =	vsub.f32 v2, v13;
	v12 =	vld [tilespmem:s5+$0x0]  }
0x151: {  	v32 =	vadd.s32 $0xC000, v4;
	v31 =	vsub.f32 v2, v15;
	v9 =	vadd.f32 v11, v9;
	v11 =	vld [tilespmem:s28+$0x0]  }
0x152: {  	s9 =	simm.s32 $0x70;
	s22 =	simm.s32 $0x8;
	v35 =	vadd.s32 $0x8000, v18;
	v23 =	vld.idx.msk [tilespmem:v23+s1+$0x0], $0xffff;
	v2 =	vsub.f32 v2, v17;
	v13 =	vsub.f32 v13, v20  }
0x153: {  	s24 =	sand.u32 $0x70, s9;
	v24 =	vld.idx.msk [tilespmem:v24+s1+$0x0], $0xffff;
	v15 =	vsub.f32 v15, v21;
	v20 =	vsub.f32 v30, v20;
	s7 =	sand.u32 $0x180, s22;
	s28 =	simm.s32 $0x60;
	v9 =	vmul.f32 v9, v1  }
0x154: {  	s6 =	simm.s32 $0x0;
	v26 =	vld.idx.msk [tilespmem:v26+s1+$0x0], $0xffff;
	v3 =	vadd.s32 $0xC000, v3;
	v21 =	vsub.f32 v31, v21;
	s10 =	sor.u32 $0x1A230, s7;
	v16 =	vsub.f32 v16, v19;
	s9 =	sand.u32 $0x60, s28  }
0x155: {  	s5 =	sand.u32 $0x7, s6;
	s6 =	sadd.s32 s9, s10;
	v12 =	vsub.f32 v12, v14;
	v4 =	vsub.f32 $0.0e+00, v9;
	v9 =	vld.idx.msk [tilespmem:v25+s1+$0x0], $0xffff;
	v25 =	vadd.s32 $0xC000, v6  }
0x156: {  	v53 =	vld [tilespmem:s6+$0x0];
	v6 =	vsub.f32 v14, v7;
	v14 =	vmul.f32 v21, v15;
	v11 =	vsub.f32 v11, v22  }
0x157: {  	s21 =	simm.s32 $0x40;
	v15 =	vld.idx.msk [tilespmem:v28+s1+$0x0], $0xffff;
	v7 =	vsub.f32 v12, v7;
	v12 =	vmul.f32 v20, v13;
	v13 =	vsub.f32 v19, v8  }
0x158: {  	v8 =	vsub.f32 v16, v8;
	v16 =	vsub.f32 v22, v34;
	v22 =	vld [tilespmem:s21+$0x13000];
	v4 =	vmul.f32 $1.442695020e+00, v4  }
0x159: {  	v17 =	vsub.f32 v17, v23;
	v2 =	vsub.f32 v2, v23;
	v6 =	vmul.f32 v7, v6;
	v7 =	vld.idx.msk [tilespmem:v35+s1+$0x0], $0xffff  }
0x15a: {  	v8 =	vmul.f32 v8, v13;
	v13 =	vadd.s32 $0xC000, v18;
	v18 =	vld.idx.msk [tilespmem:v3+s1+$0x0], $0xffff;
	(erf) = vpow2.f32 v4  }
0x15b: {  	v19 =	vsub.f32 v11, v34;
	v11 =	vld.idx.msk [tilespmem:v29+s1+$0x0], $0xffff  }
0x15c: {  	v2 =	vmul.f32 v2, v17;
	v4 =	vld.idx.msk [tilespmem:v27+s1+$0x0], $0xffff;
	v3 =	vadd.f32 v12, v6  }
0x15d: {  	v12 =	vmul.f32 v19, v16;
	v8 =	vadd.f32 v8, v14;
	v14 =	vld.idx.msk [tilespmem:v32+s1+$0x0], $0xffff;
	v19 =	vadd.s32 $0x8000, v5  }
0x15e: {  	v6 =	vld.idx.msk [tilespmem:v33+s1+$0x0], $0xffff;
	v5 =	vadd.s32 $0xC000, v5  }
0x15f: {  	v17 =	vld.idx.msk [tilespmem:v25+s1+$0x0], $0xffff;
	v2 =	vadd.f32 v12, v2  }
0x160: {  	v23 =	vsub.bf16 v24, v9;
	v24 =	vld [tilespmem:s21+$0x13010];
	v12 =	vadd.s32 $0x8000, v10  }
0x161: {  	v3 =	vmul.f32 v3, v1;
	v10 =	vadd.s32 $0xC000, v10;
	v21 =	vmul.f32 v2, v1;
	v2 =	vld [tilespmem:s21+$0x13030]  }
0x162: {  	v16 =	vmul.f32 v8, v1;
	v19 =	vld.idx.msk [tilespmem:v19+s1+$0x0], $0xffff  }
0x163: {  	v3 =	vsub.f32 $0.0e+00, v3;
	v40 =	vld.idx.msk [tilespmem:v5+s1+$0x0], $0xffff;
	v8 =	vpop (erf)  }
0x164: {  	v20 =	vadd.f32 $1.000000000e+00, v8;
	v8 =	vld.idx.msk [tilespmem:v13+s1+$0x0], $0xffff;
	v13 =	vsub.f32 $0.0e+00, v16  }
0x165: {  	v12 =	vld.idx.msk [tilespmem:v12+s1+$0x0], $0xffff;
	v16 =	vmul.f32 $1.442695020e+00, v3  }
0x166: {  	v38 =	vld.idx.msk [tilespmem:v10+s1+$0x0], $0xffff;
	(erf) = vrcp.f32 v20;
	v20 =	vsub.f32 $0.0e+00, v21;
	v13 =	vmul.f32 $1.442695020e+00, v13  }
0x167: {  	v3 =	vld [tilespmem:s21+$0x11030];
	v54 =	vadd.s32 $0x4000, v2;
	(erf) = vpow2.f32 v16  }
0x168: {  	s5 =	sor.u32 s30, s5;
	v21 =	vld [tilespmem:s21+$0x11010];
	v20 =	vmul.f32 $1.442695020e+00, v20;
	(erf) = vpow2.f32 v13  }
0x169: {  	v16 =	vmov s5;
	v56 =	vld.idx.msk [tilespmem:v2+s1+$0x0], $0xffff  }
0x16a: {  	s5 =	sadd.s32 s24, s10;
	v13 =	vld [tilespmem:s21+$0x11000];
	v16 =	vbroadcast v16, $0x0;
	(erf) = vpow2.f32 v20  }
0x16b: {  	s25 =	simm.s32 $0x50;
	v27 =	vld [tilespmem:s5+$0x0]  }
0x16c: {  	v61 =	vadd.s32 $0x4000, v22;
	s5 =	sand.u32 $0x50, s25;
	v25 =	vadd.s32 $0x4000, v3;
	v29 =	vld.idx.msk [tilespmem:v54+s1+$0x0], $0xffff  }
0x16d: {  	v63 =	vadd.s32 $0x8000, v22;
	v15 =	vsub.bf16 v15, v7;
	v18 =	vsub.f32 v18, v11;
	s5 =	sadd.s32 s5, s10;
	v20 =	vld [tilespmem:s21+$0x11020]  }
0x16e: {  	v26 =	vsub.bf16 v26, v4;
	v14 =	vsub.f32 v14, v6;
	v51 =	vld [tilespmem:s5+$0x0];
	v58 =	vadd.s32 $0x4000, v21  }
0x16f: {  	v39 =	vadd.s32 $0x4000, v24;
	v12 =	vsub.bf16 v12, v19;
	v59 =	vld.idx.msk [tilespmem:v3+s1+$0x0], $0xffff;
	v55 =	vadd.s32 $0x4000, v13;
	v28 =	vpop (erf)  }
0x170: {  	v45 =	vadd.s32 $0xC000, v24;
	v38 =	vsub.f32 v38, v40;
	v17 =	vsub.f32 v17, v8;
	v16 =	vld.idx.msk [tilespmem:v16+s8+$0x0], $0xffff;
	v57 =	vpop (erf)  }
0x171: {  	v5 =	vadd.s32 $0x8000, v21;
	v44 =	vadd.s32 $0xC000, v21;
	v25 =	vld.idx.msk [tilespmem:v25+s1+$0x0], $0xffff;
	v32 =	vadd.f32 $1.000000000e+00, v57;
	v60 =	vpop (erf)  }
0x172: {  	v21 =	vld.idx.msk [tilespmem:v21+s1+$0x0], $0xffff;
	v37 =	vadd.s32 $0x4000, v20;
	v36 =	vpack.i.f32.bf16 v28, v28;
	v35 =	vadd.f32 $1.000000000e+00, v60  }
0x173: {  	v62 =	vadd.s32 $0x8000, v13;
	v33 =	vld.idx.msk [tilespmem:v58+s1+$0x0], $0xffff;
	v12 =	vmul.bf16 v36, v12;
	v10 =	vpop (erf);
	(erf) = vrcp.f32 v32  }
0x174: {  	v31 =	vadd.s32 $0x8000, v20;
	v30 =	vld.idx.msk [tilespmem:v55+s1+$0x0], $0xffff;
	v10 =	vadd.f32 $1.000000000e+00, v10;
	(erf) = vrcp.f32 v35  }
0x175: {  	v47 =	vadd.s32 $0xC000, v20;
	v34 =	vsub.f32 v59, v56;
	v20 =	vld.idx.msk [tilespmem:v20+s1+$0x0], $0xffff;
	v12 =	vadd.bf16 v19, v12  }
0x176: {  	v19 =	vld [tilespmem:s21+$0x13020];
	v42 =	vsub.f32 v16, v25;
	(erf) = vrcp.f32 v10;
	v10 =	vsub.f32 v27, v59  }
0x177: {  	v43 =	vadd.s32 $0xC000, v13;
	v25 =	vsub.f32 v25, v29;
	v60 =	vsub.f32 v51, v21;
	v37 =	vld.idx.msk [tilespmem:v37+s1+$0x0], $0xffff  }
0x178: {  	v41 =	vand.u32 $0xFFFF0000, v12;
	v29 =	vsub.f32 v42, v29;
	v10 =	vsub.f32 v10, v56  }
0x179: {  	v46 =	vld.idx.msk [tilespmem:v13+s1+$0x0], $0xffff;
	v42 =	vadd.s32 $0xC000, v22;
	v12 =	vshll.u32 v12, $0x10;
	v58 =	vsub.f32 v16, v33  }
0x17a: {  	s23 =	simm.s32 $0x40;
	v36 =	vld.idx.msk [tilespmem:v61+s1+$0x0], $0xffff;
	v27 =	vadd.s32 $0x8000, v24;
	v25 =	vmul.f32 v29, v25;
	v13 =	vmul.f32 v10, v34  }
0x17b: {  	s26 =	sand.u32 $0x40, s23;
	v52 =	vsub.f32 v16, v30;
	v61 =	vsub.f32 v53, v20;
	v56 =	vadd.s32 $0x4000, v19  }
0x17c: {  	s7 =	sor.u32 s26, s10;
	v57 =	vadd.s32 $0x8000, v19;
	v16 =	vsub.f32 v16, v37;
	v48 =	vpop (erf);
	v13 =	vadd.f32 v13, v25  }
0x17d: {  	v49 =	vld [tilespmem:s7+$0x0];
	v10 =	vadd.s32 $0xC000, v19;
	v25 =	vpack.i.f32.bf16 v48, v48;
	v50 =	vpop (erf);
	v18 =	vmul.f32 v48, v18  }
0x17e: {  	v39 =	vld.idx.msk [tilespmem:v39+s1+$0x0], $0xffff;
	v23 =	vmul.bf16 v25, v23;
	v25 =	vpack.i.f32.bf16 v50, v50;
	v13 =	vmul.f32 v13, v1  }
0x17f: {  	v22 =	vld.idx.msk [tilespmem:v22+s1+$0x0], $0xffff;
	v59 =	vmul.f32 v50, v14;
	v11 =	vadd.f32 v18, v11;
	v18 =	vsub.f32 v52, v36  }
0x180: {  	v29 =	vld.idx.msk [tilespmem:v56+s1+$0x0], $0xffff;
	v25 =	vmul.bf16 v25, v26;
	v26 =	vpop (erf);
	v9 =	vadd.bf16 v9, v23;
	v13 =	vsub.f32 $0.0e+00, v13  }
0x181: {  	v24 =	vld.idx.msk [tilespmem:v24+s1+$0x0], $0xffff;
	v23 =	vpack.i.f32.bf16 v26, v26;
	v17 =	vmul.f32 v26, v17;
	v26 =	vmul.f32 v28, v38  }
0x182: {  	v15 =	vmul.bf16 v23, v15;
	v14 =	vmul.f32 $1.442695020e+00, v13;
	v13 =	vadd.bf16 v4, v25;
	v4 =	vld.idx.msk [tilespmem:v19+s1+$0x0], $0xffff  }
0x183: {  	[tilespmem:s19+$0x17030] =	vst v12;
	v23 =	vsub.f32 v49, v46;
	v19 =	vshll.u32 v9, $0x10;
	v25 =	vld.idx.msk [tilespmem:v62+s1+$0x0], $0xffff;
	v62 =	vsub.f32 v58, v39  }
0x184: {  	[tilespmem:s19+$0x19000] =	vst v11;
	v12 =	vadd.bf16 v7, v15;
	v15 =	vsub.f32 v30, v36;
	(erf) = vpow2.f32 v14  }
0x185: {  	v11 =	vsub.f32 v37, v29;
	[tilespmem:s19+$0x17000] =	vst v19;
	v7 =	vld.idx.msk [tilespmem:v63+s1+$0x0], $0xffff;
	v19 =	vsub.f32 v33, v39  }
0x186: {  	[tilespmem:s19+$0x18030] =	vst v41;
	v63 =	vand.u32 $0xFFFF0000, v9;
	v14 =	vld.idx.msk [tilespmem:v5+s1+$0x0], $0xffff;
	v9 =	vmul.f32 v18, v15;
	v15 =	vsub.f32 v16, v29  }
0x187: {  	v5 =	vld.idx.msk [tilespmem:v27+s1+$0x0], $0xffff;
	v16 =	vsub.f32 v46, v22;
	v18 =	vsub.f32 v23, v22;
	v22 =	vmul.f32 v62, v19  }
0x188: {  	v19 =	vsub.f32 v21, v24;
	v21 =	vsub.f32 v60, v24;
	v11 =	vmul.f32 v15, v11;
	v15 =	vld.idx.msk [tilespmem:v31+s1+$0x0], $0xffff  }
0x189: {  	v18 =	vmul.f32 v18, v16;
	v20 =	vsub.f32 v20, v4;
	v23 =	vsub.f32 v61, v4;
	v4 =	vld.idx.msk [tilespmem:v57+s1+$0x0], $0xffff  }
0x18a: {  	v27 =	vadd.f32 v59, v6;
	v16 =	vld.idx.msk [tilespmem:v43+s1+$0x0], $0xffff;
	v21 =	vmul.f32 v21, v19;
	v19 =	vadd.f32 v17, v8  }
0x18b: {  	v8 =	vld.idx.msk [tilespmem:v42+s1+$0x0], $0xffff;
	v6 =	vadd.f32 v9, v18;
	v9 =	vsub.bf16 v25, v7;
	v18 =	vmul.f32 v23, v20  }
0x18c: {  	[tilespmem:s19+$0x18000] =	vst v63;
	v24 =	vshll.u32 v13, $0x10;
	v17 =	vld.idx.msk [tilespmem:v44+s1+$0x0], $0xffff;
	v22 =	vadd.f32 v21, v22;
	v20 =	vadd.f32 v26, v40  }
0x18d: {  	[tilespmem:s19+$0x17010] =	vst v24;
	v21 =	vadd.s32 $0x8000, v3;
	v23 =	vmul.f32 v6, v1;
	v6 =	vld.idx.msk [tilespmem:v45+s1+$0x0], $0xffff;
	v11 =	vadd.f32 v18, v11;
	v25 =	vpop (erf)  }
0x18e: {  	s26 =	simm.s32 $0x200;
	s6 =	simm.s32 $0x4;
	[tilespmem:s19+$0x19010] =	vst v27;
	v24 =	vmul.f32 v22, v1;
	v18 =	vld.idx.msk [tilespmem:v47+s1+$0x0], $0xffff;
	v22 =	vadd.s32 $0x8000, v2;
	v25 =	vadd.f32 $1.000000000e+00, v25  }
.LBB2_8:
0x18f: {  	s6 =	sadd.s32 $0x4, s6;
	s25 =	sshra.s32 s26, $0x2;
	v23 =	vsub.f32 $0.0e+00, v23;
	v14 =	vsub.bf16 v14, v5;
	v26 =	vmul.f32 v11, v1;
	v11 =	vld.idx.msk [tilespmem:v10+s1+$0x0], $0xffff;
	[tilespmem:s19+$0x19020] =	vst v19  }
0x190: {  	v15 =	vsub.bf16 v15, v4;
	s5 =	sshrl.u32 s6, $0x3;
	v10 =	vld [tilespmem:s25+$0x13030];
	v19 =	vsub.f32 $0.0e+00, v24;
	(erf) = vrcp.f32 v25;
	[tilespmem:s19+$0x19030] =	vst v20  }
0x191: {  	v16 =	vsub.f32 v16, v8;
	s5 =	sand.u32 $0x7, s5;
	v20 =	vld [tilespmem:s25+$0x11030];
	v23 =	vmul.f32 $1.442695020e+00, v23;
	v24 =	vsub.f32 $0.0e+00, v26  }
0x192: {  	v13 =	vand.u32 $0xFFFF0000, v13;
	p0 =	slt.u32 s6, $0xFC;
	v25 =	vshll.u32 v12, $0x10;
	s5 =	sor.u32 s30, s5;
	v19 =	vmul.f32 $1.442695020e+00, v19;
	v21 =	vld.idx.msk [tilespmem:v21+s1+$0x0], $0xffff  }
0x193: {  	v26 =	vmov s5;
	v24 =	vmul.f32 $1.442695020e+00, v24;
	v22 =	vld.idx.msk [tilespmem:v22+s1+$0x0], $0xffff;
	(erf) = vpow2.f32 v23;
	[tilespmem:s19+$0x18010] =	vst v13  }
0x194: {  	v13 =	vsub.f32 v17, v6;
	v23 =	vld [tilespmem:s25+$0x11000];
	v26 =	vbroadcast v26, $0x0;
	(erf) = vpow2.f32 v19;
	[tilespmem:s19+$0x17020] =	vst v25  }
0x195: {  	s22 =	sadd.s32 $0x8, s22;
	s23 =	sadd.s32 $0x40, s23;
	v12 =	vand.u32 $0xFFFF0000, v12;
	v17 =	vsub.f32 v18, v11;
	v19 =	vld [tilespmem:s25+$0x11010];
	(erf) = vpow2.f32 v24  }
0x196: {  	s7 =	sadd.s32 $0x10, s23;
	s9 =	sadd.s32 $0x30, s23;
	s5 =	sand.u32 $0x180, s22;
	v24 =	vld [tilespmem:s25+$0x11020];
	[tilespmem:s19+$0x18020] =	vst v12  }
0x197: {  	s9 =	sand.u32 $0x70, s9;
	s5 =	sor.u32 $0x1A230, s5;
	s19 =	sadd.s32 $0x20, s23;
	v12 =	vld [tilespmem:s25+$0x13000]  }
0x198: {  	s7 =	sand.u32 $0x50, s7;
	s9 =	sadd.s32 s9, s5;
	v18 =	vadd.s32 $0x4000, v20;
	s19 =	sand.u32 $0x60, s19;
	v25 =	vld [tilespmem:s25+$0x13010]  }
0x199: {  	v29 =	vadd.s32 $0xC000, v3;
	s10 =	sand.u32 $0x40, s23;
	s24 =	sadd.s32 s7, s5;
	s28 =	sadd.s32 s19, s5;
	v21 =	vsub.bf16 v21, v22;
	v27 =	vadd.s32 $0x4000, v23;
	v28 =	vld [tilespmem:s9+$0x0];
	v30 =	vpop (erf)  }
0x19a: {  	v32 =	vadd.s32 $0x4000, v10;
	v3 =	vmovc v20;
	s5 =	sor.u32 s10, s5;
	s19 =	smov.u32 s21;
	s21 =	smov.u32 s25;
	v26 =	vld.idx.msk [tilespmem:v26+s8+$0x0], $0xffff;
	v31 =	vadd.s32 $0x4000, v19;
	v33 =	vpack.i.f32.bf16 v30, v30  }
0x19b: {  	v36 =	vadd.s32 $0xC000, v2;
	v2 =	vmovc v10;
	v34 =	vadd.s32 $0x4000, v24;
	v35 =	vld.idx.msk [tilespmem:v10+s1+$0x0], $0xffff;
	v41 =	vmul.bf16 v33, v21  }
0x19c: {  	v37 =	vadd.s32 $0x8000, v23;
	v33 =	vadd.s32 $0x4000, v12;
	v38 =	vadd.s32 $0x8000, v12;
	v10 =	vld.idx.msk [tilespmem:v20+s1+$0x0], $0xffff;
	v20 =	vpop (erf)  }
0x19d: {  	v39 =	vadd.s32 $0x4000, v25;
	v40 =	vld.idx.msk [tilespmem:v18+s1+$0x0], $0xffff;
	v18 =	vadd.f32 $1.000000000e+00, v20;
	v20 =	vadd.bf16 v22, v41;
	v21 =	vpop (erf)  }
0x19e: {  	v22 =	vadd.s32 $0x8000, v19;
	v41 =	vadd.s32 $0x8000, v25;
	v21 =	vadd.f32 $1.000000000e+00, v21;
	v29 =	vld.idx.msk [tilespmem:v29+s1+$0x0], $0xffff;
	v42 =	vpop (erf)  }
0x19f: {  	v32 =	vld.idx.msk [tilespmem:v32+s1+$0x0], $0xffff;
	v42 =	vadd.f32 $1.000000000e+00, v42;
	v43 =	vand.u32 $0xFFFF0000, v20;
	(erf) = vrcp.f32 v18  }
0x1a0: {  	v44 =	vadd.s32 $0xC000, v23;
	v45 =	vadd.s32 $0x8000, v24;
	v18 =	vld.idx.msk [tilespmem:v36+s1+$0x0], $0xffff;
	[tilespmem:s19+$0x18030] =	vst v43;
	(erf) = vrcp.f32 v21  }
0x1a1: {  	v21 =	vadd.s32 $0xC000, v12;
	v36 =	vadd.s32 $0xC000, v19;
	v43 =	vld [tilespmem:s21+$0x13020];
	(erf) = vrcp.f32 v42  }
0x1a2: {  	v46 =	vadd.s32 $0xC000, v24;
	v42 =	vadd.s32 $0xC000, v25;
	v28 =	vsub.f32 v28, v10;
	v27 =	vld.idx.msk [tilespmem:v27+s1+$0x0], $0xffff  }
0x1a3: {  	v20 =	vshll.u32 v20, $0x10;
	v47 =	vsub.f32 v26, v40;
	v31 =	vld.idx.msk [tilespmem:v31+s1+$0x0], $0xffff  }
0x1a4: {  	v48 =	vsub.f32 v10, v35;
	v28 =	vsub.f32 v28, v35;
	v34 =	vld.idx.msk [tilespmem:v34+s1+$0x0], $0xffff;
	[tilespmem:s19+$0x17030] =	vst v20  }
0x1a5: {  	v20 =	vld.idx.msk [tilespmem:v23+s1+$0x0], $0xffff;
	v23 =	vsub.f32 v40, v32;
	v32 =	vsub.f32 v47, v32  }
0x1a6: {  	v19 =	vld.idx.msk [tilespmem:v19+s1+$0x0], $0xffff;
	v35 =	vadd.s32 $0x4000, v43;
	v40 =	vadd.s32 $0x8000, v43;
	v10 =	vadd.s32 $0xC000, v43  }
0x1a7: {  	v28 =	vmul.f32 v28, v48;
	v29 =	vsub.f32 v29, v18;
	v24 =	vld.idx.msk [tilespmem:v24+s1+$0x0], $0xffff;
	v23 =	vmul.f32 v32, v23  }
0x1a8: {  	v47 =	vsub.f32 v26, v27;
	v32 =	vld [tilespmem:s5+$0x0];
	v48 =	vpop (erf)  }
0x1a9: {  	v50 =	vsub.f32 v26, v31;
	v49 =	vld [tilespmem:s24+$0x0];
	v23 =	vadd.f32 v28, v23;
	v28 =	vpack.i.f32.bf16 v48, v48;
	v51 =	vpop (erf)  }
0x1aa: {  	v26 =	vsub.f32 v26, v34;
	v52 =	vld [tilespmem:s28+$0x0];
	v9 =	vmul.bf16 v28, v9;
	v28 =	vpack.i.f32.bf16 v51, v51;
	v53 =	vpop (erf)  }
0x1ab: {  	v33 =	vld.idx.msk [tilespmem:v33+s1+$0x0], $0xffff;
	v23 =	vmul.f32 v23, v1;
	v14 =	vmul.bf16 v28, v14;
	v28 =	vpack.i.f32.bf16 v53, v53  }
0x1ac: {  	v39 =	vld.idx.msk [tilespmem:v39+s1+$0x0], $0xffff;
	v9 =	vadd.bf16 v7, v9;
	v7 =	vmul.f32 v48, v16;
	v15 =	vmul.bf16 v28, v15  }
0x1ad: {  	v16 =	vsub.f32 v32, v20;
	v28 =	vld.idx.msk [tilespmem:v35+s1+$0x0], $0xffff;
	v23 =	vsub.f32 $0.0e+00, v23;
	v32 =	vmul.f32 v51, v13  }
0x1ae: {  	v29 =	vmul.f32 v30, v29;
	v17 =	vmul.f32 v53, v17;
	v35 =	vld.idx.msk [tilespmem:v12+s1+$0x0], $0xffff;
	v48 =	vsub.f32 v49, v19  }
0x1af: {  	v13 =	vadd.bf16 v5, v14;
	v25 =	vld.idx.msk [tilespmem:v25+s1+$0x0], $0xffff;
	v30 =	vsub.f32 v52, v24;
	v23 =	vmul.f32 $1.442695020e+00, v23  }
0x1b0: {  	v5 =	vshll.u32 v9, $0x10;
	v8 =	vadd.f32 v7, v8;
	v12 =	vadd.bf16 v4, v15;
	v43 =	vld.idx.msk [tilespmem:v43+s1+$0x0], $0xffff  }
0x1b1: {  	v4 =	vsub.f32 v27, v33;
	v14 =	vsub.f32 v47, v33;
	v27 =	vld.idx.msk [tilespmem:v37+s1+$0x0], $0xffff;
	(erf) = vpow2.f32 v23;
	[tilespmem:s19+$0x17000] =	vst v5  }
0x1b2: {  	v5 =	vsub.f32 v31, v39;
	v15 =	vsub.f32 v50, v39;
	v23 =	vand.u32 $0xFFFF0000, v9;
	v7 =	vld.idx.msk [tilespmem:v38+s1+$0x0], $0xffff;
	[tilespmem:s19+$0x19000] =	vst v8  }
0x1b3: {  	v8 =	vmul.f32 v14, v4;
	v4 =	vsub.f32 v34, v28;
	v9 =	vsub.f32 v26, v28;
	v14 =	vld.idx.msk [tilespmem:v22+s1+$0x0], $0xffff  }
0x1b4: {  	v20 =	vsub.f32 v20, v35;
	v16 =	vsub.f32 v16, v35;
	v22 =	vmul.f32 v15, v5;
	v5 =	vld.idx.msk [tilespmem:v41+s1+$0x0], $0xffff  }
0x1b5: {  	v19 =	vsub.f32 v19, v25;
	v25 =	vsub.f32 v48, v25;
	v26 =	vmul.f32 v9, v4;
	v15 =	vld.idx.msk [tilespmem:v45+s1+$0x0], $0xffff  }
0x1b6: {  	v9 =	vmul.f32 v16, v20;
	v20 =	vsub.f32 v24, v43;
	v24 =	vsub.f32 v30, v43;
	v4 =	vld.idx.msk [tilespmem:v40+s1+$0x0], $0xffff  }
.Ltmp3:
0x1b7: {  	v28 =	vadd.f32 v32, v6;
	v30 =	vmul.f32 v25, v19;
	v19 =	vadd.f32 v17, v11;
	v16 =	vld.idx.msk [tilespmem:v44+s1+$0x0], $0xffff;
	(pc) =	sbr.rel @p0 .LBB2_8-.Ltmp3, $4  }
0x1b8: {  	v6 =	vadd.f32 v8, v9;
	v9 =	vsub.bf16 v27, v7;
	v11 =	vmul.f32 v24, v20;
	v8 =	vld.idx.msk [tilespmem:v21+s1+$0x0], $0xffff  }
0x1b9: {  	v24 =	vshll.u32 v13, $0x10;
	v20 =	vadd.f32 v29, v18;
	v22 =	vadd.f32 v30, v22;
	v17 =	vld.idx.msk [tilespmem:v36+s1+$0x0], $0xffff;
	[tilespmem:s19+$0x18000] =	vst v23  }
0x1ba: {  	v21 =	vadd.s32 $0x8000, v3;
	v23 =	vmul.f32 v6, v1;
	v11 =	vadd.f32 v11, v26;
	v6 =	vld.idx.msk [tilespmem:v42+s1+$0x0], $0xffff;
	v25 =	vpop (erf);
	[tilespmem:s19+$0x17010] =	vst v24  }
0x1bb: {  	s26 =	sadd.s32 $0x100, s26;
	v24 =	vmul.f32 v22, v1;
	v22 =	vadd.s32 $0x8000, v2;
	v18 =	vld.idx.msk [tilespmem:v46+s1+$0x0], $0xffff;
	v25 =	vadd.f32 $1.000000000e+00, v25;
	[tilespmem:s19+$0x19010] =	vst v28  }
0x1bc: {  	v23 =	vsub.f32 $0.0e+00, v23;
	_ =	sdelay $0x1  }
0x1bd: {  	v23 =	vmul.f32 $1.442695020e+00, v23  }
0x1be: {  	v24 =	vsub.f32 $0.0e+00, v24;
	(erf) = vrcp.f32 v25  }
0x1bf: {  	v11 =	vmul.f32 v11, v1;
	(erf) = vpow2.f32 v23  }
0x1c0: {  	v23 =	vmul.f32 $1.442695020e+00, v24  }
0x1c1: {  	v11 =	vsub.f32 $0.0e+00, v11  }
0x1c2: {  	(erf) = vpow2.f32 v23  }
0x1c3: {  	v11 =	vmul.f32 $1.442695020e+00, v11;
	_ =	sdelay $0x1  }
0x1c4: {  	v3 =	vadd.s32 $0xC000, v3  }
0x1c5: {  	v2 =	vadd.s32 $0xC000, v2  }
0x1c6: {  	(erf) = vpow2.f32 v11;
	v11 =	vpop (erf)  }
0x1c7: {  	v23 =	vpop (erf)  }
0x1c8: {  	v21 =	vld.idx.msk [tilespmem:v21+s1+$0x0], $0xffff;
	v23 =	vadd.f32 $1.000000000e+00, v23  }
0x1c9: {  	v3 =	vld.idx.msk [tilespmem:v3+s1+$0x0], $0xffff  }
0x1ca: {  	v2 =	vld.idx.msk [tilespmem:v2+s1+$0x0], $0xffff;
	v24 =	vpop (erf);
	(erf) = vrcp.f32 v23  }
0x1cb: {  	v22 =	vld.idx.msk [tilespmem:v22+s1+$0x0], $0xffff;
	v23 =	vadd.f32 $1.000000000e+00, v24;
	_ =	sdelay $0x3  }
0x1cc: {  	v3 =	vsub.f32 v3, v2;
	(erf) = vrcp.f32 v23;
	v23 =	vpop (erf)  }
0x1cd: {  	v21 =	vsub.bf16 v21, v22;
	v23 =	vadd.f32 $1.000000000e+00, v23  }
0x1ce: {  	v3 =	vmul.f32 v11, v3;
	v24 =	vpack.i.f32.bf16 v11, v11  }
0x1cf: {  	v21 =	vmul.bf16 v24, v21;
	(erf) = vrcp.f32 v23  }
0x1d0: {  	[tilespmem:s19+$0x19020] =	vst v19;
	v13 =	vand.u32 $0xFFFF0000, v13;
	v19 =	vpop (erf)  }
0x1d1: {  	[tilespmem:s19+$0x19030] =	vst v20;
	v2 =	vadd.f32 v3, v2;
	v20 =	vadd.bf16 v22, v21;
	v21 =	vpack.i.f32.bf16 v19, v19  }
0x1d2: {  	v16 =	vsub.f32 v16, v8;
	[tilespmem:s19+$0x18010] =	vst v13;
	v9 =	vmul.bf16 v21, v9  }
0x1d3: {  	v14 =	vsub.bf16 v14, v5;
	v10 =	vld.idx.msk [tilespmem:v10+s1+$0x0], $0xffff;
	[tilespmem:s21+$0x19030] =	vst v2;
	v22 =	vshll.u32 v12, $0x10  }
0x1d4: {  	v12 =	vand.u32 $0xFFFF0000, v12;
	[tilespmem:s19+$0x17020] =	vst v22;
	v7 =	vadd.bf16 v7, v9;
	v9 =	vmul.f32 v19, v16  }
0x1d5: {  	v13 =	vsub.bf16 v15, v4;
	[tilespmem:s19+$0x18020] =	vst v12;
	v15 =	vand.u32 $0xFFFF0000, v20;
	v21 =	vpop (erf);
	v16 =	vsub.f32 v17, v6  }
0x1d6: {  	[tilespmem:s21+$0x18030] =	vst v15;
	v15 =	vshll.u32 v20, $0x10;
	v12 =	vpack.i.f32.bf16 v21, v21  }
0x1d7: {  	[tilespmem:s21+$0x17030] =	vst v15;
	v12 =	vmul.bf16 v12, v14;
	v15 =	vshll.u32 v7, $0x10;
	v16 =	vmul.f32 v21, v16  }
0x1d8: {  	v14 =	vsub.f32 v18, v10;
	v8 =	vadd.f32 v9, v8;
	v7 =	vand.u32 $0xFFFF0000, v7;
	[tilespmem:s21+$0x17000] =	vst v15;
	v9 =	vpop (erf)  }
0x1d9: {  	[tilespmem:s21+$0x18000] =	vst v7;
	v5 =	vadd.bf16 v5, v12;
	v6 =	vadd.f32 v16, v6;
	v12 =	vpack.i.f32.bf16 v9, v9  }
0x1da: {  	[tilespmem:s21+$0x19000] =	vst v8;
	v9 =	vmul.f32 v9, v14;
	v8 =	vmul.bf16 v12, v13  }
0x1db: {  	v7 =	vshll.u32 v5, $0x10;
	[tilespmem:s21+$0x19010] =	vst v6  }
0x1dc: {  	v2 =	vand.u32 $0xFFFF0000, v5;
	v9 =	vadd.f32 v9, v10;
	[tilespmem:s21+$0x17010] =	vst v7;
	v3 =	vadd.bf16 v4, v8  }
0x1dd: {  	[tilespmem:s21+$0x18010] =	vst v2  }
0x1de: {  	[tilespmem:s21+$0x19020] =	vst v9;
	v4 =	vshll.u32 v3, $0x10  }
0x1df: {  	v2 =	vand.u32 $0xFFFF0000, v3;
	[tilespmem:s21+$0x17020] =	vst v4  }
0x1e0: {  	[tilespmem:s21+$0x18020] =	vst v2  }
0x1e1: {  	s6 =	rddreg [dreg:$0xc]  }
0x1e2: {  	s5 =	simm.s32 $0x0;
	s9 =	sld [smem:$0x7F0]  }
0x1e3: {  	[hbm4b:s6+s5] =	stream.linear.scatter [tilespmem:s13], [sflag:$0x5], $0x1000, $0x38;
	[tilespmem:$0x1A830] =	vst v63  }
0x1e4: {  	s10 =	sld [smem:$0x7F1]  }
0x1e5: {  	[hbm4b:s9+s5] =	stream.linear.scatter [tilespmem:s14], [sflag:$0x5], $0x1000, $0x38;
	[tilespmem:$0x1A830] =	vst v63  }
0x1e6: {  	_ = 	snop  }
0x1e7: {  	[hbm4b:s10+s5] =	stream.linear.scatter [tilespmem:s15], [sflag:$0x5], $0x1000, $0x38;
	[tilespmem:$0x1A830] =	vst v63  }
0x1e8: {  	_ =	swait.ge [sflag:s29], $0x1000  }
0x1e9: {  	[sflag:s29] =	ssyncset.done $0x0  }
0x1ea: {  	[sflag:s29] =	ssyncadd.s32 $0xFFFFF000  }
0x1eb: {  	_ =	swait.ge [sflag:s29], $0x1000  }
0x1ec: {  	[sflag:s29] =	ssyncset.done $0x0  }
0x1ed: {  	s7 =	simm.s32 $0x11000;
	s19 =	rddreg [dreg:$0xd];
	[sflag:s29] =	ssyncadd.s32 $0xFFFFF000  }
0x1ee: {  	[tilespmem:s7], [sflag:$0x3] =	stream.linear.gather [hbm4b:s19+s5], $0x1000, $0x38;
	[tilespmem:$0x1A830] =	vst v63  }
0x1ef: {  	s22 =	simm.s32 $0x13000;
	s21 =	rddreg [dreg:$0xe]  }
0x1f0: {  	[tilespmem:s22], [sflag:$0x3] =	stream.linear.gather [hbm4b:s21+s5], $0x1000, $0x38;
	[tilespmem:$0x1A830] =	vst v63  }
0x1f1: {  	_ =	swait.ge [sflag:s16], $0x1000  }
0x1f2: {  	[sflag:s16] =	ssyncset.done $0x0  }
0x1f3: {  	[sflag:s16] =	ssyncadd.s32 $0xFFFFF000  }
0x1f4: {  	_ =	swait.ge [sflag:s16], $0x1000  }
0x1f5: {  	[sflag:s16] =	ssyncset.done $0x0  }
0x1f6: {  	[sflag:s16] =	ssyncadd.s32 $0xFFFFF000  }
0x1f7: {  	_ =	swait.ge [sflag:s16], $0x1000  }
0x1f8: {  	[sflag:s16] =	ssyncset.done $0x0  }
0x1f9: {  	s23 =	simm.s32 $0x0;
	s19 =	simm.s32 $0x0;
	[sflag:s16] =	ssyncadd.s32 $0xFFFFF000  }
0x1fa: {  	s6 =	sand.u32 $0x7, s23;
	v5 =	vld [tilespmem:s19+$0x12030]  }
0x1fb: {  	s6 =	sor.u32 s31, s6;
	v10 =	vld [tilespmem:s19+$0x10030]  }
0x1fc: {  	v2 =	vmov s6;
	v3 =	vld [tilespmem:s19+$0x10000]  }
0x1fd: {  	v2 =	vbroadcast v2, $0x0;
	v4 =	vld [tilespmem:s19+$0x10010]  }
0x1fe: {  	v6 =	vld [tilespmem:s19+$0x10020]  }
0x1ff: {  	s25 =	simm.s32 $0x30;
	s24 =	sand.u32 $0x180, s5;
	v7 =	vld [tilespmem:s19+$0x12000]  }
0x200: {  	s6 =	sor.u32 $0x1A030, s24;
	s7 =	sand.u32 $0x70, s25;
	v8 =	vld [tilespmem:s19+$0x12010]  }
0x201: {  	s7 =	sadd.s32 s7, s6;
	v18 =	vld [tilespmem:s19+$0x12020]  }
0x202: {  	v11 =	vld [tilespmem:s7+$0x0]  }
0x203: {  	v2 =	vld.idx.msk [tilespmem:v2+s8+$0x0], $0xffff  }
0x204: {  	v14 =	vld.idx.msk [tilespmem:v5+s1+$0x0], $0xffff  }
0x205: {  	v9 =	vadd.s32 $0x4000, v10;
	v16 =	vld.idx.msk [tilespmem:v10+s1+$0x0], $0xffff  }
0x206: {  	v12 =	vadd.s32 $0x4000, v5;
	v13 =	vadd.s32 $0x4000, v3;
	v15 =	vadd.s32 $0x4000, v4;
	v22 =	vld.idx.msk [tilespmem:v6+s1+$0x0], $0xffff  }
0x207: {  	v20 =	vadd.s32 $0x4000, v7;
	v25 =	vadd.s32 $0x8000, v7;
	v29 =	vadd.s32 $0xC000, v7;
	v7 =	vld.idx.msk [tilespmem:v7+s1+$0x0], $0xffff  }
0x208: {  	v21 =	vadd.s32 $0x4000, v8;
	v27 =	vadd.s32 $0x8000, v8;
	v33 =	vadd.s32 $0xC000, v8;
	v8 =	vld.idx.msk [tilespmem:v8+s1+$0x0], $0xffff  }
0x209: {  	v17 =	vadd.s32 $0x4000, v6;
	v34 =	vld.idx.msk [tilespmem:v18+s1+$0x0], $0xffff  }
0x20a: {  	v9 =	vld.idx.msk [tilespmem:v9+s1+$0x0], $0xffff  }
0x20b: {  	v12 =	vld.idx.msk [tilespmem:v12+s1+$0x0], $0xffff  }
0x20c: {  	v13 =	vld.idx.msk [tilespmem:v13+s1+$0x0], $0xffff  }
0x20d: {  	v15 =	vld.idx.msk [tilespmem:v15+s1+$0x0], $0xffff  }
0x20e: {  	v17 =	vld.idx.msk [tilespmem:v17+s1+$0x0], $0xffff;
	v11 =	vsub.f32 v11, v16  }
0x20f: {  	v20 =	vld.idx.msk [tilespmem:v20+s1+$0x0], $0xffff;
	v19 =	vsub.f32 v2, v9  }
0x210: {  	s26 =	simm.s32 $0x10;
	v21 =	vld.idx.msk [tilespmem:v21+s1+$0x0], $0xffff;
	v16 =	vsub.f32 v16, v14;
	v11 =	vsub.f32 v11, v14  }
0x211: {  	s7 =	sand.u32 $0x50, s26;
	v23 =	vadd.s32 $0x4000, v18;
	v14 =	vld.idx.msk [tilespmem:v3+s1+$0x0], $0xffff;
	v9 =	vsub.f32 v9, v12;
	v12 =	vsub.f32 v19, v12  }
0x212: {  	s9 =	simm.s32 $0x20;
	s5 =	sand.u32 $0x40, s5;
	s7 =	sadd.s32 s7, s6;
	v24 =	vadd.s32 $0x8000, v3;
	v19 =	vld.idx.msk [tilespmem:v4+s1+$0x0], $0xffff  }
0x213: {  	s9 =	sand.u32 $0x60, s9;
	s5 =	sor.u32 s5, s6;
	v26 =	vadd.s32 $0x8000, v4;
	v11 =	vmul.f32 v11, v16;
	v16 =	vld [tilespmem:s7+$0x0];
	v9 =	vmul.f32 v12, v9  }
0x214: {  	s28 =	sadd.s32 s9, s6;
	v28 =	vadd.s32 $0x8000, v6;
	v30 =	vsub.f32 v2, v13;
	v12 =	vld [tilespmem:s5+$0x0]  }
0x215: {  	v32 =	vadd.s32 $0xC000, v4;
	v31 =	vsub.f32 v2, v15;
	v9 =	vadd.f32 v11, v9;
	v11 =	vld [tilespmem:s28+$0x0]  }
0x216: {  	s9 =	simm.s32 $0x70;
	s22 =	simm.s32 $0x8;
	v35 =	vadd.s32 $0x8000, v18;
	v23 =	vld.idx.msk [tilespmem:v23+s1+$0x0], $0xffff;
	v2 =	vsub.f32 v2, v17;
	v13 =	vsub.f32 v13, v20  }
0x217: {  	s24 =	sand.u32 $0x70, s9;
	v24 =	vld.idx.msk [tilespmem:v24+s1+$0x0], $0xffff;
	v15 =	vsub.f32 v15, v21;
	v20 =	vsub.f32 v30, v20;
	s7 =	sand.u32 $0x180, s22;
	s28 =	simm.s32 $0x60;
	v9 =	vmul.f32 v9, v1  }
0x218: {  	s6 =	simm.s32 $0x0;
	v26 =	vld.idx.msk [tilespmem:v26+s1+$0x0], $0xffff;
	v3 =	vadd.s32 $0xC000, v3;
	v21 =	vsub.f32 v31, v21;
	s10 =	sor.u32 $0x1A030, s7;
	v16 =	vsub.f32 v16, v19;
	s9 =	sand.u32 $0x60, s28  }
0x219: {  	s5 =	sand.u32 $0x7, s6;
	s6 =	sadd.s32 s9, s10;
	v12 =	vsub.f32 v12, v14;
	v4 =	vsub.f32 $0.0e+00, v9;
	v9 =	vld.idx.msk [tilespmem:v25+s1+$0x0], $0xffff;
	v25 =	vadd.s32 $0xC000, v6  }
0x21a: {  	v53 =	vld [tilespmem:s6+$0x0];
	v6 =	vsub.f32 v14, v7;
	v14 =	vmul.f32 v21, v15;
	v11 =	vsub.f32 v11, v22  }
0x21b: {  	s21 =	simm.s32 $0x40;
	v15 =	vld.idx.msk [tilespmem:v28+s1+$0x0], $0xffff;
	v7 =	vsub.f32 v12, v7;
	v12 =	vmul.f32 v20, v13;
	v13 =	vsub.f32 v19, v8  }
0x21c: {  	v8 =	vsub.f32 v16, v8;
	v16 =	vsub.f32 v22, v34;
	v22 =	vld [tilespmem:s21+$0x12000];
	v4 =	vmul.f32 $1.442695020e+00, v4  }
0x21d: {  	v17 =	vsub.f32 v17, v23;
	v2 =	vsub.f32 v2, v23;
	v6 =	vmul.f32 v7, v6;
	v7 =	vld.idx.msk [tilespmem:v35+s1+$0x0], $0xffff  }
0x21e: {  	v8 =	vmul.f32 v8, v13;
	v13 =	vadd.s32 $0xC000, v18;
	v18 =	vld.idx.msk [tilespmem:v3+s1+$0x0], $0xffff;
	(erf) = vpow2.f32 v4  }
0x21f: {  	v19 =	vsub.f32 v11, v34;
	v11 =	vld.idx.msk [tilespmem:v29+s1+$0x0], $0xffff  }
0x220: {  	v2 =	vmul.f32 v2, v17;
	v4 =	vld.idx.msk [tilespmem:v27+s1+$0x0], $0xffff;
	v3 =	vadd.f32 v12, v6  }
0x221: {  	v12 =	vmul.f32 v19, v16;
	v8 =	vadd.f32 v8, v14;
	v14 =	vld.idx.msk [tilespmem:v32+s1+$0x0], $0xffff;
	v19 =	vadd.s32 $0x8000, v5  }
0x222: {  	v6 =	vld.idx.msk [tilespmem:v33+s1+$0x0], $0xffff;
	v5 =	vadd.s32 $0xC000, v5  }
0x223: {  	v17 =	vld.idx.msk [tilespmem:v25+s1+$0x0], $0xffff;
	v2 =	vadd.f32 v12, v2  }
0x224: {  	v23 =	vsub.bf16 v24, v9;
	v24 =	vld [tilespmem:s21+$0x12010];
	v12 =	vadd.s32 $0x8000, v10  }
0x225: {  	v3 =	vmul.f32 v3, v1;
	v10 =	vadd.s32 $0xC000, v10;
	v21 =	vmul.f32 v2, v1;
	v2 =	vld [tilespmem:s21+$0x12030]  }
0x226: {  	v16 =	vmul.f32 v8, v1;
	v19 =	vld.idx.msk [tilespmem:v19+s1+$0x0], $0xffff  }
0x227: {  	v3 =	vsub.f32 $0.0e+00, v3;
	v40 =	vld.idx.msk [tilespmem:v5+s1+$0x0], $0xffff;
	v8 =	vpop (erf)  }
0x228: {  	v20 =	vadd.f32 $1.000000000e+00, v8;
	v8 =	vld.idx.msk [tilespmem:v13+s1+$0x0], $0xffff;
	v13 =	vsub.f32 $0.0e+00, v16  }
0x229: {  	v12 =	vld.idx.msk [tilespmem:v12+s1+$0x0], $0xffff;
	v16 =	vmul.f32 $1.442695020e+00, v3  }
0x22a: {  	v38 =	vld.idx.msk [tilespmem:v10+s1+$0x0], $0xffff;
	(erf) = vrcp.f32 v20;
	v20 =	vsub.f32 $0.0e+00, v21;
	v13 =	vmul.f32 $1.442695020e+00, v13  }
0x22b: {  	v3 =	vld [tilespmem:s21+$0x10030];
	v54 =	vadd.s32 $0x4000, v2;
	(erf) = vpow2.f32 v16  }
0x22c: {  	s5 =	sor.u32 s31, s5;
	v21 =	vld [tilespmem:s21+$0x10010];
	v20 =	vmul.f32 $1.442695020e+00, v20;
	(erf) = vpow2.f32 v13  }
0x22d: {  	v16 =	vmov s5;
	v56 =	vld.idx.msk [tilespmem:v2+s1+$0x0], $0xffff  }
0x22e: {  	s5 =	sadd.s32 s24, s10;
	v13 =	vld [tilespmem:s21+$0x10000];
	v16 =	vbroadcast v16, $0x0;
	(erf) = vpow2.f32 v20  }
0x22f: {  	s25 =	simm.s32 $0x50;
	v27 =	vld [tilespmem:s5+$0x0]  }
0x230: {  	v61 =	vadd.s32 $0x4000, v22;
	s5 =	sand.u32 $0x50, s25;
	v25 =	vadd.s32 $0x4000, v3;
	v29 =	vld.idx.msk [tilespmem:v54+s1+$0x0], $0xffff  }
0x231: {  	v63 =	vadd.s32 $0x8000, v22;
	v15 =	vsub.bf16 v15, v7;
	v18 =	vsub.f32 v18, v11;
	s5 =	sadd.s32 s5, s10;
	v20 =	vld [tilespmem:s21+$0x10020]  }
0x232: {  	v26 =	vsub.bf16 v26, v4;
	v14 =	vsub.f32 v14, v6;
	v51 =	vld [tilespmem:s5+$0x0];
	v58 =	vadd.s32 $0x4000, v21  }
0x233: {  	v39 =	vadd.s32 $0x4000, v24;
	v12 =	vsub.bf16 v12, v19;
	v59 =	vld.idx.msk [tilespmem:v3+s1+$0x0], $0xffff;
	v55 =	vadd.s32 $0x4000, v13;
	v28 =	vpop (erf)  }
0x234: {  	v45 =	vadd.s32 $0xC000, v24;
	v38 =	vsub.f32 v38, v40;
	v17 =	vsub.f32 v17, v8;
	v16 =	vld.idx.msk [tilespmem:v16+s8+$0x0], $0xffff;
	v57 =	vpop (erf)  }
0x235: {  	v5 =	vadd.s32 $0x8000, v21;
	v44 =	vadd.s32 $0xC000, v21;
	v25 =	vld.idx.msk [tilespmem:v25+s1+$0x0], $0xffff;
	v32 =	vadd.f32 $1.000000000e+00, v57;
	v60 =	vpop (erf)  }
0x236: {  	v21 =	vld.idx.msk [tilespmem:v21+s1+$0x0], $0xffff;
	v37 =	vadd.s32 $0x4000, v20;
	v36 =	vpack.i.f32.bf16 v28, v28;
	v35 =	vadd.f32 $1.000000000e+00, v60  }
0x237: {  	v62 =	vadd.s32 $0x8000, v13;
	v33 =	vld.idx.msk [tilespmem:v58+s1+$0x0], $0xffff;
	v12 =	vmul.bf16 v36, v12;
	v10 =	vpop (erf);
	(erf) = vrcp.f32 v32  }
0x238: {  	v31 =	vadd.s32 $0x8000, v20;
	v30 =	vld.idx.msk [tilespmem:v55+s1+$0x0], $0xffff;
	v10 =	vadd.f32 $1.000000000e+00, v10;
	(erf) = vrcp.f32 v35  }
0x239: {  	v47 =	vadd.s32 $0xC000, v20;
	v34 =	vsub.f32 v59, v56;
	v20 =	vld.idx.msk [tilespmem:v20+s1+$0x0], $0xffff;
	v12 =	vadd.bf16 v19, v12  }
0x23a: {  	v19 =	vld [tilespmem:s21+$0x12020];
	v42 =	vsub.f32 v16, v25;
	(erf) = vrcp.f32 v10;
	v10 =	vsub.f32 v27, v59  }
0x23b: {  	v43 =	vadd.s32 $0xC000, v13;
	v25 =	vsub.f32 v25, v29;
	v60 =	vsub.f32 v51, v21;
	v37 =	vld.idx.msk [tilespmem:v37+s1+$0x0], $0xffff  }
0x23c: {  	v41 =	vand.u32 $0xFFFF0000, v12;
	v29 =	vsub.f32 v42, v29;
	v10 =	vsub.f32 v10, v56  }
0x23d: {  	v46 =	vld.idx.msk [tilespmem:v13+s1+$0x0], $0xffff;
	v42 =	vadd.s32 $0xC000, v22;
	v12 =	vshll.u32 v12, $0x10;
	v58 =	vsub.f32 v16, v33  }
0x23e: {  	s23 =	simm.s32 $0x40;
	v36 =	vld.idx.msk [tilespmem:v61+s1+$0x0], $0xffff;
	v27 =	vadd.s32 $0x8000, v24;
	v25 =	vmul.f32 v29, v25;
	v13 =	vmul.f32 v10, v34  }
0x23f: {  	s26 =	sand.u32 $0x40, s23;
	v52 =	vsub.f32 v16, v30;
	v61 =	vsub.f32 v53, v20;
	v56 =	vadd.s32 $0x4000, v19  }
0x240: {  	s7 =	sor.u32 s26, s10;
	v57 =	vadd.s32 $0x8000, v19;
	v16 =	vsub.f32 v16, v37;
	v48 =	vpop (erf);
	v13 =	vadd.f32 v13, v25  }
0x241: {  	v49 =	vld [tilespmem:s7+$0x0];
	v10 =	vadd.s32 $0xC000, v19;
	v25 =	vpack.i.f32.bf16 v48, v48;
	v50 =	vpop (erf);
	v18 =	vmul.f32 v48, v18  }
0x242: {  	v39 =	vld.idx.msk [tilespmem:v39+s1+$0x0], $0xffff;
	v23 =	vmul.bf16 v25, v23;
	v25 =	vpack.i.f32.bf16 v50, v50;
	v13 =	vmul.f32 v13, v1  }
0x243: {  	v22 =	vld.idx.msk [tilespmem:v22+s1+$0x0], $0xffff;
	v59 =	vmul.f32 v50, v14;
	v11 =	vadd.f32 v18, v11;
	v18 =	vsub.f32 v52, v36  }
0x244: {  	v29 =	vld.idx.msk [tilespmem:v56+s1+$0x0], $0xffff;
	v25 =	vmul.bf16 v25, v26;
	v26 =	vpop (erf);
	v9 =	vadd.bf16 v9, v23;
	v13 =	vsub.f32 $0.0e+00, v13  }
0x245: {  	v24 =	vld.idx.msk [tilespmem:v24+s1+$0x0], $0xffff;
	v23 =	vpack.i.f32.bf16 v26, v26;
	v17 =	vmul.f32 v26, v17;
	v26 =	vmul.f32 v28, v38  }
0x246: {  	v15 =	vmul.bf16 v23, v15;
	v14 =	vmul.f32 $1.442695020e+00, v13;
	v13 =	vadd.bf16 v4, v25;
	v4 =	vld.idx.msk [tilespmem:v19+s1+$0x0], $0xffff  }
0x247: {  	[tilespmem:s19+$0x14030] =	vst v12;
	v23 =	vsub.f32 v49, v46;
	v19 =	vshll.u32 v9, $0x10;
	v25 =	vld.idx.msk [tilespmem:v62+s1+$0x0], $0xffff;
	v62 =	vsub.f32 v58, v39  }
0x248: {  	[tilespmem:s19+$0x16000] =	vst v11;
	v12 =	vadd.bf16 v7, v15;
	v15 =	vsub.f32 v30, v36;
	(erf) = vpow2.f32 v14  }
0x249: {  	v11 =	vsub.f32 v37, v29;
	[tilespmem:s19+$0x14000] =	vst v19;
	v7 =	vld.idx.msk [tilespmem:v63+s1+$0x0], $0xffff;
	v19 =	vsub.f32 v33, v39  }
0x24a: {  	[tilespmem:s19+$0x15030] =	vst v41;
	v63 =	vand.u32 $0xFFFF0000, v9;
	v14 =	vld.idx.msk [tilespmem:v5+s1+$0x0], $0xffff;
	v9 =	vmul.f32 v18, v15;
	v15 =	vsub.f32 v16, v29  }
0x24b: {  	v5 =	vld.idx.msk [tilespmem:v27+s1+$0x0], $0xffff;
	v16 =	vsub.f32 v46, v22;
	v18 =	vsub.f32 v23, v22;
	v22 =	vmul.f32 v62, v19  }
0x24c: {  	v19 =	vsub.f32 v21, v24;
	v21 =	vsub.f32 v60, v24;
	v11 =	vmul.f32 v15, v11;
	v15 =	vld.idx.msk [tilespmem:v31+s1+$0x0], $0xffff  }
0x24d: {  	v18 =	vmul.f32 v18, v16;
	v20 =	vsub.f32 v20, v4;
	v23 =	vsub.f32 v61, v4;
	v4 =	vld.idx.msk [tilespmem:v57+s1+$0x0], $0xffff  }
0x24e: {  	v27 =	vadd.f32 v59, v6;
	v16 =	vld.idx.msk [tilespmem:v43+s1+$0x0], $0xffff;
	v21 =	vmul.f32 v21, v19;
	v19 =	vadd.f32 v17, v8  }
0x24f: {  	v8 =	vld.idx.msk [tilespmem:v42+s1+$0x0], $0xffff;
	v6 =	vadd.f32 v9, v18;
	v9 =	vsub.bf16 v25, v7;
	v18 =	vmul.f32 v23, v20  }
0x250: {  	[tilespmem:s19+$0x15000] =	vst v63;
	v24 =	vshll.u32 v13, $0x10;
	v17 =	vld.idx.msk [tilespmem:v44+s1+$0x0], $0xffff;
	v22 =	vadd.f32 v21, v22;
	v20 =	vadd.f32 v26, v40  }
0x251: {  	[tilespmem:s19+$0x14010] =	vst v24;
	v21 =	vadd.s32 $0x8000, v3;
	v23 =	vmul.f32 v6, v1;
	v6 =	vld.idx.msk [tilespmem:v45+s1+$0x0], $0xffff;
	v11 =	vadd.f32 v18, v11;
	v25 =	vpop (erf)  }
0x252: {  	s26 =	simm.s32 $0x200;
	s6 =	simm.s32 $0x4;
	[tilespmem:s19+$0x16010] =	vst v27;
	v24 =	vmul.f32 v22, v1;
	v18 =	vld.idx.msk [tilespmem:v47+s1+$0x0], $0xffff;
	v22 =	vadd.s32 $0x8000, v2;
	v25 =	vadd.f32 $1.000000000e+00, v25  }
.LBB2_10:
0x253: {  	s6 =	sadd.s32 $0x4, s6;
	s25 =	sshra.s32 s26, $0x2;
	v23 =	vsub.f32 $0.0e+00, v23;
	v14 =	vsub.bf16 v14, v5;
	v26 =	vmul.f32 v11, v1;
	v11 =	vld.idx.msk [tilespmem:v10+s1+$0x0], $0xffff;
	[tilespmem:s19+$0x16020] =	vst v19  }
0x254: {  	v15 =	vsub.bf16 v15, v4;
	s5 =	sshrl.u32 s6, $0x3;
	v10 =	vld [tilespmem:s25+$0x12030];
	v19 =	vsub.f32 $0.0e+00, v24;
	(erf) = vrcp.f32 v25;
	[tilespmem:s19+$0x16030] =	vst v20  }
0x255: {  	v16 =	vsub.f32 v16, v8;
	s5 =	sand.u32 $0x7, s5;
	v20 =	vld [tilespmem:s25+$0x10030];
	v23 =	vmul.f32 $1.442695020e+00, v23;
	v24 =	vsub.f32 $0.0e+00, v26  }
0x256: {  	v13 =	vand.u32 $0xFFFF0000, v13;
	p0 =	slt.u32 s6, $0xFC;
	v25 =	vshll.u32 v12, $0x10;
	s5 =	sor.u32 s31, s5;
	v19 =	vmul.f32 $1.442695020e+00, v19;
	v21 =	vld.idx.msk [tilespmem:v21+s1+$0x0], $0xffff  }
0x257: {  	v26 =	vmov s5;
	v24 =	vmul.f32 $1.442695020e+00, v24;
	v22 =	vld.idx.msk [tilespmem:v22+s1+$0x0], $0xffff;
	(erf) = vpow2.f32 v23;
	[tilespmem:s19+$0x15010] =	vst v13  }
0x258: {  	v13 =	vsub.f32 v17, v6;
	v23 =	vld [tilespmem:s25+$0x10000];
	v26 =	vbroadcast v26, $0x0;
	(erf) = vpow2.f32 v19;
	[tilespmem:s19+$0x14020] =	vst v25  }
0x259: {  	s22 =	sadd.s32 $0x8, s22;
	s23 =	sadd.s32 $0x40, s23;
	v12 =	vand.u32 $0xFFFF0000, v12;
	v17 =	vsub.f32 v18, v11;
	v19 =	vld [tilespmem:s25+$0x10010];
	(erf) = vpow2.f32 v24  }
0x25a: {  	s7 =	sadd.s32 $0x10, s23;
	s9 =	sadd.s32 $0x30, s23;
	s5 =	sand.u32 $0x180, s22;
	v24 =	vld [tilespmem:s25+$0x10020];
	[tilespmem:s19+$0x15020] =	vst v12  }
0x25b: {  	s10 =	sadd.s32 $0x20, s23;
	s9 =	sand.u32 $0x70, s9;
	s5 =	sor.u32 $0x1A030, s5;
	v12 =	vld [tilespmem:s25+$0x12000]  }
0x25c: {  	s7 =	sand.u32 $0x50, s7;
	s10 =	sand.u32 $0x60, s10;
	s9 =	sadd.s32 s9, s5;
	v18 =	vadd.s32 $0x4000, v20;
	v25 =	vld [tilespmem:s25+$0x12010]  }
0x25d: {  	v29 =	vadd.s32 $0xC000, v3;
	s24 =	sadd.s32 s7, s5;
	s28 =	sadd.s32 s10, s5;
	s19 =	sand.u32 $0x40, s23;
	v21 =	vsub.bf16 v21, v22;
	v27 =	vadd.s32 $0x4000, v23;
	v28 =	vld [tilespmem:s9+$0x0];
	v30 =	vpop (erf)  }
0x25e: {  	v32 =	vadd.s32 $0x4000, v10;
	v3 =	vmovc v20;
	s5 =	sor.u32 s19, s5;
	s19 =	smov.u32 s21;
	s21 =	smov.u32 s25;
	v26 =	vld.idx.msk [tilespmem:v26+s8+$0x0], $0xffff;
	v31 =	vadd.s32 $0x4000, v19;
	v33 =	vpack.i.f32.bf16 v30, v30  }
0x25f: {  	v36 =	vadd.s32 $0xC000, v2;
	v2 =	vmovc v10;
	v34 =	vadd.s32 $0x4000, v24;
	v35 =	vld.idx.msk [tilespmem:v10+s1+$0x0], $0xffff;
	v41 =	vmul.bf16 v33, v21  }
0x260: {  	v37 =	vadd.s32 $0x8000, v23;
	v33 =	vadd.s32 $0x4000, v12;
	v38 =	vadd.s32 $0x8000, v12;
	v10 =	vld.idx.msk [tilespmem:v20+s1+$0x0], $0xffff;
	v20 =	vpop (erf)  }
0x261: {  	v39 =	vadd.s32 $0x4000, v25;
	v40 =	vld.idx.msk [tilespmem:v18+s1+$0x0], $0xffff;
	v18 =	vadd.f32 $1.000000000e+00, v20;
	v20 =	vadd.bf16 v22, v41;
	v21 =	vpop (erf)  }
0x262: {  	v22 =	vadd.s32 $0x8000, v19;
	v41 =	vadd.s32 $0x8000, v25;
	v21 =	vadd.f32 $1.000000000e+00, v21;
	v29 =	vld.idx.msk [tilespmem:v29+s1+$0x0], $0xffff;
	v42 =	vpop (erf)  }
0x263: {  	v32 =	vld.idx.msk [tilespmem:v32+s1+$0x0], $0xffff;
	v42 =	vadd.f32 $1.000000000e+00, v42;
	v43 =	vand.u32 $0xFFFF0000, v20;
	(erf) = vrcp.f32 v18  }
0x264: {  	v44 =	vadd.s32 $0xC000, v23;
	v45 =	vadd.s32 $0x8000, v24;
	v18 =	vld.idx.msk [tilespmem:v36+s1+$0x0], $0xffff;
	[tilespmem:s19+$0x15030] =	vst v43;
	(erf) = vrcp.f32 v21  }
0x265: {  	v21 =	vadd.s32 $0xC000, v12;
	v36 =	vadd.s32 $0xC000, v19;
	v43 =	vld [tilespmem:s21+$0x12020];
	(erf) = vrcp.f32 v42  }
0x266: {  	v46 =	vadd.s32 $0xC000, v24;
	v42 =	vadd.s32 $0xC000, v25;
	v28 =	vsub.f32 v28, v10;
	v27 =	vld.idx.msk [tilespmem:v27+s1+$0x0], $0xffff  }
0x267: {  	v20 =	vshll.u32 v20, $0x10;
	v47 =	vsub.f32 v26, v40;
	v31 =	vld.idx.msk [tilespmem:v31+s1+$0x0], $0xffff  }
0x268: {  	v48 =	vsub.f32 v10, v35;
	v28 =	vsub.f32 v28, v35;
	v34 =	vld.idx.msk [tilespmem:v34+s1+$0x0], $0xffff;
	[tilespmem:s19+$0x14030] =	vst v20  }
0x269: {  	v20 =	vld.idx.msk [tilespmem:v23+s1+$0x0], $0xffff;
	v23 =	vsub.f32 v40, v32;
	v32 =	vsub.f32 v47, v32  }
0x26a: {  	v19 =	vld.idx.msk [tilespmem:v19+s1+$0x0], $0xffff;
	v35 =	vadd.s32 $0x4000, v43;
	v40 =	vadd.s32 $0x8000, v43;
	v10 =	vadd.s32 $0xC000, v43  }
0x26b: {  	v28 =	vmul.f32 v28, v48;
	v29 =	vsub.f32 v29, v18;
	v24 =	vld.idx.msk [tilespmem:v24+s1+$0x0], $0xffff;
	v23 =	vmul.f32 v32, v23  }
0x26c: {  	v47 =	vsub.f32 v26, v27;
	v32 =	vld [tilespmem:s5+$0x0];
	v48 =	vpop (erf)  }
0x26d: {  	v50 =	vsub.f32 v26, v31;
	v49 =	vld [tilespmem:s24+$0x0];
	v23 =	vadd.f32 v28, v23;
	v28 =	vpack.i.f32.bf16 v48, v48;
	v51 =	vpop (erf)  }
0x26e: {  	v26 =	vsub.f32 v26, v34;
	v52 =	vld [tilespmem:s28+$0x0];
	v9 =	vmul.bf16 v28, v9;
	v28 =	vpack.i.f32.bf16 v51, v51;
	v53 =	vpop (erf)  }
0x26f: {  	v33 =	vld.idx.msk [tilespmem:v33+s1+$0x0], $0xffff;
	v23 =	vmul.f32 v23, v1;
	v14 =	vmul.bf16 v28, v14;
	v28 =	vpack.i.f32.bf16 v53, v53  }
0x270: {  	v39 =	vld.idx.msk [tilespmem:v39+s1+$0x0], $0xffff;
	v9 =	vadd.bf16 v7, v9;
	v7 =	vmul.f32 v48, v16;
	v15 =	vmul.bf16 v28, v15  }
0x271: {  	v16 =	vsub.f32 v32, v20;
	v28 =	vld.idx.msk [tilespmem:v35+s1+$0x0], $0xffff;
	v23 =	vsub.f32 $0.0e+00, v23;
	v32 =	vmul.f32 v51, v13  }
0x272: {  	v29 =	vmul.f32 v30, v29;
	v17 =	vmul.f32 v53, v17;
	v35 =	vld.idx.msk [tilespmem:v12+s1+$0x0], $0xffff;
	v48 =	vsub.f32 v49, v19  }
0x273: {  	v13 =	vadd.bf16 v5, v14;
	v25 =	vld.idx.msk [tilespmem:v25+s1+$0x0], $0xffff;
	v30 =	vsub.f32 v52, v24;
	v23 =	vmul.f32 $1.442695020e+00, v23  }
0x274: {  	v5 =	vshll.u32 v9, $0x10;
	v8 =	vadd.f32 v7, v8;
	v12 =	vadd.bf16 v4, v15;
	v43 =	vld.idx.msk [tilespmem:v43+s1+$0x0], $0xffff  }
0x275: {  	v4 =	vsub.f32 v27, v33;
	v14 =	vsub.f32 v47, v33;
	v27 =	vld.idx.msk [tilespmem:v37+s1+$0x0], $0xffff;
	(erf) = vpow2.f32 v23;
	[tilespmem:s19+$0x14000] =	vst v5  }
0x276: {  	v5 =	vsub.f32 v31, v39;
	v15 =	vsub.f32 v50, v39;
	v23 =	vand.u32 $0xFFFF0000, v9;
	v7 =	vld.idx.msk [tilespmem:v38+s1+$0x0], $0xffff;
	[tilespmem:s19+$0x16000] =	vst v8  }
0x277: {  	v8 =	vmul.f32 v14, v4;
	v4 =	vsub.f32 v34, v28;
	v9 =	vsub.f32 v26, v28;
	v14 =	vld.idx.msk [tilespmem:v22+s1+$0x0], $0xffff  }
0x278: {  	v20 =	vsub.f32 v20, v35;
	v16 =	vsub.f32 v16, v35;
	v22 =	vmul.f32 v15, v5;
	v5 =	vld.idx.msk [tilespmem:v41+s1+$0x0], $0xffff  }
0x279: {  	v19 =	vsub.f32 v19, v25;
	v25 =	vsub.f32 v48, v25;
	v26 =	vmul.f32 v9, v4;
	v15 =	vld.idx.msk [tilespmem:v45+s1+$0x0], $0xffff  }
0x27a: {  	v9 =	vmul.f32 v16, v20;
	v20 =	vsub.f32 v24, v43;
	v24 =	vsub.f32 v30, v43;
	v4 =	vld.idx.msk [tilespmem:v40+s1+$0x0], $0xffff  }
.Ltmp4:
0x27b: {  	v28 =	vadd.f32 v32, v6;
	v30 =	vmul.f32 v25, v19;
	v19 =	vadd.f32 v17, v11;
	v16 =	vld.idx.msk [tilespmem:v44+s1+$0x0], $0xffff;
	(pc) =	sbr.rel @p0 .LBB2_10-.Ltmp4, $4  }
0x27c: {  	v6 =	vadd.f32 v8, v9;
	v9 =	vsub.bf16 v27, v7;
	v11 =	vmul.f32 v24, v20;
	v8 =	vld.idx.msk [tilespmem:v21+s1+$0x0], $0xffff  }
0x27d: {  	v24 =	vshll.u32 v13, $0x10;
	v20 =	vadd.f32 v29, v18;
	v22 =	vadd.f32 v30, v22;
	v17 =	vld.idx.msk [tilespmem:v36+s1+$0x0], $0xffff;
	[tilespmem:s19+$0x15000] =	vst v23  }
0x27e: {  	v21 =	vadd.s32 $0x8000, v3;
	v23 =	vmul.f32 v6, v1;
	v11 =	vadd.f32 v11, v26;
	v6 =	vld.idx.msk [tilespmem:v42+s1+$0x0], $0xffff;
	v25 =	vpop (erf);
	[tilespmem:s19+$0x14010] =	vst v24  }
0x27f: {  	s26 =	sadd.s32 $0x100, s26;
	v24 =	vmul.f32 v22, v1;
	v22 =	vadd.s32 $0x8000, v2;
	v18 =	vld.idx.msk [tilespmem:v46+s1+$0x0], $0xffff;
	v25 =	vadd.f32 $1.000000000e+00, v25;
	[tilespmem:s19+$0x16010] =	vst v28  }
0x280: {  	v23 =	vsub.f32 $0.0e+00, v23;
	_ =	sdelay $0x1  }
0x281: {  	v23 =	vmul.f32 $1.442695020e+00, v23  }
0x282: {  	v24 =	vsub.f32 $0.0e+00, v24;
	(erf) = vrcp.f32 v25  }
0x283: {  	v11 =	vmul.f32 v11, v1;
	(erf) = vpow2.f32 v23  }
0x284: {  	v23 =	vmul.f32 $1.442695020e+00, v24  }
0x285: {  	v11 =	vsub.f32 $0.0e+00, v11  }
0x286: {  	(erf) = vpow2.f32 v23  }
0x287: {  	v11 =	vmul.f32 $1.442695020e+00, v11;
	_ =	sdelay $0x1  }
0x288: {  	v3 =	vadd.s32 $0xC000, v3  }
0x289: {  	v2 =	vadd.s32 $0xC000, v2  }
0x28a: {  	(erf) = vpow2.f32 v11;
	v11 =	vpop (erf)  }
0x28b: {  	v23 =	vpop (erf)  }
0x28c: {  	v21 =	vld.idx.msk [tilespmem:v21+s1+$0x0], $0xffff;
	v23 =	vadd.f32 $1.000000000e+00, v23  }
0x28d: {  	v3 =	vld.idx.msk [tilespmem:v3+s1+$0x0], $0xffff  }
0x28e: {  	v2 =	vld.idx.msk [tilespmem:v2+s1+$0x0], $0xffff;
	v24 =	vpop (erf);
	(erf) = vrcp.f32 v23  }
0x28f: {  	v22 =	vld.idx.msk [tilespmem:v22+s1+$0x0], $0xffff;
	v23 =	vadd.f32 $1.000000000e+00, v24;
	_ =	sdelay $0x3  }
0x290: {  	v3 =	vsub.f32 v3, v2;
	(erf) = vrcp.f32 v23;
	v23 =	vpop (erf)  }
0x291: {  	v21 =	vsub.bf16 v21, v22;
	v23 =	vadd.f32 $1.000000000e+00, v23  }
0x292: {  	v3 =	vmul.f32 v11, v3;
	v24 =	vpack.i.f32.bf16 v11, v11  }
0x293: {  	v21 =	vmul.bf16 v24, v21;
	(erf) = vrcp.f32 v23  }
0x294: {  	[tilespmem:s19+$0x16020] =	vst v19;
	v13 =	vand.u32 $0xFFFF0000, v13;
	v19 =	vpop (erf)  }
0x295: {  	[tilespmem:s19+$0x16030] =	vst v20;
	v2 =	vadd.f32 v3, v2;
	v20 =	vadd.bf16 v22, v21;
	v21 =	vpack.i.f32.bf16 v19, v19  }
0x296: {  	v16 =	vsub.f32 v16, v8;
	[tilespmem:s19+$0x15010] =	vst v13;
	v9 =	vmul.bf16 v21, v9  }
0x297: {  	v14 =	vsub.bf16 v14, v5;
	v10 =	vld.idx.msk [tilespmem:v10+s1+$0x0], $0xffff;
	[tilespmem:s21+$0x16030] =	vst v2;
	v22 =	vshll.u32 v12, $0x10  }
0x298: {  	v12 =	vand.u32 $0xFFFF0000, v12;
	[tilespmem:s19+$0x14020] =	vst v22;
	v7 =	vadd.bf16 v7, v9;
	v9 =	vmul.f32 v19, v16  }
0x299: {  	v13 =	vsub.bf16 v15, v4;
	[tilespmem:s19+$0x15020] =	vst v12;
	v15 =	vand.u32 $0xFFFF0000, v20;
	v21 =	vpop (erf);
	v16 =	vsub.f32 v17, v6  }
0x29a: {  	[tilespmem:s21+$0x15030] =	vst v15;
	v15 =	vshll.u32 v20, $0x10;
	v12 =	vpack.i.f32.bf16 v21, v21  }
0x29b: {  	[tilespmem:s21+$0x14030] =	vst v15;
	v12 =	vmul.bf16 v12, v14;
	v15 =	vshll.u32 v7, $0x10;
	v16 =	vmul.f32 v21, v16  }
0x29c: {  	v14 =	vsub.f32 v18, v10;
	v8 =	vadd.f32 v9, v8;
	v7 =	vand.u32 $0xFFFF0000, v7;
	[tilespmem:s21+$0x14000] =	vst v15;
	v9 =	vpop (erf)  }
0x29d: {  	[tilespmem:s21+$0x15000] =	vst v7;
	v5 =	vadd.bf16 v5, v12;
	v6 =	vadd.f32 v16, v6;
	v12 =	vpack.i.f32.bf16 v9, v9  }
0x29e: {  	[tilespmem:s21+$0x16000] =	vst v8;
	v9 =	vmul.f32 v9, v14;
	v8 =	vmul.bf16 v12, v13  }
0x29f: {  	v7 =	vshll.u32 v5, $0x10;
	[tilespmem:s21+$0x16010] =	vst v6  }
0x2a0: {  	v2 =	vand.u32 $0xFFFF0000, v5;
	v9 =	vadd.f32 v9, v10;
	[tilespmem:s21+$0x14010] =	vst v7;
	v3 =	vadd.bf16 v4, v8  }
0x2a1: {  	[tilespmem:s21+$0x15010] =	vst v2  }
0x2a2: {  	[tilespmem:s21+$0x16020] =	vst v9;
	v4 =	vshll.u32 v3, $0x10  }
0x2a3: {  	v2 =	vand.u32 $0xFFFF0000, v3;
	[tilespmem:s21+$0x14020] =	vst v4  }
0x2a4: {  	[tilespmem:s21+$0x15020] =	vst v2  }
0x2a5: {  	s6 =	rddreg [dreg:$0xf]  }
0x2a6: {  	s5 =	simm.s32 $0x0;
	s7 =	simm.s32 $0x14000;
	s26 =	sld [smem:$0x7F2]  }
0x2a7: {  	[hbm4b:s6+s5] =	stream.linear.scatter [tilespmem:s7], [sflag:$0x4], $0x1000, $0x38;
	[tilespmem:$0x1A830] =	vst v63  }
0x2a8: {  	s28 =	simm.s32 $0x15000;
	s9 =	sld [smem:$0x7F3]  }
0x2a9: {  	[hbm4b:s26+s5] =	stream.linear.scatter [tilespmem:s28], [sflag:$0x4], $0x1000, $0x38;
	[tilespmem:$0x1A830] =	vst v63  }
0x2aa: {  	_ = 	snop  }
0x2ab: {  	[hbm4b:s9+s5] =	stream.linear.scatter [tilespmem:s11], [sflag:$0x4], $0x1000, $0x38;
	[tilespmem:$0x1A830] =	vst v63  }
0x2ac: {  	_ =	swait.ge [sflag:s12], $0x1000  }
0x2ad: {  	[sflag:s12] =	ssyncset.done $0x0  }
0x2ae: {  	[sflag:s12] =	ssyncadd.s32 $0xFFFFF000  }
0x2af: {  	_ =	swait.ge [sflag:s12], $0x1000  }
0x2b0: {  	[sflag:s12] =	ssyncset.done $0x0  }
0x2b1: {  	s19 =	simm.s32 $0x10000;
	s10 =	rddreg [dreg:$0x10];
	[sflag:s12] =	ssyncadd.s32 $0xFFFFF000  }
0x2b2: {  	[tilespmem:s19], [sflag:$0x2] =	stream.linear.gather [hbm4b:s10+s5], $0x1000, $0x38;
	[tilespmem:$0x1A830] =	vst v63  }
0x2b3: {  	s22 =	simm.s32 $0x12000;
	s21 =	rddreg [dreg:$0x12]  }
0x2b4: {  	[tilespmem:s22], [sflag:$0x2] =	stream.linear.gather [hbm4b:s21+s5], $0x1000, $0x38;
	[tilespmem:$0x1A830] =	vst v63  }
0x2b5: {  	_ =	swait.ge [sflag:s17], $0x1000  }
0x2b6: {  	[sflag:s17] =	ssyncset.done $0x0  }
0x2b7: {  	[sflag:s17] =	ssyncadd.s32 $0xFFFFF000  }
0x2b8: {  	_ =	swait.ge [sflag:s17], $0x1000  }
0x2b9: {  	[sflag:s17] =	ssyncset.done $0x0  }
0x2ba: {  	[sflag:s17] =	ssyncadd.s32 $0xFFFFF000  }
0x2bb: {  	_ =	swait.ge [sflag:s17], $0x1000  }
0x2bc: {  	[sflag:s17] =	ssyncset.done $0x0  }
0x2bd: {  	s23 =	simm.s32 $0x0;
	s19 =	simm.s32 $0x0;
	[sflag:s17] =	ssyncadd.s32 $0xFFFFF000  }
0x2be: {  	s6 =	sand.u32 $0x7, s23;
	v5 =	vld [tilespmem:s19+$0x13030]  }
0x2bf: {  	s6 =	sor.u32 s20, s6;
	v10 =	vld [tilespmem:s19+$0x11030]  }
0x2c0: {  	v2 =	vmov s6;
	v3 =	vld [tilespmem:s19+$0x11000]  }
0x2c1: {  	v2 =	vbroadcast v2, $0x0;
	v4 =	vld [tilespmem:s19+$0x11010]  }
0x2c2: {  	v6 =	vld [tilespmem:s19+$0x11020]  }
0x2c3: {  	s25 =	simm.s32 $0x30;
	s24 =	sand.u32 $0x180, s5;
	v7 =	vld [tilespmem:s19+$0x13000]  }
0x2c4: {  	s7 =	sand.u32 $0x70, s25;
	s6 =	sor.u32 $0x1A230, s24;
	v8 =	vld [tilespmem:s19+$0x13010]  }
0x2c5: {  	s7 =	sadd.s32 s7, s6;
	v18 =	vld [tilespmem:s19+$0x13020]  }
0x2c6: {  	v11 =	vld [tilespmem:s7+$0x0]  }
0x2c7: {  	v2 =	vld.idx.msk [tilespmem:v2+s8+$0x0], $0xffff  }
0x2c8: {  	v14 =	vld.idx.msk [tilespmem:v5+s1+$0x0], $0xffff  }
0x2c9: {  	v9 =	vadd.s32 $0x4000, v10;
	v16 =	vld.idx.msk [tilespmem:v10+s1+$0x0], $0xffff  }
0x2ca: {  	v12 =	vadd.s32 $0x4000, v5;
	v13 =	vadd.s32 $0x4000, v3;
	v15 =	vadd.s32 $0x4000, v4;
	v22 =	vld.idx.msk [tilespmem:v6+s1+$0x0], $0xffff  }
0x2cb: {  	v20 =	vadd.s32 $0x4000, v7;
	v25 =	vadd.s32 $0x8000, v7;
	v29 =	vadd.s32 $0xC000, v7;
	v7 =	vld.idx.msk [tilespmem:v7+s1+$0x0], $0xffff  }
0x2cc: {  	v21 =	vadd.s32 $0x4000, v8;
	v27 =	vadd.s32 $0x8000, v8;
	v33 =	vadd.s32 $0xC000, v8;
	v8 =	vld.idx.msk [tilespmem:v8+s1+$0x0], $0xffff  }
0x2cd: {  	v17 =	vadd.s32 $0x4000, v6;
	v34 =	vld.idx.msk [tilespmem:v18+s1+$0x0], $0xffff  }
0x2ce: {  	v9 =	vld.idx.msk [tilespmem:v9+s1+$0x0], $0xffff  }
0x2cf: {  	v12 =	vld.idx.msk [tilespmem:v12+s1+$0x0], $0xffff  }
0x2d0: {  	v13 =	vld.idx.msk [tilespmem:v13+s1+$0x0], $0xffff  }
0x2d1: {  	v15 =	vld.idx.msk [tilespmem:v15+s1+$0x0], $0xffff  }
0x2d2: {  	v17 =	vld.idx.msk [tilespmem:v17+s1+$0x0], $0xffff;
	v11 =	vsub.f32 v11, v16  }
0x2d3: {  	v20 =	vld.idx.msk [tilespmem:v20+s1+$0x0], $0xffff;
	v19 =	vsub.f32 v2, v9  }
0x2d4: {  	s26 =	simm.s32 $0x10;
	v21 =	vld.idx.msk [tilespmem:v21+s1+$0x0], $0xffff;
	v16 =	vsub.f32 v16, v14;
	v11 =	vsub.f32 v11, v14  }
0x2d5: {  	s7 =	sand.u32 $0x50, s26;
	v23 =	vadd.s32 $0x4000, v18;
	v14 =	vld.idx.msk [tilespmem:v3+s1+$0x0], $0xffff;
	v9 =	vsub.f32 v9, v12;
	v12 =	vsub.f32 v19, v12  }
0x2d6: {  	s9 =	simm.s32 $0x20;
	s5 =	sand.u32 $0x40, s5;
	s7 =	sadd.s32 s7, s6;
	v24 =	vadd.s32 $0x8000, v3;
	v19 =	vld.idx.msk [tilespmem:v4+s1+$0x0], $0xffff  }
0x2d7: {  	s9 =	sand.u32 $0x60, s9;
	s5 =	sor.u32 s5, s6;
	v26 =	vadd.s32 $0x8000, v4;
	v11 =	vmul.f32 v11, v16;
	v16 =	vld [tilespmem:s7+$0x0];
	v9 =	vmul.f32 v12, v9  }
0x2d8: {  	s28 =	sadd.s32 s9, s6;
	v28 =	vadd.s32 $0x8000, v6;
	v30 =	vsub.f32 v2, v13;
	v12 =	vld [tilespmem:s5+$0x0]  }
0x2d9: {  	v32 =	vadd.s32 $0xC000, v4;
	v31 =	vsub.f32 v2, v15;
	v9 =	vadd.f32 v11, v9;
	v11 =	vld [tilespmem:s28+$0x0]  }
0x2da: {  	s9 =	simm.s32 $0x70;
	s22 =	simm.s32 $0x8;
	v35 =	vadd.s32 $0x8000, v18;
	v23 =	vld.idx.msk [tilespmem:v23+s1+$0x0], $0xffff;
	v2 =	vsub.f32 v2, v17;
	v13 =	vsub.f32 v13, v20  }
0x2db: {  	s24 =	sand.u32 $0x70, s9;
	v24 =	vld.idx.msk [tilespmem:v24+s1+$0x0], $0xffff;
	v15 =	vsub.f32 v15, v21;
	v20 =	vsub.f32 v30, v20;
	s7 =	sand.u32 $0x180, s22;
	s28 =	simm.s32 $0x60;
	v9 =	vmul.f32 v9, v1  }
0x2dc: {  	s6 =	simm.s32 $0x0;
	v26 =	vld.idx.msk [tilespmem:v26+s1+$0x0], $0xffff;
	v3 =	vadd.s32 $0xC000, v3;
	v21 =	vsub.f32 v31, v21;
	s10 =	sor.u32 $0x1A230, s7;
	v16 =	vsub.f32 v16, v19;
	s9 =	sand.u32 $0x60, s28  }
0x2dd: {  	s5 =	sand.u32 $0x7, s6;
	s6 =	sadd.s32 s9, s10;
	v12 =	vsub.f32 v12, v14;
	v4 =	vsub.f32 $0.0e+00, v9;
	v9 =	vld.idx.msk [tilespmem:v25+s1+$0x0], $0xffff;
	v25 =	vadd.s32 $0xC000, v6  }
0x2de: {  	v53 =	vld [tilespmem:s6+$0x0];
	v6 =	vsub.f32 v14, v7;
	v14 =	vmul.f32 v21, v15;
	v11 =	vsub.f32 v11, v22  }
0x2df: {  	s21 =	simm.s32 $0x40;
	v15 =	vld.idx.msk [tilespmem:v28+s1+$0x0], $0xffff;
	v7 =	vsub.f32 v12, v7;
	v12 =	vmul.f32 v20, v13;
	v13 =	vsub.f32 v19, v8  }
0x2e0: {  	v8 =	vsub.f32 v16, v8;
	v16 =	vsub.f32 v22, v34;
	v22 =	vld [tilespmem:s21+$0x13000];
	v4 =	vmul.f32 $1.442695020e+00, v4  }
0x2e1: {  	v17 =	vsub.f32 v17, v23;
	v2 =	vsub.f32 v2, v23;
	v6 =	vmul.f32 v7, v6;
	v7 =	vld.idx.msk [tilespmem:v35+s1+$0x0], $0xffff  }
0x2e2: {  	v8 =	vmul.f32 v8, v13;
	v13 =	vadd.s32 $0xC000, v18;
	v18 =	vld.idx.msk [tilespmem:v3+s1+$0x0], $0xffff;
	(erf) = vpow2.f32 v4  }
0x2e3: {  	v19 =	vsub.f32 v11, v34;
	v11 =	vld.idx.msk [tilespmem:v29+s1+$0x0], $0xffff  }
0x2e4: {  	v2 =	vmul.f32 v2, v17;
	v4 =	vld.idx.msk [tilespmem:v27+s1+$0x0], $0xffff;
	v3 =	vadd.f32 v12, v6  }
0x2e5: {  	v12 =	vmul.f32 v19, v16;
	v8 =	vadd.f32 v8, v14;
	v14 =	vld.idx.msk [tilespmem:v32+s1+$0x0], $0xffff;
	v19 =	vadd.s32 $0x8000, v5  }
0x2e6: {  	v6 =	vld.idx.msk [tilespmem:v33+s1+$0x0], $0xffff;
	v5 =	vadd.s32 $0xC000, v5  }
0x2e7: {  	v17 =	vld.idx.msk [tilespmem:v25+s1+$0x0], $0xffff;
	v2 =	vadd.f32 v12, v2  }
0x2e8: {  	v23 =	vsub.bf16 v24, v9;
	v24 =	vld [tilespmem:s21+$0x13010];
	v12 =	vadd.s32 $0x8000, v10  }
0x2e9: {  	v3 =	vmul.f32 v3, v1;
	v10 =	vadd.s32 $0xC000, v10;
	v21 =	vmul.f32 v2, v1;
	v2 =	vld [tilespmem:s21+$0x13030]  }
0x2ea: {  	v16 =	vmul.f32 v8, v1;
	v19 =	vld.idx.msk [tilespmem:v19+s1+$0x0], $0xffff  }
0x2eb: {  	v3 =	vsub.f32 $0.0e+00, v3;
	v40 =	vld.idx.msk [tilespmem:v5+s1+$0x0], $0xffff;
	v8 =	vpop (erf)  }
0x2ec: {  	v20 =	vadd.f32 $1.000000000e+00, v8;
	v8 =	vld.idx.msk [tilespmem:v13+s1+$0x0], $0xffff;
	v13 =	vsub.f32 $0.0e+00, v16  }
0x2ed: {  	v12 =	vld.idx.msk [tilespmem:v12+s1+$0x0], $0xffff;
	v16 =	vmul.f32 $1.442695020e+00, v3  }
0x2ee: {  	v38 =	vld.idx.msk [tilespmem:v10+s1+$0x0], $0xffff;
	(erf) = vrcp.f32 v20;
	v20 =	vsub.f32 $0.0e+00, v21;
	v13 =	vmul.f32 $1.442695020e+00, v13  }
0x2ef: {  	v3 =	vld [tilespmem:s21+$0x11030];
	v54 =	vadd.s32 $0x4000, v2;
	(erf) = vpow2.f32 v16  }
0x2f0: {  	s5 =	sor.u32 s20, s5;
	v21 =	vld [tilespmem:s21+$0x11010];
	v20 =	vmul.f32 $1.442695020e+00, v20;
	(erf) = vpow2.f32 v13  }
0x2f1: {  	v16 =	vmov s5;
	v56 =	vld.idx.msk [tilespmem:v2+s1+$0x0], $0xffff  }
0x2f2: {  	s5 =	sadd.s32 s24, s10;
	v13 =	vld [tilespmem:s21+$0x11000];
	v16 =	vbroadcast v16, $0x0;
	(erf) = vpow2.f32 v20  }
0x2f3: {  	s25 =	simm.s32 $0x50;
	v27 =	vld [tilespmem:s5+$0x0]  }
0x2f4: {  	v61 =	vadd.s32 $0x4000, v22;
	s5 =	sand.u32 $0x50, s25;
	v25 =	vadd.s32 $0x4000, v3;
	v29 =	vld.idx.msk [tilespmem:v54+s1+$0x0], $0xffff  }
0x2f5: {  	v63 =	vadd.s32 $0x8000, v22;
	v15 =	vsub.bf16 v15, v7;
	v18 =	vsub.f32 v18, v11;
	s5 =	sadd.s32 s5, s10;
	v20 =	vld [tilespmem:s21+$0x11020]  }
0x2f6: {  	v26 =	vsub.bf16 v26, v4;
	v14 =	vsub.f32 v14, v6;
	v51 =	vld [tilespmem:s5+$0x0];
	v58 =	vadd.s32 $0x4000, v21  }
0x2f7: {  	v39 =	vadd.s32 $0x4000, v24;
	v12 =	vsub.bf16 v12, v19;
	v59 =	vld.idx.msk [tilespmem:v3+s1+$0x0], $0xffff;
	v55 =	vadd.s32 $0x4000, v13;
	v28 =	vpop (erf)  }
0x2f8: {  	v45 =	vadd.s32 $0xC000, v24;
	v38 =	vsub.f32 v38, v40;
	v17 =	vsub.f32 v17, v8;
	v16 =	vld.idx.msk [tilespmem:v16+s8+$0x0], $0xffff;
	v57 =	vpop (erf)  }
0x2f9: {  	v5 =	vadd.s32 $0x8000, v21;
	v44 =	vadd.s32 $0xC000, v21;
	v25 =	vld.idx.msk [tilespmem:v25+s1+$0x0], $0xffff;
	v32 =	vadd.f32 $1.000000000e+00, v57;
	v60 =	vpop (erf)  }
0x2fa: {  	v21 =	vld.idx.msk [tilespmem:v21+s1+$0x0], $0xffff;
	v37 =	vadd.s32 $0x4000, v20;
	v36 =	vpack.i.f32.bf16 v28, v28;
	v35 =	vadd.f32 $1.000000000e+00, v60  }
0x2fb: {  	v62 =	vadd.s32 $0x8000, v13;
	v33 =	vld.idx.msk [tilespmem:v58+s1+$0x0], $0xffff;
	v12 =	vmul.bf16 v36, v12;
	v10 =	vpop (erf);
	(erf) = vrcp.f32 v32  }
0x2fc: {  	v31 =	vadd.s32 $0x8000, v20;
	v30 =	vld.idx.msk [tilespmem:v55+s1+$0x0], $0xffff;
	v10 =	vadd.f32 $1.000000000e+00, v10;
	(erf) = vrcp.f32 v35  }
0x2fd: {  	v47 =	vadd.s32 $0xC000, v20;
	v34 =	vsub.f32 v59, v56;
	v20 =	vld.idx.msk [tilespmem:v20+s1+$0x0], $0xffff;
	v12 =	vadd.bf16 v19, v12  }
0x2fe: {  	v19 =	vld [tilespmem:s21+$0x13020];
	v42 =	vsub.f32 v16, v25;
	(erf) = vrcp.f32 v10;
	v10 =	vsub.f32 v27, v59  }
0x2ff: {  	v43 =	vadd.s32 $0xC000, v13;
	v25 =	vsub.f32 v25, v29;
	v60 =	vsub.f32 v51, v21;
	v37 =	vld.idx.msk [tilespmem:v37+s1+$0x0], $0xffff  }
0x300: {  	v41 =	vand.u32 $0xFFFF0000, v12;
	v29 =	vsub.f32 v42, v29;
	v10 =	vsub.f32 v10, v56  }
0x301: {  	v46 =	vld.idx.msk [tilespmem:v13+s1+$0x0], $0xffff;
	v42 =	vadd.s32 $0xC000, v22;
	v12 =	vshll.u32 v12, $0x10;
	v58 =	vsub.f32 v16, v33  }
0x302: {  	s23 =	simm.s32 $0x40;
	v36 =	vld.idx.msk [tilespmem:v61+s1+$0x0], $0xffff;
	v27 =	vadd.s32 $0x8000, v24;
	v25 =	vmul.f32 v29, v25;
	v13 =	vmul.f32 v10, v34  }
0x303: {  	s26 =	sand.u32 $0x40, s23;
	v52 =	vsub.f32 v16, v30;
	v61 =	vsub.f32 v53, v20;
	v56 =	vadd.s32 $0x4000, v19  }
0x304: {  	s7 =	sor.u32 s26, s10;
	v57 =	vadd.s32 $0x8000, v19;
	v16 =	vsub.f32 v16, v37;
	v48 =	vpop (erf);
	v13 =	vadd.f32 v13, v25  }
0x305: {  	v49 =	vld [tilespmem:s7+$0x0];
	v10 =	vadd.s32 $0xC000, v19;
	v25 =	vpack.i.f32.bf16 v48, v48;
	v50 =	vpop (erf);
	v18 =	vmul.f32 v48, v18  }
0x306: {  	v39 =	vld.idx.msk [tilespmem:v39+s1+$0x0], $0xffff;
	v23 =	vmul.bf16 v25, v23;
	v25 =	vpack.i.f32.bf16 v50, v50;
	v13 =	vmul.f32 v13, v1  }
0x307: {  	v22 =	vld.idx.msk [tilespmem:v22+s1+$0x0], $0xffff;
	v59 =	vmul.f32 v50, v14;
	v11 =	vadd.f32 v18, v11;
	v18 =	vsub.f32 v52, v36  }
0x308: {  	v29 =	vld.idx.msk [tilespmem:v56+s1+$0x0], $0xffff;
	v25 =	vmul.bf16 v25, v26;
	v26 =	vpop (erf);
	v9 =	vadd.bf16 v9, v23;
	v13 =	vsub.f32 $0.0e+00, v13  }
0x309: {  	v24 =	vld.idx.msk [tilespmem:v24+s1+$0x0], $0xffff;
	v23 =	vpack.i.f32.bf16 v26, v26;
	v17 =	vmul.f32 v26, v17;
	v26 =	vmul.f32 v28, v38  }
0x30a: {  	v15 =	vmul.bf16 v23, v15;
	v14 =	vmul.f32 $1.442695020e+00, v13;
	v13 =	vadd.bf16 v4, v25;
	v4 =	vld.idx.msk [tilespmem:v19+s1+$0x0], $0xffff  }
0x30b: {  	[tilespmem:s19+$0x17030] =	vst v12;
	v23 =	vsub.f32 v49, v46;
	v19 =	vshll.u32 v9, $0x10;
	v25 =	vld.idx.msk [tilespmem:v62+s1+$0x0], $0xffff;
	v62 =	vsub.f32 v58, v39  }
0x30c: {  	[tilespmem:s19+$0x19000] =	vst v11;
	v12 =	vadd.bf16 v7, v15;
	v15 =	vsub.f32 v30, v36;
	(erf) = vpow2.f32 v14  }
0x30d: {  	v11 =	vsub.f32 v37, v29;
	[tilespmem:s19+$0x17000] =	vst v19;
	v7 =	vld.idx.msk [tilespmem:v63+s1+$0x0], $0xffff;
	v19 =	vsub.f32 v33, v39  }
0x30e: {  	[tilespmem:s19+$0x18030] =	vst v41;
	v63 =	vand.u32 $0xFFFF0000, v9;
	v14 =	vld.idx.msk [tilespmem:v5+s1+$0x0], $0xffff;
	v9 =	vmul.f32 v18, v15;
	v15 =	vsub.f32 v16, v29  }
0x30f: {  	v5 =	vld.idx.msk [tilespmem:v27+s1+$0x0], $0xffff;
	v16 =	vsub.f32 v46, v22;
	v18 =	vsub.f32 v23, v22;
	v22 =	vmul.f32 v62, v19  }
0x310: {  	v19 =	vsub.f32 v21, v24;
	v21 =	vsub.f32 v60, v24;
	v11 =	vmul.f32 v15, v11;
	v15 =	vld.idx.msk [tilespmem:v31+s1+$0x0], $0xffff  }
0x311: {  	v18 =	vmul.f32 v18, v16;
	v20 =	vsub.f32 v20, v4;
	v23 =	vsub.f32 v61, v4;
	v4 =	vld.idx.msk [tilespmem:v57+s1+$0x0], $0xffff  }
0x312: {  	v27 =	vadd.f32 v59, v6;
	v16 =	vld.idx.msk [tilespmem:v43+s1+$0x0], $0xffff;
	v21 =	vmul.f32 v21, v19;
	v19 =	vadd.f32 v17, v8  }
0x313: {  	v8 =	vld.idx.msk [tilespmem:v42+s1+$0x0], $0xffff;
	v6 =	vadd.f32 v9, v18;
	v9 =	vsub.bf16 v25, v7;
	v18 =	vmul.f32 v23, v20  }
0x314: {  	[tilespmem:s19+$0x18000] =	vst v63;
	v24 =	vshll.u32 v13, $0x10;
	v17 =	vld.idx.msk [tilespmem:v44+s1+$0x0], $0xffff;
	v22 =	vadd.f32 v21, v22;
	v20 =	vadd.f32 v26, v40  }
0x315: {  	[tilespmem:s19+$0x17010] =	vst v24;
	v21 =	vadd.s32 $0x8000, v3;
	v23 =	vmul.f32 v6, v1;
	v6 =	vld.idx.msk [tilespmem:v45+s1+$0x0], $0xffff;
	v11 =	vadd.f32 v18, v11;
	v25 =	vpop (erf)  }
0x316: {  	s26 =	simm.s32 $0x200;
	s6 =	simm.s32 $0x4;
	[tilespmem:s19+$0x19010] =	vst v27;
	v24 =	vmul.f32 v22, v1;
	v18 =	vld.idx.msk [tilespmem:v47+s1+$0x0], $0xffff;
	v22 =	vadd.s32 $0x8000, v2;
	v25 =	vadd.f32 $1.000000000e+00, v25  }
.LBB2_12:
0x317: {  	s6 =	sadd.s32 $0x4, s6;
	s25 =	sshra.s32 s26, $0x2;
	v23 =	vsub.f32 $0.0e+00, v23;
	v14 =	vsub.bf16 v14, v5;
	v26 =	vmul.f32 v11, v1;
	v11 =	vld.idx.msk [tilespmem:v10+s1+$0x0], $0xffff;
	[tilespmem:s19+$0x19020] =	vst v19  }
0x318: {  	v15 =	vsub.bf16 v15, v4;
	s5 =	sshrl.u32 s6, $0x3;
	v10 =	vld [tilespmem:s25+$0x13030];
	v19 =	vsub.f32 $0.0e+00, v24;
	(erf) = vrcp.f32 v25;
	[tilespmem:s19+$0x19030] =	vst v20  }
0x319: {  	v16 =	vsub.f32 v16, v8;
	s5 =	sand.u32 $0x7, s5;
	v20 =	vld [tilespmem:s25+$0x11030];
	v23 =	vmul.f32 $1.442695020e+00, v23;
	v24 =	vsub.f32 $0.0e+00, v26  }
0x31a: {  	v13 =	vand.u32 $0xFFFF0000, v13;
	p0 =	slt.u32 s6, $0xFC;
	v25 =	vshll.u32 v12, $0x10;
	s5 =	sor.u32 s20, s5;
	v19 =	vmul.f32 $1.442695020e+00, v19;
	v21 =	vld.idx.msk [tilespmem:v21+s1+$0x0], $0xffff  }
0x31b: {  	v26 =	vmov s5;
	v24 =	vmul.f32 $1.442695020e+00, v24;
	v22 =	vld.idx.msk [tilespmem:v22+s1+$0x0], $0xffff;
	(erf) = vpow2.f32 v23;
	[tilespmem:s19+$0x18010] =	vst v13  }
0x31c: {  	v13 =	vsub.f32 v17, v6;
	v23 =	vld [tilespmem:s25+$0x11000];
	v26 =	vbroadcast v26, $0x0;
	(erf) = vpow2.f32 v19;
	[tilespmem:s19+$0x17020] =	vst v25  }
0x31d: {  	s22 =	sadd.s32 $0x8, s22;
	s23 =	sadd.s32 $0x40, s23;
	v12 =	vand.u32 $0xFFFF0000, v12;
	v17 =	vsub.f32 v18, v11;
	v19 =	vld [tilespmem:s25+$0x11010];
	(erf) = vpow2.f32 v24  }
0x31e: {  	s7 =	sadd.s32 $0x10, s23;
	s9 =	sadd.s32 $0x30, s23;
	s5 =	sand.u32 $0x180, s22;
	v24 =	vld [tilespmem:s25+$0x11020];
	[tilespmem:s19+$0x18020] =	vst v12  }
0x31f: {  	s10 =	sadd.s32 $0x20, s23;
	s9 =	sand.u32 $0x70, s9;
	s5 =	sor.u32 $0x1A230, s5;
	v12 =	vld [tilespmem:s25+$0x13000]  }
0x320: {  	s7 =	sand.u32 $0x50, s7;
	s10 =	sand.u32 $0x60, s10;
	s9 =	sadd.s32 s9, s5;
	v18 =	vadd.s32 $0x4000, v20;
	v25 =	vld [tilespmem:s25+$0x13010]  }
0x321: {  	v29 =	vadd.s32 $0xC000, v3;
	s24 =	sadd.s32 s7, s5;
	s28 =	sadd.s32 s10, s5;
	s19 =	sand.u32 $0x40, s23;
	v21 =	vsub.bf16 v21, v22;
	v27 =	vadd.s32 $0x4000, v23;
	v28 =	vld [tilespmem:s9+$0x0];
	v30 =	vpop (erf)  }
0x322: {  	v32 =	vadd.s32 $0x4000, v10;
	v3 =	vmovc v20;
	s5 =	sor.u32 s19, s5;
	s19 =	smov.u32 s21;
	s21 =	smov.u32 s25;
	v26 =	vld.idx.msk [tilespmem:v26+s8+$0x0], $0xffff;
	v31 =	vadd.s32 $0x4000, v19;
	v33 =	vpack.i.f32.bf16 v30, v30  }
0x323: {  	v36 =	vadd.s32 $0xC000, v2;
	v2 =	vmovc v10;
	v34 =	vadd.s32 $0x4000, v24;
	v35 =	vld.idx.msk [tilespmem:v10+s1+$0x0], $0xffff;
	v41 =	vmul.bf16 v33, v21  }
0x324: {  	v37 =	vadd.s32 $0x8000, v23;
	v33 =	vadd.s32 $0x4000, v12;
	v38 =	vadd.s32 $0x8000, v12;
	v10 =	vld.idx.msk [tilespmem:v20+s1+$0x0], $0xffff;
	v20 =	vpop (erf)  }
0x325: {  	v39 =	vadd.s32 $0x4000, v25;
	v40 =	vld.idx.msk [tilespmem:v18+s1+$0x0], $0xffff;
	v18 =	vadd.f32 $1.000000000e+00, v20;
	v20 =	vadd.bf16 v22, v41;
	v21 =	vpop (erf)  }
0x326: {  	v22 =	vadd.s32 $0x8000, v19;
	v41 =	vadd.s32 $0x8000, v25;
	v21 =	vadd.f32 $1.000000000e+00, v21;
	v29 =	vld.idx.msk [tilespmem:v29+s1+$0x0], $0xffff;
	v42 =	vpop (erf)  }
0x327: {  	v32 =	vld.idx.msk [tilespmem:v32+s1+$0x0], $0xffff;
	v42 =	vadd.f32 $1.000000000e+00, v42;
	v43 =	vand.u32 $0xFFFF0000, v20;
	(erf) = vrcp.f32 v18  }
0x328: {  	v44 =	vadd.s32 $0xC000, v23;
	v45 =	vadd.s32 $0x8000, v24;
	v18 =	vld.idx.msk [tilespmem:v36+s1+$0x0], $0xffff;
	[tilespmem:s19+$0x18030] =	vst v43;
	(erf) = vrcp.f32 v21  }
0x329: {  	v21 =	vadd.s32 $0xC000, v12;
	v36 =	vadd.s32 $0xC000, v19;
	v43 =	vld [tilespmem:s21+$0x13020];
	(erf) = vrcp.f32 v42  }
0x32a: {  	v46 =	vadd.s32 $0xC000, v24;
	v42 =	vadd.s32 $0xC000, v25;
	v28 =	vsub.f32 v28, v10;
	v27 =	vld.idx.msk [tilespmem:v27+s1+$0x0], $0xffff  }
0x32b: {  	v20 =	vshll.u32 v20, $0x10;
	v47 =	vsub.f32 v26, v40;
	v31 =	vld.idx.msk [tilespmem:v31+s1+$0x0], $0xffff  }
0x32c: {  	v48 =	vsub.f32 v10, v35;
	v28 =	vsub.f32 v28, v35;
	v34 =	vld.idx.msk [tilespmem:v34+s1+$0x0], $0xffff;
	[tilespmem:s19+$0x17030] =	vst v20  }
0x32d: {  	v20 =	vld.idx.msk [tilespmem:v23+s1+$0x0], $0xffff;
	v23 =	vsub.f32 v40, v32;
	v32 =	vsub.f32 v47, v32  }
0x32e: {  	v19 =	vld.idx.msk [tilespmem:v19+s1+$0x0], $0xffff;
	v35 =	vadd.s32 $0x4000, v43;
	v40 =	vadd.s32 $0x8000, v43;
	v10 =	vadd.s32 $0xC000, v43  }
0x32f: {  	v28 =	vmul.f32 v28, v48;
	v29 =	vsub.f32 v29, v18;
	v24 =	vld.idx.msk [tilespmem:v24+s1+$0x0], $0xffff;
	v23 =	vmul.f32 v32, v23  }
0x330: {  	v47 =	vsub.f32 v26, v27;
	v32 =	vld [tilespmem:s5+$0x0];
	v48 =	vpop (erf)  }
0x331: {  	v50 =	vsub.f32 v26, v31;
	v49 =	vld [tilespmem:s24+$0x0];
	v23 =	vadd.f32 v28, v23;
	v28 =	vpack.i.f32.bf16 v48, v48;
	v51 =	vpop (erf)  }
0x332: {  	v26 =	vsub.f32 v26, v34;
	v52 =	vld [tilespmem:s28+$0x0];
	v9 =	vmul.bf16 v28, v9;
	v28 =	vpack.i.f32.bf16 v51, v51;
	v53 =	vpop (erf)  }
0x333: {  	v33 =	vld.idx.msk [tilespmem:v33+s1+$0x0], $0xffff;
	v23 =	vmul.f32 v23, v1;
	v14 =	vmul.bf16 v28, v14;
	v28 =	vpack.i.f32.bf16 v53, v53  }
0x334: {  	v39 =	vld.idx.msk [tilespmem:v39+s1+$0x0], $0xffff;
	v9 =	vadd.bf16 v7, v9;
	v7 =	vmul.f32 v48, v16;
	v15 =	vmul.bf16 v28, v15  }
0x335: {  	v16 =	vsub.f32 v32, v20;
	v28 =	vld.idx.msk [tilespmem:v35+s1+$0x0], $0xffff;
	v23 =	vsub.f32 $0.0e+00, v23;
	v32 =	vmul.f32 v51, v13  }
0x336: {  	v29 =	vmul.f32 v30, v29;
	v17 =	vmul.f32 v53, v17;
	v35 =	vld.idx.msk [tilespmem:v12+s1+$0x0], $0xffff;
	v48 =	vsub.f32 v49, v19  }
0x337: {  	v13 =	vadd.bf16 v5, v14;
	v25 =	vld.idx.msk [tilespmem:v25+s1+$0x0], $0xffff;
	v30 =	vsub.f32 v52, v24;
	v23 =	vmul.f32 $1.442695020e+00, v23  }
0x338: {  	v5 =	vshll.u32 v9, $0x10;
	v8 =	vadd.f32 v7, v8;
	v12 =	vadd.bf16 v4, v15;
	v43 =	vld.idx.msk [tilespmem:v43+s1+$0x0], $0xffff  }
0x339: {  	v4 =	vsub.f32 v27, v33;
	v14 =	vsub.f32 v47, v33;
	v27 =	vld.idx.msk [tilespmem:v37+s1+$0x0], $0xffff;
	(erf) = vpow2.f32 v23;
	[tilespmem:s19+$0x17000] =	vst v5  }
0x33a: {  	v5 =	vsub.f32 v31, v39;
	v15 =	vsub.f32 v50, v39;
	v23 =	vand.u32 $0xFFFF0000, v9;
	v7 =	vld.idx.msk [tilespmem:v38+s1+$0x0], $0xffff;
	[tilespmem:s19+$0x19000] =	vst v8  }
0x33b: {  	v8 =	vmul.f32 v14, v4;
	v4 =	vsub.f32 v34, v28;
	v9 =	vsub.f32 v26, v28;
	v14 =	vld.idx.msk [tilespmem:v22+s1+$0x0], $0xffff  }
0x33c: {  	v20 =	vsub.f32 v20, v35;
	v16 =	vsub.f32 v16, v35;
	v22 =	vmul.f32 v15, v5;
	v5 =	vld.idx.msk [tilespmem:v41+s1+$0x0], $0xffff  }
0x33d: {  	v19 =	vsub.f32 v19, v25;
	v25 =	vsub.f32 v48, v25;
	v26 =	vmul.f32 v9, v4;
	v15 =	vld.idx.msk [tilespmem:v45+s1+$0x0], $0xffff  }
0x33e: {  	v9 =	vmul.f32 v16, v20;
	v20 =	vsub.f32 v24, v43;
	v24 =	vsub.f32 v30, v43;
	v4 =	vld.idx.msk [tilespmem:v40+s1+$0x0], $0xffff  }
.Ltmp5:
0x33f: {  	v28 =	vadd.f32 v32, v6;
	v30 =	vmul.f32 v25, v19;
	v19 =	vadd.f32 v17, v11;
	v16 =	vld.idx.msk [tilespmem:v44+s1+$0x0], $0xffff;
	(pc) =	sbr.rel @p0 .LBB2_12-.Ltmp5, $4  }
0x340: {  	v6 =	vadd.f32 v8, v9;
	v9 =	vsub.bf16 v27, v7;
	v11 =	vmul.f32 v24, v20;
	v8 =	vld.idx.msk [tilespmem:v21+s1+$0x0], $0xffff  }
0x341: {  	v24 =	vshll.u32 v13, $0x10;
	v20 =	vadd.f32 v29, v18;
	v22 =	vadd.f32 v30, v22;
	v17 =	vld.idx.msk [tilespmem:v36+s1+$0x0], $0xffff;
	[tilespmem:s19+$0x18000] =	vst v23  }
0x342: {  	v21 =	vadd.s32 $0x8000, v3;
	v23 =	vmul.f32 v6, v1;
	v11 =	vadd.f32 v11, v26;
	v6 =	vld.idx.msk [tilespmem:v42+s1+$0x0], $0xffff;
	v25 =	vpop (erf);
	[tilespmem:s19+$0x17010] =	vst v24  }
0x343: {  	s26 =	sadd.s32 $0x100, s26;
	v24 =	vmul.f32 v22, v1;
	v22 =	vadd.s32 $0x8000, v2;
	v18 =	vld.idx.msk [tilespmem:v46+s1+$0x0], $0xffff;
	v25 =	vadd.f32 $1.000000000e+00, v25;
	[tilespmem:s19+$0x19010] =	vst v28  }
0x344: {  	v23 =	vsub.f32 $0.0e+00, v23;
	_ =	sdelay $0x1  }
0x345: {  	v23 =	vmul.f32 $1.442695020e+00, v23  }
0x346: {  	v24 =	vsub.f32 $0.0e+00, v24;
	(erf) = vrcp.f32 v25  }
0x347: {  	v11 =	vmul.f32 v11, v1;
	(erf) = vpow2.f32 v23  }
0x348: {  	v23 =	vmul.f32 $1.442695020e+00, v24  }
0x349: {  	v11 =	vsub.f32 $0.0e+00, v11  }
0x34a: {  	(erf) = vpow2.f32 v23  }
0x34b: {  	v11 =	vmul.f32 $1.442695020e+00, v11;
	_ =	sdelay $0x1  }
0x34c: {  	v3 =	vadd.s32 $0xC000, v3  }
0x34d: {  	v2 =	vadd.s32 $0xC000, v2  }
0x34e: {  	(erf) = vpow2.f32 v11;
	v11 =	vpop (erf)  }
0x34f: {  	v23 =	vpop (erf)  }
0x350: {  	v21 =	vld.idx.msk [tilespmem:v21+s1+$0x0], $0xffff;
	v23 =	vadd.f32 $1.000000000e+00, v23  }
0x351: {  	v3 =	vld.idx.msk [tilespmem:v3+s1+$0x0], $0xffff  }
0x352: {  	v2 =	vld.idx.msk [tilespmem:v2+s1+$0x0], $0xffff;
	v24 =	vpop (erf);
	(erf) = vrcp.f32 v23  }
0x353: {  	v22 =	vld.idx.msk [tilespmem:v22+s1+$0x0], $0xffff;
	v23 =	vadd.f32 $1.000000000e+00, v24;
	_ =	sdelay $0x3  }
0x354: {  	v3 =	vsub.f32 v3, v2;
	(erf) = vrcp.f32 v23;
	v23 =	vpop (erf)  }
0x355: {  	v21 =	vsub.bf16 v21, v22;
	v23 =	vadd.f32 $1.000000000e+00, v23  }
0x356: {  	v3 =	vmul.f32 v11, v3;
	v24 =	vpack.i.f32.bf16 v11, v11  }
0x357: {  	v21 =	vmul.bf16 v24, v21;
	(erf) = vrcp.f32 v23  }
0x358: {  	[tilespmem:s19+$0x19020] =	vst v19;
	v13 =	vand.u32 $0xFFFF0000, v13;
	v19 =	vpop (erf)  }
0x359: {  	[tilespmem:s19+$0x19030] =	vst v20;
	v2 =	vadd.f32 v3, v2;
	v20 =	vadd.bf16 v22, v21;
	v21 =	vpack.i.f32.bf16 v19, v19  }
0x35a: {  	v16 =	vsub.f32 v16, v8;
	[tilespmem:s19+$0x18010] =	vst v13;
	v9 =	vmul.bf16 v21, v9  }
0x35b: {  	v14 =	vsub.bf16 v14, v5;
	v10 =	vld.idx.msk [tilespmem:v10+s1+$0x0], $0xffff;
	[tilespmem:s21+$0x19030] =	vst v2;
	v22 =	vshll.u32 v12, $0x10  }
0x35c: {  	v12 =	vand.u32 $0xFFFF0000, v12;
	[tilespmem:s19+$0x17020] =	vst v22;
	v7 =	vadd.bf16 v7, v9;
	v9 =	vmul.f32 v19, v16  }
0x35d: {  	v13 =	vsub.bf16 v15, v4;
	[tilespmem:s19+$0x18020] =	vst v12;
	v15 =	vand.u32 $0xFFFF0000, v20;
	v21 =	vpop (erf);
	v16 =	vsub.f32 v17, v6  }
0x35e: {  	[tilespmem:s21+$0x18030] =	vst v15;
	v15 =	vshll.u32 v20, $0x10;
	v12 =	vpack.i.f32.bf16 v21, v21  }
0x35f: {  	[tilespmem:s21+$0x17030] =	vst v15;
	v12 =	vmul.bf16 v12, v14;
	v15 =	vshll.u32 v7, $0x10;
	v16 =	vmul.f32 v21, v16  }
0x360: {  	v14 =	vsub.f32 v18, v10;
	v8 =	vadd.f32 v9, v8;
	v7 =	vand.u32 $0xFFFF0000, v7;
	[tilespmem:s21+$0x17000] =	vst v15;
	v9 =	vpop (erf)  }
0x361: {  	[tilespmem:s21+$0x18000] =	vst v7;
	v5 =	vadd.bf16 v5, v12;
	v6 =	vadd.f32 v16, v6;
	v12 =	vpack.i.f32.bf16 v9, v9  }
0x362: {  	[tilespmem:s21+$0x19000] =	vst v8;
	v9 =	vmul.f32 v9, v14;
	v8 =	vmul.bf16 v12, v13  }
0x363: {  	v7 =	vshll.u32 v5, $0x10;
	[tilespmem:s21+$0x19010] =	vst v6  }
0x364: {  	v2 =	vand.u32 $0xFFFF0000, v5;
	v9 =	vadd.f32 v9, v10;
	[tilespmem:s21+$0x17010] =	vst v7;
	v3 =	vadd.bf16 v4, v8  }
0x365: {  	[tilespmem:s21+$0x18010] =	vst v2  }
0x366: {  	[tilespmem:s21+$0x19020] =	vst v9;
	v4 =	vshll.u32 v3, $0x10  }
0x367: {  	v2 =	vand.u32 $0xFFFF0000, v3;
	[tilespmem:s21+$0x17020] =	vst v4  }
0x368: {  	[tilespmem:s21+$0x18020] =	vst v2  }
0x369: {  	s6 =	rddreg [dreg:$0x11]  }
0x36a: {  	s5 =	simm.s32 $0x0;
	s9 =	sld [smem:$0x7F4]  }
0x36b: {  	[hbm4b:s6+s5] =	stream.linear.scatter [tilespmem:s13], [sflag:$0x5], $0x1000, $0x38;
	[tilespmem:$0x1A830] =	vst v63  }
0x36c: {  	s10 =	sld [smem:$0x7F5]  }
0x36d: {  	[hbm4b:s9+s5] =	stream.linear.scatter [tilespmem:s14], [sflag:$0x5], $0x1000, $0x38;
	[tilespmem:$0x1A830] =	vst v63  }
0x36e: {  	_ = 	snop  }
0x36f: {  	[hbm4b:s10+s5] =	stream.linear.scatter [tilespmem:s15], [sflag:$0x5], $0x1000, $0x38;
	[tilespmem:$0x1A830] =	vst v63  }
0x370: {  	_ =	swait.ge [sflag:s29], $0x1000  }
0x371: {  	[sflag:s29] =	ssyncset.done $0x0  }
0x372: {  	[sflag:s29] =	ssyncadd.s32 $0xFFFFF000  }
0x373: {  	_ =	swait.ge [sflag:s29], $0x1000  }
0x374: {  	[sflag:s29] =	ssyncset.done $0x0  }
0x375: {  	s7 =	simm.s32 $0x11000;
	s19 =	rddreg [dreg:$0x14];
	[sflag:s29] =	ssyncadd.s32 $0xFFFFF000  }
0x376: {  	[tilespmem:s7], [sflag:$0x3] =	stream.linear.gather [hbm4b:s19+s5], $0x1000, $0x38;
	[tilespmem:$0x1A830] =	vst v63  }
0x377: {  	s22 =	simm.s32 $0x13000;
	s21 =	rddreg [dreg:$0x15]  }
0x378: {  	[tilespmem:s22], [sflag:$0x3] =	stream.linear.gather [hbm4b:s21+s5], $0x1000, $0x38;
	[tilespmem:$0x1A830] =	vst v63  }
0x379: {  	_ =	swait.ge [sflag:s16], $0x1000  }
0x37a: {  	[sflag:s16] =	ssyncset.done $0x0  }
0x37b: {  	[sflag:s16] =	ssyncadd.s32 $0xFFFFF000  }
0x37c: {  	_ =	swait.ge [sflag:s16], $0x1000  }
0x37d: {  	[sflag:s16] =	ssyncset.done $0x0  }
0x37e: {  	[sflag:s16] =	ssyncadd.s32 $0xFFFFF000  }
0x37f: {  	_ =	swait.ge [sflag:s16], $0x1000  }
0x380: {  	[sflag:s16] =	ssyncset.done $0x0  }
0x381: {  	s23 =	simm.s32 $0x0;
	s19 =	simm.s32 $0x0;
	[sflag:s16] =	ssyncadd.s32 $0xFFFFF000  }
0x382: {  	s6 =	sand.u32 $0x7, s23;
	v5 =	vld [tilespmem:s19+$0x12030]  }
0x383: {  	s6 =	sor.u32 s0, s6;
	v10 =	vld [tilespmem:s19+$0x10030]  }
0x384: {  	v2 =	vmov s6;
	v3 =	vld [tilespmem:s19+$0x10000]  }
0x385: {  	v2 =	vbroadcast v2, $0x0;
	v4 =	vld [tilespmem:s19+$0x10010]  }
0x386: {  	v6 =	vld [tilespmem:s19+$0x10020]  }
0x387: {  	s25 =	simm.s32 $0x30;
	s24 =	sand.u32 $0x180, s5;
	v7 =	vld [tilespmem:s19+$0x12000]  }
0x388: {  	s6 =	sor.u32 $0x1A030, s24;
	s7 =	sand.u32 $0x70, s25;
	v8 =	vld [tilespmem:s19+$0x12010]  }
0x389: {  	s7 =	sadd.s32 s7, s6;
	v18 =	vld [tilespmem:s19+$0x12020]  }
0x38a: {  	v11 =	vld [tilespmem:s7+$0x0]  }
0x38b: {  	v2 =	vld.idx.msk [tilespmem:v2+s8+$0x0], $0xffff  }
0x38c: {  	v14 =	vld.idx.msk [tilespmem:v5+s1+$0x0], $0xffff  }
0x38d: {  	v9 =	vadd.s32 $0x4000, v10;
	v16 =	vld.idx.msk [tilespmem:v10+s1+$0x0], $0xffff  }
0x38e: {  	v12 =	vadd.s32 $0x4000, v5;
	v13 =	vadd.s32 $0x4000, v3;
	v15 =	vadd.s32 $0x4000, v4;
	v22 =	vld.idx.msk [tilespmem:v6+s1+$0x0], $0xffff  }
0x38f: {  	v20 =	vadd.s32 $0x4000, v7;
	v25 =	vadd.s32 $0x8000, v7;
	v29 =	vadd.s32 $0xC000, v7;
	v7 =	vld.idx.msk [tilespmem:v7+s1+$0x0], $0xffff  }
0x390: {  	v21 =	vadd.s32 $0x4000, v8;
	v27 =	vadd.s32 $0x8000, v8;
	v33 =	vadd.s32 $0xC000, v8;
	v8 =	vld.idx.msk [tilespmem:v8+s1+$0x0], $0xffff  }
0x391: {  	v17 =	vadd.s32 $0x4000, v6;
	v34 =	vld.idx.msk [tilespmem:v18+s1+$0x0], $0xffff  }
0x392: {  	v9 =	vld.idx.msk [tilespmem:v9+s1+$0x0], $0xffff  }
0x393: {  	v12 =	vld.idx.msk [tilespmem:v12+s1+$0x0], $0xffff  }
0x394: {  	v13 =	vld.idx.msk [tilespmem:v13+s1+$0x0], $0xffff  }
0x395: {  	v15 =	vld.idx.msk [tilespmem:v15+s1+$0x0], $0xffff  }
0x396: {  	v17 =	vld.idx.msk [tilespmem:v17+s1+$0x0], $0xffff;
	v11 =	vsub.f32 v11, v16  }
0x397: {  	v20 =	vld.idx.msk [tilespmem:v20+s1+$0x0], $0xffff;
	v19 =	vsub.f32 v2, v9  }
0x398: {  	s26 =	simm.s32 $0x10;
	v21 =	vld.idx.msk [tilespmem:v21+s1+$0x0], $0xffff;
	v16 =	vsub.f32 v16, v14;
	v11 =	vsub.f32 v11, v14  }
0x399: {  	s7 =	sand.u32 $0x50, s26;
	v23 =	vadd.s32 $0x4000, v18;
	v14 =	vld.idx.msk [tilespmem:v3+s1+$0x0], $0xffff;
	v9 =	vsub.f32 v9, v12;
	v12 =	vsub.f32 v19, v12  }
0x39a: {  	s9 =	simm.s32 $0x20;
	s5 =	sand.u32 $0x40, s5;
	s7 =	sadd.s32 s7, s6;
	v24 =	vadd.s32 $0x8000, v3;
	v19 =	vld.idx.msk [tilespmem:v4+s1+$0x0], $0xffff  }
0x39b: {  	s9 =	sand.u32 $0x60, s9;
	s5 =	sor.u32 s5, s6;
	v26 =	vadd.s32 $0x8000, v4;
	v11 =	vmul.f32 v11, v16;
	v16 =	vld [tilespmem:s7+$0x0];
	v9 =	vmul.f32 v12, v9  }
0x39c: {  	s28 =	sadd.s32 s9, s6;
	v28 =	vadd.s32 $0x8000, v6;
	v30 =	vsub.f32 v2, v13;
	v12 =	vld [tilespmem:s5+$0x0]  }
0x39d: {  	v32 =	vadd.s32 $0xC000, v4;
	v31 =	vsub.f32 v2, v15;
	v9 =	vadd.f32 v11, v9;
	v11 =	vld [tilespmem:s28+$0x0]  }
0x39e: {  	s9 =	simm.s32 $0x70;
	s22 =	simm.s32 $0x8;
	v35 =	vadd.s32 $0x8000, v18;
	v23 =	vld.idx.msk [tilespmem:v23+s1+$0x0], $0xffff;
	v2 =	vsub.f32 v2, v17;
	v13 =	vsub.f32 v13, v20  }
0x39f: {  	s24 =	sand.u32 $0x70, s9;
	v24 =	vld.idx.msk [tilespmem:v24+s1+$0x0], $0xffff;
	v15 =	vsub.f32 v15, v21;
	v20 =	vsub.f32 v30, v20;
	s7 =	sand.u32 $0x180, s22;
	s28 =	simm.s32 $0x60;
	v9 =	vmul.f32 v9, v1  }
0x3a0: {  	s6 =	simm.s32 $0x0;
	v26 =	vld.idx.msk [tilespmem:v26+s1+$0x0], $0xffff;
	v3 =	vadd.s32 $0xC000, v3;
	v21 =	vsub.f32 v31, v21;
	s10 =	sor.u32 $0x1A030, s7;
	v16 =	vsub.f32 v16, v19;
	s9 =	sand.u32 $0x60, s28  }
0x3a1: {  	s5 =	sand.u32 $0x7, s6;
	s6 =	sadd.s32 s9, s10;
	v12 =	vsub.f32 v12, v14;
	v4 =	vsub.f32 $0.0e+00, v9;
	v9 =	vld.idx.msk [tilespmem:v25+s1+$0x0], $0xffff;
	v25 =	vadd.s32 $0xC000, v6  }
0x3a2: {  	v53 =	vld [tilespmem:s6+$0x0];
	v6 =	vsub.f32 v14, v7;
	v14 =	vmul.f32 v21, v15;
	v11 =	vsub.f32 v11, v22  }
0x3a3: {  	s21 =	simm.s32 $0x40;
	v15 =	vld.idx.msk [tilespmem:v28+s1+$0x0], $0xffff;
	v7 =	vsub.f32 v12, v7;
	v12 =	vmul.f32 v20, v13;
	v13 =	vsub.f32 v19, v8  }
0x3a4: {  	v8 =	vsub.f32 v16, v8;
	v16 =	vsub.f32 v22, v34;
	v22 =	vld [tilespmem:s21+$0x12000];
	v4 =	vmul.f32 $1.442695020e+00, v4  }
0x3a5: {  	v17 =	vsub.f32 v17, v23;
	v2 =	vsub.f32 v2, v23;
	v6 =	vmul.f32 v7, v6;
	v7 =	vld.idx.msk [tilespmem:v35+s1+$0x0], $0xffff  }
0x3a6: {  	v8 =	vmul.f32 v8, v13;
	v13 =	vadd.s32 $0xC000, v18;
	v18 =	vld.idx.msk [tilespmem:v3+s1+$0x0], $0xffff;
	(erf) = vpow2.f32 v4  }
0x3a7: {  	v19 =	vsub.f32 v11, v34;
	v11 =	vld.idx.msk [tilespmem:v29+s1+$0x0], $0xffff  }
0x3a8: {  	v2 =	vmul.f32 v2, v17;
	v4 =	vld.idx.msk [tilespmem:v27+s1+$0x0], $0xffff;
	v3 =	vadd.f32 v12, v6  }
0x3a9: {  	v12 =	vmul.f32 v19, v16;
	v8 =	vadd.f32 v8, v14;
	v14 =	vld.idx.msk [tilespmem:v32+s1+$0x0], $0xffff;
	v19 =	vadd.s32 $0x8000, v5  }
0x3aa: {  	v6 =	vld.idx.msk [tilespmem:v33+s1+$0x0], $0xffff;
	v5 =	vadd.s32 $0xC000, v5  }
0x3ab: {  	v17 =	vld.idx.msk [tilespmem:v25+s1+$0x0], $0xffff;
	v2 =	vadd.f32 v12, v2  }
0x3ac: {  	v23 =	vsub.bf16 v24, v9;
	v24 =	vld [tilespmem:s21+$0x12010];
	v12 =	vadd.s32 $0x8000, v10  }
0x3ad: {  	v3 =	vmul.f32 v3, v1;
	v10 =	vadd.s32 $0xC000, v10;
	v21 =	vmul.f32 v2, v1;
	v2 =	vld [tilespmem:s21+$0x12030]  }
0x3ae: {  	v16 =	vmul.f32 v8, v1;
	v19 =	vld.idx.msk [tilespmem:v19+s1+$0x0], $0xffff  }
0x3af: {  	v3 =	vsub.f32 $0.0e+00, v3;
	v40 =	vld.idx.msk [tilespmem:v5+s1+$0x0], $0xffff;
	v8 =	vpop (erf)  }
0x3b0: {  	v20 =	vadd.f32 $1.000000000e+00, v8;
	v8 =	vld.idx.msk [tilespmem:v13+s1+$0x0], $0xffff;
	v13 =	vsub.f32 $0.0e+00, v16  }
0x3b1: {  	v12 =	vld.idx.msk [tilespmem:v12+s1+$0x0], $0xffff;
	v16 =	vmul.f32 $1.442695020e+00, v3  }
0x3b2: {  	v38 =	vld.idx.msk [tilespmem:v10+s1+$0x0], $0xffff;
	(erf) = vrcp.f32 v20;
	v20 =	vsub.f32 $0.0e+00, v21;
	v13 =	vmul.f32 $1.442695020e+00, v13  }
0x3b3: {  	v3 =	vld [tilespmem:s21+$0x10030];
	v54 =	vadd.s32 $0x4000, v2;
	(erf) = vpow2.f32 v16  }
0x3b4: {  	s5 =	sor.u32 s0, s5;
	v21 =	vld [tilespmem:s21+$0x10010];
	v20 =	vmul.f32 $1.442695020e+00, v20;
	(erf) = vpow2.f32 v13  }
0x3b5: {  	v16 =	vmov s5;
	v56 =	vld.idx.msk [tilespmem:v2+s1+$0x0], $0xffff  }
0x3b6: {  	s5 =	sadd.s32 s24, s10;
	v13 =	vld [tilespmem:s21+$0x10000];
	v16 =	vbroadcast v16, $0x0;
	(erf) = vpow2.f32 v20  }
0x3b7: {  	s25 =	simm.s32 $0x50;
	v27 =	vld [tilespmem:s5+$0x0]  }
0x3b8: {  	v61 =	vadd.s32 $0x4000, v22;
	s5 =	sand.u32 $0x50, s25;
	v25 =	vadd.s32 $0x4000, v3;
	v29 =	vld.idx.msk [tilespmem:v54+s1+$0x0], $0xffff  }
0x3b9: {  	v63 =	vadd.s32 $0x8000, v22;
	v15 =	vsub.bf16 v15, v7;
	v18 =	vsub.f32 v18, v11;
	s5 =	sadd.s32 s5, s10;
	v20 =	vld [tilespmem:s21+$0x10020]  }
0x3ba: {  	v26 =	vsub.bf16 v26, v4;
	v14 =	vsub.f32 v14, v6;
	v51 =	vld [tilespmem:s5+$0x0];
	v58 =	vadd.s32 $0x4000, v21  }
0x3bb: {  	v39 =	vadd.s32 $0x4000, v24;
	v12 =	vsub.bf16 v12, v19;
	v59 =	vld.idx.msk [tilespmem:v3+s1+$0x0], $0xffff;
	v55 =	vadd.s32 $0x4000, v13;
	v28 =	vpop (erf)  }
0x3bc: {  	v45 =	vadd.s32 $0xC000, v24;
	v38 =	vsub.f32 v38, v40;
	v17 =	vsub.f32 v17, v8;
	v16 =	vld.idx.msk [tilespmem:v16+s8+$0x0], $0xffff;
	v57 =	vpop (erf)  }
0x3bd: {  	v5 =	vadd.s32 $0x8000, v21;
	v44 =	vadd.s32 $0xC000, v21;
	v25 =	vld.idx.msk [tilespmem:v25+s1+$0x0], $0xffff;
	v32 =	vadd.f32 $1.000000000e+00, v57;
	v60 =	vpop (erf)  }
0x3be: {  	v21 =	vld.idx.msk [tilespmem:v21+s1+$0x0], $0xffff;
	v37 =	vadd.s32 $0x4000, v20;
	v36 =	vpack.i.f32.bf16 v28, v28;
	v35 =	vadd.f32 $1.000000000e+00, v60  }
0x3bf: {  	v62 =	vadd.s32 $0x8000, v13;
	v33 =	vld.idx.msk [tilespmem:v58+s1+$0x0], $0xffff;
	v12 =	vmul.bf16 v36, v12;
	v10 =	vpop (erf);
	(erf) = vrcp.f32 v32  }
0x3c0: {  	v31 =	vadd.s32 $0x8000, v20;
	v30 =	vld.idx.msk [tilespmem:v55+s1+$0x0], $0xffff;
	v10 =	vadd.f32 $1.000000000e+00, v10;
	(erf) = vrcp.f32 v35  }
0x3c1: {  	v47 =	vadd.s32 $0xC000, v20;
	v34 =	vsub.f32 v59, v56;
	v20 =	vld.idx.msk [tilespmem:v20+s1+$0x0], $0xffff;
	v12 =	vadd.bf16 v19, v12  }
0x3c2: {  	v19 =	vld [tilespmem:s21+$0x12020];
	v42 =	vsub.f32 v16, v25;
	(erf) = vrcp.f32 v10;
	v10 =	vsub.f32 v27, v59  }
0x3c3: {  	v43 =	vadd.s32 $0xC000, v13;
	v25 =	vsub.f32 v25, v29;
	v60 =	vsub.f32 v51, v21;
	v37 =	vld.idx.msk [tilespmem:v37+s1+$0x0], $0xffff  }
0x3c4: {  	v41 =	vand.u32 $0xFFFF0000, v12;
	v29 =	vsub.f32 v42, v29;
	v10 =	vsub.f32 v10, v56  }
0x3c5: {  	v46 =	vld.idx.msk [tilespmem:v13+s1+$0x0], $0xffff;
	v42 =	vadd.s32 $0xC000, v22;
	v12 =	vshll.u32 v12, $0x10;
	v58 =	vsub.f32 v16, v33  }
0x3c6: {  	s23 =	simm.s32 $0x40;
	v36 =	vld.idx.msk [tilespmem:v61+s1+$0x0], $0xffff;
	v27 =	vadd.s32 $0x8000, v24;
	v25 =	vmul.f32 v29, v25;
	v13 =	vmul.f32 v10, v34  }
0x3c7: {  	s26 =	sand.u32 $0x40, s23;
	v52 =	vsub.f32 v16, v30;
	v61 =	vsub.f32 v53, v20;
	v56 =	vadd.s32 $0x4000, v19  }
0x3c8: {  	s7 =	sor.u32 s26, s10;
	v57 =	vadd.s32 $0x8000, v19;
	v16 =	vsub.f32 v16, v37;
	v48 =	vpop (erf);
	v13 =	vadd.f32 v13, v25  }
0x3c9: {  	v49 =	vld [tilespmem:s7+$0x0];
	v10 =	vadd.s32 $0xC000, v19;
	v25 =	vpack.i.f32.bf16 v48, v48;
	v50 =	vpop (erf);
	v18 =	vmul.f32 v48, v18  }
0x3ca: {  	v39 =	vld.idx.msk [tilespmem:v39+s1+$0x0], $0xffff;
	v23 =	vmul.bf16 v25, v23;
	v25 =	vpack.i.f32.bf16 v50, v50;
	v13 =	vmul.f32 v13, v1  }
0x3cb: {  	v22 =	vld.idx.msk [tilespmem:v22+s1+$0x0], $0xffff;
	v59 =	vmul.f32 v50, v14;
	v11 =	vadd.f32 v18, v11;
	v18 =	vsub.f32 v52, v36  }
0x3cc: {  	v29 =	vld.idx.msk [tilespmem:v56+s1+$0x0], $0xffff;
	v25 =	vmul.bf16 v25, v26;
	v26 =	vpop (erf);
	v9 =	vadd.bf16 v9, v23;
	v13 =	vsub.f32 $0.0e+00, v13  }
0x3cd: {  	v24 =	vld.idx.msk [tilespmem:v24+s1+$0x0], $0xffff;
	v23 =	vpack.i.f32.bf16 v26, v26;
	v17 =	vmul.f32 v26, v17;
	v26 =	vmul.f32 v28, v38  }
0x3ce: {  	v15 =	vmul.bf16 v23, v15;
	v14 =	vmul.f32 $1.442695020e+00, v13;
	v13 =	vadd.bf16 v4, v25;
	v4 =	vld.idx.msk [tilespmem:v19+s1+$0x0], $0xffff  }
0x3cf: {  	[tilespmem:s19+$0x14030] =	vst v12;
	v23 =	vsub.f32 v49, v46;
	v19 =	vshll.u32 v9, $0x10;
	v25 =	vld.idx.msk [tilespmem:v62+s1+$0x0], $0xffff;
	v62 =	vsub.f32 v58, v39  }
0x3d0: {  	[tilespmem:s19+$0x16000] =	vst v11;
	v12 =	vadd.bf16 v7, v15;
	v15 =	vsub.f32 v30, v36;
	(erf) = vpow2.f32 v14  }
0x3d1: {  	v11 =	vsub.f32 v37, v29;
	[tilespmem:s19+$0x14000] =	vst v19;
	v7 =	vld.idx.msk [tilespmem:v63+s1+$0x0], $0xffff;
	v19 =	vsub.f32 v33, v39  }
0x3d2: {  	[tilespmem:s19+$0x15030] =	vst v41;
	v63 =	vand.u32 $0xFFFF0000, v9;
	v14 =	vld.idx.msk [tilespmem:v5+s1+$0x0], $0xffff;
	v9 =	vmul.f32 v18, v15;
	v15 =	vsub.f32 v16, v29  }
0x3d3: {  	v5 =	vld.idx.msk [tilespmem:v27+s1+$0x0], $0xffff;
	v16 =	vsub.f32 v46, v22;
	v18 =	vsub.f32 v23, v22;
	v22 =	vmul.f32 v62, v19  }
0x3d4: {  	v19 =	vsub.f32 v21, v24;
	v21 =	vsub.f32 v60, v24;
	v11 =	vmul.f32 v15, v11;
	v15 =	vld.idx.msk [tilespmem:v31+s1+$0x0], $0xffff  }
0x3d5: {  	v18 =	vmul.f32 v18, v16;
	v20 =	vsub.f32 v20, v4;
	v23 =	vsub.f32 v61, v4;
	v4 =	vld.idx.msk [tilespmem:v57+s1+$0x0], $0xffff  }
0x3d6: {  	v27 =	vadd.f32 v59, v6;
	v16 =	vld.idx.msk [tilespmem:v43+s1+$0x0], $0xffff;
	v21 =	vmul.f32 v21, v19;
	v19 =	vadd.f32 v17, v8  }
0x3d7: {  	v8 =	vld.idx.msk [tilespmem:v42+s1+$0x0], $0xffff;
	v6 =	vadd.f32 v9, v18;
	v9 =	vsub.bf16 v25, v7;
	v18 =	vmul.f32 v23, v20  }
0x3d8: {  	[tilespmem:s19+$0x15000] =	vst v63;
	v24 =	vshll.u32 v13, $0x10;
	v17 =	vld.idx.msk [tilespmem:v44+s1+$0x0], $0xffff;
	v22 =	vadd.f32 v21, v22;
	v20 =	vadd.f32 v26, v40  }
0x3d9: {  	[tilespmem:s19+$0x14010] =	vst v24;
	v21 =	vadd.s32 $0x8000, v3;
	v23 =	vmul.f32 v6, v1;
	v6 =	vld.idx.msk [tilespmem:v45+s1+$0x0], $0xffff;
	v11 =	vadd.f32 v18, v11;
	v25 =	vpop (erf)  }
0x3da: {  	s26 =	simm.s32 $0x200;
	s6 =	simm.s32 $0x4;
	[tilespmem:s19+$0x16010] =	vst v27;
	v24 =	vmul.f32 v22, v1;
	v18 =	vld.idx.msk [tilespmem:v47+s1+$0x0], $0xffff;
	v22 =	vadd.s32 $0x8000, v2;
	v25 =	vadd.f32 $1.000000000e+00, v25  }
.LBB2_14:
0x3db: {  	s6 =	sadd.s32 $0x4, s6;
	s25 =	sshra.s32 s26, $0x2;
	v23 =	vsub.f32 $0.0e+00, v23;
	v14 =	vsub.bf16 v14, v5;
	v26 =	vmul.f32 v11, v1;
	v11 =	vld.idx.msk [tilespmem:v10+s1+$0x0], $0xffff;
	[tilespmem:s19+$0x16020] =	vst v19  }
0x3dc: {  	v15 =	vsub.bf16 v15, v4;
	s5 =	sshrl.u32 s6, $0x3;
	v10 =	vld [tilespmem:s25+$0x12030];
	v19 =	vsub.f32 $0.0e+00, v24;
	(erf) = vrcp.f32 v25;
	[tilespmem:s19+$0x16030] =	vst v20  }
0x3dd: {  	v16 =	vsub.f32 v16, v8;
	s5 =	sand.u32 $0x7, s5;
	v20 =	vld [tilespmem:s25+$0x10030];
	v23 =	vmul.f32 $1.442695020e+00, v23;
	v24 =	vsub.f32 $0.0e+00, v26  }
0x3de: {  	v13 =	vand.u32 $0xFFFF0000, v13;
	p0 =	slt.u32 s6, $0xFC;
	v25 =	vshll.u32 v12, $0x10;
	s5 =	sor.u32 s0, s5;
	v19 =	vmul.f32 $1.442695020e+00, v19;
	v21 =	vld.idx.msk [tilespmem:v21+s1+$0x0], $0xffff  }
0x3df: {  	v26 =	vmov s5;
	v24 =	vmul.f32 $1.442695020e+00, v24;
	v22 =	vld.idx.msk [tilespmem:v22+s1+$0x0], $0xffff;
	(erf) = vpow2.f32 v23;
	[tilespmem:s19+$0x15010] =	vst v13  }
0x3e0: {  	v13 =	vsub.f32 v17, v6;
	v23 =	vld [tilespmem:s25+$0x10000];
	v26 =	vbroadcast v26, $0x0;
	(erf) = vpow2.f32 v19;
	[tilespmem:s19+$0x14020] =	vst v25  }
0x3e1: {  	s22 =	sadd.s32 $0x8, s22;
	s23 =	sadd.s32 $0x40, s23;
	v12 =	vand.u32 $0xFFFF0000, v12;
	v17 =	vsub.f32 v18, v11;
	v19 =	vld [tilespmem:s25+$0x10010];
	(erf) = vpow2.f32 v24  }
0x3e2: {  	s7 =	sadd.s32 $0x10, s23;
	s9 =	sadd.s32 $0x30, s23;
	s5 =	sand.u32 $0x180, s22;
	v24 =	vld [tilespmem:s25+$0x10020];
	[tilespmem:s19+$0x15020] =	vst v12  }
0x3e3: {  	s10 =	sadd.s32 $0x20, s23;
	s9 =	sand.u32 $0x70, s9;
	s5 =	sor.u32 $0x1A030, s5;
	v12 =	vld [tilespmem:s25+$0x12000]  }
0x3e4: {  	s7 =	sand.u32 $0x50, s7;
	s10 =	sand.u32 $0x60, s10;
	s9 =	sadd.s32 s9, s5;
	v18 =	vadd.s32 $0x4000, v20;
	v25 =	vld [tilespmem:s25+$0x12010]  }
0x3e5: {  	v29 =	vadd.s32 $0xC000, v3;
	s24 =	sadd.s32 s7, s5;
	s28 =	sadd.s32 s10, s5;
	s19 =	sand.u32 $0x40, s23;
	v21 =	vsub.bf16 v21, v22;
	v27 =	vadd.s32 $0x4000, v23;
	v28 =	vld [tilespmem:s9+$0x0];
	v30 =	vpop (erf)  }
0x3e6: {  	v32 =	vadd.s32 $0x4000, v10;
	v3 =	vmovc v20;
	s5 =	sor.u32 s19, s5;
	s19 =	smov.u32 s21;
	s21 =	smov.u32 s25;
	v26 =	vld.idx.msk [tilespmem:v26+s8+$0x0], $0xffff;
	v31 =	vadd.s32 $0x4000, v19;
	v33 =	vpack.i.f32.bf16 v30, v30  }
0x3e7: {  	v36 =	vadd.s32 $0xC000, v2;
	v2 =	vmovc v10;
	v34 =	vadd.s32 $0x4000, v24;
	v35 =	vld.idx.msk [tilespmem:v10+s1+$0x0], $0xffff;
	v41 =	vmul.bf16 v33, v21  }
0x3e8: {  	v37 =	vadd.s32 $0x8000, v23;
	v33 =	vadd.s32 $0x4000, v12;
	v38 =	vadd.s32 $0x8000, v12;
	v10 =	vld.idx.msk [tilespmem:v20+s1+$0x0], $0xffff;
	v20 =	vpop (erf)  }
0x3e9: {  	v39 =	vadd.s32 $0x4000, v25;
	v40 =	vld.idx.msk [tilespmem:v18+s1+$0x0], $0xffff;
	v18 =	vadd.f32 $1.000000000e+00, v20;
	v20 =	vadd.bf16 v22, v41;
	v21 =	vpop (erf)  }
0x3ea: {  	v22 =	vadd.s32 $0x8000, v19;
	v41 =	vadd.s32 $0x8000, v25;
	v21 =	vadd.f32 $1.000000000e+00, v21;
	v29 =	vld.idx.msk [tilespmem:v29+s1+$0x0], $0xffff;
	v42 =	vpop (erf)  }
0x3eb: {  	v32 =	vld.idx.msk [tilespmem:v32+s1+$0x0], $0xffff;
	v42 =	vadd.f32 $1.000000000e+00, v42;
	v43 =	vand.u32 $0xFFFF0000, v20;
	(erf) = vrcp.f32 v18  }
0x3ec: {  	v44 =	vadd.s32 $0xC000, v23;
	v45 =	vadd.s32 $0x8000, v24;
	v18 =	vld.idx.msk [tilespmem:v36+s1+$0x0], $0xffff;
	[tilespmem:s19+$0x15030] =	vst v43;
	(erf) = vrcp.f32 v21  }
0x3ed: {  	v21 =	vadd.s32 $0xC000, v12;
	v36 =	vadd.s32 $0xC000, v19;
	v43 =	vld [tilespmem:s21+$0x12020];
	(erf) = vrcp.f32 v42  }
0x3ee: {  	v46 =	vadd.s32 $0xC000, v24;
	v42 =	vadd.s32 $0xC000, v25;
	v28 =	vsub.f32 v28, v10;
	v27 =	vld.idx.msk [tilespmem:v27+s1+$0x0], $0xffff  }
0x3ef: {  	v20 =	vshll.u32 v20, $0x10;
	v47 =	vsub.f32 v26, v40;
	v31 =	vld.idx.msk [tilespmem:v31+s1+$0x0], $0xffff  }
0x3f0: {  	v48 =	vsub.f32 v10, v35;
	v28 =	vsub.f32 v28, v35;
	v34 =	vld.idx.msk [tilespmem:v34+s1+$0x0], $0xffff;
	[tilespmem:s19+$0x14030] =	vst v20  }
0x3f1: {  	v20 =	vld.idx.msk [tilespmem:v23+s1+$0x0], $0xffff;
	v23 =	vsub.f32 v40, v32;
	v32 =	vsub.f32 v47, v32  }
0x3f2: {  	v19 =	vld.idx.msk [tilespmem:v19+s1+$0x0], $0xffff;
	v35 =	vadd.s32 $0x4000, v43;
	v40 =	vadd.s32 $0x8000, v43;
	v10 =	vadd.s32 $0xC000, v43  }
0x3f3: {  	v28 =	vmul.f32 v28, v48;
	v29 =	vsub.f32 v29, v18;
	v24 =	vld.idx.msk [tilespmem:v24+s1+$0x0], $0xffff;
	v23 =	vmul.f32 v32, v23  }
0x3f4: {  	v47 =	vsub.f32 v26, v27;
	v32 =	vld [tilespmem:s5+$0x0];
	v48 =	vpop (erf)  }
0x3f5: {  	v50 =	vsub.f32 v26, v31;
	v49 =	vld [tilespmem:s24+$0x0];
	v23 =	vadd.f32 v28, v23;
	v28 =	vpack.i.f32.bf16 v48, v48;
	v51 =	vpop (erf)  }
0x3f6: {  	v26 =	vsub.f32 v26, v34;
	v52 =	vld [tilespmem:s28+$0x0];
	v9 =	vmul.bf16 v28, v9;
	v28 =	vpack.i.f32.bf16 v51, v51;
	v53 =	vpop (erf)  }
0x3f7: {  	v33 =	vld.idx.msk [tilespmem:v33+s1+$0x0], $0xffff;
	v23 =	vmul.f32 v23, v1;
	v14 =	vmul.bf16 v28, v14;
	v28 =	vpack.i.f32.bf16 v53, v53  }
0x3f8: {  	v39 =	vld.idx.msk [tilespmem:v39+s1+$0x0], $0xffff;
	v9 =	vadd.bf16 v7, v9;
	v7 =	vmul.f32 v48, v16;
	v15 =	vmul.bf16 v28, v15  }
0x3f9: {  	v16 =	vsub.f32 v32, v20;
	v28 =	vld.idx.msk [tilespmem:v35+s1+$0x0], $0xffff;
	v23 =	vsub.f32 $0.0e+00, v23;
	v32 =	vmul.f32 v51, v13  }
0x3fa: {  	v29 =	vmul.f32 v30, v29;
	v17 =	vmul.f32 v53, v17;
	v35 =	vld.idx.msk [tilespmem:v12+s1+$0x0], $0xffff;
	v48 =	vsub.f32 v49, v19  }
0x3fb: {  	v13 =	vadd.bf16 v5, v14;
	v25 =	vld.idx.msk [tilespmem:v25+s1+$0x0], $0xffff;
	v30 =	vsub.f32 v52, v24;
	v23 =	vmul.f32 $1.442695020e+00, v23  }
0x3fc: {  	v5 =	vshll.u32 v9, $0x10;
	v8 =	vadd.f32 v7, v8;
	v12 =	vadd.bf16 v4, v15;
	v43 =	vld.idx.msk [tilespmem:v43+s1+$0x0], $0xffff  }
0x3fd: {  	v4 =	vsub.f32 v27, v33;
	v14 =	vsub.f32 v47, v33;
	v27 =	vld.idx.msk [tilespmem:v37+s1+$0x0], $0xffff;
	(erf) = vpow2.f32 v23;
	[tilespmem:s19+$0x14000] =	vst v5  }
0x3fe: {  	v5 =	vsub.f32 v31, v39;
	v15 =	vsub.f32 v50, v39;
	v23 =	vand.u32 $0xFFFF0000, v9;
	v7 =	vld.idx.msk [tilespmem:v38+s1+$0x0], $0xffff;
	[tilespmem:s19+$0x16000] =	vst v8  }
0x3ff: {  	v8 =	vmul.f32 v14, v4;
	v4 =	vsub.f32 v34, v28;
	v9 =	vsub.f32 v26, v28;
	v14 =	vld.idx.msk [tilespmem:v22+s1+$0x0], $0xffff  }
0x400: {  	v20 =	vsub.f32 v20, v35;
	v16 =	vsub.f32 v16, v35;
	v22 =	vmul.f32 v15, v5;
	v5 =	vld.idx.msk [tilespmem:v41+s1+$0x0], $0xffff  }
0x401: {  	v19 =	vsub.f32 v19, v25;
	v25 =	vsub.f32 v48, v25;
	v26 =	vmul.f32 v9, v4;
	v15 =	vld.idx.msk [tilespmem:v45+s1+$0x0], $0xffff  }
0x402: {  	v9 =	vmul.f32 v16, v20;
	v20 =	vsub.f32 v24, v43;
	v24 =	vsub.f32 v30, v43;
	v4 =	vld.idx.msk [tilespmem:v40+s1+$0x0], $0xffff  }
.Ltmp6:
0x403: {  	v28 =	vadd.f32 v32, v6;
	v30 =	vmul.f32 v25, v19;
	v19 =	vadd.f32 v17, v11;
	v16 =	vld.idx.msk [tilespmem:v44+s1+$0x0], $0xffff;
	(pc) =	sbr.rel @p0 .LBB2_14-.Ltmp6, $4  }
0x404: {  	v6 =	vadd.f32 v8, v9;
	v9 =	vsub.bf16 v27, v7;
	v11 =	vmul.f32 v24, v20;
	v8 =	vld.idx.msk [tilespmem:v21+s1+$0x0], $0xffff  }
0x405: {  	v24 =	vshll.u32 v13, $0x10;
	v20 =	vadd.f32 v29, v18;
	v22 =	vadd.f32 v30, v22;
	v17 =	vld.idx.msk [tilespmem:v36+s1+$0x0], $0xffff;
	[tilespmem:s19+$0x15000] =	vst v23  }
0x406: {  	v21 =	vadd.s32 $0x8000, v3;
	v23 =	vmul.f32 v6, v1;
	v11 =	vadd.f32 v11, v26;
	v6 =	vld.idx.msk [tilespmem:v42+s1+$0x0], $0xffff;
	v25 =	vpop (erf);
	[tilespmem:s19+$0x14010] =	vst v24  }
0x407: {  	s26 =	sadd.s32 $0x100, s26;
	v24 =	vmul.f32 v22, v1;
	v22 =	vadd.s32 $0x8000, v2;
	v18 =	vld.idx.msk [tilespmem:v46+s1+$0x0], $0xffff;
	v25 =	vadd.f32 $1.000000000e+00, v25;
	[tilespmem:s19+$0x16010] =	vst v28  }
0x408: {  	v23 =	vsub.f32 $0.0e+00, v23;
	_ =	sdelay $0x1  }
0x409: {  	v23 =	vmul.f32 $1.442695020e+00, v23  }
0x40a: {  	v24 =	vsub.f32 $0.0e+00, v24;
	(erf) = vrcp.f32 v25  }
0x40b: {  	v11 =	vmul.f32 v11, v1;
	(erf) = vpow2.f32 v23  }
0x40c: {  	v23 =	vmul.f32 $1.442695020e+00, v24  }
0x40d: {  	v11 =	vsub.f32 $0.0e+00, v11  }
0x40e: {  	(erf) = vpow2.f32 v23  }
0x40f: {  	v11 =	vmul.f32 $1.442695020e+00, v11;
	_ =	sdelay $0x1  }
0x410: {  	v3 =	vadd.s32 $0xC000, v3  }
0x411: {  	v2 =	vadd.s32 $0xC000, v2  }
0x412: {  	(erf) = vpow2.f32 v11;
	v11 =	vpop (erf)  }
0x413: {  	v23 =	vpop (erf)  }
0x414: {  	v21 =	vld.idx.msk [tilespmem:v21+s1+$0x0], $0xffff;
	v23 =	vadd.f32 $1.000000000e+00, v23  }
0x415: {  	v3 =	vld.idx.msk [tilespmem:v3+s1+$0x0], $0xffff  }
0x416: {  	v2 =	vld.idx.msk [tilespmem:v2+s1+$0x0], $0xffff;
	v24 =	vpop (erf);
	(erf) = vrcp.f32 v23  }
0x417: {  	v22 =	vld.idx.msk [tilespmem:v22+s1+$0x0], $0xffff;
	v23 =	vadd.f32 $1.000000000e+00, v24;
	_ =	sdelay $0x3  }
0x418: {  	v3 =	vsub.f32 v3, v2;
	(erf) = vrcp.f32 v23;
	v23 =	vpop (erf)  }
0x419: {  	v21 =	vsub.bf16 v21, v22;
	v23 =	vadd.f32 $1.000000000e+00, v23  }
0x41a: {  	v3 =	vmul.f32 v11, v3;
	v24 =	vpack.i.f32.bf16 v11, v11  }
0x41b: {  	v21 =	vmul.bf16 v24, v21;
	(erf) = vrcp.f32 v23  }
0x41c: {  	[tilespmem:s19+$0x16020] =	vst v19;
	v13 =	vand.u32 $0xFFFF0000, v13;
	v19 =	vpop (erf)  }
0x41d: {  	[tilespmem:s19+$0x16030] =	vst v20;
	v2 =	vadd.f32 v3, v2;
	v20 =	vadd.bf16 v22, v21;
	v21 =	vpack.i.f32.bf16 v19, v19  }
0x41e: {  	v16 =	vsub.f32 v16, v8;
	[tilespmem:s19+$0x15010] =	vst v13;
	v9 =	vmul.bf16 v21, v9  }
0x41f: {  	v14 =	vsub.bf16 v14, v5;
	v10 =	vld.idx.msk [tilespmem:v10+s1+$0x0], $0xffff;
	[tilespmem:s21+$0x16030] =	vst v2;
	v22 =	vshll.u32 v12, $0x10  }
0x420: {  	v12 =	vand.u32 $0xFFFF0000, v12;
	[tilespmem:s19+$0x14020] =	vst v22;
	v7 =	vadd.bf16 v7, v9;
	v9 =	vmul.f32 v19, v16  }
0x421: {  	v13 =	vsub.bf16 v15, v4;
	[tilespmem:s19+$0x15020] =	vst v12;
	v15 =	vand.u32 $0xFFFF0000, v20;
	v21 =	vpop (erf);
	v16 =	vsub.f32 v17, v6  }
0x422: {  	[tilespmem:s21+$0x15030] =	vst v15;
	v15 =	vshll.u32 v20, $0x10;
	v12 =	vpack.i.f32.bf16 v21, v21  }
0x423: {  	[tilespmem:s21+$0x14030] =	vst v15;
	v12 =	vmul.bf16 v12, v14;
	v15 =	vshll.u32 v7, $0x10;
	v16 =	vmul.f32 v21, v16  }
0x424: {  	v14 =	vsub.f32 v18, v10;
	v8 =	vadd.f32 v9, v8;
	v7 =	vand.u32 $0xFFFF0000, v7;
	[tilespmem:s21+$0x14000] =	vst v15;
	v9 =	vpop (erf)  }
0x425: {  	[tilespmem:s21+$0x15000] =	vst v7;
	v5 =	vadd.bf16 v5, v12;
	v6 =	vadd.f32 v16, v6;
	v12 =	vpack.i.f32.bf16 v9, v9  }
0x426: {  	[tilespmem:s21+$0x16000] =	vst v8;
	v9 =	vmul.f32 v9, v14;
	v8 =	vmul.bf16 v12, v13  }
0x427: {  	v7 =	vshll.u32 v5, $0x10;
	[tilespmem:s21+$0x16010] =	vst v6  }
0x428: {  	v2 =	vand.u32 $0xFFFF0000, v5;
	v9 =	vadd.f32 v9, v10;
	[tilespmem:s21+$0x14010] =	vst v7;
	v3 =	vadd.bf16 v4, v8  }
0x429: {  	[tilespmem:s21+$0x15010] =	vst v2  }
0x42a: {  	[tilespmem:s21+$0x16020] =	vst v9;
	v4 =	vshll.u32 v3, $0x10  }
0x42b: {  	v2 =	vand.u32 $0xFFFF0000, v3;
	[tilespmem:s21+$0x14020] =	vst v4  }
0x42c: {  	[tilespmem:s21+$0x15020] =	vst v2  }
0x42d: {  	s6 =	rddreg [dreg:$0x13]  }
0x42e: {  	s5 =	simm.s32 $0x0;
	s7 =	simm.s32 $0x14000;
	s26 =	sld [smem:$0x7F6]  }
0x42f: {  	[hbm4b:s6+s5] =	stream.linear.scatter [tilespmem:s7], [sflag:$0x4], $0x1000, $0x38;
	[tilespmem:$0x1A830] =	vst v63  }
0x430: {  	s28 =	simm.s32 $0x15000;
	s9 =	sld [smem:$0x7F7]  }
0x431: {  	[hbm4b:s26+s5] =	stream.linear.scatter [tilespmem:s28], [sflag:$0x4], $0x1000, $0x38;
	[tilespmem:$0x1A830] =	vst v63  }
0x432: {  	_ = 	snop  }
0x433: {  	[hbm4b:s9+s5] =	stream.linear.scatter [tilespmem:s11], [sflag:$0x4], $0x1000, $0x38;
	[tilespmem:$0x1A830] =	vst v63  }
0x434: {  	_ =	swait.ge [sflag:s12], $0x1000  }
0x435: {  	[sflag:s12] =	ssyncset.done $0x0  }
0x436: {  	[sflag:s12] =	ssyncadd.s32 $0xFFFFF000  }
0x437: {  	_ =	swait.ge [sflag:s12], $0x1000  }
0x438: {  	[sflag:s12] =	ssyncset.done $0x0  }
0x439: {  	s19 =	simm.s32 $0x10000;
	s10 =	rddreg [dreg:$0x17];
	[sflag:s12] =	ssyncadd.s32 $0xFFFFF000  }
0x43a: {  	[tilespmem:s19], [sflag:$0x2] =	stream.linear.gather [hbm4b:s10+s5], $0x1000, $0x38;
	[tilespmem:$0x1A830] =	vst v63  }
0x43b: {  	s22 =	simm.s32 $0x12000;
	s21 =	rddreg [dreg:$0x19]  }
0x43c: {  	[tilespmem:s22], [sflag:$0x2] =	stream.linear.gather [hbm4b:s21+s5], $0x1000, $0x38;
	[tilespmem:$0x1A830] =	vst v63  }
0x43d: {  	_ =	swait.ge [sflag:s17], $0x1000  }
0x43e: {  	[sflag:s17] =	ssyncset.done $0x0  }
0x43f: {  	[sflag:s17] =	ssyncadd.s32 $0xFFFFF000  }
0x440: {  	_ =	swait.ge [sflag:s17], $0x1000  }
0x441: {  	[sflag:s17] =	ssyncset.done $0x0  }
0x442: {  	[sflag:s17] =	ssyncadd.s32 $0xFFFFF000  }
0x443: {  	_ =	swait.ge [sflag:s17], $0x1000  }
0x444: {  	[sflag:s17] =	ssyncset.done $0x0  }
0x445: {  	s23 =	simm.s32 $0x0;
	s19 =	simm.s32 $0x0;
	[sflag:s17] =	ssyncadd.s32 $0xFFFFF000  }
0x446: {  	s6 =	sand.u32 $0x7, s23;
	v5 =	vld [tilespmem:s19+$0x13030]  }
0x447: {  	s6 =	sor.u32 s2, s6;
	v10 =	vld [tilespmem:s19+$0x11030]  }
0x448: {  	v2 =	vmov s6;
	v3 =	vld [tilespmem:s19+$0x11000]  }
0x449: {  	v2 =	vbroadcast v2, $0x0;
	v4 =	vld [tilespmem:s19+$0x11010]  }
0x44a: {  	v6 =	vld [tilespmem:s19+$0x11020]  }
0x44b: {  	s25 =	simm.s32 $0x30;
	s24 =	sand.u32 $0x180, s5;
	v7 =	vld [tilespmem:s19+$0x13000]  }
0x44c: {  	s7 =	sand.u32 $0x70, s25;
	s6 =	sor.u32 $0x1A230, s24;
	v8 =	vld [tilespmem:s19+$0x13010]  }
0x44d: {  	s7 =	sadd.s32 s7, s6;
	v18 =	vld [tilespmem:s19+$0x13020]  }
0x44e: {  	v11 =	vld [tilespmem:s7+$0x0]  }
0x44f: {  	v2 =	vld.idx.msk [tilespmem:v2+s8+$0x0], $0xffff  }
0x450: {  	v14 =	vld.idx.msk [tilespmem:v5+s1+$0x0], $0xffff  }
0x451: {  	v9 =	vadd.s32 $0x4000, v10;
	v16 =	vld.idx.msk [tilespmem:v10+s1+$0x0], $0xffff  }
0x452: {  	v12 =	vadd.s32 $0x4000, v5;
	v13 =	vadd.s32 $0x4000, v3;
	v15 =	vadd.s32 $0x4000, v4;
	v22 =	vld.idx.msk [tilespmem:v6+s1+$0x0], $0xffff  }
0x453: {  	v20 =	vadd.s32 $0x4000, v7;
	v25 =	vadd.s32 $0x8000, v7;
	v29 =	vadd.s32 $0xC000, v7;
	v7 =	vld.idx.msk [tilespmem:v7+s1+$0x0], $0xffff  }
0x454: {  	v21 =	vadd.s32 $0x4000, v8;
	v27 =	vadd.s32 $0x8000, v8;
	v33 =	vadd.s32 $0xC000, v8;
	v8 =	vld.idx.msk [tilespmem:v8+s1+$0x0], $0xffff  }
0x455: {  	v17 =	vadd.s32 $0x4000, v6;
	v34 =	vld.idx.msk [tilespmem:v18+s1+$0x0], $0xffff  }
0x456: {  	v9 =	vld.idx.msk [tilespmem:v9+s1+$0x0], $0xffff  }
0x457: {  	v12 =	vld.idx.msk [tilespmem:v12+s1+$0x0], $0xffff  }
0x458: {  	v13 =	vld.idx.msk [tilespmem:v13+s1+$0x0], $0xffff  }
0x459: {  	v15 =	vld.idx.msk [tilespmem:v15+s1+$0x0], $0xffff  }
0x45a: {  	v17 =	vld.idx.msk [tilespmem:v17+s1+$0x0], $0xffff;
	v11 =	vsub.f32 v11, v16  }
0x45b: {  	v20 =	vld.idx.msk [tilespmem:v20+s1+$0x0], $0xffff;
	v19 =	vsub.f32 v2, v9  }
0x45c: {  	s26 =	simm.s32 $0x10;
	v21 =	vld.idx.msk [tilespmem:v21+s1+$0x0], $0xffff;
	v16 =	vsub.f32 v16, v14;
	v11 =	vsub.f32 v11, v14  }
0x45d: {  	s7 =	sand.u32 $0x50, s26;
	v23 =	vadd.s32 $0x4000, v18;
	v14 =	vld.idx.msk [tilespmem:v3+s1+$0x0], $0xffff;
	v9 =	vsub.f32 v9, v12;
	v12 =	vsub.f32 v19, v12  }
0x45e: {  	s9 =	simm.s32 $0x20;
	s5 =	sand.u32 $0x40, s5;
	s7 =	sadd.s32 s7, s6;
	v24 =	vadd.s32 $0x8000, v3;
	v19 =	vld.idx.msk [tilespmem:v4+s1+$0x0], $0xffff  }
0x45f: {  	s9 =	sand.u32 $0x60, s9;
	s5 =	sor.u32 s5, s6;
	v26 =	vadd.s32 $0x8000, v4;
	v11 =	vmul.f32 v11, v16;
	v16 =	vld [tilespmem:s7+$0x0];
	v9 =	vmul.f32 v12, v9  }
0x460: {  	s28 =	sadd.s32 s9, s6;
	v28 =	vadd.s32 $0x8000, v6;
	v30 =	vsub.f32 v2, v13;
	v12 =	vld [tilespmem:s5+$0x0]  }
0x461: {  	v32 =	vadd.s32 $0xC000, v4;
	v31 =	vsub.f32 v2, v15;
	v9 =	vadd.f32 v11, v9;
	v11 =	vld [tilespmem:s28+$0x0]  }
0x462: {  	s9 =	simm.s32 $0x70;
	s22 =	simm.s32 $0x8;
	v35 =	vadd.s32 $0x8000, v18;
	v23 =	vld.idx.msk [tilespmem:v23+s1+$0x0], $0xffff;
	v2 =	vsub.f32 v2, v17;
	v13 =	vsub.f32 v13, v20  }
0x463: {  	s24 =	sand.u32 $0x70, s9;
	v24 =	vld.idx.msk [tilespmem:v24+s1+$0x0], $0xffff;
	v15 =	vsub.f32 v15, v21;
	v20 =	vsub.f32 v30, v20;
	s7 =	sand.u32 $0x180, s22;
	s28 =	simm.s32 $0x60;
	v9 =	vmul.f32 v9, v1  }
0x464: {  	s6 =	simm.s32 $0x0;
	v26 =	vld.idx.msk [tilespmem:v26+s1+$0x0], $0xffff;
	v3 =	vadd.s32 $0xC000, v3;
	v21 =	vsub.f32 v31, v21;
	s10 =	sor.u32 $0x1A230, s7;
	v16 =	vsub.f32 v16, v19;
	s9 =	sand.u32 $0x60, s28  }
0x465: {  	s5 =	sand.u32 $0x7, s6;
	s6 =	sadd.s32 s9, s10;
	v12 =	vsub.f32 v12, v14;
	v4 =	vsub.f32 $0.0e+00, v9;
	v9 =	vld.idx.msk [tilespmem:v25+s1+$0x0], $0xffff;
	v25 =	vadd.s32 $0xC000, v6  }
0x466: {  	v53 =	vld [tilespmem:s6+$0x0];
	v6 =	vsub.f32 v14, v7;
	v14 =	vmul.f32 v21, v15;
	v11 =	vsub.f32 v11, v22  }
0x467: {  	s21 =	simm.s32 $0x40;
	v15 =	vld.idx.msk [tilespmem:v28+s1+$0x0], $0xffff;
	v7 =	vsub.f32 v12, v7;
	v12 =	vmul.f32 v20, v13;
	v13 =	vsub.f32 v19, v8  }
0x468: {  	v8 =	vsub.f32 v16, v8;
	v16 =	vsub.f32 v22, v34;
	v22 =	vld [tilespmem:s21+$0x13000];
	v4 =	vmul.f32 $1.442695020e+00, v4  }
0x469: {  	v17 =	vsub.f32 v17, v23;
	v2 =	vsub.f32 v2, v23;
	v6 =	vmul.f32 v7, v6;
	v7 =	vld.idx.msk [tilespmem:v35+s1+$0x0], $0xffff  }
0x46a: {  	v8 =	vmul.f32 v8, v13;
	v13 =	vadd.s32 $0xC000, v18;
	v18 =	vld.idx.msk [tilespmem:v3+s1+$0x0], $0xffff;
	(erf) = vpow2.f32 v4  }
0x46b: {  	v19 =	vsub.f32 v11, v34;
	v11 =	vld.idx.msk [tilespmem:v29+s1+$0x0], $0xffff  }
0x46c: {  	v2 =	vmul.f32 v2, v17;
	v4 =	vld.idx.msk [tilespmem:v27+s1+$0x0], $0xffff;
	v3 =	vadd.f32 v12, v6  }
0x46d: {  	v12 =	vmul.f32 v19, v16;
	v8 =	vadd.f32 v8, v14;
	v14 =	vld.idx.msk [tilespmem:v32+s1+$0x0], $0xffff;
	v19 =	vadd.s32 $0x8000, v5  }
0x46e: {  	v6 =	vld.idx.msk [tilespmem:v33+s1+$0x0], $0xffff;
	v5 =	vadd.s32 $0xC000, v5  }
0x46f: {  	v17 =	vld.idx.msk [tilespmem:v25+s1+$0x0], $0xffff;
	v2 =	vadd.f32 v12, v2  }
0x470: {  	v23 =	vsub.bf16 v24, v9;
	v24 =	vld [tilespmem:s21+$0x13010];
	v12 =	vadd.s32 $0x8000, v10  }
0x471: {  	v3 =	vmul.f32 v3, v1;
	v10 =	vadd.s32 $0xC000, v10;
	v21 =	vmul.f32 v2, v1;
	v2 =	vld [tilespmem:s21+$0x13030]  }
0x472: {  	v16 =	vmul.f32 v8, v1;
	v19 =	vld.idx.msk [tilespmem:v19+s1+$0x0], $0xffff  }
0x473: {  	v3 =	vsub.f32 $0.0e+00, v3;
	v40 =	vld.idx.msk [tilespmem:v5+s1+$0x0], $0xffff;
	v8 =	vpop (erf)  }
0x474: {  	v20 =	vadd.f32 $1.000000000e+00, v8;
	v8 =	vld.idx.msk [tilespmem:v13+s1+$0x0], $0xffff;
	v13 =	vsub.f32 $0.0e+00, v16  }
0x475: {  	v12 =	vld.idx.msk [tilespmem:v12+s1+$0x0], $0xffff;
	v16 =	vmul.f32 $1.442695020e+00, v3  }
0x476: {  	v38 =	vld.idx.msk [tilespmem:v10+s1+$0x0], $0xffff;
	(erf) = vrcp.f32 v20;
	v20 =	vsub.f32 $0.0e+00, v21;
	v13 =	vmul.f32 $1.442695020e+00, v13  }
0x477: {  	v3 =	vld [tilespmem:s21+$0x11030];
	v54 =	vadd.s32 $0x4000, v2;
	(erf) = vpow2.f32 v16  }
0x478: {  	s5 =	sor.u32 s2, s5;
	v21 =	vld [tilespmem:s21+$0x11010];
	v20 =	vmul.f32 $1.442695020e+00, v20;
	(erf) = vpow2.f32 v13  }
0x479: {  	v16 =	vmov s5;
	v56 =	vld.idx.msk [tilespmem:v2+s1+$0x0], $0xffff  }
0x47a: {  	s5 =	sadd.s32 s24, s10;
	v13 =	vld [tilespmem:s21+$0x11000];
	v16 =	vbroadcast v16, $0x0;
	(erf) = vpow2.f32 v20  }
0x47b: {  	s25 =	simm.s32 $0x50;
	v27 =	vld [tilespmem:s5+$0x0]  }
0x47c: {  	v61 =	vadd.s32 $0x4000, v22;
	s5 =	sand.u32 $0x50, s25;
	v25 =	vadd.s32 $0x4000, v3;
	v29 =	vld.idx.msk [tilespmem:v54+s1+$0x0], $0xffff  }
0x47d: {  	v63 =	vadd.s32 $0x8000, v22;
	v15 =	vsub.bf16 v15, v7;
	v18 =	vsub.f32 v18, v11;
	s5 =	sadd.s32 s5, s10;
	v20 =	vld [tilespmem:s21+$0x11020]  }
0x47e: {  	v26 =	vsub.bf16 v26, v4;
	v14 =	vsub.f32 v14, v6;
	v51 =	vld [tilespmem:s5+$0x0];
	v58 =	vadd.s32 $0x4000, v21  }
0x47f: {  	v39 =	vadd.s32 $0x4000, v24;
	v12 =	vsub.bf16 v12, v19;
	v59 =	vld.idx.msk [tilespmem:v3+s1+$0x0], $0xffff;
	v55 =	vadd.s32 $0x4000, v13;
	v28 =	vpop (erf)  }
0x480: {  	v45 =	vadd.s32 $0xC000, v24;
	v38 =	vsub.f32 v38, v40;
	v17 =	vsub.f32 v17, v8;
	v16 =	vld.idx.msk [tilespmem:v16+s8+$0x0], $0xffff;
	v57 =	vpop (erf)  }
0x481: {  	v5 =	vadd.s32 $0x8000, v21;
	v44 =	vadd.s32 $0xC000, v21;
	v25 =	vld.idx.msk [tilespmem:v25+s1+$0x0], $0xffff;
	v32 =	vadd.f32 $1.000000000e+00, v57;
	v60 =	vpop (erf)  }
0x482: {  	v21 =	vld.idx.msk [tilespmem:v21+s1+$0x0], $0xffff;
	v37 =	vadd.s32 $0x4000, v20;
	v36 =	vpack.i.f32.bf16 v28, v28;
	v35 =	vadd.f32 $1.000000000e+00, v60  }
0x483: {  	v62 =	vadd.s32 $0x8000, v13;
	v33 =	vld.idx.msk [tilespmem:v58+s1+$0x0], $0xffff;
	v12 =	vmul.bf16 v36, v12;
	v10 =	vpop (erf);
	(erf) = vrcp.f32 v32  }
0x484: {  	v31 =	vadd.s32 $0x8000, v20;
	v30 =	vld.idx.msk [tilespmem:v55+s1+$0x0], $0xffff;
	v10 =	vadd.f32 $1.000000000e+00, v10;
	(erf) = vrcp.f32 v35  }
0x485: {  	v47 =	vadd.s32 $0xC000, v20;
	v34 =	vsub.f32 v59, v56;
	v20 =	vld.idx.msk [tilespmem:v20+s1+$0x0], $0xffff;
	v12 =	vadd.bf16 v19, v12  }
0x486: {  	v19 =	vld [tilespmem:s21+$0x13020];
	v42 =	vsub.f32 v16, v25;
	(erf) = vrcp.f32 v10;
	v10 =	vsub.f32 v27, v59  }
0x487: {  	v43 =	vadd.s32 $0xC000, v13;
	v25 =	vsub.f32 v25, v29;
	v60 =	vsub.f32 v51, v21;
	v37 =	vld.idx.msk [tilespmem:v37+s1+$0x0], $0xffff  }
0x488: {  	v41 =	vand.u32 $0xFFFF0000, v12;
	v29 =	vsub.f32 v42, v29;
	v10 =	vsub.f32 v10, v56  }
0x489: {  	v46 =	vld.idx.msk [tilespmem:v13+s1+$0x0], $0xffff;
	v42 =	vadd.s32 $0xC000, v22;
	v12 =	vshll.u32 v12, $0x10;
	v58 =	vsub.f32 v16, v33  }
0x48a: {  	s23 =	simm.s32 $0x40;
	v36 =	vld.idx.msk [tilespmem:v61+s1+$0x0], $0xffff;
	v27 =	vadd.s32 $0x8000, v24;
	v25 =	vmul.f32 v29, v25;
	v13 =	vmul.f32 v10, v34  }
0x48b: {  	s26 =	sand.u32 $0x40, s23;
	v52 =	vsub.f32 v16, v30;
	v61 =	vsub.f32 v53, v20;
	v56 =	vadd.s32 $0x4000, v19  }
0x48c: {  	s7 =	sor.u32 s26, s10;
	v57 =	vadd.s32 $0x8000, v19;
	v16 =	vsub.f32 v16, v37;
	v48 =	vpop (erf);
	v13 =	vadd.f32 v13, v25  }
0x48d: {  	v49 =	vld [tilespmem:s7+$0x0];
	v10 =	vadd.s32 $0xC000, v19;
	v25 =	vpack.i.f32.bf16 v48, v48;
	v50 =	vpop (erf);
	v18 =	vmul.f32 v48, v18  }
0x48e: {  	v39 =	vld.idx.msk [tilespmem:v39+s1+$0x0], $0xffff;
	v23 =	vmul.bf16 v25, v23;
	v25 =	vpack.i.f32.bf16 v50, v50;
	v13 =	vmul.f32 v13, v1  }
0x48f: {  	v22 =	vld.idx.msk [tilespmem:v22+s1+$0x0], $0xffff;
	v59 =	vmul.f32 v50, v14;
	v11 =	vadd.f32 v18, v11;
	v18 =	vsub.f32 v52, v36  }
0x490: {  	v29 =	vld.idx.msk [tilespmem:v56+s1+$0x0], $0xffff;
	v25 =	vmul.bf16 v25, v26;
	v26 =	vpop (erf);
	v9 =	vadd.bf16 v9, v23;
	v13 =	vsub.f32 $0.0e+00, v13  }
0x491: {  	v24 =	vld.idx.msk [tilespmem:v24+s1+$0x0], $0xffff;
	v23 =	vpack.i.f32.bf16 v26, v26;
	v17 =	vmul.f32 v26, v17;
	v26 =	vmul.f32 v28, v38  }
0x492: {  	v15 =	vmul.bf16 v23, v15;
	v14 =	vmul.f32 $1.442695020e+00, v13;
	v13 =	vadd.bf16 v4, v25;
	v4 =	vld.idx.msk [tilespmem:v19+s1+$0x0], $0xffff  }
0x493: {  	[tilespmem:s19+$0x17030] =	vst v12;
	v23 =	vsub.f32 v49, v46;
	v19 =	vshll.u32 v9, $0x10;
	v25 =	vld.idx.msk [tilespmem:v62+s1+$0x0], $0xffff;
	v62 =	vsub.f32 v58, v39  }
0x494: {  	[tilespmem:s19+$0x19000] =	vst v11;
	v12 =	vadd.bf16 v7, v15;
	v15 =	vsub.f32 v30, v36;
	(erf) = vpow2.f32 v14  }
0x495: {  	v11 =	vsub.f32 v37, v29;
	[tilespmem:s19+$0x17000] =	vst v19;
	v7 =	vld.idx.msk [tilespmem:v63+s1+$0x0], $0xffff;
	v19 =	vsub.f32 v33, v39  }
0x496: {  	[tilespmem:s19+$0x18030] =	vst v41;
	v63 =	vand.u32 $0xFFFF0000, v9;
	v14 =	vld.idx.msk [tilespmem:v5+s1+$0x0], $0xffff;
	v9 =	vmul.f32 v18, v15;
	v15 =	vsub.f32 v16, v29  }
0x497: {  	v5 =	vld.idx.msk [tilespmem:v27+s1+$0x0], $0xffff;
	v16 =	vsub.f32 v46, v22;
	v18 =	vsub.f32 v23, v22;
	v22 =	vmul.f32 v62, v19  }
0x498: {  	v19 =	vsub.f32 v21, v24;
	v21 =	vsub.f32 v60, v24;
	v11 =	vmul.f32 v15, v11;
	v15 =	vld.idx.msk [tilespmem:v31+s1+$0x0], $0xffff  }
0x499: {  	v18 =	vmul.f32 v18, v16;
	v20 =	vsub.f32 v20, v4;
	v23 =	vsub.f32 v61, v4;
	v4 =	vld.idx.msk [tilespmem:v57+s1+$0x0], $0xffff  }
0x49a: {  	v27 =	vadd.f32 v59, v6;
	v16 =	vld.idx.msk [tilespmem:v43+s1+$0x0], $0xffff;
	v21 =	vmul.f32 v21, v19;
	v19 =	vadd.f32 v17, v8  }
0x49b: {  	v8 =	vld.idx.msk [tilespmem:v42+s1+$0x0], $0xffff;
	v6 =	vadd.f32 v9, v18;
	v9 =	vsub.bf16 v25, v7;
	v18 =	vmul.f32 v23, v20  }
0x49c: {  	[tilespmem:s19+$0x18000] =	vst v63;
	v24 =	vshll.u32 v13, $0x10;
	v17 =	vld.idx.msk [tilespmem:v44+s1+$0x0], $0xffff;
	v22 =	vadd.f32 v21, v22;
	v20 =	vadd.f32 v26, v40  }
0x49d: {  	[tilespmem:s19+$0x17010] =	vst v24;
	v21 =	vadd.s32 $0x8000, v3;
	v23 =	vmul.f32 v6, v1;
	v6 =	vld.idx.msk [tilespmem:v45+s1+$0x0], $0xffff;
	v11 =	vadd.f32 v18, v11;
	v25 =	vpop (erf)  }
0x49e: {  	s26 =	simm.s32 $0x200;
	s6 =	simm.s32 $0x4;
	[tilespmem:s19+$0x19010] =	vst v27;
	v24 =	vmul.f32 v22, v1;
	v18 =	vld.idx.msk [tilespmem:v47+s1+$0x0], $0xffff;
	v22 =	vadd.s32 $0x8000, v2;
	v25 =	vadd.f32 $1.000000000e+00, v25  }
.LBB2_16:
0x49f: {  	s6 =	sadd.s32 $0x4, s6;
	s25 =	sshra.s32 s26, $0x2;
	v23 =	vsub.f32 $0.0e+00, v23;
	v14 =	vsub.bf16 v14, v5;
	v26 =	vmul.f32 v11, v1;
	v11 =	vld.idx.msk [tilespmem:v10+s1+$0x0], $0xffff;
	[tilespmem:s19+$0x19020] =	vst v19  }
0x4a0: {  	v15 =	vsub.bf16 v15, v4;
	s5 =	sshrl.u32 s6, $0x3;
	v10 =	vld [tilespmem:s25+$0x13030];
	v19 =	vsub.f32 $0.0e+00, v24;
	(erf) = vrcp.f32 v25;
	[tilespmem:s19+$0x19030] =	vst v20  }
0x4a1: {  	v16 =	vsub.f32 v16, v8;
	s5 =	sand.u32 $0x7, s5;
	v20 =	vld [tilespmem:s25+$0x11030];
	v23 =	vmul.f32 $1.442695020e+00, v23;
	v24 =	vsub.f32 $0.0e+00, v26  }
0x4a2: {  	v13 =	vand.u32 $0xFFFF0000, v13;
	p0 =	slt.u32 s6, $0xFC;
	v25 =	vshll.u32 v12, $0x10;
	s5 =	sor.u32 s2, s5;
	v19 =	vmul.f32 $1.442695020e+00, v19;
	v21 =	vld.idx.msk [tilespmem:v21+s1+$0x0], $0xffff  }
0x4a3: {  	v26 =	vmov s5;
	v24 =	vmul.f32 $1.442695020e+00, v24;
	v22 =	vld.idx.msk [tilespmem:v22+s1+$0x0], $0xffff;
	(erf) = vpow2.f32 v23;
	[tilespmem:s19+$0x18010] =	vst v13  }
0x4a4: {  	v13 =	vsub.f32 v17, v6;
	v23 =	vld [tilespmem:s25+$0x11000];
	v26 =	vbroadcast v26, $0x0;
	(erf) = vpow2.f32 v19;
	[tilespmem:s19+$0x17020] =	vst v25  }
0x4a5: {  	s22 =	sadd.s32 $0x8, s22;
	s23 =	sadd.s32 $0x40, s23;
	v12 =	vand.u32 $0xFFFF0000, v12;
	v17 =	vsub.f32 v18, v11;
	v19 =	vld [tilespmem:s25+$0x11010];
	(erf) = vpow2.f32 v24  }
0x4a6: {  	s7 =	sadd.s32 $0x10, s23;
	s9 =	sadd.s32 $0x30, s23;
	s5 =	sand.u32 $0x180, s22;
	v24 =	vld [tilespmem:s25+$0x11020];
	[tilespmem:s19+$0x18020] =	vst v12  }
0x4a7: {  	s10 =	sadd.s32 $0x20, s23;
	s9 =	sand.u32 $0x70, s9;
	s5 =	sor.u32 $0x1A230, s5;
	v12 =	vld [tilespmem:s25+$0x13000]  }
0x4a8: {  	s7 =	sand.u32 $0x50, s7;
	s10 =	sand.u32 $0x60, s10;
	s9 =	sadd.s32 s9, s5;
	v18 =	vadd.s32 $0x4000, v20;
	v25 =	vld [tilespmem:s25+$0x13010]  }
0x4a9: {  	v29 =	vadd.s32 $0xC000, v3;
	s24 =	sadd.s32 s7, s5;
	s28 =	sadd.s32 s10, s5;
	s19 =	sand.u32 $0x40, s23;
	v21 =	vsub.bf16 v21, v22;
	v27 =	vadd.s32 $0x4000, v23;
	v28 =	vld [tilespmem:s9+$0x0];
	v30 =	vpop (erf)  }
0x4aa: {  	v32 =	vadd.s32 $0x4000, v10;
	v3 =	vmovc v20;
	s5 =	sor.u32 s19, s5;
	s19 =	smov.u32 s21;
	s21 =	smov.u32 s25;
	v26 =	vld.idx.msk [tilespmem:v26+s8+$0x0], $0xffff;
	v31 =	vadd.s32 $0x4000, v19;
	v33 =	vpack.i.f32.bf16 v30, v30  }
0x4ab: {  	v36 =	vadd.s32 $0xC000, v2;
	v2 =	vmovc v10;
	v34 =	vadd.s32 $0x4000, v24;
	v35 =	vld.idx.msk [tilespmem:v10+s1+$0x0], $0xffff;
	v41 =	vmul.bf16 v33, v21  }
0x4ac: {  	v37 =	vadd.s32 $0x8000, v23;
	v33 =	vadd.s32 $0x4000, v12;
	v38 =	vadd.s32 $0x8000, v12;
	v10 =	vld.idx.msk [tilespmem:v20+s1+$0x0], $0xffff;
	v20 =	vpop (erf)  }
0x4ad: {  	v39 =	vadd.s32 $0x4000, v25;
	v40 =	vld.idx.msk [tilespmem:v18+s1+$0x0], $0xffff;
	v18 =	vadd.f32 $1.000000000e+00, v20;
	v20 =	vadd.bf16 v22, v41;
	v21 =	vpop (erf)  }
0x4ae: {  	v22 =	vadd.s32 $0x8000, v19;
	v41 =	vadd.s32 $0x8000, v25;
	v21 =	vadd.f32 $1.000000000e+00, v21;
	v29 =	vld.idx.msk [tilespmem:v29+s1+$0x0], $0xffff;
	v42 =	vpop (erf)  }
0x4af: {  	v32 =	vld.idx.msk [tilespmem:v32+s1+$0x0], $0xffff;
	v42 =	vadd.f32 $1.000000000e+00, v42;
	v43 =	vand.u32 $0xFFFF0000, v20;
	(erf) = vrcp.f32 v18  }
0x4b0: {  	v44 =	vadd.s32 $0xC000, v23;
	v45 =	vadd.s32 $0x8000, v24;
	v18 =	vld.idx.msk [tilespmem:v36+s1+$0x0], $0xffff;
	[tilespmem:s19+$0x18030] =	vst v43;
	(erf) = vrcp.f32 v21  }
0x4b1: {  	v21 =	vadd.s32 $0xC000, v12;
	v36 =	vadd.s32 $0xC000, v19;
	v43 =	vld [tilespmem:s21+$0x13020];
	(erf) = vrcp.f32 v42  }
0x4b2: {  	v46 =	vadd.s32 $0xC000, v24;
	v42 =	vadd.s32 $0xC000, v25;
	v28 =	vsub.f32 v28, v10;
	v27 =	vld.idx.msk [tilespmem:v27+s1+$0x0], $0xffff  }
0x4b3: {  	v20 =	vshll.u32 v20, $0x10;
	v47 =	vsub.f32 v26, v40;
	v31 =	vld.idx.msk [tilespmem:v31+s1+$0x0], $0xffff  }
0x4b4: {  	v48 =	vsub.f32 v10, v35;
	v28 =	vsub.f32 v28, v35;
	v34 =	vld.idx.msk [tilespmem:v34+s1+$0x0], $0xffff;
	[tilespmem:s19+$0x17030] =	vst v20  }
0x4b5: {  	v20 =	vld.idx.msk [tilespmem:v23+s1+$0x0], $0xffff;
	v23 =	vsub.f32 v40, v32;
	v32 =	vsub.f32 v47, v32  }
0x4b6: {  	v19 =	vld.idx.msk [tilespmem:v19+s1+$0x0], $0xffff;
	v35 =	vadd.s32 $0x4000, v43;
	v40 =	vadd.s32 $0x8000, v43;
	v10 =	vadd.s32 $0xC000, v43  }
0x4b7: {  	v28 =	vmul.f32 v28, v48;
	v29 =	vsub.f32 v29, v18;
	v24 =	vld.idx.msk [tilespmem:v24+s1+$0x0], $0xffff;
	v23 =	vmul.f32 v32, v23  }
0x4b8: {  	v47 =	vsub.f32 v26, v27;
	v32 =	vld [tilespmem:s5+$0x0];
	v48 =	vpop (erf)  }
0x4b9: {  	v50 =	vsub.f32 v26, v31;
	v49 =	vld [tilespmem:s24+$0x0];
	v23 =	vadd.f32 v28, v23;
	v28 =	vpack.i.f32.bf16 v48, v48;
	v51 =	vpop (erf)  }
0x4ba: {  	v26 =	vsub.f32 v26, v34;
	v52 =	vld [tilespmem:s28+$0x0];
	v9 =	vmul.bf16 v28, v9;
	v28 =	vpack.i.f32.bf16 v51, v51;
	v53 =	vpop (erf)  }
0x4bb: {  	v33 =	vld.idx.msk [tilespmem:v33+s1+$0x0], $0xffff;
	v23 =	vmul.f32 v23, v1;
	v14 =	vmul.bf16 v28, v14;
	v28 =	vpack.i.f32.bf16 v53, v53  }
0x4bc: {  	v39 =	vld.idx.msk [tilespmem:v39+s1+$0x0], $0xffff;
	v9 =	vadd.bf16 v7, v9;
	v7 =	vmul.f32 v48, v16;
	v15 =	vmul.bf16 v28, v15  }
0x4bd: {  	v16 =	vsub.f32 v32, v20;
	v28 =	vld.idx.msk [tilespmem:v35+s1+$0x0], $0xffff;
	v23 =	vsub.f32 $0.0e+00, v23;
	v32 =	vmul.f32 v51, v13  }
0x4be: {  	v29 =	vmul.f32 v30, v29;
	v17 =	vmul.f32 v53, v17;
	v35 =	vld.idx.msk [tilespmem:v12+s1+$0x0], $0xffff;
	v48 =	vsub.f32 v49, v19  }
0x4bf: {  	v13 =	vadd.bf16 v5, v14;
	v25 =	vld.idx.msk [tilespmem:v25+s1+$0x0], $0xffff;
	v30 =	vsub.f32 v52, v24;
	v23 =	vmul.f32 $1.442695020e+00, v23  }
0x4c0: {  	v5 =	vshll.u32 v9, $0x10;
	v8 =	vadd.f32 v7, v8;
	v12 =	vadd.bf16 v4, v15;
	v43 =	vld.idx.msk [tilespmem:v43+s1+$0x0], $0xffff  }
0x4c1: {  	v4 =	vsub.f32 v27, v33;
	v14 =	vsub.f32 v47, v33;
	v27 =	vld.idx.msk [tilespmem:v37+s1+$0x0], $0xffff;
	(erf) = vpow2.f32 v23;
	[tilespmem:s19+$0x17000] =	vst v5  }
0x4c2: {  	v5 =	vsub.f32 v31, v39;
	v15 =	vsub.f32 v50, v39;
	v23 =	vand.u32 $0xFFFF0000, v9;
	v7 =	vld.idx.msk [tilespmem:v38+s1+$0x0], $0xffff;
	[tilespmem:s19+$0x19000] =	vst v8  }
0x4c3: {  	v8 =	vmul.f32 v14, v4;
	v4 =	vsub.f32 v34, v28;
	v9 =	vsub.f32 v26, v28;
	v14 =	vld.idx.msk [tilespmem:v22+s1+$0x0], $0xffff  }
0x4c4: {  	v20 =	vsub.f32 v20, v35;
	v16 =	vsub.f32 v16, v35;
	v22 =	vmul.f32 v15, v5;
	v5 =	vld.idx.msk [tilespmem:v41+s1+$0x0], $0xffff  }
0x4c5: {  	v19 =	vsub.f32 v19, v25;
	v25 =	vsub.f32 v48, v25;
	v26 =	vmul.f32 v9, v4;
	v15 =	vld.idx.msk [tilespmem:v45+s1+$0x0], $0xffff  }
0x4c6: {  	v9 =	vmul.f32 v16, v20;
	v20 =	vsub.f32 v24, v43;
	v24 =	vsub.f32 v30, v43;
	v4 =	vld.idx.msk [tilespmem:v40+s1+$0x0], $0xffff  }
.Ltmp7:
0x4c7: {  	v28 =	vadd.f32 v32, v6;
	v30 =	vmul.f32 v25, v19;
	v19 =	vadd.f32 v17, v11;
	v16 =	vld.idx.msk [tilespmem:v44+s1+$0x0], $0xffff;
	(pc) =	sbr.rel @p0 .LBB2_16-.Ltmp7, $4  }
0x4c8: {  	v6 =	vadd.f32 v8, v9;
	v9 =	vsub.bf16 v27, v7;
	v11 =	vmul.f32 v24, v20;
	v8 =	vld.idx.msk [tilespmem:v21+s1+$0x0], $0xffff  }
0x4c9: {  	v24 =	vshll.u32 v13, $0x10;
	v20 =	vadd.f32 v29, v18;
	v22 =	vadd.f32 v30, v22;
	v17 =	vld.idx.msk [tilespmem:v36+s1+$0x0], $0xffff;
	[tilespmem:s19+$0x18000] =	vst v23  }
0x4ca: {  	v21 =	vadd.s32 $0x8000, v3;
	v23 =	vmul.f32 v6, v1;
	v11 =	vadd.f32 v11, v26;
	v6 =	vld.idx.msk [tilespmem:v42+s1+$0x0], $0xffff;
	v25 =	vpop (erf);
	[tilespmem:s19+$0x17010] =	vst v24  }
0x4cb: {  	s26 =	sadd.s32 $0x100, s26;
	v24 =	vmul.f32 v22, v1;
	v22 =	vadd.s32 $0x8000, v2;
	v18 =	vld.idx.msk [tilespmem:v46+s1+$0x0], $0xffff;
	v25 =	vadd.f32 $1.000000000e+00, v25;
	[tilespmem:s19+$0x19010] =	vst v28  }
0x4cc: {  	v23 =	vsub.f32 $0.0e+00, v23;
	_ =	sdelay $0x1  }
0x4cd: {  	v23 =	vmul.f32 $1.442695020e+00, v23  }
0x4ce: {  	v24 =	vsub.f32 $0.0e+00, v24;
	(erf) = vrcp.f32 v25  }
0x4cf: {  	v11 =	vmul.f32 v11, v1;
	(erf) = vpow2.f32 v23  }
0x4d0: {  	v23 =	vmul.f32 $1.442695020e+00, v24  }
0x4d1: {  	v11 =	vsub.f32 $0.0e+00, v11  }
0x4d2: {  	(erf) = vpow2.f32 v23  }
0x4d3: {  	v11 =	vmul.f32 $1.442695020e+00, v11;
	_ =	sdelay $0x1  }
0x4d4: {  	v3 =	vadd.s32 $0xC000, v3  }
0x4d5: {  	v2 =	vadd.s32 $0xC000, v2  }
0x4d6: {  	(erf) = vpow2.f32 v11;
	v11 =	vpop (erf)  }
0x4d7: {  	v23 =	vpop (erf)  }
0x4d8: {  	v21 =	vld.idx.msk [tilespmem:v21+s1+$0x0], $0xffff;
	v23 =	vadd.f32 $1.000000000e+00, v23  }
0x4d9: {  	v3 =	vld.idx.msk [tilespmem:v3+s1+$0x0], $0xffff  }
0x4da: {  	v2 =	vld.idx.msk [tilespmem:v2+s1+$0x0], $0xffff;
	v24 =	vpop (erf);
	(erf) = vrcp.f32 v23  }
0x4db: {  	v22 =	vld.idx.msk [tilespmem:v22+s1+$0x0], $0xffff;
	v23 =	vadd.f32 $1.000000000e+00, v24;
	_ =	sdelay $0x3  }
0x4dc: {  	v3 =	vsub.f32 v3, v2;
	(erf) = vrcp.f32 v23;
	v23 =	vpop (erf)  }
0x4dd: {  	v21 =	vsub.bf16 v21, v22;
	v23 =	vadd.f32 $1.000000000e+00, v23  }
0x4de: {  	v3 =	vmul.f32 v11, v3;
	v24 =	vpack.i.f32.bf16 v11, v11  }
0x4df: {  	v21 =	vmul.bf16 v24, v21;
	(erf) = vrcp.f32 v23  }
0x4e0: {  	[tilespmem:s19+$0x19020] =	vst v19;
	v13 =	vand.u32 $0xFFFF0000, v13;
	v19 =	vpop (erf)  }
0x4e1: {  	[tilespmem:s19+$0x19030] =	vst v20;
	v2 =	vadd.f32 v3, v2;
	v20 =	vadd.bf16 v22, v21;
	v21 =	vpack.i.f32.bf16 v19, v19  }
0x4e2: {  	v16 =	vsub.f32 v16, v8;
	[tilespmem:s19+$0x18010] =	vst v13;
	v9 =	vmul.bf16 v21, v9  }
0x4e3: {  	v14 =	vsub.bf16 v14, v5;
	v10 =	vld.idx.msk [tilespmem:v10+s1+$0x0], $0xffff;
	[tilespmem:s21+$0x19030] =	vst v2;
	v22 =	vshll.u32 v12, $0x10  }
0x4e4: {  	v12 =	vand.u32 $0xFFFF0000, v12;
	[tilespmem:s19+$0x17020] =	vst v22;
	v7 =	vadd.bf16 v7, v9;
	v9 =	vmul.f32 v19, v16  }
0x4e5: {  	v13 =	vsub.bf16 v15, v4;
	[tilespmem:s19+$0x18020] =	vst v12;
	v15 =	vand.u32 $0xFFFF0000, v20;
	v21 =	vpop (erf);
	v16 =	vsub.f32 v17, v6  }
0x4e6: {  	[tilespmem:s21+$0x18030] =	vst v15;
	v15 =	vshll.u32 v20, $0x10;
	v12 =	vpack.i.f32.bf16 v21, v21  }
0x4e7: {  	[tilespmem:s21+$0x17030] =	vst v15;
	v12 =	vmul.bf16 v12, v14;
	v15 =	vshll.u32 v7, $0x10;
	v16 =	vmul.f32 v21, v16  }
0x4e8: {  	v14 =	vsub.f32 v18, v10;
	v8 =	vadd.f32 v9, v8;
	v7 =	vand.u32 $0xFFFF0000, v7;
	[tilespmem:s21+$0x17000] =	vst v15;
	v9 =	vpop (erf)  }
0x4e9: {  	[tilespmem:s21+$0x18000] =	vst v7;
	v5 =	vadd.bf16 v5, v12;
	v6 =	vadd.f32 v16, v6;
	v12 =	vpack.i.f32.bf16 v9, v9  }
0x4ea: {  	[tilespmem:s21+$0x19000] =	vst v8;
	v9 =	vmul.f32 v9, v14;
	v8 =	vmul.bf16 v12, v13  }
0x4eb: {  	v7 =	vshll.u32 v5, $0x10;
	[tilespmem:s21+$0x19010] =	vst v6  }
0x4ec: {  	v2 =	vand.u32 $0xFFFF0000, v5;
	v9 =	vadd.f32 v9, v10;
	[tilespmem:s21+$0x17010] =	vst v7;
	v3 =	vadd.bf16 v4, v8  }
0x4ed: {  	[tilespmem:s21+$0x18010] =	vst v2  }
0x4ee: {  	[tilespmem:s21+$0x19020] =	vst v9;
	v4 =	vshll.u32 v3, $0x10  }
0x4ef: {  	v2 =	vand.u32 $0xFFFF0000, v3;
	[tilespmem:s21+$0x17020] =	vst v4  }
0x4f0: {  	[tilespmem:s21+$0x18020] =	vst v2  }
0x4f1: {  	s6 =	rddreg [dreg:$0x16]  }
0x4f2: {  	s5 =	simm.s32 $0x0;
	s9 =	sld [smem:$0x7F8]  }
0x4f3: {  	[hbm4b:s6+s5] =	stream.linear.scatter [tilespmem:s13], [sflag:$0x5], $0x1000, $0x38;
	[tilespmem:$0x1A830] =	vst v63  }
0x4f4: {  	s10 =	sld [smem:$0x7F9]  }
0x4f5: {  	[hbm4b:s9+s5] =	stream.linear.scatter [tilespmem:s14], [sflag:$0x5], $0x1000, $0x38;
	[tilespmem:$0x1A830] =	vst v63  }
0x4f6: {  	_ = 	snop  }
0x4f7: {  	[hbm4b:s10+s5] =	stream.linear.scatter [tilespmem:s15], [sflag:$0x5], $0x1000, $0x38;
	[tilespmem:$0x1A830] =	vst v63  }
0x4f8: {  	_ =	swait.ge [sflag:s29], $0x1000  }
0x4f9: {  	[sflag:s29] =	ssyncset.done $0x0  }
0x4fa: {  	[sflag:s29] =	ssyncadd.s32 $0xFFFFF000  }
0x4fb: {  	_ =	swait.ge [sflag:s29], $0x1000  }
0x4fc: {  	[sflag:s29] =	ssyncset.done $0x0  }
0x4fd: {  	s7 =	simm.s32 $0x11000;
	s19 =	rddreg [dreg:$0x18];
	[sflag:s29] =	ssyncadd.s32 $0xFFFFF000  }
0x4fe: {  	[tilespmem:s7], [sflag:$0x3] =	stream.linear.gather [hbm4b:s19+s5], $0x1000, $0x38;
	[tilespmem:$0x1A830] =	vst v63  }
0x4ff: {  	s22 =	simm.s32 $0x13000;
	s21 =	rddreg [dreg:$0x1a]  }
0x500: {  	[tilespmem:s22], [sflag:$0x3] =	stream.linear.gather [hbm4b:s21+s5], $0x1000, $0x38;
	[tilespmem:$0x1A830] =	vst v63  }
0x501: {  	_ =	swait.ge [sflag:s16], $0x1000  }
0x502: {  	[sflag:s16] =	ssyncset.done $0x0  }
0x503: {  	[sflag:s16] =	ssyncadd.s32 $0xFFFFF000  }
0x504: {  	_ =	swait.ge [sflag:s16], $0x1000  }
0x505: {  	[sflag:s16] =	ssyncset.done $0x0  }
0x506: {  	[sflag:s16] =	ssyncadd.s32 $0xFFFFF000  }
0x507: {  	_ =	swait.ge [sflag:s16], $0x1000  }
0x508: {  	[sflag:s16] =	ssyncset.done $0x0  }
0x509: {  	s23 =	simm.s32 $0x0;
	s19 =	simm.s32 $0x0;
	[sflag:s16] =	ssyncadd.s32 $0xFFFFF000  }
0x50a: {  	s6 =	sand.u32 $0x7, s23;
	v5 =	vld [tilespmem:s19+$0x12030]  }
0x50b: {  	s6 =	sor.u32 s3, s6;
	v10 =	vld [tilespmem:s19+$0x10030]  }
0x50c: {  	v2 =	vmov s6;
	v3 =	vld [tilespmem:s19+$0x10000]  }
0x50d: {  	v2 =	vbroadcast v2, $0x0;
	v4 =	vld [tilespmem:s19+$0x10010]  }
0x50e: {  	v6 =	vld [tilespmem:s19+$0x10020]  }
0x50f: {  	s25 =	simm.s32 $0x30;
	s24 =	sand.u32 $0x180, s5;
	v7 =	vld [tilespmem:s19+$0x12000]  }
0x510: {  	s6 =	sor.u32 $0x1A030, s24;
	s7 =	sand.u32 $0x70, s25;
	v8 =	vld [tilespmem:s19+$0x12010]  }
0x511: {  	s7 =	sadd.s32 s7, s6;
	v18 =	vld [tilespmem:s19+$0x12020]  }
0x512: {  	v11 =	vld [tilespmem:s7+$0x0]  }
0x513: {  	v2 =	vld.idx.msk [tilespmem:v2+s8+$0x0], $0xffff  }
0x514: {  	v14 =	vld.idx.msk [tilespmem:v5+s1+$0x0], $0xffff  }
0x515: {  	v9 =	vadd.s32 $0x4000, v10;
	v16 =	vld.idx.msk [tilespmem:v10+s1+$0x0], $0xffff  }
0x516: {  	v12 =	vadd.s32 $0x4000, v5;
	v13 =	vadd.s32 $0x4000, v3;
	v15 =	vadd.s32 $0x4000, v4;
	v22 =	vld.idx.msk [tilespmem:v6+s1+$0x0], $0xffff  }
0x517: {  	v20 =	vadd.s32 $0x4000, v7;
	v25 =	vadd.s32 $0x8000, v7;
	v29 =	vadd.s32 $0xC000, v7;
	v7 =	vld.idx.msk [tilespmem:v7+s1+$0x0], $0xffff  }
0x518: {  	v21 =	vadd.s32 $0x4000, v8;
	v27 =	vadd.s32 $0x8000, v8;
	v33 =	vadd.s32 $0xC000, v8;
	v8 =	vld.idx.msk [tilespmem:v8+s1+$0x0], $0xffff  }
0x519: {  	v17 =	vadd.s32 $0x4000, v6;
	v34 =	vld.idx.msk [tilespmem:v18+s1+$0x0], $0xffff  }
0x51a: {  	v9 =	vld.idx.msk [tilespmem:v9+s1+$0x0], $0xffff  }
0x51b: {  	v12 =	vld.idx.msk [tilespmem:v12+s1+$0x0], $0xffff  }
0x51c: {  	v13 =	vld.idx.msk [tilespmem:v13+s1+$0x0], $0xffff  }
0x51d: {  	v15 =	vld.idx.msk [tilespmem:v15+s1+$0x0], $0xffff  }
0x51e: {  	v17 =	vld.idx.msk [tilespmem:v17+s1+$0x0], $0xffff;
	v11 =	vsub.f32 v11, v16  }
0x51f: {  	v20 =	vld.idx.msk [tilespmem:v20+s1+$0x0], $0xffff;
	v19 =	vsub.f32 v2, v9  }
0x520: {  	s26 =	simm.s32 $0x10;
	v21 =	vld.idx.msk [tilespmem:v21+s1+$0x0], $0xffff;
	v16 =	vsub.f32 v16, v14;
	v11 =	vsub.f32 v11, v14  }
0x521: {  	s7 =	sand.u32 $0x50, s26;
	v23 =	vadd.s32 $0x4000, v18;
	v14 =	vld.idx.msk [tilespmem:v3+s1+$0x0], $0xffff;
	v9 =	vsub.f32 v9, v12;
	v12 =	vsub.f32 v19, v12  }
0x522: {  	s9 =	simm.s32 $0x20;
	s5 =	sand.u32 $0x40, s5;
	s7 =	sadd.s32 s7, s6;
	v24 =	vadd.s32 $0x8000, v3;
	v19 =	vld.idx.msk [tilespmem:v4+s1+$0x0], $0xffff  }
0x523: {  	s9 =	sand.u32 $0x60, s9;
	s5 =	sor.u32 s5, s6;
	v26 =	vadd.s32 $0x8000, v4;
	v11 =	vmul.f32 v11, v16;
	v16 =	vld [tilespmem:s7+$0x0];
	v9 =	vmul.f32 v12, v9  }
0x524: {  	s28 =	sadd.s32 s9, s6;
	v28 =	vadd.s32 $0x8000, v6;
	v30 =	vsub.f32 v2, v13;
	v12 =	vld [tilespmem:s5+$0x0]  }
0x525: {  	v32 =	vadd.s32 $0xC000, v4;
	v31 =	vsub.f32 v2, v15;
	v9 =	vadd.f32 v11, v9;
	v11 =	vld [tilespmem:s28+$0x0]  }
0x526: {  	s9 =	simm.s32 $0x70;
	s22 =	simm.s32 $0x8;
	v35 =	vadd.s32 $0x8000, v18;
	v23 =	vld.idx.msk [tilespmem:v23+s1+$0x0], $0xffff;
	v2 =	vsub.f32 v2, v17;
	v13 =	vsub.f32 v13, v20  }
0x527: {  	s24 =	sand.u32 $0x70, s9;
	v24 =	vld.idx.msk [tilespmem:v24+s1+$0x0], $0xffff;
	v15 =	vsub.f32 v15, v21;
	v20 =	vsub.f32 v30, v20;
	s7 =	sand.u32 $0x180, s22;
	s28 =	simm.s32 $0x60;
	v9 =	vmul.f32 v9, v1  }
0x528: {  	s6 =	simm.s32 $0x0;
	v26 =	vld.idx.msk [tilespmem:v26+s1+$0x0], $0xffff;
	v3 =	vadd.s32 $0xC000, v3;
	v21 =	vsub.f32 v31, v21;
	s10 =	sor.u32 $0x1A030, s7;
	v16 =	vsub.f32 v16, v19;
	s9 =	sand.u32 $0x60, s28  }
0x529: {  	s5 =	sand.u32 $0x7, s6;
	s6 =	sadd.s32 s9, s10;
	v12 =	vsub.f32 v12, v14;
	v4 =	vsub.f32 $0.0e+00, v9;
	v9 =	vld.idx.msk [tilespmem:v25+s1+$0x0], $0xffff;
	v25 =	vadd.s32 $0xC000, v6  }
0x52a: {  	v53 =	vld [tilespmem:s6+$0x0];
	v6 =	vsub.f32 v14, v7;
	v14 =	vmul.f32 v21, v15;
	v11 =	vsub.f32 v11, v22  }
0x52b: {  	s21 =	simm.s32 $0x40;
	v15 =	vld.idx.msk [tilespmem:v28+s1+$0x0], $0xffff;
	v7 =	vsub.f32 v12, v7;
	v12 =	vmul.f32 v20, v13;
	v13 =	vsub.f32 v19, v8  }
0x52c: {  	v8 =	vsub.f32 v16, v8;
	v16 =	vsub.f32 v22, v34;
	v22 =	vld [tilespmem:s21+$0x12000];
	v4 =	vmul.f32 $1.442695020e+00, v4  }
0x52d: {  	v17 =	vsub.f32 v17, v23;
	v2 =	vsub.f32 v2, v23;
	v6 =	vmul.f32 v7, v6;
	v7 =	vld.idx.msk [tilespmem:v35+s1+$0x0], $0xffff  }
0x52e: {  	v8 =	vmul.f32 v8, v13;
	v13 =	vadd.s32 $0xC000, v18;
	v18 =	vld.idx.msk [tilespmem:v3+s1+$0x0], $0xffff;
	(erf) = vpow2.f32 v4  }
0x52f: {  	v19 =	vsub.f32 v11, v34;
	v11 =	vld.idx.msk [tilespmem:v29+s1+$0x0], $0xffff  }
0x530: {  	v2 =	vmul.f32 v2, v17;
	v4 =	vld.idx.msk [tilespmem:v27+s1+$0x0], $0xffff;
	v3 =	vadd.f32 v12, v6  }
0x531: {  	v12 =	vmul.f32 v19, v16;
	v8 =	vadd.f32 v8, v14;
	v14 =	vld.idx.msk [tilespmem:v32+s1+$0x0], $0xffff;
	v19 =	vadd.s32 $0x8000, v5  }
0x532: {  	v6 =	vld.idx.msk [tilespmem:v33+s1+$0x0], $0xffff;
	v5 =	vadd.s32 $0xC000, v5  }
0x533: {  	v17 =	vld.idx.msk [tilespmem:v25+s1+$0x0], $0xffff;
	v2 =	vadd.f32 v12, v2  }
0x534: {  	v23 =	vsub.bf16 v24, v9;
	v24 =	vld [tilespmem:s21+$0x12010];
	v12 =	vadd.s32 $0x8000, v10  }
0x535: {  	v3 =	vmul.f32 v3, v1;
	v10 =	vadd.s32 $0xC000, v10;
	v21 =	vmul.f32 v2, v1;
	v2 =	vld [tilespmem:s21+$0x12030]  }
0x536: {  	v16 =	vmul.f32 v8, v1;
	v19 =	vld.idx.msk [tilespmem:v19+s1+$0x0], $0xffff  }
0x537: {  	v3 =	vsub.f32 $0.0e+00, v3;
	v40 =	vld.idx.msk [tilespmem:v5+s1+$0x0], $0xffff;
	v8 =	vpop (erf)  }
0x538: {  	v20 =	vadd.f32 $1.000000000e+00, v8;
	v8 =	vld.idx.msk [tilespmem:v13+s1+$0x0], $0xffff;
	v13 =	vsub.f32 $0.0e+00, v16  }
0x539: {  	v12 =	vld.idx.msk [tilespmem:v12+s1+$0x0], $0xffff;
	v16 =	vmul.f32 $1.442695020e+00, v3  }
0x53a: {  	v38 =	vld.idx.msk [tilespmem:v10+s1+$0x0], $0xffff;
	(erf) = vrcp.f32 v20;
	v20 =	vsub.f32 $0.0e+00, v21;
	v13 =	vmul.f32 $1.442695020e+00, v13  }
0x53b: {  	v3 =	vld [tilespmem:s21+$0x10030];
	v54 =	vadd.s32 $0x4000, v2;
	(erf) = vpow2.f32 v16  }
0x53c: {  	s5 =	sor.u32 s3, s5;
	v21 =	vld [tilespmem:s21+$0x10010];
	v20 =	vmul.f32 $1.442695020e+00, v20;
	(erf) = vpow2.f32 v13  }
0x53d: {  	v16 =	vmov s5;
	v56 =	vld.idx.msk [tilespmem:v2+s1+$0x0], $0xffff  }
0x53e: {  	s5 =	sadd.s32 s24, s10;
	v13 =	vld [tilespmem:s21+$0x10000];
	v16 =	vbroadcast v16, $0x0;
	(erf) = vpow2.f32 v20  }
0x53f: {  	s25 =	simm.s32 $0x50;
	v27 =	vld [tilespmem:s5+$0x0]  }
0x540: {  	v61 =	vadd.s32 $0x4000, v22;
	s5 =	sand.u32 $0x50, s25;
	v25 =	vadd.s32 $0x4000, v3;
	v29 =	vld.idx.msk [tilespmem:v54+s1+$0x0], $0xffff  }
0x541: {  	v63 =	vadd.s32 $0x8000, v22;
	v15 =	vsub.bf16 v15, v7;
	v18 =	vsub.f32 v18, v11;
	s5 =	sadd.s32 s5, s10;
	v20 =	vld [tilespmem:s21+$0x10020]  }
0x542: {  	v26 =	vsub.bf16 v26, v4;
	v14 =	vsub.f32 v14, v6;
	v51 =	vld [tilespmem:s5+$0x0];
	v58 =	vadd.s32 $0x4000, v21  }
0x543: {  	v39 =	vadd.s32 $0x4000, v24;
	v12 =	vsub.bf16 v12, v19;
	v59 =	vld.idx.msk [tilespmem:v3+s1+$0x0], $0xffff;
	v55 =	vadd.s32 $0x4000, v13;
	v28 =	vpop (erf)  }
0x544: {  	v45 =	vadd.s32 $0xC000, v24;
	v38 =	vsub.f32 v38, v40;
	v17 =	vsub.f32 v17, v8;
	v16 =	vld.idx.msk [tilespmem:v16+s8+$0x0], $0xffff;
	v57 =	vpop (erf)  }
0x545: {  	v5 =	vadd.s32 $0x8000, v21;
	v44 =	vadd.s32 $0xC000, v21;
	v25 =	vld.idx.msk [tilespmem:v25+s1+$0x0], $0xffff;
	v32 =	vadd.f32 $1.000000000e+00, v57;
	v60 =	vpop (erf)  }
0x546: {  	v21 =	vld.idx.msk [tilespmem:v21+s1+$0x0], $0xffff;
	v37 =	vadd.s32 $0x4000, v20;
	v36 =	vpack.i.f32.bf16 v28, v28;
	v35 =	vadd.f32 $1.000000000e+00, v60  }
0x547: {  	v62 =	vadd.s32 $0x8000, v13;
	v33 =	vld.idx.msk [tilespmem:v58+s1+$0x0], $0xffff;
	v12 =	vmul.bf16 v36, v12;
	v10 =	vpop (erf);
	(erf) = vrcp.f32 v32  }
0x548: {  	v31 =	vadd.s32 $0x8000, v20;
	v30 =	vld.idx.msk [tilespmem:v55+s1+$0x0], $0xffff;
	v10 =	vadd.f32 $1.000000000e+00, v10;
	(erf) = vrcp.f32 v35  }
0x549: {  	v47 =	vadd.s32 $0xC000, v20;
	v34 =	vsub.f32 v59, v56;
	v20 =	vld.idx.msk [tilespmem:v20+s1+$0x0], $0xffff;
	v12 =	vadd.bf16 v19, v12  }
0x54a: {  	v19 =	vld [tilespmem:s21+$0x12020];
	v42 =	vsub.f32 v16, v25;
	(erf) = vrcp.f32 v10;
	v10 =	vsub.f32 v27, v59  }
0x54b: {  	v43 =	vadd.s32 $0xC000, v13;
	v25 =	vsub.f32 v25, v29;
	v60 =	vsub.f32 v51, v21;
	v37 =	vld.idx.msk [tilespmem:v37+s1+$0x0], $0xffff  }
0x54c: {  	v41 =	vand.u32 $0xFFFF0000, v12;
	v29 =	vsub.f32 v42, v29;
	v10 =	vsub.f32 v10, v56  }
0x54d: {  	v46 =	vld.idx.msk [tilespmem:v13+s1+$0x0], $0xffff;
	v42 =	vadd.s32 $0xC000, v22;
	v12 =	vshll.u32 v12, $0x10;
	v58 =	vsub.f32 v16, v33  }
0x54e: {  	s23 =	simm.s32 $0x40;
	v36 =	vld.idx.msk [tilespmem:v61+s1+$0x0], $0xffff;
	v27 =	vadd.s32 $0x8000, v24;
	v25 =	vmul.f32 v29, v25;
	v13 =	vmul.f32 v10, v34  }
0x54f: {  	s26 =	sand.u32 $0x40, s23;
	v52 =	vsub.f32 v16, v30;
	v61 =	vsub.f32 v53, v20;
	v56 =	vadd.s32 $0x4000, v19  }
0x550: {  	s7 =	sor.u32 s26, s10;
	v57 =	vadd.s32 $0x8000, v19;
	v16 =	vsub.f32 v16, v37;
	v48 =	vpop (erf);
	v13 =	vadd.f32 v13, v25  }
0x551: {  	v49 =	vld [tilespmem:s7+$0x0];
	v10 =	vadd.s32 $0xC000, v19;
	v25 =	vpack.i.f32.bf16 v48, v48;
	v50 =	vpop (erf);
	v18 =	vmul.f32 v48, v18  }
0x552: {  	v39 =	vld.idx.msk [tilespmem:v39+s1+$0x0], $0xffff;
	v23 =	vmul.bf16 v25, v23;
	v25 =	vpack.i.f32.bf16 v50, v50;
	v13 =	vmul.f32 v13, v1  }
0x553: {  	v22 =	vld.idx.msk [tilespmem:v22+s1+$0x0], $0xffff;
	v59 =	vmul.f32 v50, v14;
	v11 =	vadd.f32 v18, v11;
	v18 =	vsub.f32 v52, v36  }
0x554: {  	v29 =	vld.idx.msk [tilespmem:v56+s1+$0x0], $0xffff;
	v25 =	vmul.bf16 v25, v26;
	v26 =	vpop (erf);
	v9 =	vadd.bf16 v9, v23;
	v13 =	vsub.f32 $0.0e+00, v13  }
0x555: {  	v24 =	vld.idx.msk [tilespmem:v24+s1+$0x0], $0xffff;
	v23 =	vpack.i.f32.bf16 v26, v26;
	v17 =	vmul.f32 v26, v17;
	v26 =	vmul.f32 v28, v38  }
0x556: {  	v15 =	vmul.bf16 v23, v15;
	v14 =	vmul.f32 $1.442695020e+00, v13;
	v13 =	vadd.bf16 v4, v25;
	v4 =	vld.idx.msk [tilespmem:v19+s1+$0x0], $0xffff  }
0x557: {  	[tilespmem:s19+$0x14030] =	vst v12;
	v23 =	vsub.f32 v49, v46;
	v19 =	vshll.u32 v9, $0x10;
	v25 =	vld.idx.msk [tilespmem:v62+s1+$0x0], $0xffff;
	v62 =	vsub.f32 v58, v39  }
0x558: {  	[tilespmem:s19+$0x16000] =	vst v11;
	v12 =	vadd.bf16 v7, v15;
	v15 =	vsub.f32 v30, v36;
	(erf) = vpow2.f32 v14  }
0x559: {  	v11 =	vsub.f32 v37, v29;
	[tilespmem:s19+$0x14000] =	vst v19;
	v7 =	vld.idx.msk [tilespmem:v63+s1+$0x0], $0xffff;
	v19 =	vsub.f32 v33, v39  }
0x55a: {  	[tilespmem:s19+$0x15030] =	vst v41;
	v63 =	vand.u32 $0xFFFF0000, v9;
	v14 =	vld.idx.msk [tilespmem:v5+s1+$0x0], $0xffff;
	v9 =	vmul.f32 v18, v15;
	v15 =	vsub.f32 v16, v29  }
0x55b: {  	v5 =	vld.idx.msk [tilespmem:v27+s1+$0x0], $0xffff;
	v16 =	vsub.f32 v46, v22;
	v18 =	vsub.f32 v23, v22;
	v22 =	vmul.f32 v62, v19  }
0x55c: {  	v19 =	vsub.f32 v21, v24;
	v21 =	vsub.f32 v60, v24;
	v11 =	vmul.f32 v15, v11;
	v15 =	vld.idx.msk [tilespmem:v31+s1+$0x0], $0xffff  }
0x55d: {  	v18 =	vmul.f32 v18, v16;
	v20 =	vsub.f32 v20, v4;
	v23 =	vsub.f32 v61, v4;
	v4 =	vld.idx.msk [tilespmem:v57+s1+$0x0], $0xffff  }
0x55e: {  	v27 =	vadd.f32 v59, v6;
	v16 =	vld.idx.msk [tilespmem:v43+s1+$0x0], $0xffff;
	v21 =	vmul.f32 v21, v19;
	v19 =	vadd.f32 v17, v8  }
0x55f: {  	v8 =	vld.idx.msk [tilespmem:v42+s1+$0x0], $0xffff;
	v6 =	vadd.f32 v9, v18;
	v9 =	vsub.bf16 v25, v7;
	v18 =	vmul.f32 v23, v20  }
0x560: {  	[tilespmem:s19+$0x15000] =	vst v63;
	v24 =	vshll.u32 v13, $0x10;
	v17 =	vld.idx.msk [tilespmem:v44+s1+$0x0], $0xffff;
	v22 =	vadd.f32 v21, v22;
	v20 =	vadd.f32 v26, v40  }
0x561: {  	[tilespmem:s19+$0x14010] =	vst v24;
	v21 =	vadd.s32 $0x8000, v3;
	v23 =	vmul.f32 v6, v1;
	v6 =	vld.idx.msk [tilespmem:v45+s1+$0x0], $0xffff;
	v11 =	vadd.f32 v18, v11;
	v25 =	vpop (erf)  }
0x562: {  	s26 =	simm.s32 $0x200;
	s6 =	simm.s32 $0x4;
	[tilespmem:s19+$0x16010] =	vst v27;
	v24 =	vmul.f32 v22, v1;
	v18 =	vld.idx.msk [tilespmem:v47+s1+$0x0], $0xffff;
	v22 =	vadd.s32 $0x8000, v2;
	v25 =	vadd.f32 $1.000000000e+00, v25  }
.LBB2_18:
0x563: {  	s6 =	sadd.s32 $0x4, s6;
	s25 =	sshra.s32 s26, $0x2;
	v23 =	vsub.f32 $0.0e+00, v23;
	v14 =	vsub.bf16 v14, v5;
	v26 =	vmul.f32 v11, v1;
	v11 =	vld.idx.msk [tilespmem:v10+s1+$0x0], $0xffff;
	[tilespmem:s19+$0x16020] =	vst v19  }
0x564: {  	v15 =	vsub.bf16 v15, v4;
	s5 =	sshrl.u32 s6, $0x3;
	v10 =	vld [tilespmem:s25+$0x12030];
	v19 =	vsub.f32 $0.0e+00, v24;
	(erf) = vrcp.f32 v25;
	[tilespmem:s19+$0x16030] =	vst v20  }
0x565: {  	v16 =	vsub.f32 v16, v8;
	s5 =	sand.u32 $0x7, s5;
	v20 =	vld [tilespmem:s25+$0x10030];
	v23 =	vmul.f32 $1.442695020e+00, v23;
	v24 =	vsub.f32 $0.0e+00, v26  }
0x566: {  	v13 =	vand.u32 $0xFFFF0000, v13;
	p0 =	slt.u32 s6, $0xFC;
	v25 =	vshll.u32 v12, $0x10;
	s5 =	sor.u32 s3, s5;
	v19 =	vmul.f32 $1.442695020e+00, v19;
	v21 =	vld.idx.msk [tilespmem:v21+s1+$0x0], $0xffff  }
0x567: {  	v26 =	vmov s5;
	v24 =	vmul.f32 $1.442695020e+00, v24;
	v22 =	vld.idx.msk [tilespmem:v22+s1+$0x0], $0xffff;
	(erf) = vpow2.f32 v23;
	[tilespmem:s19+$0x15010] =	vst v13  }
0x568: {  	v13 =	vsub.f32 v17, v6;
	v23 =	vld [tilespmem:s25+$0x10000];
	v26 =	vbroadcast v26, $0x0;
	(erf) = vpow2.f32 v19;
	[tilespmem:s19+$0x14020] =	vst v25  }
0x569: {  	s22 =	sadd.s32 $0x8, s22;
	s23 =	sadd.s32 $0x40, s23;
	v12 =	vand.u32 $0xFFFF0000, v12;
	v17 =	vsub.f32 v18, v11;
	v19 =	vld [tilespmem:s25+$0x10010];
	(erf) = vpow2.f32 v24  }
0x56a: {  	s7 =	sadd.s32 $0x10, s23;
	s9 =	sadd.s32 $0x30, s23;
	s5 =	sand.u32 $0x180, s22;
	v24 =	vld [tilespmem:s25+$0x10020];
	[tilespmem:s19+$0x15020] =	vst v12  }
0x56b: {  	s10 =	sadd.s32 $0x20, s23;
	s9 =	sand.u32 $0x70, s9;
	s5 =	sor.u32 $0x1A030, s5;
	v12 =	vld [tilespmem:s25+$0x12000]  }
0x56c: {  	s7 =	sand.u32 $0x50, s7;
	s10 =	sand.u32 $0x60, s10;
	s9 =	sadd.s32 s9, s5;
	v18 =	vadd.s32 $0x4000, v20;
	v25 =	vld [tilespmem:s25+$0x12010]  }
0x56d: {  	v29 =	vadd.s32 $0xC000, v3;
	s24 =	sadd.s32 s7, s5;
	s28 =	sadd.s32 s10, s5;
	s19 =	sand.u32 $0x40, s23;
	v21 =	vsub.bf16 v21, v22;
	v27 =	vadd.s32 $0x4000, v23;
	v28 =	vld [tilespmem:s9+$0x0];
	v30 =	vpop (erf)  }
0x56e: {  	v32 =	vadd.s32 $0x4000, v10;
	v3 =	vmovc v20;
	s5 =	sor.u32 s19, s5;
	s19 =	smov.u32 s21;
	s21 =	smov.u32 s25;
	v26 =	vld.idx.msk [tilespmem:v26+s8+$0x0], $0xffff;
	v31 =	vadd.s32 $0x4000, v19;
	v33 =	vpack.i.f32.bf16 v30, v30  }
0x56f: {  	v36 =	vadd.s32 $0xC000, v2;
	v2 =	vmovc v10;
	v34 =	vadd.s32 $0x4000, v24;
	v35 =	vld.idx.msk [tilespmem:v10+s1+$0x0], $0xffff;
	v41 =	vmul.bf16 v33, v21  }
0x570: {  	v37 =	vadd.s32 $0x8000, v23;
	v33 =	vadd.s32 $0x4000, v12;
	v38 =	vadd.s32 $0x8000, v12;
	v10 =	vld.idx.msk [tilespmem:v20+s1+$0x0], $0xffff;
	v20 =	vpop (erf)  }
0x571: {  	v39 =	vadd.s32 $0x4000, v25;
	v40 =	vld.idx.msk [tilespmem:v18+s1+$0x0], $0xffff;
	v18 =	vadd.f32 $1.000000000e+00, v20;
	v20 =	vadd.bf16 v22, v41;
	v21 =	vpop (erf)  }
0x572: {  	v22 =	vadd.s32 $0x8000, v19;
	v41 =	vadd.s32 $0x8000, v25;
	v21 =	vadd.f32 $1.000000000e+00, v21;
	v29 =	vld.idx.msk [tilespmem:v29+s1+$0x0], $0xffff;
	v42 =	vpop (erf)  }
0x573: {  	v32 =	vld.idx.msk [tilespmem:v32+s1+$0x0], $0xffff;
	v42 =	vadd.f32 $1.000000000e+00, v42;
	v43 =	vand.u32 $0xFFFF0000, v20;
	(erf) = vrcp.f32 v18  }
0x574: {  	v44 =	vadd.s32 $0xC000, v23;
	v45 =	vadd.s32 $0x8000, v24;
	v18 =	vld.idx.msk [tilespmem:v36+s1+$0x0], $0xffff;
	[tilespmem:s19+$0x15030] =	vst v43;
	(erf) = vrcp.f32 v21  }
0x575: {  	v21 =	vadd.s32 $0xC000, v12;
	v36 =	vadd.s32 $0xC000, v19;
	v43 =	vld [tilespmem:s21+$0x12020];
	(erf) = vrcp.f32 v42  }
0x576: {  	v46 =	vadd.s32 $0xC000, v24;
	v42 =	vadd.s32 $0xC000, v25;
	v28 =	vsub.f32 v28, v10;
	v27 =	vld.idx.msk [tilespmem:v27+s1+$0x0], $0xffff  }
0x577: {  	v20 =	vshll.u32 v20, $0x10;
	v47 =	vsub.f32 v26, v40;
	v31 =	vld.idx.msk [tilespmem:v31+s1+$0x0], $0xffff  }
0x578: {  	v48 =	vsub.f32 v10, v35;
	v28 =	vsub.f32 v28, v35;
	v34 =	vld.idx.msk [tilespmem:v34+s1+$0x0], $0xffff;
	[tilespmem:s19+$0x14030] =	vst v20  }
0x579: {  	v20 =	vld.idx.msk [tilespmem:v23+s1+$0x0], $0xffff;
	v23 =	vsub.f32 v40, v32;
	v32 =	vsub.f32 v47, v32  }
0x57a: {  	v19 =	vld.idx.msk [tilespmem:v19+s1+$0x0], $0xffff;
	v35 =	vadd.s32 $0x4000, v43;
	v40 =	vadd.s32 $0x8000, v43;
	v10 =	vadd.s32 $0xC000, v43  }
0x57b: {  	v28 =	vmul.f32 v28, v48;
	v29 =	vsub.f32 v29, v18;
	v24 =	vld.idx.msk [tilespmem:v24+s1+$0x0], $0xffff;
	v23 =	vmul.f32 v32, v23  }
0x57c: {  	v47 =	vsub.f32 v26, v27;
	v32 =	vld [tilespmem:s5+$0x0];
	v48 =	vpop (erf)  }
0x57d: {  	v50 =	vsub.f32 v26, v31;
	v49 =	vld [tilespmem:s24+$0x0];
	v23 =	vadd.f32 v28, v23;
	v28 =	vpack.i.f32.bf16 v48, v48;
	v51 =	vpop (erf)  }
0x57e: {  	v26 =	vsub.f32 v26, v34;
	v52 =	vld [tilespmem:s28+$0x0];
	v9 =	vmul.bf16 v28, v9;
	v28 =	vpack.i.f32.bf16 v51, v51;
	v53 =	vpop (erf)  }
0x57f: {  	v33 =	vld.idx.msk [tilespmem:v33+s1+$0x0], $0xffff;
	v23 =	vmul.f32 v23, v1;
	v14 =	vmul.bf16 v28, v14;
	v28 =	vpack.i.f32.bf16 v53, v53  }
0x580: {  	v39 =	vld.idx.msk [tilespmem:v39+s1+$0x0], $0xffff;
	v9 =	vadd.bf16 v7, v9;
	v7 =	vmul.f32 v48, v16;
	v15 =	vmul.bf16 v28, v15  }
0x581: {  	v16 =	vsub.f32 v32, v20;
	v28 =	vld.idx.msk [tilespmem:v35+s1+$0x0], $0xffff;
	v23 =	vsub.f32 $0.0e+00, v23;
	v32 =	vmul.f32 v51, v13  }
0x582: {  	v29 =	vmul.f32 v30, v29;
	v17 =	vmul.f32 v53, v17;
	v35 =	vld.idx.msk [tilespmem:v12+s1+$0x0], $0xffff;
	v48 =	vsub.f32 v49, v19  }
0x583: {  	v13 =	vadd.bf16 v5, v14;
	v25 =	vld.idx.msk [tilespmem:v25+s1+$0x0], $0xffff;
	v30 =	vsub.f32 v52, v24;
	v23 =	vmul.f32 $1.442695020e+00, v23  }
0x584: {  	v5 =	vshll.u32 v9, $0x10;
	v8 =	vadd.f32 v7, v8;
	v12 =	vadd.bf16 v4, v15;
	v43 =	vld.idx.msk [tilespmem:v43+s1+$0x0], $0xffff  }
0x585: {  	v4 =	vsub.f32 v27, v33;
	v14 =	vsub.f32 v47, v33;
	v27 =	vld.idx.msk [tilespmem:v37+s1+$0x0], $0xffff;
	(erf) = vpow2.f32 v23;
	[tilespmem:s19+$0x14000] =	vst v5  }
0x586: {  	v5 =	vsub.f32 v31, v39;
	v15 =	vsub.f32 v50, v39;
	v23 =	vand.u32 $0xFFFF0000, v9;
	v7 =	vld.idx.msk [tilespmem:v38+s1+$0x0], $0xffff;
	[tilespmem:s19+$0x16000] =	vst v8  }
0x587: {  	v8 =	vmul.f32 v14, v4;
	v4 =	vsub.f32 v34, v28;
	v9 =	vsub.f32 v26, v28;
	v14 =	vld.idx.msk [tilespmem:v22+s1+$0x0], $0xffff  }
0x588: {  	v20 =	vsub.f32 v20, v35;
	v16 =	vsub.f32 v16, v35;
	v22 =	vmul.f32 v15, v5;
	v5 =	vld.idx.msk [tilespmem:v41+s1+$0x0], $0xffff  }
0x589: {  	v19 =	vsub.f32 v19, v25;
	v25 =	vsub.f32 v48, v25;
	v26 =	vmul.f32 v9, v4;
	v15 =	vld.idx.msk [tilespmem:v45+s1+$0x0], $0xffff  }
0x58a: {  	v9 =	vmul.f32 v16, v20;
	v20 =	vsub.f32 v24, v43;
	v24 =	vsub.f32 v30, v43;
	v4 =	vld.idx.msk [tilespmem:v40+s1+$0x0], $0xffff  }
.Ltmp8:
0x58b: {  	v28 =	vadd.f32 v32, v6;
	v30 =	vmul.f32 v25, v19;
	v19 =	vadd.f32 v17, v11;
	v16 =	vld.idx.msk [tilespmem:v44+s1+$0x0], $0xffff;
	(pc) =	sbr.rel @p0 .LBB2_18-.Ltmp8, $4  }
0x58c: {  	v6 =	vadd.f32 v8, v9;
	v9 =	vsub.bf16 v27, v7;
	v11 =	vmul.f32 v24, v20;
	v8 =	vld.idx.msk [tilespmem:v21+s1+$0x0], $0xffff  }
0x58d: {  	v24 =	vshll.u32 v13, $0x10;
	v20 =	vadd.f32 v29, v18;
	v22 =	vadd.f32 v30, v22;
	v17 =	vld.idx.msk [tilespmem:v36+s1+$0x0], $0xffff;
	[tilespmem:s19+$0x15000] =	vst v23  }
0x58e: {  	v21 =	vadd.s32 $0x8000, v3;
	v23 =	vmul.f32 v6, v1;
	v11 =	vadd.f32 v11, v26;
	v6 =	vld.idx.msk [tilespmem:v42+s1+$0x0], $0xffff;
	v25 =	vpop (erf);
	[tilespmem:s19+$0x14010] =	vst v24  }
0x58f: {  	s26 =	sadd.s32 $0x100, s26;
	v24 =	vmul.f32 v22, v1;
	v22 =	vadd.s32 $0x8000, v2;
	v18 =	vld.idx.msk [tilespmem:v46+s1+$0x0], $0xffff;
	v25 =	vadd.f32 $1.000000000e+00, v25;
	[tilespmem:s19+$0x16010] =	vst v28  }
0x590: {  	v23 =	vsub.f32 $0.0e+00, v23;
	_ =	sdelay $0x1  }
0x591: {  	v23 =	vmul.f32 $1.442695020e+00, v23  }
0x592: {  	v24 =	vsub.f32 $0.0e+00, v24;
	(erf) = vrcp.f32 v25  }
0x593: {  	v11 =	vmul.f32 v11, v1;
	(erf) = vpow2.f32 v23  }
0x594: {  	v23 =	vmul.f32 $1.442695020e+00, v24  }
0x595: {  	v11 =	vsub.f32 $0.0e+00, v11  }
0x596: {  	(erf) = vpow2.f32 v23  }
0x597: {  	v11 =	vmul.f32 $1.442695020e+00, v11;
	_ =	sdelay $0x1  }
0x598: {  	v3 =	vadd.s32 $0xC000, v3  }
0x599: {  	v2 =	vadd.s32 $0xC000, v2  }
0x59a: {  	(erf) = vpow2.f32 v11;
	v11 =	vpop (erf)  }
0x59b: {  	v23 =	vpop (erf)  }
0x59c: {  	v21 =	vld.idx.msk [tilespmem:v21+s1+$0x0], $0xffff;
	v23 =	vadd.f32 $1.000000000e+00, v23  }
0x59d: {  	v3 =	vld.idx.msk [tilespmem:v3+s1+$0x0], $0xffff  }
0x59e: {  	v2 =	vld.idx.msk [tilespmem:v2+s1+$0x0], $0xffff;
	v24 =	vpop (erf);
	(erf) = vrcp.f32 v23  }
0x59f: {  	v22 =	vld.idx.msk [tilespmem:v22+s1+$0x0], $0xffff;
	v23 =	vadd.f32 $1.000000000e+00, v24;
	_ =	sdelay $0x3  }
0x5a0: {  	v3 =	vsub.f32 v3, v2;
	(erf) = vrcp.f32 v23;
	v23 =	vpop (erf)  }
0x5a1: {  	v21 =	vsub.bf16 v21, v22;
	v23 =	vadd.f32 $1.000000000e+00, v23  }
0x5a2: {  	v3 =	vmul.f32 v11, v3;
	v24 =	vpack.i.f32.bf16 v11, v11  }
0x5a3: {  	v21 =	vmul.bf16 v24, v21;
	(erf) = vrcp.f32 v23  }
0x5a4: {  	[tilespmem:s19+$0x16020] =	vst v19;
	v13 =	vand.u32 $0xFFFF0000, v13;
	v19 =	vpop (erf)  }
0x5a5: {  	[tilespmem:s19+$0x16030] =	vst v20;
	v2 =	vadd.f32 v3, v2;
	v20 =	vadd.bf16 v22, v21;
	v21 =	vpack.i.f32.bf16 v19, v19  }
0x5a6: {  	v16 =	vsub.f32 v16, v8;
	[tilespmem:s19+$0x15010] =	vst v13;
	v9 =	vmul.bf16 v21, v9  }
0x5a7: {  	v14 =	vsub.bf16 v14, v5;
	v10 =	vld.idx.msk [tilespmem:v10+s1+$0x0], $0xffff;
	[tilespmem:s21+$0x16030] =	vst v2;
	v22 =	vshll.u32 v12, $0x10  }
0x5a8: {  	v12 =	vand.u32 $0xFFFF0000, v12;
	[tilespmem:s19+$0x14020] =	vst v22;
	v7 =	vadd.bf16 v7, v9;
	v9 =	vmul.f32 v19, v16  }
0x5a9: {  	v13 =	vsub.bf16 v15, v4;
	[tilespmem:s19+$0x15020] =	vst v12;
	v15 =	vand.u32 $0xFFFF0000, v20;
	v21 =	vpop (erf);
	v16 =	vsub.f32 v17, v6  }
0x5aa: {  	[tilespmem:s21+$0x15030] =	vst v15;
	v15 =	vshll.u32 v20, $0x10;
	v12 =	vpack.i.f32.bf16 v21, v21  }
0x5ab: {  	[tilespmem:s21+$0x14030] =	vst v15;
	v12 =	vmul.bf16 v12, v14;
	v15 =	vshll.u32 v7, $0x10;
	v16 =	vmul.f32 v21, v16  }
0x5ac: {  	v14 =	vsub.f32 v18, v10;
	v8 =	vadd.f32 v9, v8;
	v7 =	vand.u32 $0xFFFF0000, v7;
	[tilespmem:s21+$0x14000] =	vst v15;
	v9 =	vpop (erf)  }
0x5ad: {  	[tilespmem:s21+$0x15000] =	vst v7;
	v5 =	vadd.bf16 v5, v12;
	v6 =	vadd.f32 v16, v6;
	v12 =	vpack.i.f32.bf16 v9, v9  }
0x5ae: {  	[tilespmem:s21+$0x16000] =	vst v8;
	v9 =	vmul.f32 v9, v14;
	v8 =	vmul.bf16 v12, v13  }
0x5af: {  	v7 =	vshll.u32 v5, $0x10;
	[tilespmem:s21+$0x16010] =	vst v6  }
0x5b0: {  	v2 =	vand.u32 $0xFFFF0000, v5;
	v9 =	vadd.f32 v9, v10;
	[tilespmem:s21+$0x14010] =	vst v7;
	v3 =	vadd.bf16 v4, v8  }
0x5b1: {  	[tilespmem:s21+$0x15010] =	vst v2  }
0x5b2: {  	[tilespmem:s21+$0x16020] =	vst v9;
	v4 =	vshll.u32 v3, $0x10  }
0x5b3: {  	v2 =	vand.u32 $0xFFFF0000, v3;
	[tilespmem:s21+$0x14020] =	vst v4  }
0x5b4: {  	[tilespmem:s21+$0x15020] =	vst v2  }
0x5b5: {  	s6 =	rddreg [dreg:$0x1b]  }
0x5b6: {  	s5 =	simm.s32 $0x0;
	s7 =	simm.s32 $0x14000;
	s19 =	sld [smem:$0x7FA]  }
0x5b7: {  	[hbm4b:s6+s5] =	stream.linear.scatter [tilespmem:s7], [sflag:$0x4], $0x1000, $0x38;
	[tilespmem:$0x1A830] =	vst v63  }
0x5b8: {  	s21 =	simm.s32 $0x15000;
	s22 =	sld [smem:$0x7FB]  }
0x5b9: {  	[hbm4b:s19+s5] =	stream.linear.scatter [tilespmem:s21], [sflag:$0x4], $0x1000, $0x38;
	[tilespmem:$0x1A830] =	vst v63  }
0x5ba: {  	_ = 	snop  }
0x5bb: {  	[hbm4b:s22+s5] =	stream.linear.scatter [tilespmem:s11], [sflag:$0x4], $0x1000, $0x38;
	[tilespmem:$0x1A830] =	vst v63  }
0x5bc: {  	_ =	swait.ge [sflag:s12], $0x1000  }
0x5bd: {  	[sflag:s12] =	ssyncset.done $0x0  }
0x5be: {  	[sflag:s12] =	ssyncadd.s32 $0xFFFFF000  }
0x5bf: {  	_ =	swait.ge [sflag:s12], $0x1000  }
0x5c0: {  	[sflag:s12] =	ssyncset.done $0x0  }
0x5c1: {  	[sflag:s12] =	ssyncadd.s32 $0xFFFFF000  }
0x5c2: {  	_ =	swait.ge [sflag:s17], $0x1000  }
0x5c3: {  	[sflag:s17] =	ssyncset.done $0x0  }
0x5c4: {  	[sflag:s17] =	ssyncadd.s32 $0xFFFFF000  }
0x5c5: {  	_ =	swait.ge [sflag:s17], $0x1000  }
0x5c6: {  	[sflag:s17] =	ssyncset.done $0x0  }
0x5c7: {  	[sflag:s17] =	ssyncadd.s32 $0xFFFFF000  }
0x5c8: {  	_ =	swait.ge [sflag:s17], $0x1000  }
0x5c9: {  	[sflag:s17] =	ssyncset.done $0x0  }
0x5ca: {  	s23 =	simm.s32 $0x0;
	s19 =	simm.s32 $0x0;
	[sflag:s17] =	ssyncadd.s32 $0xFFFFF000  }
0x5cb: {  	s6 =	sand.u32 $0x7, s23;
	v5 =	vld [tilespmem:s19+$0x13030]  }
0x5cc: {  	s6 =	sor.u32 s4, s6;
	v10 =	vld [tilespmem:s19+$0x11030]  }
0x5cd: {  	v2 =	vmov s6;
	v3 =	vld [tilespmem:s19+$0x11000]  }
0x5ce: {  	v2 =	vbroadcast v2, $0x0;
	v4 =	vld [tilespmem:s19+$0x11010]  }
0x5cf: {  	v6 =	vld [tilespmem:s19+$0x11020]  }
0x5d0: {  	s25 =	simm.s32 $0x30;
	s24 =	sand.u32 $0x180, s5;
	v7 =	vld [tilespmem:s19+$0x13000]  }
0x5d1: {  	s7 =	sand.u32 $0x70, s25;
	s6 =	sor.u32 $0x1A230, s24;
	v8 =	vld [tilespmem:s19+$0x13010]  }
0x5d2: {  	s7 =	sadd.s32 s7, s6;
	v18 =	vld [tilespmem:s19+$0x13020]  }
0x5d3: {  	v11 =	vld [tilespmem:s7+$0x0]  }
0x5d4: {  	v2 =	vld.idx.msk [tilespmem:v2+s8+$0x0], $0xffff  }
0x5d5: {  	v14 =	vld.idx.msk [tilespmem:v5+s1+$0x0], $0xffff  }
0x5d6: {  	v9 =	vadd.s32 $0x4000, v10;
	v16 =	vld.idx.msk [tilespmem:v10+s1+$0x0], $0xffff  }
0x5d7: {  	v12 =	vadd.s32 $0x4000, v5;
	v13 =	vadd.s32 $0x4000, v3;
	v15 =	vadd.s32 $0x4000, v4;
	v22 =	vld.idx.msk [tilespmem:v6+s1+$0x0], $0xffff  }
0x5d8: {  	v20 =	vadd.s32 $0x4000, v7;
	v25 =	vadd.s32 $0x8000, v7;
	v29 =	vadd.s32 $0xC000, v7;
	v7 =	vld.idx.msk [tilespmem:v7+s1+$0x0], $0xffff  }
0x5d9: {  	v21 =	vadd.s32 $0x4000, v8;
	v27 =	vadd.s32 $0x8000, v8;
	v33 =	vadd.s32 $0xC000, v8;
	v8 =	vld.idx.msk [tilespmem:v8+s1+$0x0], $0xffff  }
0x5da: {  	v17 =	vadd.s32 $0x4000, v6;
	v34 =	vld.idx.msk [tilespmem:v18+s1+$0x0], $0xffff  }
0x5db: {  	v9 =	vld.idx.msk [tilespmem:v9+s1+$0x0], $0xffff  }
0x5dc: {  	v12 =	vld.idx.msk [tilespmem:v12+s1+$0x0], $0xffff  }
0x5dd: {  	v13 =	vld.idx.msk [tilespmem:v13+s1+$0x0], $0xffff  }
0x5de: {  	v15 =	vld.idx.msk [tilespmem:v15+s1+$0x0], $0xffff  }
0x5df: {  	v17 =	vld.idx.msk [tilespmem:v17+s1+$0x0], $0xffff;
	v11 =	vsub.f32 v11, v16  }
0x5e0: {  	v20 =	vld.idx.msk [tilespmem:v20+s1+$0x0], $0xffff;
	v19 =	vsub.f32 v2, v9  }
0x5e1: {  	s26 =	simm.s32 $0x10;
	v21 =	vld.idx.msk [tilespmem:v21+s1+$0x0], $0xffff;
	v16 =	vsub.f32 v16, v14;
	v11 =	vsub.f32 v11, v14  }
0x5e2: {  	s7 =	sand.u32 $0x50, s26;
	v23 =	vadd.s32 $0x4000, v18;
	v14 =	vld.idx.msk [tilespmem:v3+s1+$0x0], $0xffff;
	v9 =	vsub.f32 v9, v12;
	v12 =	vsub.f32 v19, v12  }
0x5e3: {  	s9 =	simm.s32 $0x20;
	s5 =	sand.u32 $0x40, s5;
	s7 =	sadd.s32 s7, s6;
	v24 =	vadd.s32 $0x8000, v3;
	v19 =	vld.idx.msk [tilespmem:v4+s1+$0x0], $0xffff  }
0x5e4: {  	s9 =	sand.u32 $0x60, s9;
	s5 =	sor.u32 s5, s6;
	v26 =	vadd.s32 $0x8000, v4;
	v11 =	vmul.f32 v11, v16;
	v16 =	vld [tilespmem:s7+$0x0];
	v9 =	vmul.f32 v12, v9  }
0x5e5: {  	s28 =	sadd.s32 s9, s6;
	v28 =	vadd.s32 $0x8000, v6;
	v30 =	vsub.f32 v2, v13;
	v12 =	vld [tilespmem:s5+$0x0]  }
0x5e6: {  	v32 =	vadd.s32 $0xC000, v4;
	v31 =	vsub.f32 v2, v15;
	v9 =	vadd.f32 v11, v9;
	v11 =	vld [tilespmem:s28+$0x0]  }
0x5e7: {  	s9 =	simm.s32 $0x70;
	s22 =	simm.s32 $0x8;
	v35 =	vadd.s32 $0x8000, v18;
	v23 =	vld.idx.msk [tilespmem:v23+s1+$0x0], $0xffff;
	v2 =	vsub.f32 v2, v17;
	v13 =	vsub.f32 v13, v20  }
0x5e8: {  	s24 =	sand.u32 $0x70, s9;
	v24 =	vld.idx.msk [tilespmem:v24+s1+$0x0], $0xffff;
	v15 =	vsub.f32 v15, v21;
	v20 =	vsub.f32 v30, v20;
	s7 =	sand.u32 $0x180, s22;
	s28 =	simm.s32 $0x60;
	v9 =	vmul.f32 v9, v1  }
0x5e9: {  	s6 =	simm.s32 $0x0;
	v26 =	vld.idx.msk [tilespmem:v26+s1+$0x0], $0xffff;
	v3 =	vadd.s32 $0xC000, v3;
	v21 =	vsub.f32 v31, v21;
	s10 =	sor.u32 $0x1A230, s7;
	v16 =	vsub.f32 v16, v19;
	s9 =	sand.u32 $0x60, s28  }
0x5ea: {  	s5 =	sand.u32 $0x7, s6;
	s6 =	sadd.s32 s9, s10;
	v12 =	vsub.f32 v12, v14;
	v4 =	vsub.f32 $0.0e+00, v9;
	v9 =	vld.idx.msk [tilespmem:v25+s1+$0x0], $0xffff;
	v25 =	vadd.s32 $0xC000, v6  }
0x5eb: {  	v53 =	vld [tilespmem:s6+$0x0];
	v6 =	vsub.f32 v14, v7;
	v14 =	vmul.f32 v21, v15;
	v11 =	vsub.f32 v11, v22  }
0x5ec: {  	s21 =	simm.s32 $0x40;
	v15 =	vld.idx.msk [tilespmem:v28+s1+$0x0], $0xffff;
	v7 =	vsub.f32 v12, v7;
	v12 =	vmul.f32 v20, v13;
	v13 =	vsub.f32 v19, v8  }
0x5ed: {  	v8 =	vsub.f32 v16, v8;
	v16 =	vsub.f32 v22, v34;
	v22 =	vld [tilespmem:s21+$0x13000];
	v4 =	vmul.f32 $1.442695020e+00, v4  }
0x5ee: {  	v17 =	vsub.f32 v17, v23;
	v2 =	vsub.f32 v2, v23;
	v6 =	vmul.f32 v7, v6;
	v7 =	vld.idx.msk [tilespmem:v35+s1+$0x0], $0xffff  }
0x5ef: {  	v8 =	vmul.f32 v8, v13;
	v13 =	vadd.s32 $0xC000, v18;
	v18 =	vld.idx.msk [tilespmem:v3+s1+$0x0], $0xffff;
	(erf) = vpow2.f32 v4  }
0x5f0: {  	v19 =	vsub.f32 v11, v34;
	v11 =	vld.idx.msk [tilespmem:v29+s1+$0x0], $0xffff  }
0x5f1: {  	v2 =	vmul.f32 v2, v17;
	v4 =	vld.idx.msk [tilespmem:v27+s1+$0x0], $0xffff;
	v3 =	vadd.f32 v12, v6  }
0x5f2: {  	v12 =	vmul.f32 v19, v16;
	v8 =	vadd.f32 v8, v14;
	v14 =	vld.idx.msk [tilespmem:v32+s1+$0x0], $0xffff;
	v19 =	vadd.s32 $0x8000, v5  }
0x5f3: {  	v6 =	vld.idx.msk [tilespmem:v33+s1+$0x0], $0xffff;
	v5 =	vadd.s32 $0xC000, v5  }
0x5f4: {  	v17 =	vld.idx.msk [tilespmem:v25+s1+$0x0], $0xffff;
	v2 =	vadd.f32 v12, v2  }
0x5f5: {  	v23 =	vsub.bf16 v24, v9;
	v24 =	vld [tilespmem:s21+$0x13010];
	v12 =	vadd.s32 $0x8000, v10  }
0x5f6: {  	v3 =	vmul.f32 v3, v1;
	v10 =	vadd.s32 $0xC000, v10;
	v21 =	vmul.f32 v2, v1;
	v2 =	vld [tilespmem:s21+$0x13030]  }
0x5f7: {  	v16 =	vmul.f32 v8, v1;
	v19 =	vld.idx.msk [tilespmem:v19+s1+$0x0], $0xffff  }
0x5f8: {  	v3 =	vsub.f32 $0.0e+00, v3;
	v40 =	vld.idx.msk [tilespmem:v5+s1+$0x0], $0xffff;
	v8 =	vpop (erf)  }
0x5f9: {  	v20 =	vadd.f32 $1.000000000e+00, v8;
	v8 =	vld.idx.msk [tilespmem:v13+s1+$0x0], $0xffff;
	v13 =	vsub.f32 $0.0e+00, v16  }
0x5fa: {  	v12 =	vld.idx.msk [tilespmem:v12+s1+$0x0], $0xffff;
	v16 =	vmul.f32 $1.442695020e+00, v3  }
0x5fb: {  	v38 =	vld.idx.msk [tilespmem:v10+s1+$0x0], $0xffff;
	(erf) = vrcp.f32 v20;
	v20 =	vsub.f32 $0.0e+00, v21;
	v13 =	vmul.f32 $1.442695020e+00, v13  }
0x5fc: {  	v3 =	vld [tilespmem:s21+$0x11030];
	v54 =	vadd.s32 $0x4000, v2;
	(erf) = vpow2.f32 v16  }
0x5fd: {  	s5 =	sor.u32 s4, s5;
	v21 =	vld [tilespmem:s21+$0x11010];
	v20 =	vmul.f32 $1.442695020e+00, v20;
	(erf) = vpow2.f32 v13  }
0x5fe: {  	v16 =	vmov s5;
	v56 =	vld.idx.msk [tilespmem:v2+s1+$0x0], $0xffff  }
0x5ff: {  	s5 =	sadd.s32 s24, s10;
	v13 =	vld [tilespmem:s21+$0x11000];
	v16 =	vbroadcast v16, $0x0;
	(erf) = vpow2.f32 v20  }
0x600: {  	s25 =	simm.s32 $0x50;
	v27 =	vld [tilespmem:s5+$0x0]  }
0x601: {  	v61 =	vadd.s32 $0x4000, v22;
	s5 =	sand.u32 $0x50, s25;
	v25 =	vadd.s32 $0x4000, v3;
	v29 =	vld.idx.msk [tilespmem:v54+s1+$0x0], $0xffff  }
0x602: {  	v63 =	vadd.s32 $0x8000, v22;
	v15 =	vsub.bf16 v15, v7;
	v18 =	vsub.f32 v18, v11;
	s5 =	sadd.s32 s5, s10;
	v20 =	vld [tilespmem:s21+$0x11020]  }
0x603: {  	v26 =	vsub.bf16 v26, v4;
	v14 =	vsub.f32 v14, v6;
	v51 =	vld [tilespmem:s5+$0x0];
	v58 =	vadd.s32 $0x4000, v21  }
0x604: {  	v39 =	vadd.s32 $0x4000, v24;
	v12 =	vsub.bf16 v12, v19;
	v59 =	vld.idx.msk [tilespmem:v3+s1+$0x0], $0xffff;
	v55 =	vadd.s32 $0x4000, v13;
	v28 =	vpop (erf)  }
0x605: {  	v45 =	vadd.s32 $0xC000, v24;
	v38 =	vsub.f32 v38, v40;
	v17 =	vsub.f32 v17, v8;
	v16 =	vld.idx.msk [tilespmem:v16+s8+$0x0], $0xffff;
	v57 =	vpop (erf)  }
0x606: {  	v5 =	vadd.s32 $0x8000, v21;
	v44 =	vadd.s32 $0xC000, v21;
	v25 =	vld.idx.msk [tilespmem:v25+s1+$0x0], $0xffff;
	v32 =	vadd.f32 $1.000000000e+00, v57;
	v60 =	vpop (erf)  }
0x607: {  	v21 =	vld.idx.msk [tilespmem:v21+s1+$0x0], $0xffff;
	v37 =	vadd.s32 $0x4000, v20;
	v36 =	vpack.i.f32.bf16 v28, v28;
	v35 =	vadd.f32 $1.000000000e+00, v60  }
0x608: {  	v62 =	vadd.s32 $0x8000, v13;
	v33 =	vld.idx.msk [tilespmem:v58+s1+$0x0], $0xffff;
	v12 =	vmul.bf16 v36, v12;
	v10 =	vpop (erf);
	(erf) = vrcp.f32 v32  }
0x609: {  	v31 =	vadd.s32 $0x8000, v20;
	v30 =	vld.idx.msk [tilespmem:v55+s1+$0x0], $0xffff;
	v10 =	vadd.f32 $1.000000000e+00, v10;
	(erf) = vrcp.f32 v35  }
0x60a: {  	v47 =	vadd.s32 $0xC000, v20;
	v34 =	vsub.f32 v59, v56;
	v20 =	vld.idx.msk [tilespmem:v20+s1+$0x0], $0xffff;
	v12 =	vadd.bf16 v19, v12  }
0x60b: {  	v19 =	vld [tilespmem:s21+$0x13020];
	v42 =	vsub.f32 v16, v25;
	(erf) = vrcp.f32 v10;
	v10 =	vsub.f32 v27, v59  }
0x60c: {  	v43 =	vadd.s32 $0xC000, v13;
	v25 =	vsub.f32 v25, v29;
	v60 =	vsub.f32 v51, v21;
	v37 =	vld.idx.msk [tilespmem:v37+s1+$0x0], $0xffff  }
0x60d: {  	v41 =	vand.u32 $0xFFFF0000, v12;
	v29 =	vsub.f32 v42, v29;
	v10 =	vsub.f32 v10, v56  }
0x60e: {  	v46 =	vld.idx.msk [tilespmem:v13+s1+$0x0], $0xffff;
	v42 =	vadd.s32 $0xC000, v22;
	v12 =	vshll.u32 v12, $0x10;
	v58 =	vsub.f32 v16, v33  }
0x60f: {  	s23 =	simm.s32 $0x40;
	v36 =	vld.idx.msk [tilespmem:v61+s1+$0x0], $0xffff;
	v27 =	vadd.s32 $0x8000, v24;
	v25 =	vmul.f32 v29, v25;
	v13 =	vmul.f32 v10, v34  }
0x610: {  	s26 =	sand.u32 $0x40, s23;
	v52 =	vsub.f32 v16, v30;
	v61 =	vsub.f32 v53, v20;
	v56 =	vadd.s32 $0x4000, v19  }
0x611: {  	s7 =	sor.u32 s26, s10;
	v57 =	vadd.s32 $0x8000, v19;
	v16 =	vsub.f32 v16, v37;
	v48 =	vpop (erf);
	v13 =	vadd.f32 v13, v25  }
0x612: {  	v49 =	vld [tilespmem:s7+$0x0];
	v10 =	vadd.s32 $0xC000, v19;
	v25 =	vpack.i.f32.bf16 v48, v48;
	v50 =	vpop (erf);
	v18 =	vmul.f32 v48, v18  }
0x613: {  	v39 =	vld.idx.msk [tilespmem:v39+s1+$0x0], $0xffff;
	v23 =	vmul.bf16 v25, v23;
	v25 =	vpack.i.f32.bf16 v50, v50;
	v13 =	vmul.f32 v13, v1  }
0x614: {  	v22 =	vld.idx.msk [tilespmem:v22+s1+$0x0], $0xffff;
	v59 =	vmul.f32 v50, v14;
	v11 =	vadd.f32 v18, v11;
	v18 =	vsub.f32 v52, v36  }
0x615: {  	v29 =	vld.idx.msk [tilespmem:v56+s1+$0x0], $0xffff;
	v25 =	vmul.bf16 v25, v26;
	v26 =	vpop (erf);
	v9 =	vadd.bf16 v9, v23;
	v13 =	vsub.f32 $0.0e+00, v13  }
0x616: {  	v24 =	vld.idx.msk [tilespmem:v24+s1+$0x0], $0xffff;
	v23 =	vpack.i.f32.bf16 v26, v26;
	v17 =	vmul.f32 v26, v17;
	v26 =	vmul.f32 v28, v38  }
0x617: {  	v15 =	vmul.bf16 v23, v15;
	v14 =	vmul.f32 $1.442695020e+00, v13;
	v13 =	vadd.bf16 v4, v25;
	v4 =	vld.idx.msk [tilespmem:v19+s1+$0x0], $0xffff  }
0x618: {  	[tilespmem:s19+$0x17030] =	vst v12;
	v23 =	vsub.f32 v49, v46;
	v19 =	vshll.u32 v9, $0x10;
	v25 =	vld.idx.msk [tilespmem:v62+s1+$0x0], $0xffff;
	v62 =	vsub.f32 v58, v39  }
0x619: {  	[tilespmem:s19+$0x19000] =	vst v11;
	v12 =	vadd.bf16 v7, v15;
	v15 =	vsub.f32 v30, v36;
	(erf) = vpow2.f32 v14  }
0x61a: {  	v11 =	vsub.f32 v37, v29;
	[tilespmem:s19+$0x17000] =	vst v19;
	v7 =	vld.idx.msk [tilespmem:v63+s1+$0x0], $0xffff;
	v19 =	vsub.f32 v33, v39  }
0x61b: {  	[tilespmem:s19+$0x18030] =	vst v41;
	v63 =	vand.u32 $0xFFFF0000, v9;
	v14 =	vld.idx.msk [tilespmem:v5+s1+$0x0], $0xffff;
	v9 =	vmul.f32 v18, v15;
	v15 =	vsub.f32 v16, v29  }
0x61c: {  	v5 =	vld.idx.msk [tilespmem:v27+s1+$0x0], $0xffff;
	v16 =	vsub.f32 v46, v22;
	v18 =	vsub.f32 v23, v22;
	v22 =	vmul.f32 v62, v19  }
0x61d: {  	v19 =	vsub.f32 v21, v24;
	v21 =	vsub.f32 v60, v24;
	v11 =	vmul.f32 v15, v11;
	v15 =	vld.idx.msk [tilespmem:v31+s1+$0x0], $0xffff  }
0x61e: {  	v18 =	vmul.f32 v18, v16;
	v20 =	vsub.f32 v20, v4;
	v23 =	vsub.f32 v61, v4;
	v4 =	vld.idx.msk [tilespmem:v57+s1+$0x0], $0xffff  }
0x61f: {  	v27 =	vadd.f32 v59, v6;
	v16 =	vld.idx.msk [tilespmem:v43+s1+$0x0], $0xffff;
	v21 =	vmul.f32 v21, v19;
	v19 =	vadd.f32 v17, v8  }
0x620: {  	v8 =	vld.idx.msk [tilespmem:v42+s1+$0x0], $0xffff;
	v6 =	vadd.f32 v9, v18;
	v9 =	vsub.bf16 v25, v7;
	v18 =	vmul.f32 v23, v20  }
0x621: {  	[tilespmem:s19+$0x18000] =	vst v63;
	v24 =	vshll.u32 v13, $0x10;
	v17 =	vld.idx.msk [tilespmem:v44+s1+$0x0], $0xffff;
	v22 =	vadd.f32 v21, v22;
	v20 =	vadd.f32 v26, v40  }
0x622: {  	[tilespmem:s19+$0x17010] =	vst v24;
	v21 =	vadd.s32 $0x8000, v3;
	v23 =	vmul.f32 v6, v1;
	v6 =	vld.idx.msk [tilespmem:v45+s1+$0x0], $0xffff;
	v11 =	vadd.f32 v18, v11;
	v25 =	vpop (erf)  }
0x623: {  	s26 =	simm.s32 $0x200;
	s6 =	simm.s32 $0x4;
	[tilespmem:s19+$0x19010] =	vst v27;
	v24 =	vmul.f32 v22, v1;
	v18 =	vld.idx.msk [tilespmem:v47+s1+$0x0], $0xffff;
	v22 =	vadd.s32 $0x8000, v2;
	v25 =	vadd.f32 $1.000000000e+00, v25  }
.LBB2_20:
0x624: {  	s6 =	sadd.s32 $0x4, s6;
	s25 =	sshra.s32 s26, $0x2;
	v23 =	vsub.f32 $0.0e+00, v23;
	v14 =	vsub.bf16 v14, v5;
	v26 =	vmul.f32 v11, v1;
	v11 =	vld.idx.msk [tilespmem:v10+s1+$0x0], $0xffff;
	[tilespmem:s19+$0x19020] =	vst v19  }
0x625: {  	v15 =	vsub.bf16 v15, v4;
	s5 =	sshrl.u32 s6, $0x3;
	v10 =	vld [tilespmem:s25+$0x13030];
	v19 =	vsub.f32 $0.0e+00, v24;
	(erf) = vrcp.f32 v25;
	[tilespmem:s19+$0x19030] =	vst v20  }
0x626: {  	v16 =	vsub.f32 v16, v8;
	s5 =	sand.u32 $0x7, s5;
	v20 =	vld [tilespmem:s25+$0x11030];
	v23 =	vmul.f32 $1.442695020e+00, v23;
	v24 =	vsub.f32 $0.0e+00, v26  }
0x627: {  	v13 =	vand.u32 $0xFFFF0000, v13;
	p0 =	slt.u32 s6, $0xFC;
	v25 =	vshll.u32 v12, $0x10;
	s5 =	sor.u32 s4, s5;
	v19 =	vmul.f32 $1.442695020e+00, v19;
	v21 =	vld.idx.msk [tilespmem:v21+s1+$0x0], $0xffff  }
0x628: {  	v26 =	vmov s5;
	v24 =	vmul.f32 $1.442695020e+00, v24;
	v22 =	vld.idx.msk [tilespmem:v22+s1+$0x0], $0xffff;
	(erf) = vpow2.f32 v23;
	[tilespmem:s19+$0x18010] =	vst v13  }
0x629: {  	v13 =	vsub.f32 v17, v6;
	v23 =	vld [tilespmem:s25+$0x11000];
	v26 =	vbroadcast v26, $0x0;
	(erf) = vpow2.f32 v19;
	[tilespmem:s19+$0x17020] =	vst v25  }
0x62a: {  	s22 =	sadd.s32 $0x8, s22;
	s23 =	sadd.s32 $0x40, s23;
	v12 =	vand.u32 $0xFFFF0000, v12;
	v17 =	vsub.f32 v18, v11;
	v19 =	vld [tilespmem:s25+$0x11010];
	(erf) = vpow2.f32 v24  }
0x62b: {  	s7 =	sadd.s32 $0x10, s23;
	s9 =	sadd.s32 $0x30, s23;
	s5 =	sand.u32 $0x180, s22;
	v24 =	vld [tilespmem:s25+$0x11020];
	[tilespmem:s19+$0x18020] =	vst v12  }
0x62c: {  	s10 =	sadd.s32 $0x20, s23;
	s9 =	sand.u32 $0x70, s9;
	s5 =	sor.u32 $0x1A230, s5;
	v12 =	vld [tilespmem:s25+$0x13000]  }
0x62d: {  	s7 =	sand.u32 $0x50, s7;
	s10 =	sand.u32 $0x60, s10;
	s9 =	sadd.s32 s9, s5;
	v18 =	vadd.s32 $0x4000, v20;
	v25 =	vld [tilespmem:s25+$0x13010]  }
0x62e: {  	v29 =	vadd.s32 $0xC000, v3;
	s24 =	sadd.s32 s7, s5;
	s28 =	sadd.s32 s10, s5;
	s19 =	sand.u32 $0x40, s23;
	v21 =	vsub.bf16 v21, v22;
	v27 =	vadd.s32 $0x4000, v23;
	v28 =	vld [tilespmem:s9+$0x0];
	v30 =	vpop (erf)  }
0x62f: {  	v32 =	vadd.s32 $0x4000, v10;
	v3 =	vmovc v20;
	s5 =	sor.u32 s19, s5;
	s19 =	smov.u32 s21;
	s21 =	smov.u32 s25;
	v26 =	vld.idx.msk [tilespmem:v26+s8+$0x0], $0xffff;
	v31 =	vadd.s32 $0x4000, v19;
	v33 =	vpack.i.f32.bf16 v30, v30  }
0x630: {  	v36 =	vadd.s32 $0xC000, v2;
	v2 =	vmovc v10;
	v34 =	vadd.s32 $0x4000, v24;
	v35 =	vld.idx.msk [tilespmem:v10+s1+$0x0], $0xffff;
	v41 =	vmul.bf16 v33, v21  }
0x631: {  	v37 =	vadd.s32 $0x8000, v23;
	v33 =	vadd.s32 $0x4000, v12;
	v38 =	vadd.s32 $0x8000, v12;
	v10 =	vld.idx.msk [tilespmem:v20+s1+$0x0], $0xffff;
	v20 =	vpop (erf)  }
0x632: {  	v39 =	vadd.s32 $0x4000, v25;
	v40 =	vld.idx.msk [tilespmem:v18+s1+$0x0], $0xffff;
	v18 =	vadd.f32 $1.000000000e+00, v20;
	v20 =	vadd.bf16 v22, v41;
	v21 =	vpop (erf)  }
0x633: {  	v22 =	vadd.s32 $0x8000, v19;
	v41 =	vadd.s32 $0x8000, v25;
	v21 =	vadd.f32 $1.000000000e+00, v21;
	v29 =	vld.idx.msk [tilespmem:v29+s1+$0x0], $0xffff;
	v42 =	vpop (erf)  }
0x634: {  	v32 =	vld.idx.msk [tilespmem:v32+s1+$0x0], $0xffff;
	v42 =	vadd.f32 $1.000000000e+00, v42;
	v43 =	vand.u32 $0xFFFF0000, v20;
	(erf) = vrcp.f32 v18  }
0x635: {  	v44 =	vadd.s32 $0xC000, v23;
	v45 =	vadd.s32 $0x8000, v24;
	v18 =	vld.idx.msk [tilespmem:v36+s1+$0x0], $0xffff;
	[tilespmem:s19+$0x18030] =	vst v43;
	(erf) = vrcp.f32 v21  }
0x636: {  	v21 =	vadd.s32 $0xC000, v12;
	v36 =	vadd.s32 $0xC000, v19;
	v43 =	vld [tilespmem:s21+$0x13020];
	(erf) = vrcp.f32 v42  }
0x637: {  	v46 =	vadd.s32 $0xC000, v24;
	v42 =	vadd.s32 $0xC000, v25;
	v28 =	vsub.f32 v28, v10;
	v27 =	vld.idx.msk [tilespmem:v27+s1+$0x0], $0xffff  }
0x638: {  	v20 =	vshll.u32 v20, $0x10;
	v47 =	vsub.f32 v26, v40;
	v31 =	vld.idx.msk [tilespmem:v31+s1+$0x0], $0xffff  }
0x639: {  	v48 =	vsub.f32 v10, v35;
	v28 =	vsub.f32 v28, v35;
	v34 =	vld.idx.msk [tilespmem:v34+s1+$0x0], $0xffff;
	[tilespmem:s19+$0x17030] =	vst v20  }
0x63a: {  	v20 =	vld.idx.msk [tilespmem:v23+s1+$0x0], $0xffff;
	v23 =	vsub.f32 v40, v32;
	v32 =	vsub.f32 v47, v32  }
0x63b: {  	v19 =	vld.idx.msk [tilespmem:v19+s1+$0x0], $0xffff;
	v35 =	vadd.s32 $0x4000, v43;
	v40 =	vadd.s32 $0x8000, v43;
	v10 =	vadd.s32 $0xC000, v43  }
0x63c: {  	v28 =	vmul.f32 v28, v48;
	v29 =	vsub.f32 v29, v18;
	v24 =	vld.idx.msk [tilespmem:v24+s1+$0x0], $0xffff;
	v23 =	vmul.f32 v32, v23  }
0x63d: {  	v47 =	vsub.f32 v26, v27;
	v32 =	vld [tilespmem:s5+$0x0];
	v48 =	vpop (erf)  }
0x63e: {  	v50 =	vsub.f32 v26, v31;
	v49 =	vld [tilespmem:s24+$0x0];
	v23 =	vadd.f32 v28, v23;
	v28 =	vpack.i.f32.bf16 v48, v48;
	v51 =	vpop (erf)  }
0x63f: {  	v26 =	vsub.f32 v26, v34;
	v52 =	vld [tilespmem:s28+$0x0];
	v9 =	vmul.bf16 v28, v9;
	v28 =	vpack.i.f32.bf16 v51, v51;
	v53 =	vpop (erf)  }
0x640: {  	v33 =	vld.idx.msk [tilespmem:v33+s1+$0x0], $0xffff;
	v23 =	vmul.f32 v23, v1;
	v14 =	vmul.bf16 v28, v14;
	v28 =	vpack.i.f32.bf16 v53, v53  }
0x641: {  	v39 =	vld.idx.msk [tilespmem:v39+s1+$0x0], $0xffff;
	v9 =	vadd.bf16 v7, v9;
	v7 =	vmul.f32 v48, v16;
	v15 =	vmul.bf16 v28, v15  }
0x642: {  	v16 =	vsub.f32 v32, v20;
	v28 =	vld.idx.msk [tilespmem:v35+s1+$0x0], $0xffff;
	v23 =	vsub.f32 $0.0e+00, v23;
	v32 =	vmul.f32 v51, v13  }
0x643: {  	v29 =	vmul.f32 v30, v29;
	v17 =	vmul.f32 v53, v17;
	v35 =	vld.idx.msk [tilespmem:v12+s1+$0x0], $0xffff;
	v48 =	vsub.f32 v49, v19  }
0x644: {  	v13 =	vadd.bf16 v5, v14;
	v25 =	vld.idx.msk [tilespmem:v25+s1+$0x0], $0xffff;
	v30 =	vsub.f32 v52, v24;
	v23 =	vmul.f32 $1.442695020e+00, v23  }
0x645: {  	v5 =	vshll.u32 v9, $0x10;
	v8 =	vadd.f32 v7, v8;
	v12 =	vadd.bf16 v4, v15;
	v43 =	vld.idx.msk [tilespmem:v43+s1+$0x0], $0xffff  }
0x646: {  	v4 =	vsub.f32 v27, v33;
	v14 =	vsub.f32 v47, v33;
	v27 =	vld.idx.msk [tilespmem:v37+s1+$0x0], $0xffff;
	(erf) = vpow2.f32 v23;
	[tilespmem:s19+$0x17000] =	vst v5  }
0x647: {  	v5 =	vsub.f32 v31, v39;
	v15 =	vsub.f32 v50, v39;
	v23 =	vand.u32 $0xFFFF0000, v9;
	v7 =	vld.idx.msk [tilespmem:v38+s1+$0x0], $0xffff;
	[tilespmem:s19+$0x19000] =	vst v8  }
0x648: {  	v8 =	vmul.f32 v14, v4;
	v4 =	vsub.f32 v34, v28;
	v9 =	vsub.f32 v26, v28;
	v14 =	vld.idx.msk [tilespmem:v22+s1+$0x0], $0xffff  }
0x649: {  	v20 =	vsub.f32 v20, v35;
	v16 =	vsub.f32 v16, v35;
	v22 =	vmul.f32 v15, v5;
	v5 =	vld.idx.msk [tilespmem:v41+s1+$0x0], $0xffff  }
0x64a: {  	v19 =	vsub.f32 v19, v25;
	v25 =	vsub.f32 v48, v25;
	v26 =	vmul.f32 v9, v4;
	v15 =	vld.idx.msk [tilespmem:v45+s1+$0x0], $0xffff  }
0x64b: {  	v9 =	vmul.f32 v16, v20;
	v20 =	vsub.f32 v24, v43;
	v24 =	vsub.f32 v30, v43;
	v4 =	vld.idx.msk [tilespmem:v40+s1+$0x0], $0xffff  }
.Ltmp9:
0x64c: {  	v28 =	vadd.f32 v32, v6;
	v30 =	vmul.f32 v25, v19;
	v19 =	vadd.f32 v17, v11;
	v16 =	vld.idx.msk [tilespmem:v44+s1+$0x0], $0xffff;
	(pc) =	sbr.rel @p0 .LBB2_20-.Ltmp9, $4  }
0x64d: {  	v6 =	vadd.f32 v8, v9;
	v9 =	vsub.bf16 v27, v7;
	v11 =	vmul.f32 v24, v20;
	v8 =	vld.idx.msk [tilespmem:v21+s1+$0x0], $0xffff  }
0x64e: {  	v24 =	vshll.u32 v13, $0x10;
	v20 =	vadd.f32 v29, v18;
	v22 =	vadd.f32 v30, v22;
	v17 =	vld.idx.msk [tilespmem:v36+s1+$0x0], $0xffff;
	[tilespmem:s19+$0x18000] =	vst v23  }
0x64f: {  	v21 =	vadd.s32 $0x8000, v3;
	v23 =	vmul.f32 v6, v1;
	v11 =	vadd.f32 v11, v26;
	v6 =	vld.idx.msk [tilespmem:v42+s1+$0x0], $0xffff;
	v25 =	vpop (erf);
	[tilespmem:s19+$0x17010] =	vst v24  }
0x650: {  	s26 =	sadd.s32 $0x100, s26;
	v24 =	vmul.f32 v22, v1;
	v22 =	vadd.s32 $0x8000, v2;
	v18 =	vld.idx.msk [tilespmem:v46+s1+$0x0], $0xffff;
	v25 =	vadd.f32 $1.000000000e+00, v25;
	[tilespmem:s19+$0x19010] =	vst v28  }
0x651: {  	v23 =	vsub.f32 $0.0e+00, v23  }
0x652: {  	v24 =	vsub.f32 $0.0e+00, v24  }
0x653: {  	v1 =	vmul.f32 v11, v1;
	v23 =	vmul.f32 $1.442695020e+00, v23  }
0x654: {  	(erf) = vrcp.f32 v25;
	v37 =	vmul.f32 $1.442695020e+00, v24  }
0x655: {  	v1 =	vsub.f32 $0.0e+00, v1;
	(erf) = vpow2.f32 v23  }
0x656: {  	(erf) = vpow2.f32 v37  }
0x657: {  	v1 =	vmul.f32 $1.442695020e+00, v1;
	_ =	sdelay $0x1  }
0x658: {  	(erf) = vpow2.f32 v1;
	_ =	sdelay $0x1  }
0x659: {  	v3 =	vadd.s32 $0xC000, v3  }
0x65a: {  	v2 =	vadd.s32 $0xC000, v2  }
0x65b: {  	v1 =	vpop (erf)  }
0x65c: {  	v21 =	vld.idx.msk [tilespmem:v21+s1+$0x0], $0xffff;
	v38 =	vpop (erf)  }
0x65d: {  	v40 =	vld.idx.msk [tilespmem:v22+s1+$0x0], $0xffff;
	v11 =	vadd.f32 $1.000000000e+00, v38;
	v39 =	vpop (erf)  }
0x65e: {  	v3 =	vld.idx.msk [tilespmem:v3+s1+$0x0], $0xffff;
	v41 =	vadd.f32 $1.000000000e+00, v39  }
0x65f: {  	v2 =	vld.idx.msk [tilespmem:v2+s1+$0x0], $0xffff;
	(erf) = vrcp.f32 v11  }
0x660: {  	v42 =	vpop (erf);
	(erf) = vrcp.f32 v41  }
0x661: {  	v22 =	vadd.f32 $1.000000000e+00, v42;
	_ =	sdelay $0x1  }
0x662: {  	(erf) = vrcp.f32 v22  }
0x663: {  	v10 =	vld.idx.msk [tilespmem:v10+s1+$0x0], $0xffff;
	v21 =	vsub.bf16 v21, v40;
	v3 =	vsub.f32 v3, v2  }
0x664: {  	v14 =	vsub.bf16 v14, v5;
	[tilespmem:s19+$0x19020] =	vst v19;
	v43 =	vpack.i.f32.bf16 v1, v1  }
0x665: {  	[tilespmem:s19+$0x19030] =	vst v20;
	v13 =	vand.u32 $0xFFFF0000, v13;
	v21 =	vmul.bf16 v43, v21;
	v1 =	vmul.f32 v1, v3  }
0x666: {  	v46 =	vshll.u32 v12, $0x10;
	v16 =	vsub.f32 v16, v8;
	[tilespmem:s19+$0x18010] =	vst v13;
	v53 =	vsub.f32 v17, v6  }
0x667: {  	v48 =	vand.u32 $0xFFFF0000, v12;
	[tilespmem:s19+$0x17020] =	vst v46;
	v1 =	vadd.f32 v1, v2;
	v11 =	vadd.bf16 v40, v21;
	v44 =	vpop (erf)  }
0x668: {  	[tilespmem:s19+$0x18020] =	vst v48;
	v54 =	vsub.f32 v18, v10;
	v45 =	vpack.i.f32.bf16 v44, v44;
	v50 =	vpop (erf);
	v52 =	vmul.f32 v44, v16  }
0x669: {  	[tilespmem:s21+$0x19030] =	vst v1;
	v49 =	vand.u32 $0xFFFF0000, v11;
	v9 =	vmul.bf16 v45, v9;
	v58 =	vmul.f32 v50, v53  }
0x66a: {  	v11 =	vshll.u32 v11, $0x10;
	[tilespmem:s21+$0x18030] =	vst v49;
	v51 =	vpack.i.f32.bf16 v50, v50;
	v56 =	vadd.f32 v52, v8  }
0x66b: {  	[tilespmem:s21+$0x17030] =	vst v11;
	v57 =	vpop (erf);
	v12 =	vmul.bf16 v51, v14;
	v7 =	vadd.bf16 v7, v9;
	v3 =	vadd.f32 v58, v6  }
0x66c: {  	v47 =	vsub.bf16 v15, v4;
	v60 =	vpack.i.f32.bf16 v57, v57;
	[tilespmem:s21+$0x19000] =	vst v56  }
0x66d: {  	v9 =	vmul.f32 v57, v54;
	v59 =	vadd.bf16 v5, v12;
	v55 =	vshll.u32 v7, $0x10;
	[tilespmem:s21+$0x19010] =	vst v3  }
0x66e: {  	v62 =	vmul.bf16 v60, v47;
	v7 =	vand.u32 $0xFFFF0000, v7;
	[tilespmem:s21+$0x17000] =	vst v55  }
0x66f: {  	v63 =	vadd.f32 v9, v10;
	[tilespmem:s21+$0x18000] =	vst v7;
	v61 =	vshll.u32 v59, $0x10  }
0x670: {  	v2 =	vadd.bf16 v4, v62;
	[tilespmem:s21+$0x17010] =	vst v61  }
0x671: {  	v1 =	vand.u32 $0xFFFF0000, v59;
	[tilespmem:s21+$0x19020] =	vst v63  }
0x672: {  	v3 =	vshll.u32 v2, $0x10;
	[tilespmem:s21+$0x18010] =	vst v1  }
0x673: {  	v1 =	vand.u32 $0xFFFF0000, v2;
	[tilespmem:s21+$0x17020] =	vst v3  }
0x674: {  	[tilespmem:s21+$0x18020] =	vst v1  }
0x675: {  	s5 =	rddreg [dreg:$0x1c]  }
0x676: {  	s25 =	sld [smem:$0x7FC]  }
0x677: {  	[hbm4b:s5+s1] =	stream.linear.scatter [tilespmem:s13], [sflag:$0x5], $0x1000, $0x38;
	[tilespmem:$0x1A830] =	vst v63  }
0x678: {  	s26 =	sld [smem:$0x7FD]  }
0x679: {  	[hbm4b:s25+s1] =	stream.linear.scatter [tilespmem:s14], [sflag:$0x5], $0x1000, $0x38;
	[tilespmem:$0x1A830] =	vst v63  }
0x67a: {  	_ = 	snop  }
0x67b: {  	[hbm4b:s26+s1] =	stream.linear.scatter [tilespmem:s15], [sflag:$0x5], $0x1000, $0x38;
	[tilespmem:$0x1A830] =	vst v63  }
0x67c: {  	_ =	swait.ge [sflag:s16], $0x1000  }
0x67d: {  	[sflag:s16] =	ssyncset.done $0x0  }
0x67e: {  	[sflag:s16] =	ssyncadd.s32 $0xFFFFF000  }
0x67f: {  	_ =	swait.ge [sflag:s16], $0x1000  }
0x680: {  	[sflag:s16] =	ssyncset.done $0x0  }
0x681: {  	[sflag:s16] =	ssyncadd.s32 $0xFFFFF000  }
0x682: {  	_ =	swait.ge [sflag:s16], $0x1000  }
0x683: {  	[sflag:s16] =	ssyncset.done $0x0  }
0x684: {  	[sflag:s16] =	ssyncadd.s32 $0xFFFFF000  }
0x685: {  	_ =	swait.ge [sflag:s17], $0x1000  }
0x686: {  	[sflag:s17] =	ssyncset.done $0x0  }
0x687: {  	[sflag:s17] =	ssyncadd.s32 $0xFFFFF000  }
0x688: {  	_ =	swait.ge [sflag:s17], $0x1000  }
0x689: {  	[sflag:s17] =	ssyncset.done $0x0  }
0x68a: {  	[sflag:s17] =	ssyncadd.s32 $0xFFFFF000  }
0x68b: {  	_ =	swait.ge [sflag:s17], $0x1000  }
0x68c: {  	s18 =	sadd.s32 $0x1, s18;
	s28 =	rddreg [dreg:$0x1f]  }
0x68d: {  	p0 =	sne.s32 s18, s28  }
.Ltmp10:
0x68e: {  	_ = 	snop;
	(pc) =	sbr.rel @p0 .LBB2_1-.Ltmp10, $3  }
0x68f: {  	_ =	sdelay $0x1  }
0x690: {  	[sflag:s17] =	ssyncset.done $0x0  }
0x691: {  	[sflag:s17] =	ssyncadd.s32 $0xFFFFF000  }
0x692: {  	_ =	sfence.sel $0x180000  }
0x693: {  	[bflag:$0x0] =	sbarrier.arrive $0xFFFF  }
0x694: {  	_ =	strace $0x90000047  }
0x695: {  	s0 =	stileid.u32;
	[bflag:$0x2] =	sbarrier.arrive $0xFFFF  }
0x696: {  	p0 =	sne.s32 s0, $0x0;
	s0 =	rddreg [dreg:$0x4]  }
0x697: {  	s0 =	sadd.s32 @!p0 $0x100000, s0  }
0x698: {  	[sflag:s0] =	ssyncadd.tile.s32 @!p0 $0x1;
	_ =	shalt  }
.Lfunc_end2:
_tile_overlayer_lowered:
.L_overlay_start_2:
0x699: {  	(tag) =	ssettag $0x2  }
0x69a: {  	s0 =	rddreg [dreg:$0x0];
	s2 =	stileid.u32  }
0x69b: {  	s1 =	rddreg [dreg:$0x1];
	p0 =	sne.s32 s2, $0x0  }
0x69c: {  	s3 =	rddreg [dreg:$0x2];
	[bflag:$0x3] =	sbarrier.arrive $0xFFFF;
	s2 =	simm.s32 @!p0 $0x1C06  }
0x69d: {  	[timem:s3], [sflag:s2] =	dma.local @!p0 [hbm:s0], s1  }
0x69e: {  	s0 =	simm.s32 @!p0 $0x6  }
0x69f: {  	_ =	swait.ge @!p0 [sflag:s0], s1  }
0x6a0: {  	s1 =	ssub.s32 @!p0 $0x0, s1;
	[sflag:s0] =	ssyncset.done @!p0 $0x0  }
0x6a1: {  	[sflag:s0] =	ssyncadd.s32 @!p0 s1  }
0x6a2: {  	[bflag:$0x3] =	sbarrier.arrive $0xFFFF  }
0x6a3: {  	_ =	shalt  }

</sc_bundles>
